<compile_context>
chip_gen: v7x
topology: tpu7x:2x2x1
jax: 0.10.2.dev20260603
libtpu: 0.0.44.dev20260713+nightly
codegen_flags: <defaults>
</compile_context>

<pallas_src>
import functools

import jax
import jax.numpy as jnp
from jax import lax
from jax.experimental import pallas as pl
from jax.experimental.pallas import tpu as pltpu
from jax.experimental.pallas import tpu_sc as plsc

_B = 16384
_D = 64
_N = 1000000
_NC = 2
_NS = 16
_NW = _NC * _NS
_BPW = _B // _NW
_L = 16
_G = _BPW // _L
_W = 128
_RU = 8
_R = 4
_RB = 8


@functools.partial(
    pl.kernel,
    mesh=plsc.VectorSubcoreMesh(core_axis_name="c", subcore_axis_name="s"),
    out_type=jax.ShapeDtypeStruct((_B,), jnp.float32),
    compiler_params=pltpu.CompilerParams(
        needs_layout_passes=False, use_tc_tiling_on_sc=True),
    scratch_types=[
        pltpu.VMEM((_BPW,), jnp.int32),
        pltpu.VMEM((_BPW,), jnp.int32),
    ] + [pltpu.VMEM((_D, _W), jnp.float32)] * (_RU + _R)
      + [pltpu.VMEM((1, _W), jnp.float32)] * (2 * _RB)
      + [
        pltpu.VMEM((_L,), jnp.float32),
        pltpu.VMEM((_BPW,), jnp.float32),
    ] + [pltpu.SemaphoreType.DMA] * (_RU + _R + _RB),
)
def _mf_score(uid_hbm, iid_hbm, uT_hbm, iT_hbm, ubT_hbm, ibT_hbm,
              gb_hbm, out_hbm,
              uid_v, iid_v, *rest):
    _ne = _RU + _R
    ue = rest[0:_RU]
    ie = rest[_RU:_ne]
    ub = rest[_ne:_ne + _RB]
    ib = rest[_ne + _RB:_ne + 2 * _RB]
    gb_v, out_v = rest[_ne + 2 * _RB], rest[_ne + 2 * _RB + 1]
    _sems = rest[_ne + 2 * _RB + 2:]
    usems, sems, bsems = _sems[:_RU], _sems[_RU:_ne], _sems[_ne:]

    wid = lax.axis_index("s") * _NC + lax.axis_index("c")
    base = wid * _BPW

    pltpu.sync_copy(uid_hbm.at[pl.ds(base, _BPW)], uid_v)
    pltpu.sync_copy(iid_hbm.at[pl.ds(base, _BPW)], iid_v)
    pltpu.sync_copy(gb_hbm, gb_v)

    def ufire(uscalar, pu):
        uoff = pl.multiple_of((uscalar >> 7) * _W, _W)
        pltpu.async_copy(uT_hbm.at[:, pl.ds(uoff, _W)], ue[pu], usems[pu])

    def fire(iscalar, p):
        ioff = pl.multiple_of((iscalar >> 7) * _W, _W)
        pltpu.async_copy(iT_hbm.at[:, pl.ds(ioff, _W)], ie[p], sems[p])

    def bfire(uscalar, iscalar, p):
        uoff = pl.multiple_of((uscalar >> 7) * _W, _W)
        ioff = pl.multiple_of((iscalar >> 7) * _W, _W)
        pltpu.async_copy(ubT_hbm.at[:, pl.ds(uoff, _W)], ub[p], bsems[p])
        pltpu.async_copy(ibT_hbm.at[:, pl.ds(ioff, _W)], ib[p], bsems[p])

    def drain(pu, p):
        pltpu.make_async_copy(
            uT_hbm.at[:, pl.ds(0, _W)], ue[pu], usems[pu]).wait()
        pltpu.make_async_copy(iT_hbm.at[:, pl.ds(0, _W)], ie[p], sems[p]).wait()

    def bdrain(p):
        pltpu.make_async_copy(
            ubT_hbm.at[:, pl.ds(0, _W)], ub[p], bsems[p]).wait()
        pltpu.make_async_copy(
            ibT_hbm.at[:, pl.ds(0, _W)], ib[p], bsems[p]).wait()

    u16p = uid_v[pl.ds(0, _L)]
    i16p = iid_v[pl.ds(0, _L)]
    for p in range(_RU):
        ufire(u16p[p], p)
    for p in range(_R):
        fire(i16p[p], p)
    for p in range(_RB):
        bfire(u16p[p], i16p[p], p)

    gb0 = gb_v[pl.ds(0, _L)][0]
    lane = lax.iota(jnp.int32, _L)
    zero16 = jnp.zeros((_L,), jnp.int32)

    def group(g, acc16):
        u16 = uid_v[pl.ds(g * _L, _L)]
        i16 = iid_v[pl.ds(g * _L, _L)]
        gnext = jnp.minimum(g + 1, _G - 1) * _L
        un16 = uid_v[pl.ds(gnext, _L)]
        in16 = iid_v[pl.ds(gnext, _L)]

        for j in range(_L):
            pu = j % _RU
            p = j % _R
            pb = j % _RB
            drain(pu, p)
            bdrain(pb)
            cu = jnp.full((_L,), u16[j] & (_W - 1), jnp.int32)
            ci = jnp.full((_L,), i16[j] & (_W - 1), jnp.int32)
            s = jnp.zeros((_L,), jnp.float32)
            for q in range(_D // _L):
                rows = q * _L + lane
                u = plsc.load_gather(ue[pu], [rows, cu])
                it = plsc.load_gather(ie[p], [rows, ci])
                s = s + u * it
            bias = (plsc.load_gather(ub[pb], [zero16, cu])
                    + plsc.load_gather(ib[pb], [zero16, ci]))

            if j < _L - _RU:
                ufire(u16[j + _RU], pu)
            else:
                @pl.when(g < _G - 1)
                def _(j=j, pu=pu):
                    ufire(un16[j + _RU - _L], pu)
            if j < _L - _R:
                fire(i16[j + _R], p)
            else:
                @pl.when(g < _G - 1)
                def _(j=j, p=p):
                    fire(in16[j + _R - _L], p)
            if j < _L - _RB:
                bfire(u16[j + _RB], i16[j + _RB], pb)
            else:
                @pl.when(g < _G - 1)
                def _(j=j, pb=pb):
                    bfire(un16[j + _RB - _L], in16[j + _RB - _L], pb)

            total = jnp.sum(s) + bias[0] + gb0
            acc16 = jnp.where(lane == j, total, acc16)

        out_v[pl.ds(g * _L, _L)] = acc16
        return acc16

    lax.fori_loop(0, _G, group, jnp.zeros((_L,), jnp.float32))

    pltpu.sync_copy(out_v, out_hbm.at[pl.ds(base, _BPW)])


def kernel(user_ids, item_ids, user_emb, item_emb, user_bias, item_bias,
           global_bias):
    uid = user_ids.astype(jnp.int32)
    iid = item_ids.astype(jnp.int32)
    return _mf_score(uid, iid, user_emb.T, item_emb.T, user_bias.T,
                     item_bias.T,
                     jnp.broadcast_to(global_bias.reshape(-1)[:1], (_L,)))

# --- scband reference (transcript-rebuilt; emitter-appended) ---
"""Pipeline reference for scband-mfmodel-2491081032381 (READ-ONLY COPY).

The authoritative reference and input builder live on the scoring server;
editing this copy changes nothing except your own understanding.
"""

import jax, jax.numpy as jnp
import numpy as np

NUM_USERS = 1000000
NUM_ITEMS = 1000000
EMB_DIM = 64
BATCH = 16384


def setup_inputs(seed: int = 0) -> dict:
    key = jax.random.key(seed)
    k1, k2, k3, k4, k5, k6 = jax.random.split(key, 6)
    user_ids = jax.random.randint(k1, (BATCH,), 0, NUM_USERS, dtype=jnp.int64) if jax.config.jax_enable_x64 else jax.random.randint(k1, (BATCH,), 0, NUM_USERS, dtype=jnp.int32)
    item_ids = jax.random.randint(k2, (BATCH,), 0, NUM_ITEMS, dtype=user_ids.dtype)
    user_emb = jax.random.normal(k3, (NUM_USERS, EMB_DIM), dtype=jnp.float32)
    item_emb = jax.random.normal(k4, (NUM_ITEMS, EMB_DIM), dtype=jnp.float32)
    user_bias = jax.random.normal(k5, (NUM_USERS, 1), dtype=jnp.float32)
    item_bias = jax.random.normal(k6, (NUM_ITEMS, 1), dtype=jnp.float32)
    global_bias = jnp.zeros((1,), dtype=jnp.float32)
    return {
        "user_ids": user_ids,
        "item_ids": item_ids,
        "user_emb": user_emb,
        "item_emb": item_emb,
        "user_bias": user_bias,
        "item_bias": item_bias,
        "global_bias": global_bias,
    }


def reference(user_ids, item_ids, user_emb, item_emb, user_bias, item_bias, global_bias):
    u = jnp.take(user_emb, user_ids, axis=0)          # [B, D]
    i = jnp.take(item_emb, item_ids, axis=0)          # [B, D]
    dot = (u * i).sum(axis=1)                          # [B]
    ub = jnp.take(user_bias, user_ids, axis=0).squeeze(-1)  # [B]
    ib = jnp.take(item_bias, item_ids, axis=0).squeeze(-1)  # [B]
    return dot + ub + ib + global_bias.squeeze(-1)

if __name__ == "__main__":
    import jax
    _d = setup_inputs()
    print(jax.jit(kernel)(*tuple(_d.values())))

</pallas_src>

<mosaic_0001>
#map = affine_map<(d0, d1) -> (0)>
#map1 = affine_map<(d0, d1) -> (0, 0)>
module attributes {stable_mosaic.version = 14 : i64} {
  func.func @_mf_score(%arg0: i32, %arg1: i32, %arg2: memref<16384xi32, #tpu.memory_space<hbm>>, %arg3: memref<16384xi32, #tpu.memory_space<hbm>>, %arg4: memref<64x1000000xf32, #tpu.memory_space<hbm>>, %arg5: memref<64x1000000xf32, #tpu.memory_space<hbm>>, %arg6: memref<1x1000000xf32, #tpu.memory_space<hbm>>, %arg7: memref<1x1000000xf32, #tpu.memory_space<hbm>>, %arg8: memref<16xf32, #tpu.memory_space<hbm>>, %arg9: memref<16384xf32, #tpu.memory_space<hbm>>, %arg10: memref<512xi32, #tpu.memory_space<vmem>>, %arg11: memref<512xi32, #tpu.memory_space<vmem>>, %arg12: memref<64x128xf32, #tpu.memory_space<vmem>>, %arg13: memref<64x128xf32, #tpu.memory_space<vmem>>, %arg14: memref<64x128xf32, #tpu.memory_space<vmem>>, %arg15: memref<64x128xf32, #tpu.memory_space<vmem>>, %arg16: memref<64x128xf32, #tpu.memory_space<vmem>>, %arg17: memref<64x128xf32, #tpu.memory_space<vmem>>, %arg18: memref<64x128xf32, #tpu.memory_space<vmem>>, %arg19: memref<64x128xf32, #tpu.memory_space<vmem>>, %arg20: memref<64x128xf32, #tpu.memory_space<vmem>>, %arg21: memref<64x128xf32, #tpu.memory_space<vmem>>, %arg22: memref<64x128xf32, #tpu.memory_space<vmem>>, %arg23: memref<64x128xf32, #tpu.memory_space<vmem>>, %arg24: memref<1x128xf32, #tpu.memory_space<vmem>>, %arg25: memref<1x128xf32, #tpu.memory_space<vmem>>, %arg26: memref<1x128xf32, #tpu.memory_space<vmem>>, %arg27: memref<1x128xf32, #tpu.memory_space<vmem>>, %arg28: memref<1x128xf32, #tpu.memory_space<vmem>>, %arg29: memref<1x128xf32, #tpu.memory_space<vmem>>, %arg30: memref<1x128xf32, #tpu.memory_space<vmem>>, %arg31: memref<1x128xf32, #tpu.memory_space<vmem>>, %arg32: memref<1x128xf32, #tpu.memory_space<vmem>>, %arg33: memref<1x128xf32, #tpu.memory_space<vmem>>, %arg34: memref<1x128xf32, #tpu.memory_space<vmem>>, %arg35: memref<1x128xf32, #tpu.memory_space<vmem>>, %arg36: memref<1x128xf32, #tpu.memory_space<vmem>>, %arg37: memref<1x128xf32, #tpu.memory_space<vmem>>, %arg38: memref<1x128xf32, #tpu.memory_space<vmem>>, %arg39: memref<1x128xf32, #tpu.memory_space<vmem>>, %arg40: memref<16xf32, #tpu.memory_space<vmem>>, %arg41: memref<512xf32, #tpu.memory_space<vmem>>, %arg42: memref<!tpu.dma_semaphore, #tpu.memory_space<semaphore_mem>>, %arg43: memref<!tpu.dma_semaphore, #tpu.memory_space<semaphore_mem>>, %arg44: memref<!tpu.dma_semaphore, #tpu.memory_space<semaphore_mem>>, %arg45: memref<!tpu.dma_semaphore, #tpu.memory_space<semaphore_mem>>, %arg46: memref<!tpu.dma_semaphore, #tpu.memory_space<semaphore_mem>>, %arg47: memref<!tpu.dma_semaphore, #tpu.memory_space<semaphore_mem>>, %arg48: memref<!tpu.dma_semaphore, #tpu.memory_space<semaphore_mem>>, %arg49: memref<!tpu.dma_semaphore, #tpu.memory_space<semaphore_mem>>, %arg50: memref<!tpu.dma_semaphore, #tpu.memory_space<semaphore_mem>>, %arg51: memref<!tpu.dma_semaphore, #tpu.memory_space<semaphore_mem>>, %arg52: memref<!tpu.dma_semaphore, #tpu.memory_space<semaphore_mem>>, %arg53: memref<!tpu.dma_semaphore, #tpu.memory_space<semaphore_mem>>, %arg54: memref<!tpu.dma_semaphore, #tpu.memory_space<semaphore_mem>>, %arg55: memref<!tpu.dma_semaphore, #tpu.memory_space<semaphore_mem>>, %arg56: memref<!tpu.dma_semaphore, #tpu.memory_space<semaphore_mem>>, %arg57: memref<!tpu.dma_semaphore, #tpu.memory_space<semaphore_mem>>, %arg58: memref<!tpu.dma_semaphore, #tpu.memory_space<semaphore_mem>>, %arg59: memref<!tpu.dma_semaphore, #tpu.memory_space<semaphore_mem>>, %arg60: memref<!tpu.dma_semaphore, #tpu.memory_space<semaphore_mem>>, %arg61: memref<!tpu.dma_semaphore, #tpu.memory_space<semaphore_mem>>) attributes {dimension_semantics = [#tpu.dimension_semantics<core_parallel>, #tpu.dimension_semantics<subcore_parallel>], iteration_bounds = array<i64: 2, 16>, scalar_prefetch = 0 : i64, scratch_operands = 52 : i64, tpu.core_type = #tpu.core_type<sc_vector_subcore>, window_params = [{transform_indices = #map}, {transform_indices = #map}, {transform_indices = #map1}, {transform_indices = #map1}, {transform_indices = #map1}, {transform_indices = #map1}, {transform_indices = #map}, {transform_indices = #map}]} {
    %mul3A = arith.constant 2 : i32
    %mul3A_0 = arith.muli %arg1, %mul3A : i32
    %add3A = arith.addi %mul3A_0, %arg0 : i32
    %mul3A_1 = arith.constant 512 : i32
    %mul3A_2 = arith.muli %add3A, %mul3A_1 : i32
    "tpu.region"() ({
      %run_scoped3A = tpu.sem_alloc : memref<!tpu.dma_semaphore, #tpu.memory_space<semaphore_mem>>
      %dma_start3A_321 = tpu.memref_slice %arg2[%mul3A_2] : memref<16384xi32, #tpu.memory_space<hbm>> -> memref<512xi32, #tpu.memory_space<hbm>>
      %dma_start3A_322 = tpu.memref_slice %arg2[%mul3A_2] : memref<16384xi32, #tpu.memory_space<hbm>> -> memref<512xi32, #tpu.memory_space<hbm>>
      tpu.enqueue_dma source(%dma_start3A_322 : memref<512xi32, #tpu.memory_space<hbm>>) target(%arg10 : memref<512xi32, #tpu.memory_space<vmem>>) target_semaphore(%run_scoped3A : memref<!tpu.dma_semaphore, #tpu.memory_space<semaphore_mem>>)
      %dma_wait3A = tpu.memref_slice %arg2[%mul3A_2] : memref<16384xi32, #tpu.memory_space<hbm>> -> memref<512xi32, #tpu.memory_space<hbm>>
      %dma_wait3A_323 = tpu.memref_slice %arg2[%mul3A_2] : memref<16384xi32, #tpu.memory_space<hbm>> -> memref<512xi32, #tpu.memory_space<hbm>>
      tpu.wait_dma2 semaphore(%run_scoped3A : memref<!tpu.dma_semaphore, #tpu.memory_space<semaphore_mem>>) src(%dma_wait3A_323 : memref<512xi32, #tpu.memory_space<hbm>>) dst(%arg10 : memref<512xi32, #tpu.memory_space<vmem>>)
      tpu.yield
    }) : () -> ()
    "tpu.region"() ({
      %run_scoped3A = tpu.sem_alloc : memref<!tpu.dma_semaphore, #tpu.memory_space<semaphore_mem>>
      %dma_start3A_321 = tpu.memref_slice %arg3[%mul3A_2] : memref<16384xi32, #tpu.memory_space<hbm>> -> memref<512xi32, #tpu.memory_space<hbm>>
      %dma_start3A_322 = tpu.memref_slice %arg3[%mul3A_2] : memref<16384xi32, #tpu.memory_space<hbm>> -> memref<512xi32, #tpu.memory_space<hbm>>
      tpu.enqueue_dma source(%dma_start3A_322 : memref<512xi32, #tpu.memory_space<hbm>>) target(%arg11 : memref<512xi32, #tpu.memory_space<vmem>>) target_semaphore(%run_scoped3A : memref<!tpu.dma_semaphore, #tpu.memory_space<semaphore_mem>>)
      %dma_wait3A = tpu.memref_slice %arg3[%mul3A_2] : memref<16384xi32, #tpu.memory_space<hbm>> -> memref<512xi32, #tpu.memory_space<hbm>>
      %dma_wait3A_323 = tpu.memref_slice %arg3[%mul3A_2] : memref<16384xi32, #tpu.memory_space<hbm>> -> memref<512xi32, #tpu.memory_space<hbm>>
      tpu.wait_dma2 semaphore(%run_scoped3A : memref<!tpu.dma_semaphore, #tpu.memory_space<semaphore_mem>>) src(%dma_wait3A_323 : memref<512xi32, #tpu.memory_space<hbm>>) dst(%arg11 : memref<512xi32, #tpu.memory_space<vmem>>)
      tpu.yield
    }) : () -> ()
    "tpu.region"() ({
      %run_scoped3A = tpu.sem_alloc : memref<!tpu.dma_semaphore, #tpu.memory_space<semaphore_mem>>
      tpu.enqueue_dma source(%arg8 : memref<16xf32, #tpu.memory_space<hbm>>) target(%arg40 : memref<16xf32, #tpu.memory_space<vmem>>) target_semaphore(%run_scoped3A : memref<!tpu.dma_semaphore, #tpu.memory_space<semaphore_mem>>)
      tpu.wait_dma2 semaphore(%run_scoped3A : memref<!tpu.dma_semaphore, #tpu.memory_space<semaphore_mem>>) src(%arg8 : memref<16xf32, #tpu.memory_space<hbm>>) dst(%arg40 : memref<16xf32, #tpu.memory_space<vmem>>)
      tpu.yield
    }) : () -> ()
    %get3A = arith.constant 0 : index
    %get3A_3 = tpu.vector_load %arg10[%get3A] {strides = array<i32>} : memref<512xi32, #tpu.memory_space<vmem>>, vector<16xi32>,
    %get3A_4 = arith.constant 0 : index
    %get3A_5 = tpu.vector_load %arg11[%get3A_4] {strides = array<i32>} : memref<512xi32, #tpu.memory_space<vmem>>, vector<16xi32>,
    %slice3A = vector.extract_strided_slice %get3A_3 {offsets = [0], sizes = [1], strides = [1]} : vector<16xi32> to vector<1xi32>
    %squeeze3A = vector.extract %slice3A[0] : i32 from vector<1xi32>
    %shift_right_arithmetic3A = arith.constant 7 : i32
    %shift_right_arithmetic3A_6 = arith.shrsi %squeeze3A, %shift_right_arithmetic3A : i32
    %mul3A_7 = arith.constant 128 : i32
    %mul3A_8 = arith.muli %shift_right_arithmetic3A_6, %mul3A_7 : i32
    %multiple_of3A = tpu.assume_multiple %mul3A_8, 128 : i32
    %dma_start3A = arith.constant 0 : i32
    %dma_start3A_9 = tpu.memref_slice %arg4[%dma_start3A, %multiple_of3A] : memref<64x1000000xf32, #tpu.memory_space<hbm>> -> memref<64x128xf32, #tpu.memory_space<hbm>>
    %dma_start3A_10 = arith.constant 0 : i32
    %dma_start3A_11 = tpu.memref_slice %arg4[%dma_start3A_10, %multiple_of3A] : memref<64x1000000xf32, #tpu.memory_space<hbm>> -> memref<64x128xf32, #tpu.memory_space<hbm>>
    tpu.enqueue_dma source(%dma_start3A_11 : memref<64x128xf32, #tpu.memory_space<hbm>>) target(%arg12 : memref<64x128xf32, #tpu.memory_space<vmem>>) target_semaphore(%arg42 : memref<!tpu.dma_semaphore, #tpu.memory_space<semaphore_mem>>)
    %slice3A_12 = vector.extract_strided_slice %get3A_3 {offsets = [1], sizes = [1], strides = [1]} : vector<16xi32> to vector<1xi32>
    %squeeze3A_13 = vector.extract %slice3A_12[0] : i32 from vector<1xi32>
    %shift_right_arithmetic3A_14 = arith.constant 7 : i32
    %shift_right_arithmetic3A_15 = arith.shrsi %squeeze3A_13, %shift_right_arithmetic3A_14 : i32
    %mul3A_16 = arith.constant 128 : i32
    %mul3A_17 = arith.muli %shift_right_arithmetic3A_15, %mul3A_16 : i32
    %multiple_of3A_18 = tpu.assume_multiple %mul3A_17, 128 : i32
    %dma_start3A_19 = arith.constant 0 : i32
    %dma_start3A_20 = tpu.memref_slice %arg4[%dma_start3A_19, %multiple_of3A_18] : memref<64x1000000xf32, #tpu.memory_space<hbm>> -> memref<64x128xf32, #tpu.memory_space<hbm>>
    %dma_start3A_21 = arith.constant 0 : i32
    %dma_start3A_22 = tpu.memref_slice %arg4[%dma_start3A_21, %multiple_of3A_18] : memref<64x1000000xf32, #tpu.memory_space<hbm>> -> memref<64x128xf32, #tpu.memory_space<hbm>>
    tpu.enqueue_dma source(%dma_start3A_22 : memref<64x128xf32, #tpu.memory_space<hbm>>) target(%arg13 : memref<64x128xf32, #tpu.memory_space<vmem>>) target_semaphore(%arg43 : memref<!tpu.dma_semaphore, #tpu.memory_space<semaphore_mem>>)
    %slice3A_23 = vector.extract_strided_slice %get3A_3 {offsets = [2], sizes = [1], strides = [1]} : vector<16xi32> to vector<1xi32>
    %squeeze3A_24 = vector.extract %slice3A_23[0] : i32 from vector<1xi32>
    %shift_right_arithmetic3A_25 = arith.constant 7 : i32
    %shift_right_arithmetic3A_26 = arith.shrsi %squeeze3A_24, %shift_right_arithmetic3A_25 : i32
    %mul3A_27 = arith.constant 128 : i32
    %mul3A_28 = arith.muli %shift_right_arithmetic3A_26, %mul3A_27 : i32
    %multiple_of3A_29 = tpu.assume_multiple %mul3A_28, 128 : i32
    %dma_start3A_30 = arith.constant 0 : i32
    %dma_start3A_31 = tpu.memref_slice %arg4[%dma_start3A_30, %multiple_of3A_29] : memref<64x1000000xf32, #tpu.memory_space<hbm>> -> memref<64x128xf32, #tpu.memory_space<hbm>>
    %dma_start3A_32 = arith.constant 0 : i32
    %dma_start3A_33 = tpu.memref_slice %arg4[%dma_start3A_32, %multiple_of3A_29] : memref<64x1000000xf32, #tpu.memory_space<hbm>> -> memref<64x128xf32, #tpu.memory_space<hbm>>
    tpu.enqueue_dma source(%dma_start3A_33 : memref<64x128xf32, #tpu.memory_space<hbm>>) target(%arg14 : memref<64x128xf32, #tpu.memory_space<vmem>>) target_semaphore(%arg44 : memref<!tpu.dma_semaphore, #tpu.memory_space<semaphore_mem>>)
    %slice3A_34 = vector.extract_strided_slice %get3A_3 {offsets = [3], sizes = [1], strides = [1]} : vector<16xi32> to vector<1xi32>
    %squeeze3A_35 = vector.extract %slice3A_34[0] : i32 from vector<1xi32>
    %shift_right_arithmetic3A_36 = arith.constant 7 : i32
    %shift_right_arithmetic3A_37 = arith.shrsi %squeeze3A_35, %shift_right_arithmetic3A_36 : i32
    %mul3A_38 = arith.constant 128 : i32
    %mul3A_39 = arith.muli %shift_right_arithmetic3A_37, %mul3A_38 : i32
    %multiple_of3A_40 = tpu.assume_multiple %mul3A_39, 128 : i32
    %dma_start3A_41 = arith.constant 0 : i32
    %dma_start3A_42 = tpu.memref_slice %arg4[%dma_start3A_41, %multiple_of3A_40] : memref<64x1000000xf32, #tpu.memory_space<hbm>> -> memref<64x128xf32, #tpu.memory_space<hbm>>
    %dma_start3A_43 = arith.constant 0 : i32
    %dma_start3A_44 = tpu.memref_slice %arg4[%dma_start3A_43, %multiple_of3A_40] : memref<64x1000000xf32, #tpu.memory_space<hbm>> -> memref<64x128xf32, #tpu.memory_space<hbm>>
    tpu.enqueue_dma source(%dma_start3A_44 : memref<64x128xf32, #tpu.memory_space<hbm>>) target(%arg15 : memref<64x128xf32, #tpu.memory_space<vmem>>) target_semaphore(%arg45 : memref<!tpu.dma_semaphore, #tpu.memory_space<semaphore_mem>>)
    %slice3A_45 = vector.extract_strided_slice %get3A_3 {offsets = [4], sizes = [1], strides = [1]} : vector<16xi32> to vector<1xi32>
    %squeeze3A_46 = vector.extract %slice3A_45[0] : i32 from vector<1xi32>
    %shift_right_arithmetic3A_47 = arith.constant 7 : i32
    %shift_right_arithmetic3A_48 = arith.shrsi %squeeze3A_46, %shift_right_arithmetic3A_47 : i32
    %mul3A_49 = arith.constant 128 : i32
    %mul3A_50 = arith.muli %shift_right_arithmetic3A_48, %mul3A_49 : i32
    %multiple_of3A_51 = tpu.assume_multiple %mul3A_50, 128 : i32
    %dma_start3A_52 = arith.constant 0 : i32
    %dma_start3A_53 = tpu.memref_slice %arg4[%dma_start3A_52, %multiple_of3A_51] : memref<64x1000000xf32, #tpu.memory_space<hbm>> -> memref<64x128xf32, #tpu.memory_space<hbm>>
    %dma_start3A_54 = arith.constant 0 : i32
    %dma_start3A_55 = tpu.memref_slice %arg4[%dma_start3A_54, %multiple_of3A_51] : memref<64x1000000xf32, #tpu.memory_space<hbm>> -> memref<64x128xf32, #tpu.memory_space<hbm>>
    tpu.enqueue_dma source(%dma_start3A_55 : memref<64x128xf32, #tpu.memory_space<hbm>>) target(%arg16 : memref<64x128xf32, #tpu.memory_space<vmem>>) target_semaphore(%arg46 : memref<!tpu.dma_semaphore, #tpu.memory_space<semaphore_mem>>)
    %slice3A_56 = vector.extract_strided_slice %get3A_3 {offsets = [5], sizes = [1], strides = [1]} : vector<16xi32> to vector<1xi32>
    %squeeze3A_57 = vector.extract %slice3A_56[0] : i32 from vector<1xi32>
    %shift_right_arithmetic3A_58 = arith.constant 7 : i32
    %shift_right_arithmetic3A_59 = arith.shrsi %squeeze3A_57, %shift_right_arithmetic3A_58 : i32
    %mul3A_60 = arith.constant 128 : i32
    %mul3A_61 = arith.muli %shift_right_arithmetic3A_59, %mul3A_60 : i32
    %multiple_of3A_62 = tpu.assume_multiple %mul3A_61, 128 : i32
    %dma_start3A_63 = arith.constant 0 : i32
    %dma_start3A_64 = tpu.memref_slice %arg4[%dma_start3A_63, %multiple_of3A_62] : memref<64x1000000xf32, #tpu.memory_space<hbm>> -> memref<64x128xf32, #tpu.memory_space<hbm>>
    %dma_start3A_65 = arith.constant 0 : i32
    %dma_start3A_66 = tpu.memref_slice %arg4[%dma_start3A_65, %multiple_of3A_62] : memref<64x1000000xf32, #tpu.memory_space<hbm>> -> memref<64x128xf32, #tpu.memory_space<hbm>>
    tpu.enqueue_dma source(%dma_start3A_66 : memref<64x128xf32, #tpu.memory_space<hbm>>) target(%arg17 : memref<64x128xf32, #tpu.memory_space<vmem>>) target_semaphore(%arg47 : memref<!tpu.dma_semaphore, #tpu.memory_space<semaphore_mem>>)
    %slice3A_67 = vector.extract_strided_slice %get3A_3 {offsets = [6], sizes = [1], strides = [1]} : vector<16xi32> to vector<1xi32>
    %squeeze3A_68 = vector.extract %slice3A_67[0] : i32 from vector<1xi32>
    %shift_right_arithmetic3A_69 = arith.constant 7 : i32
    %shift_right_arithmetic3A_70 = arith.shrsi %squeeze3A_68, %shift_right_arithmetic3A_69 : i32
    %mul3A_71 = arith.constant 128 : i32
    %mul3A_72 = arith.muli %shift_right_arithmetic3A_70, %mul3A_71 : i32
    %multiple_of3A_73 = tpu.assume_multiple %mul3A_72, 128 : i32
    %dma_start3A_74 = arith.constant 0 : i32
    %dma_start3A_75 = tpu.memref_slice %arg4[%dma_start3A_74, %multiple_of3A_73] : memref<64x1000000xf32, #tpu.memory_space<hbm>> -> memref<64x128xf32, #tpu.memory_space<hbm>>
    %dma_start3A_76 = arith.constant 0 : i32
    %dma_start3A_77 = tpu.memref_slice %arg4[%dma_start3A_76, %multiple_of3A_73] : memref<64x1000000xf32, #tpu.memory_space<hbm>> -> memref<64x128xf32, #tpu.memory_space<hbm>>
    tpu.enqueue_dma source(%dma_start3A_77 : memref<64x128xf32, #tpu.memory_space<hbm>>) target(%arg18 : memref<64x128xf32, #tpu.memory_space<vmem>>) target_semaphore(%arg48 : memref<!tpu.dma_semaphore, #tpu.memory_space<semaphore_mem>>)
    %slice3A_78 = vector.extract_strided_slice %get3A_3 {offsets = [7], sizes = [1], strides = [1]} : vector<16xi32> to vector<1xi32>
    %squeeze3A_79 = vector.extract %slice3A_78[0] : i32 from vector<1xi32>
    %shift_right_arithmetic3A_80 = arith.constant 7 : i32
    %shift_right_arithmetic3A_81 = arith.shrsi %squeeze3A_79, %shift_right_arithmetic3A_80 : i32
    %mul3A_82 = arith.constant 128 : i32
    %mul3A_83 = arith.muli %shift_right_arithmetic3A_81, %mul3A_82 : i32
    %multiple_of3A_84 = tpu.assume_multiple %mul3A_83, 128 : i32
    %dma_start3A_85 = arith.constant 0 : i32
    %dma_start3A_86 = tpu.memref_slice %arg4[%dma_start3A_85, %multiple_of3A_84] : memref<64x1000000xf32, #tpu.memory_space<hbm>> -> memref<64x128xf32, #tpu.memory_space<hbm>>
    %dma_start3A_87 = arith.constant 0 : i32
    %dma_start3A_88 = tpu.memref_slice %arg4[%dma_start3A_87, %multiple_of3A_84] : memref<64x1000000xf32, #tpu.memory_space<hbm>> -> memref<64x128xf32, #tpu.memory_space<hbm>>
    tpu.enqueue_dma source(%dma_start3A_88 : memref<64x128xf32, #tpu.memory_space<hbm>>) target(%arg19 : memref<64x128xf32, #tpu.memory_space<vmem>>) target_semaphore(%arg49 : memref<!tpu.dma_semaphore, #tpu.memory_space<semaphore_mem>>)
    %slice3A_89 = vector.extract_strided_slice %get3A_5 {offsets = [0], sizes = [1], strides = [1]} : vector<16xi32> to vector<1xi32>
    %squeeze3A_90 = vector.extract %slice3A_89[0] : i32 from vector<1xi32>
    %shift_right_arithmetic3A_91 = arith.constant 7 : i32
    %shift_right_arithmetic3A_92 = arith.shrsi %squeeze3A_90, %shift_right_arithmetic3A_91 : i32
    %mul3A_93 = arith.constant 128 : i32
    %mul3A_94 = arith.muli %shift_right_arithmetic3A_92, %mul3A_93 : i32
    %multiple_of3A_95 = tpu.assume_multiple %mul3A_94, 128 : i32
    %dma_start3A_96 = arith.constant 0 : i32
    %dma_start3A_97 = tpu.memref_slice %arg5[%dma_start3A_96, %multiple_of3A_95] : memref<64x1000000xf32, #tpu.memory_space<hbm>> -> memref<64x128xf32, #tpu.memory_space<hbm>>
    %dma_start3A_98 = arith.constant 0 : i32
    %dma_start3A_99 = tpu.memref_slice %arg5[%dma_start3A_98, %multiple_of3A_95] : memref<64x1000000xf32, #tpu.memory_space<hbm>> -> memref<64x128xf32, #tpu.memory_space<hbm>>
    tpu.enqueue_dma source(%dma_start3A_99 : memref<64x128xf32, #tpu.memory_space<hbm>>) target(%arg20 : memref<64x128xf32, #tpu.memory_space<vmem>>) target_semaphore(%arg50 : memref<!tpu.dma_semaphore, #tpu.memory_space<semaphore_mem>>)
    %slice3A_100 = vector.extract_strided_slice %get3A_5 {offsets = [1], sizes = [1], strides = [1]} : vector<16xi32> to vector<1xi32>
    %squeeze3A_101 = vector.extract %slice3A_100[0] : i32 from vector<1xi32>
    %shift_right_arithmetic3A_102 = arith.constant 7 : i32
    %shift_right_arithmetic3A_103 = arith.shrsi %squeeze3A_101, %shift_right_arithmetic3A_102 : i32
    %mul3A_104 = arith.constant 128 : i32
    %mul3A_105 = arith.muli %shift_right_arithmetic3A_103, %mul3A_104 : i32
    %multiple_of3A_106 = tpu.assume_multiple %mul3A_105, 128 : i32
    %dma_start3A_107 = arith.constant 0 : i32
    %dma_start3A_108 = tpu.memref_slice %arg5[%dma_start3A_107, %multiple_of3A_106] : memref<64x1000000xf32, #tpu.memory_space<hbm>> -> memref<64x128xf32, #tpu.memory_space<hbm>>
    %dma_start3A_109 = arith.constant 0 : i32
    %dma_start3A_110 = tpu.memref_slice %arg5[%dma_start3A_109, %multiple_of3A_106] : memref<64x1000000xf32, #tpu.memory_space<hbm>> -> memref<64x128xf32, #tpu.memory_space<hbm>>
    tpu.enqueue_dma source(%dma_start3A_110 : memref<64x128xf32, #tpu.memory_space<hbm>>) target(%arg21 : memref<64x128xf32, #tpu.memory_space<vmem>>) target_semaphore(%arg51 : memref<!tpu.dma_semaphore, #tpu.memory_space<semaphore_mem>>)
    %slice3A_111 = vector.extract_strided_slice %get3A_5 {offsets = [2], sizes = [1], strides = [1]} : vector<16xi32> to vector<1xi32>
    %squeeze3A_112 = vector.extract %slice3A_111[0] : i32 from vector<1xi32>
    %shift_right_arithmetic3A_113 = arith.constant 7 : i32
    %shift_right_arithmetic3A_114 = arith.shrsi %squeeze3A_112, %shift_right_arithmetic3A_113 : i32
    %mul3A_115 = arith.constant 128 : i32
    %mul3A_116 = arith.muli %shift_right_arithmetic3A_114, %mul3A_115 : i32
    %multiple_of3A_117 = tpu.assume_multiple %mul3A_116, 128 : i32
    %dma_start3A_118 = arith.constant 0 : i32
    %dma_start3A_119 = tpu.memref_slice %arg5[%dma_start3A_118, %multiple_of3A_117] : memref<64x1000000xf32, #tpu.memory_space<hbm>> -> memref<64x128xf32, #tpu.memory_space<hbm>>
    %dma_start3A_120 = arith.constant 0 : i32
    %dma_start3A_121 = tpu.memref_slice %arg5[%dma_start3A_120, %multiple_of3A_117] : memref<64x1000000xf32, #tpu.memory_space<hbm>> -> memref<64x128xf32, #tpu.memory_space<hbm>>
    tpu.enqueue_dma source(%dma_start3A_121 : memref<64x128xf32, #tpu.memory_space<hbm>>) target(%arg22 : memref<64x128xf32, #tpu.memory_space<vmem>>) target_semaphore(%arg52 : memref<!tpu.dma_semaphore, #tpu.memory_space<semaphore_mem>>)
    %slice3A_122 = vector.extract_strided_slice %get3A_5 {offsets = [3], sizes = [1], strides = [1]} : vector<16xi32> to vector<1xi32>
    %squeeze3A_123 = vector.extract %slice3A_122[0] : i32 from vector<1xi32>
    %shift_right_arithmetic3A_124 = arith.constant 7 : i32
    %shift_right_arithmetic3A_125 = arith.shrsi %squeeze3A_123, %shift_right_arithmetic3A_124 : i32
    %mul3A_126 = arith.constant 128 : i32
    %mul3A_127 = arith.muli %shift_right_arithmetic3A_125, %mul3A_126 : i32
    %multiple_of3A_128 = tpu.assume_multiple %mul3A_127, 128 : i32
    %dma_start3A_129 = arith.constant 0 : i32
    %dma_start3A_130 = tpu.memref_slice %arg5[%dma_start3A_129, %multiple_of3A_128] : memref<64x1000000xf32, #tpu.memory_space<hbm>> -> memref<64x128xf32, #tpu.memory_space<hbm>>
    %dma_start3A_131 = arith.constant 0 : i32
    %dma_start3A_132 = tpu.memref_slice %arg5[%dma_start3A_131, %multiple_of3A_128] : memref<64x1000000xf32, #tpu.memory_space<hbm>> -> memref<64x128xf32, #tpu.memory_space<hbm>>
    tpu.enqueue_dma source(%dma_start3A_132 : memref<64x128xf32, #tpu.memory_space<hbm>>) target(%arg23 : memref<64x128xf32, #tpu.memory_space<vmem>>) target_semaphore(%arg53 : memref<!tpu.dma_semaphore, #tpu.memory_space<semaphore_mem>>)
    %slice3A_133 = vector.extract_strided_slice %get3A_3 {offsets = [0], sizes = [1], strides = [1]} : vector<16xi32> to vector<1xi32>
    %squeeze3A_134 = vector.extract %slice3A_133[0] : i32 from vector<1xi32>
    %slice3A_135 = vector.extract_strided_slice %get3A_5 {offsets = [0], sizes = [1], strides = [1]} : vector<16xi32> to vector<1xi32>
    %squeeze3A_136 = vector.extract %slice3A_135[0] : i32 from vector<1xi32>
    %shift_right_arithmetic3A_137 = arith.constant 7 : i32
    %shift_right_arithmetic3A_138 = arith.shrsi %squeeze3A_134, %shift_right_arithmetic3A_137 : i32
    %mul3A_139 = arith.constant 128 : i32
    %mul3A_140 = arith.muli %shift_right_arithmetic3A_138, %mul3A_139 : i32
    %multiple_of3A_141 = tpu.assume_multiple %mul3A_140, 128 : i32
    %shift_right_arithmetic3A_142 = arith.constant 7 : i32
    %shift_right_arithmetic3A_143 = arith.shrsi %squeeze3A_136, %shift_right_arithmetic3A_142 : i32
    %mul3A_144 = arith.constant 128 : i32
    %mul3A_145 = arith.muli %shift_right_arithmetic3A_143, %mul3A_144 : i32
    %multiple_of3A_146 = tpu.assume_multiple %mul3A_145, 128 : i32
    %dma_start3A_147 = arith.constant 0 : i32
    %dma_start3A_148 = tpu.memref_slice %arg6[%dma_start3A_147, %multiple_of3A_141] : memref<1x1000000xf32, #tpu.memory_space<hbm>> -> memref<1x128xf32, #tpu.memory_space<hbm>>
    %dma_start3A_149 = arith.constant 0 : i32
    %dma_start3A_150 = tpu.memref_slice %arg6[%dma_start3A_149, %multiple_of3A_141] : memref<1x1000000xf32, #tpu.memory_space<hbm>> -> memref<1x128xf32, #tpu.memory_space<hbm>>
    tpu.enqueue_dma source(%dma_start3A_150 : memref<1x128xf32, #tpu.memory_space<hbm>>) target(%arg24 : memref<1x128xf32, #tpu.memory_space<vmem>>) target_semaphore(%arg54 : memref<!tpu.dma_semaphore, #tpu.memory_space<semaphore_mem>>)
    %dma_start3A_151 = arith.constant 0 : i32
    %dma_start3A_152 = tpu.memref_slice %arg7[%dma_start3A_151, %multiple_of3A_146] : memref<1x1000000xf32, #tpu.memory_space<hbm>> -> memref<1x128xf32, #tpu.memory_space<hbm>>
    %dma_start3A_153 = arith.constant 0 : i32
    %dma_start3A_154 = tpu.memref_slice %arg7[%dma_start3A_153, %multiple_of3A_146] : memref<1x1000000xf32, #tpu.memory_space<hbm>> -> memref<1x128xf32, #tpu.memory_space<hbm>>
    tpu.enqueue_dma source(%dma_start3A_154 : memref<1x128xf32, #tpu.memory_space<hbm>>) target(%arg32 : memref<1x128xf32, #tpu.memory_space<vmem>>) target_semaphore(%arg54 : memref<!tpu.dma_semaphore, #tpu.memory_space<semaphore_mem>>)
    %slice3A_155 = vector.extract_strided_slice %get3A_3 {offsets = [1], sizes = [1], strides = [1]} : vector<16xi32> to vector<1xi32>
    %squeeze3A_156 = vector.extract %slice3A_155[0] : i32 from vector<1xi32>
    %slice3A_157 = vector.extract_strided_slice %get3A_5 {offsets = [1], sizes = [1], strides = [1]} : vector<16xi32> to vector<1xi32>
    %squeeze3A_158 = vector.extract %slice3A_157[0] : i32 from vector<1xi32>
    %shift_right_arithmetic3A_159 = arith.constant 7 : i32
    %shift_right_arithmetic3A_160 = arith.shrsi %squeeze3A_156, %shift_right_arithmetic3A_159 : i32
    %mul3A_161 = arith.constant 128 : i32
    %mul3A_162 = arith.muli %shift_right_arithmetic3A_160, %mul3A_161 : i32
    %multiple_of3A_163 = tpu.assume_multiple %mul3A_162, 128 : i32
    %shift_right_arithmetic3A_164 = arith.constant 7 : i32
    %shift_right_arithmetic3A_165 = arith.shrsi %squeeze3A_158, %shift_right_arithmetic3A_164 : i32
    %mul3A_166 = arith.constant 128 : i32
    %mul3A_167 = arith.muli %shift_right_arithmetic3A_165, %mul3A_166 : i32
    %multiple_of3A_168 = tpu.assume_multiple %mul3A_167, 128 : i32
    %dma_start3A_169 = arith.constant 0 : i32
    %dma_start3A_170 = tpu.memref_slice %arg6[%dma_start3A_169, %multiple_of3A_163] : memref<1x1000000xf32, #tpu.memory_space<hbm>> -> memref<1x128xf32, #tpu.memory_space<hbm>>
    %dma_start3A_171 = arith.constant 0 : i32
    %dma_start3A_172 = tpu.memref_slice %arg6[%dma_start3A_171, %multiple_of3A_163] : memref<1x1000000xf32, #tpu.memory_space<hbm>> -> memref<1x128xf32, #tpu.memory_space<hbm>>
    tpu.enqueue_dma source(%dma_start3A_172 : memref<1x128xf32, #tpu.memory_space<hbm>>) target(%arg25 : memref<1x128xf32, #tpu.memory_space<vmem>>) target_semaphore(%arg55 : memref<!tpu.dma_semaphore, #tpu.memory_space<semaphore_mem>>)
    %dma_start3A_173 = arith.constant 0 : i32
    %dma_start3A_174 = tpu.memref_slice %arg7[%dma_start3A_173, %multiple_of3A_168] : memref<1x1000000xf32, #tpu.memory_space<hbm>> -> memref<1x128xf32, #tpu.memory_space<hbm>>
    %dma_start3A_175 = arith.constant 0 : i32
    %dma_start3A_176 = tpu.memref_slice %arg7[%dma_start3A_175, %multiple_of3A_168] : memref<1x1000000xf32, #tpu.memory_space<hbm>> -> memref<1x128xf32, #tpu.memory_space<hbm>>
    tpu.enqueue_dma source(%dma_start3A_176 : memref<1x128xf32, #tpu.memory_space<hbm>>) target(%arg33 : memref<1x128xf32, #tpu.memory_space<vmem>>) target_semaphore(%arg55 : memref<!tpu.dma_semaphore, #tpu.memory_space<semaphore_mem>>)
    %slice3A_177 = vector.extract_strided_slice %get3A_3 {offsets = [2], sizes = [1], strides = [1]} : vector<16xi32> to vector<1xi32>
    %squeeze3A_178 = vector.extract %slice3A_177[0] : i32 from vector<1xi32>
    %slice3A_179 = vector.extract_strided_slice %get3A_5 {offsets = [2], sizes = [1], strides = [1]} : vector<16xi32> to vector<1xi32>
    %squeeze3A_180 = vector.extract %slice3A_179[0] : i32 from vector<1xi32>
    %shift_right_arithmetic3A_181 = arith.constant 7 : i32
    %shift_right_arithmetic3A_182 = arith.shrsi %squeeze3A_178, %shift_right_arithmetic3A_181 : i32
    %mul3A_183 = arith.constant 128 : i32
    %mul3A_184 = arith.muli %shift_right_arithmetic3A_182, %mul3A_183 : i32
    %multiple_of3A_185 = tpu.assume_multiple %mul3A_184, 128 : i32
    %shift_right_arithmetic3A_186 = arith.constant 7 : i32
    %shift_right_arithmetic3A_187 = arith.shrsi %squeeze3A_180, %shift_right_arithmetic3A_186 : i32
    %mul3A_188 = arith.constant 128 : i32
    %mul3A_189 = arith.muli %shift_right_arithmetic3A_187, %mul3A_188 : i32
    %multiple_of3A_190 = tpu.assume_multiple %mul3A_189, 128 : i32
    %dma_start3A_191 = arith.constant 0 : i32
    %dma_start3A_192 = tpu.memref_slice %arg6[%dma_start3A_191, %multiple_of3A_185] : memref<1x1000000xf32, #tpu.memory_space<hbm>> -> memref<1x128xf32, #tpu.memory_space<hbm>>
    %dma_start3A_193 = arith.constant 0 : i32
    %dma_start3A_194 = tpu.memref_slice %arg6[%dma_start3A_193, %multiple_of3A_185] : memref<1x1000000xf32, #tpu.memory_space<hbm>> -> memref<1x128xf32, #tpu.memory_space<hbm>>
    tpu.enqueue_dma source(%dma_start3A_194 : memref<1x128xf32, #tpu.memory_space<hbm>>) target(%arg26 : memref<1x128xf32, #tpu.memory_space<vmem>>) target_semaphore(%arg56 : memref<!tpu.dma_semaphore, #tpu.memory_space<semaphore_mem>>)
    %dma_start3A_195 = arith.constant 0 : i32
    %dma_start3A_196 = tpu.memref_slice %arg7[%dma_start3A_195, %multiple_of3A_190] : memref<1x1000000xf32, #tpu.memory_space<hbm>> -> memref<1x128xf32, #tpu.memory_space<hbm>>
    %dma_start3A_197 = arith.constant 0 : i32
    %dma_start3A_198 = tpu.memref_slice %arg7[%dma_start3A_197, %multiple_of3A_190] : memref<1x1000000xf32, #tpu.memory_space<hbm>> -> memref<1x128xf32, #tpu.memory_space<hbm>>
    tpu.enqueue_dma source(%dma_start3A_198 : memref<1x128xf32, #tpu.memory_space<hbm>>) target(%arg34 : memref<1x128xf32, #tpu.memory_space<vmem>>) target_semaphore(%arg56 : memref<!tpu.dma_semaphore, #tpu.memory_space<semaphore_mem>>)
    %slice3A_199 = vector.extract_strided_slice %get3A_3 {offsets = [3], sizes = [1], strides = [1]} : vector<16xi32> to vector<1xi32>
    %squeeze3A_200 = vector.extract %slice3A_199[0] : i32 from vector<1xi32>
    %slice3A_201 = vector.extract_strided_slice %get3A_5 {offsets = [3], sizes = [1], strides = [1]} : vector<16xi32> to vector<1xi32>
    %squeeze3A_202 = vector.extract %slice3A_201[0] : i32 from vector<1xi32>
    %shift_right_arithmetic3A_203 = arith.constant 7 : i32
    %shift_right_arithmetic3A_204 = arith.shrsi %squeeze3A_200, %shift_right_arithmetic3A_203 : i32
    %mul3A_205 = arith.constant 128 : i32
    %mul3A_206 = arith.muli %shift_right_arithmetic3A_204, %mul3A_205 : i32
    %multiple_of3A_207 = tpu.assume_multiple %mul3A_206, 128 : i32
    %shift_right_arithmetic3A_208 = arith.constant 7 : i32
    %shift_right_arithmetic3A_209 = arith.shrsi %squeeze3A_202, %shift_right_arithmetic3A_208 : i32
    %mul3A_210 = arith.constant 128 : i32
    %mul3A_211 = arith.muli %shift_right_arithmetic3A_209, %mul3A_210 : i32
    %multiple_of3A_212 = tpu.assume_multiple %mul3A_211, 128 : i32
    %dma_start3A_213 = arith.constant 0 : i32
    %dma_start3A_214 = tpu.memref_slice %arg6[%dma_start3A_213, %multiple_of3A_207] : memref<1x1000000xf32, #tpu.memory_space<hbm>> -> memref<1x128xf32, #tpu.memory_space<hbm>>
    %dma_start3A_215 = arith.constant 0 : i32
    %dma_start3A_216 = tpu.memref_slice %arg6[%dma_start3A_215, %multiple_of3A_207] : memref<1x1000000xf32, #tpu.memory_space<hbm>> -> memref<1x128xf32, #tpu.memory_space<hbm>>
    tpu.enqueue_dma source(%dma_start3A_216 : memref<1x128xf32, #tpu.memory_space<hbm>>) target(%arg27 : memref<1x128xf32, #tpu.memory_space<vmem>>) target_semaphore(%arg57 : memref<!tpu.dma_semaphore, #tpu.memory_space<semaphore_mem>>)
    %dma_start3A_217 = arith.constant 0 : i32
    %dma_start3A_218 = tpu.memref_slice %arg7[%dma_start3A_217, %multiple_of3A_212] : memref<1x1000000xf32, #tpu.memory_space<hbm>> -> memref<1x128xf32, #tpu.memory_space<hbm>>
    %dma_start3A_219 = arith.constant 0 : i32
    %dma_start3A_220 = tpu.memref_slice %arg7[%dma_start3A_219, %multiple_of3A_212] : memref<1x1000000xf32, #tpu.memory_space<hbm>> -> memref<1x128xf32, #tpu.memory_space<hbm>>
    tpu.enqueue_dma source(%dma_start3A_220 : memref<1x128xf32, #tpu.memory_space<hbm>>) target(%arg35 : memref<1x128xf32, #tpu.memory_space<vmem>>) target_semaphore(%arg57 : memref<!tpu.dma_semaphore, #tpu.memory_space<semaphore_mem>>)
    %slice3A_221 = vector.extract_strided_slice %get3A_3 {offsets = [4], sizes = [1], strides = [1]} : vector<16xi32> to vector<1xi32>
    %squeeze3A_222 = vector.extract %slice3A_221[0] : i32 from vector<1xi32>
    %slice3A_223 = vector.extract_strided_slice %get3A_5 {offsets = [4], sizes = [1], strides = [1]} : vector<16xi32> to vector<1xi32>
    %squeeze3A_224 = vector.extract %slice3A_223[0] : i32 from vector<1xi32>
    %shift_right_arithmetic3A_225 = arith.constant 7 : i32
    %shift_right_arithmetic3A_226 = arith.shrsi %squeeze3A_222, %shift_right_arithmetic3A_225 : i32
    %mul3A_227 = arith.constant 128 : i32
    %mul3A_228 = arith.muli %shift_right_arithmetic3A_226, %mul3A_227 : i32
    %multiple_of3A_229 = tpu.assume_multiple %mul3A_228, 128 : i32
    %shift_right_arithmetic3A_230 = arith.constant 7 : i32
    %shift_right_arithmetic3A_231 = arith.shrsi %squeeze3A_224, %shift_right_arithmetic3A_230 : i32
    %mul3A_232 = arith.constant 128 : i32
    %mul3A_233 = arith.muli %shift_right_arithmetic3A_231, %mul3A_232 : i32
    %multiple_of3A_234 = tpu.assume_multiple %mul3A_233, 128 : i32
    %dma_start3A_235 = arith.constant 0 : i32
    %dma_start3A_236 = tpu.memref_slice %arg6[%dma_start3A_235, %multiple_of3A_229] : memref<1x1000000xf32, #tpu.memory_space<hbm>> -> memref<1x128xf32, #tpu.memory_space<hbm>>
    %dma_start3A_237 = arith.constant 0 : i32
    %dma_start3A_238 = tpu.memref_slice %arg6[%dma_start3A_237, %multiple_of3A_229] : memref<1x1000000xf32, #tpu.memory_space<hbm>> -> memref<1x128xf32, #tpu.memory_space<hbm>>
    tpu.enqueue_dma source(%dma_start3A_238 : memref<1x128xf32, #tpu.memory_space<hbm>>) target(%arg28 : memref<1x128xf32, #tpu.memory_space<vmem>>) target_semaphore(%arg58 : memref<!tpu.dma_semaphore, #tpu.memory_space<semaphore_mem>>)
    %dma_start3A_239 = arith.constant 0 : i32
    %dma_start3A_240 = tpu.memref_slice %arg7[%dma_start3A_239, %multiple_of3A_234] : memref<1x1000000xf32, #tpu.memory_space<hbm>> -> memref<1x128xf32, #tpu.memory_space<hbm>>
    %dma_start3A_241 = arith.constant 0 : i32
    %dma_start3A_242 = tpu.memref_slice %arg7[%dma_start3A_241, %multiple_of3A_234] : memref<1x1000000xf32, #tpu.memory_space<hbm>> -> memref<1x128xf32, #tpu.memory_space<hbm>>
    tpu.enqueue_dma source(%dma_start3A_242 : memref<1x128xf32, #tpu.memory_space<hbm>>) target(%arg36 : memref<1x128xf32, #tpu.memory_space<vmem>>) target_semaphore(%arg58 : memref<!tpu.dma_semaphore, #tpu.memory_space<semaphore_mem>>)
    %slice3A_243 = vector.extract_strided_slice %get3A_3 {offsets = [5], sizes = [1], strides = [1]} : vector<16xi32> to vector<1xi32>
    %squeeze3A_244 = vector.extract %slice3A_243[0] : i32 from vector<1xi32>
    %slice3A_245 = vector.extract_strided_slice %get3A_5 {offsets = [5], sizes = [1], strides = [1]} : vector<16xi32> to vector<1xi32>
    %squeeze3A_246 = vector.extract %slice3A_245[0] : i32 from vector<1xi32>
    %shift_right_arithmetic3A_247 = arith.constant 7 : i32
    %shift_right_arithmetic3A_248 = arith.shrsi %squeeze3A_244, %shift_right_arithmetic3A_247 : i32
    %mul3A_249 = arith.constant 128 : i32
    %mul3A_250 = arith.muli %shift_right_arithmetic3A_248, %mul3A_249 : i32
    %multiple_of3A_251 = tpu.assume_multiple %mul3A_250, 128 : i32
    %shift_right_arithmetic3A_252 = arith.constant 7 : i32
    %shift_right_arithmetic3A_253 = arith.shrsi %squeeze3A_246, %shift_right_arithmetic3A_252 : i32
    %mul3A_254 = arith.constant 128 : i32
    %mul3A_255 = arith.muli %shift_right_arithmetic3A_253, %mul3A_254 : i32
    %multiple_of3A_256 = tpu.assume_multiple %mul3A_255, 128 : i32
    %dma_start3A_257 = arith.constant 0 : i32
    %dma_start3A_258 = tpu.memref_slice %arg6[%dma_start3A_257, %multiple_of3A_251] : memref<1x1000000xf32, #tpu.memory_space<hbm>> -> memref<1x128xf32, #tpu.memory_space<hbm>>
    %dma_start3A_259 = arith.constant 0 : i32
    %dma_start3A_260 = tpu.memref_slice %arg6[%dma_start3A_259, %multiple_of3A_251] : memref<1x1000000xf32, #tpu.memory_space<hbm>> -> memref<1x128xf32, #tpu.memory_space<hbm>>
    tpu.enqueue_dma source(%dma_start3A_260 : memref<1x128xf32, #tpu.memory_space<hbm>>) target(%arg29 : memref<1x128xf32, #tpu.memory_space<vmem>>) target_semaphore(%arg59 : memref<!tpu.dma_semaphore, #tpu.memory_space<semaphore_mem>>)
    %dma_start3A_261 = arith.constant 0 : i32
    %dma_start3A_262 = tpu.memref_slice %arg7[%dma_start3A_261, %multiple_of3A_256] : memref<1x1000000xf32, #tpu.memory_space<hbm>> -> memref<1x128xf32, #tpu.memory_space<hbm>>
    %dma_start3A_263 = arith.constant 0 : i32
    %dma_start3A_264 = tpu.memref_slice %arg7[%dma_start3A_263, %multiple_of3A_256] : memref<1x1000000xf32, #tpu.memory_space<hbm>> -> memref<1x128xf32, #tpu.memory_space<hbm>>
    tpu.enqueue_dma source(%dma_start3A_264 : memref<1x128xf32, #tpu.memory_space<hbm>>) target(%arg37 : memref<1x128xf32, #tpu.memory_space<vmem>>) target_semaphore(%arg59 : memref<!tpu.dma_semaphore, #tpu.memory_space<semaphore_mem>>)
    %slice3A_265 = vector.extract_strided_slice %get3A_3 {offsets = [6], sizes = [1], strides = [1]} : vector<16xi32> to vector<1xi32>
    %squeeze3A_266 = vector.extract %slice3A_265[0] : i32 from vector<1xi32>
    %slice3A_267 = vector.extract_strided_slice %get3A_5 {offsets = [6], sizes = [1], strides = [1]} : vector<16xi32> to vector<1xi32>
    %squeeze3A_268 = vector.extract %slice3A_267[0] : i32 from vector<1xi32>
    %shift_right_arithmetic3A_269 = arith.constant 7 : i32
    %shift_right_arithmetic3A_270 = arith.shrsi %squeeze3A_266, %shift_right_arithmetic3A_269 : i32
    %mul3A_271 = arith.constant 128 : i32
    %mul3A_272 = arith.muli %shift_right_arithmetic3A_270, %mul3A_271 : i32
    %multiple_of3A_273 = tpu.assume_multiple %mul3A_272, 128 : i32
    %shift_right_arithmetic3A_274 = arith.constant 7 : i32
    %shift_right_arithmetic3A_275 = arith.shrsi %squeeze3A_268, %shift_right_arithmetic3A_274 : i32
    %mul3A_276 = arith.constant 128 : i32
    %mul3A_277 = arith.muli %shift_right_arithmetic3A_275, %mul3A_276 : i32
    %multiple_of3A_278 = tpu.assume_multiple %mul3A_277, 128 : i32
    %dma_start3A_279 = arith.constant 0 : i32
    %dma_start3A_280 = tpu.memref_slice %arg6[%dma_start3A_279, %multiple_of3A_273] : memref<1x1000000xf32, #tpu.memory_space<hbm>> -> memref<1x128xf32, #tpu.memory_space<hbm>>
    %dma_start3A_281 = arith.constant 0 : i32
    %dma_start3A_282 = tpu.memref_slice %arg6[%dma_start3A_281, %multiple_of3A_273] : memref<1x1000000xf32, #tpu.memory_space<hbm>> -> memref<1x128xf32, #tpu.memory_space<hbm>>
    tpu.enqueue_dma source(%dma_start3A_282 : memref<1x128xf32, #tpu.memory_space<hbm>>) target(%arg30 : memref<1x128xf32, #tpu.memory_space<vmem>>) target_semaphore(%arg60 : memref<!tpu.dma_semaphore, #tpu.memory_space<semaphore_mem>>)
    %dma_start3A_283 = arith.constant 0 : i32
    %dma_start3A_284 = tpu.memref_slice %arg7[%dma_start3A_283, %multiple_of3A_278] : memref<1x1000000xf32, #tpu.memory_space<hbm>> -> memref<1x128xf32, #tpu.memory_space<hbm>>
    %dma_start3A_285 = arith.constant 0 : i32
    %dma_start3A_286 = tpu.memref_slice %arg7[%dma_start3A_285, %multiple_of3A_278] : memref<1x1000000xf32, #tpu.memory_space<hbm>> -> memref<1x128xf32, #tpu.memory_space<hbm>>
    tpu.enqueue_dma source(%dma_start3A_286 : memref<1x128xf32, #tpu.memory_space<hbm>>) target(%arg38 : memref<1x128xf32, #tpu.memory_space<vmem>>) target_semaphore(%arg60 : memref<!tpu.dma_semaphore, #tpu.memory_space<semaphore_mem>>)
    %slice3A_287 = vector.extract_strided_slice %get3A_3 {offsets = [7], sizes = [1], strides = [1]} : vector<16xi32> to vector<1xi32>
    %squeeze3A_288 = vector.extract %slice3A_287[0] : i32 from vector<1xi32>
    %slice3A_289 = vector.extract_strided_slice %get3A_5 {offsets = [7], sizes = [1], strides = [1]} : vector<16xi32> to vector<1xi32>
    %squeeze3A_290 = vector.extract %slice3A_289[0] : i32 from vector<1xi32>
    %shift_right_arithmetic3A_291 = arith.constant 7 : i32
    %shift_right_arithmetic3A_292 = arith.shrsi %squeeze3A_288, %shift_right_arithmetic3A_291 : i32
    %mul3A_293 = arith.constant 128 : i32
    %mul3A_294 = arith.muli %shift_right_arithmetic3A_292, %mul3A_293 : i32
    %multiple_of3A_295 = tpu.assume_multiple %mul3A_294, 128 : i32
    %shift_right_arithmetic3A_296 = arith.constant 7 : i32
    %shift_right_arithmetic3A_297 = arith.shrsi %squeeze3A_290, %shift_right_arithmetic3A_296 : i32
    %mul3A_298 = arith.constant 128 : i32
    %mul3A_299 = arith.muli %shift_right_arithmetic3A_297, %mul3A_298 : i32
    %multiple_of3A_300 = tpu.assume_multiple %mul3A_299, 128 : i32
    %dma_start3A_301 = arith.constant 0 : i32
    %dma_start3A_302 = tpu.memref_slice %arg6[%dma_start3A_301, %multiple_of3A_295] : memref<1x1000000xf32, #tpu.memory_space<hbm>> -> memref<1x128xf32, #tpu.memory_space<hbm>>
    %dma_start3A_303 = arith.constant 0 : i32
    %dma_start3A_304 = tpu.memref_slice %arg6[%dma_start3A_303, %multiple_of3A_295] : memref<1x1000000xf32, #tpu.memory_space<hbm>> -> memref<1x128xf32, #tpu.memory_space<hbm>>
    tpu.enqueue_dma source(%dma_start3A_304 : memref<1x128xf32, #tpu.memory_space<hbm>>) target(%arg31 : memref<1x128xf32, #tpu.memory_space<vmem>>) target_semaphore(%arg61 : memref<!tpu.dma_semaphore, #tpu.memory_space<semaphore_mem>>)
    %dma_start3A_305 = arith.constant 0 : i32
    %dma_start3A_306 = tpu.memref_slice %arg7[%dma_start3A_305, %multiple_of3A_300] : memref<1x1000000xf32, #tpu.memory_space<hbm>> -> memref<1x128xf32, #tpu.memory_space<hbm>>
    %dma_start3A_307 = arith.constant 0 : i32
    %dma_start3A_308 = tpu.memref_slice %arg7[%dma_start3A_307, %multiple_of3A_300] : memref<1x1000000xf32, #tpu.memory_space<hbm>> -> memref<1x128xf32, #tpu.memory_space<hbm>>
    tpu.enqueue_dma source(%dma_start3A_308 : memref<1x128xf32, #tpu.memory_space<hbm>>) target(%arg39 : memref<1x128xf32, #tpu.memory_space<vmem>>) target_semaphore(%arg61 : memref<!tpu.dma_semaphore, #tpu.memory_space<semaphore_mem>>)
    %get3A_309 = arith.constant 0 : index
    %get3A_310 = tpu.vector_load %arg40[%get3A_309] {strides = array<i32>} : memref<16xf32, #tpu.memory_space<vmem>>, vector<16xf32>,
    %slice3A_311 = vector.extract_strided_slice %get3A_310 {offsets = [0], sizes = [1], strides = [1]} : vector<16xf32> to vector<1xf32>
    %squeeze3A_312 = vector.extract %slice3A_311[0] : f32 from vector<1xf32>
    %iota3A = tpu.iota {dimensions = array<i32: 0>} : vector<16xi32>
    %broadcast_in_dim3A = arith.constant 0 : i32
    %broadcast_in_dim3A_313 = vector.broadcast %broadcast_in_dim3A : i32 to vector<16xi32>
    %broadcast_in_dim3A_314 = arith.constant 0.000000e+00 : f32
    %broadcast_in_dim3A_315 = vector.broadcast %broadcast_in_dim3A_314 : f32 to vector<16xf32>
    %scan3A = arith.constant 0 : i32
    %scan3A_316 = arith.constant 32 : i32
    %scan3A_317 = arith.addi %scan3A, %scan3A_316 : i32
    %scan3A_318 = arith.constant 1 : i32
    %scan3A_319 = scf.for %scan3A_321 = %scan3A to %scan3A_317 step %scan3A_318 iter_args(%scan3A_322 = %broadcast_in_dim3A_315) -> (vector<16xf32>)  : i32 {
      %mul3A_323 = arith.constant 16 : i32
      %mul3A_324 = arith.muli %scan3A_321, %mul3A_323 : i32
      %get3A_325 = arith.index_cast %mul3A_324 : i32 to index
      %get3A_326 = tpu.vector_load %arg10[%get3A_325] {strides = array<i32>} : memref<512xi32, #tpu.memory_space<vmem>>, vector<16xi32>,
      %mul3A_327 = arith.constant 16 : i32
      %mul3A_328 = arith.muli %scan3A_321, %mul3A_327 : i32
      %get3A_329 = arith.index_cast %mul3A_328 : i32 to index
      %get3A_330 = tpu.vector_load %arg11[%get3A_329] {strides = array<i32>} : memref<512xi32, #tpu.memory_space<vmem>>, vector<16xi32>,
      %add3A_331 = arith.constant 1 : i32
      %add3A_332 = arith.addi %scan3A_321, %add3A_331 : i32
      %min3A = arith.constant 31 : i32
      %min3A_333 = arith.minsi %add3A_332, %min3A : i32
      %mul3A_334 = arith.constant 16 : i32
      %mul3A_335 = arith.muli %min3A_333, %mul3A_334 : i32
      %get3A_336 = arith.index_cast %mul3A_335 : i32 to index
      %get3A_337 = tpu.vector_load %arg10[%get3A_336] {strides = array<i32>} : memref<512xi32, #tpu.memory_space<vmem>>, vector<16xi32>,
      %get3A_338 = arith.index_cast %mul3A_335 : i32 to index
      %get3A_339 = tpu.vector_load %arg11[%get3A_338] {strides = array<i32>} : memref<512xi32, #tpu.memory_space<vmem>>, vector<16xi32>,
      %dma_wait3A = arith.constant 0 : i32
      %dma_wait3A_340 = arith.constant 0 : i32
      %dma_wait3A_341 = tpu.memref_slice %arg4[%dma_wait3A, %dma_wait3A_340] : memref<64x1000000xf32, #tpu.memory_space<hbm>> -> memref<64x128xf32, #tpu.memory_space<hbm>>
      %dma_wait3A_342 = arith.constant 0 : i32
      %dma_wait3A_343 = arith.constant 0 : i32
      %dma_wait3A_344 = tpu.memref_slice %arg4[%dma_wait3A_342, %dma_wait3A_343] : memref<64x1000000xf32, #tpu.memory_space<hbm>> -> memref<64x128xf32, #tpu.memory_space<hbm>>
      tpu.wait_dma2 semaphore(%arg42 : memref<!tpu.dma_semaphore, #tpu.memory_space<semaphore_mem>>) src(%dma_wait3A_344 : memref<64x128xf32, #tpu.memory_space<hbm>>) dst(%arg12 : memref<64x128xf32, #tpu.memory_space<vmem>>)
      %dma_wait3A_345 = arith.constant 0 : i32
      %dma_wait3A_346 = arith.constant 0 : i32
      %dma_wait3A_347 = tpu.memref_slice %arg5[%dma_wait3A_345, %dma_wait3A_346] : memref<64x1000000xf32, #tpu.memory_space<hbm>> -> memref<64x128xf32, #tpu.memory_space<hbm>>
      %dma_wait3A_348 = arith.constant 0 : i32
      %dma_wait3A_349 = arith.constant 0 : i32
      %dma_wait3A_350 = tpu.memref_slice %arg5[%dma_wait3A_348, %dma_wait3A_349] : memref<64x1000000xf32, #tpu.memory_space<hbm>> -> memref<64x128xf32, #tpu.memory_space<hbm>>
      tpu.wait_dma2 semaphore(%arg50 : memref<!tpu.dma_semaphore, #tpu.memory_space<semaphore_mem>>) src(%dma_wait3A_350 : memref<64x128xf32, #tpu.memory_space<hbm>>) dst(%arg20 : memref<64x128xf32, #tpu.memory_space<vmem>>)
      %dma_wait3A_351 = arith.constant 0 : i32
      %dma_wait3A_352 = arith.constant 0 : i32
      %dma_wait3A_353 = tpu.memref_slice %arg6[%dma_wait3A_351, %dma_wait3A_352] : memref<1x1000000xf32, #tpu.memory_space<hbm>> -> memref<1x128xf32, #tpu.memory_space<hbm>>
      %dma_wait3A_354 = arith.constant 0 : i32
      %dma_wait3A_355 = arith.constant 0 : i32
      %dma_wait3A_356 = tpu.memref_slice %arg6[%dma_wait3A_354, %dma_wait3A_355] : memref<1x1000000xf32, #tpu.memory_space<hbm>> -> memref<1x128xf32, #tpu.memory_space<hbm>>
      tpu.wait_dma2 semaphore(%arg54 : memref<!tpu.dma_semaphore, #tpu.memory_space<semaphore_mem>>) src(%dma_wait3A_356 : memref<1x128xf32, #tpu.memory_space<hbm>>) dst(%arg24 : memref<1x128xf32, #tpu.memory_space<vmem>>)
      %dma_wait3A_357 = arith.constant 0 : i32
      %dma_wait3A_358 = arith.constant 0 : i32
      %dma_wait3A_359 = tpu.memref_slice %arg7[%dma_wait3A_357, %dma_wait3A_358] : memref<1x1000000xf32, #tpu.memory_space<hbm>> -> memref<1x128xf32, #tpu.memory_space<hbm>>
      %dma_wait3A_360 = arith.constant 0 : i32
      %dma_wait3A_361 = arith.constant 0 : i32
      %dma_wait3A_362 = tpu.memref_slice %arg7[%dma_wait3A_360, %dma_wait3A_361] : memref<1x1000000xf32, #tpu.memory_space<hbm>> -> memref<1x128xf32, #tpu.memory_space<hbm>>
      tpu.wait_dma2 semaphore(%arg54 : memref<!tpu.dma_semaphore, #tpu.memory_space<semaphore_mem>>) src(%dma_wait3A_362 : memref<1x128xf32, #tpu.memory_space<hbm>>) dst(%arg32 : memref<1x128xf32, #tpu.memory_space<vmem>>)
      %slice3A_363 = vector.extract_strided_slice %get3A_326 {offsets = [0], sizes = [1], strides = [1]} : vector<16xi32> to vector<1xi32>
      %squeeze3A_364 = vector.extract %slice3A_363[0] : i32 from vector<1xi32>
      %and3A = arith.constant 127 : i32
      %and3A_365 = arith.andi %squeeze3A_364, %and3A : i32
      %broadcast_in_dim3A_366 = vector.broadcast %and3A_365 : i32 to vector<16xi32>
      %slice3A_367 = vector.extract_strided_slice %get3A_330 {offsets = [0], sizes = [1], strides = [1]} : vector<16xi32> to vector<1xi32>
      %squeeze3A_368 = vector.extract %slice3A_367[0] : i32 from vector<1xi32>
      %and3A_369 = arith.constant 127 : i32
      %and3A_370 = arith.andi %squeeze3A_368, %and3A_369 : i32
      %broadcast_in_dim3A_371 = vector.broadcast %and3A_370 : i32 to vector<16xi32>
      %broadcast_in_dim3A_372 = arith.constant 0.000000e+00 : f32
      %broadcast_in_dim3A_373 = vector.broadcast %broadcast_in_dim3A_372 : f32 to vector<16xf32>
      %add3A_374 = arith.constant 0 : i32
      %add3A_375 = vector.broadcast %add3A_374 : i32 to vector<16xi32>
      %add3A_376 = arith.addi %add3A_375, %iota3A : vector<16xi32>
      %gather3A = tpu.vector_load_idx %arg12[%add3A_376, %broadcast_in_dim3A_366] : memref<64x128xf32, #tpu.memory_space<vmem>>[vector<16xi32>, vector<16xi32>], vector<16xf32>,
      %gather3A_377 = tpu.vector_load_idx %arg20[%add3A_376, %broadcast_in_dim3A_371] : memref<64x128xf32, #tpu.memory_space<vmem>>[vector<16xi32>, vector<16xi32>], vector<16xf32>,
      %mul3A_378 = arith.mulf %gather3A, %gather3A_377 : vector<16xf32>
      %add3A_379 = arith.addf %broadcast_in_dim3A_373, %mul3A_378 : vector<16xf32>
      %add3A_380 = arith.constant 16 : i32
      %add3A_381 = vector.broadcast %add3A_380 : i32 to vector<16xi32>
      %add3A_382 = arith.addi %add3A_381, %iota3A : vector<16xi32>
      %gather3A_383 = tpu.vector_load_idx %arg12[%add3A_382, %broadcast_in_dim3A_366] : memref<64x128xf32, #tpu.memory_space<vmem>>[vector<16xi32>, vector<16xi32>], vector<16xf32>,
      %gather3A_384 = tpu.vector_load_idx %arg20[%add3A_382, %broadcast_in_dim3A_371] : memref<64x128xf32, #tpu.memory_space<vmem>>[vector<16xi32>, vector<16xi32>], vector<16xf32>,
      %mul3A_385 = arith.mulf %gather3A_383, %gather3A_384 : vector<16xf32>
      %add3A_386 = arith.addf %add3A_379, %mul3A_385 : vector<16xf32>
      %add3A_387 = arith.constant 32 : i32
      %add3A_388 = vector.broadcast %add3A_387 : i32 to vector<16xi32>
      %add3A_389 = arith.addi %add3A_388, %iota3A : vector<16xi32>
      %gather3A_390 = tpu.vector_load_idx %arg12[%add3A_389, %broadcast_in_dim3A_366] : memref<64x128xf32, #tpu.memory_space<vmem>>[vector<16xi32>, vector<16xi32>], vector<16xf32>,
      %gather3A_391 = tpu.vector_load_idx %arg20[%add3A_389, %broadcast_in_dim3A_371] : memref<64x128xf32, #tpu.memory_space<vmem>>[vector<16xi32>, vector<16xi32>], vector<16xf32>,
      %mul3A_392 = arith.mulf %gather3A_390, %gather3A_391 : vector<16xf32>
      %add3A_393 = arith.addf %add3A_386, %mul3A_392 : vector<16xf32>
      %add3A_394 = arith.constant 48 : i32
      %add3A_395 = vector.broadcast %add3A_394 : i32 to vector<16xi32>
      %add3A_396 = arith.addi %add3A_395, %iota3A : vector<16xi32>
      %gather3A_397 = tpu.vector_load_idx %arg12[%add3A_396, %broadcast_in_dim3A_366] : memref<64x128xf32, #tpu.memory_space<vmem>>[vector<16xi32>, vector<16xi32>], vector<16xf32>,
      %gather3A_398 = tpu.vector_load_idx %arg20[%add3A_396, %broadcast_in_dim3A_371] : memref<64x128xf32, #tpu.memory_space<vmem>>[vector<16xi32>, vector<16xi32>], vector<16xf32>,
      %mul3A_399 = arith.mulf %gather3A_397, %gather3A_398 : vector<16xf32>
      %add3A_400 = arith.addf %add3A_393, %mul3A_399 : vector<16xf32>
      %gather3A_401 = tpu.vector_load_idx %arg24[%broadcast_in_dim3A_313, %broadcast_in_dim3A_366] : memref<1x128xf32, #tpu.memory_space<vmem>>[vector<16xi32>, vector<16xi32>], vector<16xf32>,
      %gather3A_402 = tpu.vector_load_idx %arg32[%broadcast_in_dim3A_313, %broadcast_in_dim3A_371] : memref<1x128xf32, #tpu.memory_space<vmem>>[vector<16xi32>, vector<16xi32>], vector<16xf32>,
      %add3A_403 = arith.addf %gather3A_401, %gather3A_402 : vector<16xf32>
      %slice3A_404 = vector.extract_strided_slice %get3A_326 {offsets = [8], sizes = [1], strides = [1]} : vector<16xi32> to vector<1xi32>
      %squeeze3A_405 = vector.extract %slice3A_404[0] : i32 from vector<1xi32>
      %shift_right_arithmetic3A_406 = arith.constant 7 : i32
      %shift_right_arithmetic3A_407 = arith.shrsi %squeeze3A_405, %shift_right_arithmetic3A_406 : i32
      %mul3A_408 = arith.constant 128 : i32
      %mul3A_409 = arith.muli %shift_right_arithmetic3A_407, %mul3A_408 : i32
      %multiple_of3A_410 = tpu.assume_multiple %mul3A_409, 128 : i32
      %dma_start3A_411 = arith.constant 0 : i32
      %dma_start3A_412 = tpu.memref_slice %arg4[%dma_start3A_411, %multiple_of3A_410] : memref<64x1000000xf32, #tpu.memory_space<hbm>> -> memref<64x128xf32, #tpu.memory_space<hbm>>
      %dma_start3A_413 = arith.constant 0 : i32
      %dma_start3A_414 = tpu.memref_slice %arg4[%dma_start3A_413, %multiple_of3A_410] : memref<64x1000000xf32, #tpu.memory_space<hbm>> -> memref<64x128xf32, #tpu.memory_space<hbm>>
      tpu.enqueue_dma source(%dma_start3A_414 : memref<64x128xf32, #tpu.memory_space<hbm>>) target(%arg12 : memref<64x128xf32, #tpu.memory_space<vmem>>) target_semaphore(%arg42 : memref<!tpu.dma_semaphore, #tpu.memory_space<semaphore_mem>>)
      %slice3A_415 = vector.extract_strided_slice %get3A_330 {offsets = [4], sizes = [1], strides = [1]} : vector<16xi32> to vector<1xi32>
      %squeeze3A_416 = vector.extract %slice3A_415[0] : i32 from vector<1xi32>
      %shift_right_arithmetic3A_417 = arith.constant 7 : i32
      %shift_right_arithmetic3A_418 = arith.shrsi %squeeze3A_416, %shift_right_arithmetic3A_417 : i32
      %mul3A_419 = arith.constant 128 : i32
      %mul3A_420 = arith.muli %shift_right_arithmetic3A_418, %mul3A_419 : i32
      %multiple_of3A_421 = tpu.assume_multiple %mul3A_420, 128 : i32
      %dma_start3A_422 = arith.constant 0 : i32
      %dma_start3A_423 = tpu.memref_slice %arg5[%dma_start3A_422, %multiple_of3A_421] : memref<64x1000000xf32, #tpu.memory_space<hbm>> -> memref<64x128xf32, #tpu.memory_space<hbm>>
      %dma_start3A_424 = arith.constant 0 : i32
      %dma_start3A_425 = tpu.memref_slice %arg5[%dma_start3A_424, %multiple_of3A_421] : memref<64x1000000xf32, #tpu.memory_space<hbm>> -> memref<64x128xf32, #tpu.memory_space<hbm>>
      tpu.enqueue_dma source(%dma_start3A_425 : memref<64x128xf32, #tpu.memory_space<hbm>>) target(%arg20 : memref<64x128xf32, #tpu.memory_space<vmem>>) target_semaphore(%arg50 : memref<!tpu.dma_semaphore, #tpu.memory_space<semaphore_mem>>)
      %slice3A_426 = vector.extract_strided_slice %get3A_326 {offsets = [8], sizes = [1], strides = [1]} : vector<16xi32> to vector<1xi32>
      %squeeze3A_427 = vector.extract %slice3A_426[0] : i32 from vector<1xi32>
      %slice3A_428 = vector.extract_strided_slice %get3A_330 {offsets = [8], sizes = [1], strides = [1]} : vector<16xi32> to vector<1xi32>
      %squeeze3A_429 = vector.extract %slice3A_428[0] : i32 from vector<1xi32>
      %shift_right_arithmetic3A_430 = arith.constant 7 : i32
      %shift_right_arithmetic3A_431 = arith.shrsi %squeeze3A_427, %shift_right_arithmetic3A_430 : i32
      %mul3A_432 = arith.constant 128 : i32
      %mul3A_433 = arith.muli %shift_right_arithmetic3A_431, %mul3A_432 : i32
      %multiple_of3A_434 = tpu.assume_multiple %mul3A_433, 128 : i32
      %shift_right_arithmetic3A_435 = arith.constant 7 : i32
      %shift_right_arithmetic3A_436 = arith.shrsi %squeeze3A_429, %shift_right_arithmetic3A_435 : i32
      %mul3A_437 = arith.constant 128 : i32
      %mul3A_438 = arith.muli %shift_right_arithmetic3A_436, %mul3A_437 : i32
      %multiple_of3A_439 = tpu.assume_multiple %mul3A_438, 128 : i32
      %dma_start3A_440 = arith.constant 0 : i32
      %dma_start3A_441 = tpu.memref_slice %arg6[%dma_start3A_440, %multiple_of3A_434] : memref<1x1000000xf32, #tpu.memory_space<hbm>> -> memref<1x128xf32, #tpu.memory_space<hbm>>
      %dma_start3A_442 = arith.constant 0 : i32
      %dma_start3A_443 = tpu.memref_slice %arg6[%dma_start3A_442, %multiple_of3A_434] : memref<1x1000000xf32, #tpu.memory_space<hbm>> -> memref<1x128xf32, #tpu.memory_space<hbm>>
      tpu.enqueue_dma source(%dma_start3A_443 : memref<1x128xf32, #tpu.memory_space<hbm>>) target(%arg24 : memref<1x128xf32, #tpu.memory_space<vmem>>) target_semaphore(%arg54 : memref<!tpu.dma_semaphore, #tpu.memory_space<semaphore_mem>>)
      %dma_start3A_444 = arith.constant 0 : i32
      %dma_start3A_445 = tpu.memref_slice %arg7[%dma_start3A_444, %multiple_of3A_439] : memref<1x1000000xf32, #tpu.memory_space<hbm>> -> memref<1x128xf32, #tpu.memory_space<hbm>>
      %dma_start3A_446 = arith.constant 0 : i32
      %dma_start3A_447 = tpu.memref_slice %arg7[%dma_start3A_446, %multiple_of3A_439] : memref<1x1000000xf32, #tpu.memory_space<hbm>> -> memref<1x128xf32, #tpu.memory_space<hbm>>
      tpu.enqueue_dma source(%dma_start3A_447 : memref<1x128xf32, #tpu.memory_space<hbm>>) target(%arg32 : memref<1x128xf32, #tpu.memory_space<vmem>>) target_semaphore(%arg54 : memref<!tpu.dma_semaphore, #tpu.memory_space<semaphore_mem>>)
      %reduce_sum3A = arith.constant true
      %reduce_sum3A_448 = vector.broadcast %reduce_sum3A : i1 to vector<16xi1>
      %reduce_sum3A_449 = tpu.scan <sum>, %add3A_400 masked %reduce_sum3A_448 : vector<16xf32>, vector<16xi1> -> vector<16xf32>
      %reduce_sum3A_450 = vector.extract %reduce_sum3A_449[15] : f32 from vector<16xf32>
      %slice3A_451 = vector.extract_strided_slice %add3A_403 {offsets = [0], sizes = [1], strides = [1]} : vector<16xf32> to vector<1xf32>
      %squeeze3A_452 = vector.extract %slice3A_451[0] : f32 from vector<1xf32>
      %add3A_453 = arith.addf %reduce_sum3A_450, %squeeze3A_452 : f32
      %add3A_454 = arith.addf %add3A_453, %squeeze3A_312 : f32
      %eq3A = arith.constant 0 : i32
      %eq3A_455 = vector.broadcast %eq3A : i32 to vector<16xi32>
      %eq3A_456 = arith.cmpi eq, %iota3A, %eq3A_455 : vector<16xi32>
      %broadcast_in_dim3A_457 = vector.broadcast %add3A_454 : f32 to vector<16xf32>
      %select_n3A = arith.select %eq3A_456, %broadcast_in_dim3A_457, %scan3A_322 : vector<16xi1>, vector<16xf32>
      %dma_wait3A_458 = arith.constant 0 : i32
      %dma_wait3A_459 = arith.constant 0 : i32
      %dma_wait3A_460 = tpu.memref_slice %arg4[%dma_wait3A_458, %dma_wait3A_459] : memref<64x1000000xf32, #tpu.memory_space<hbm>> -> memref<64x128xf32, #tpu.memory_space<hbm>>
      %dma_wait3A_461 = arith.constant 0 : i32
      %dma_wait3A_462 = arith.constant 0 : i32
      %dma_wait3A_463 = tpu.memref_slice %arg4[%dma_wait3A_461, %dma_wait3A_462] : memref<64x1000000xf32, #tpu.memory_space<hbm>> -> memref<64x128xf32, #tpu.memory_space<hbm>>
      tpu.wait_dma2 semaphore(%arg43 : memref<!tpu.dma_semaphore, #tpu.memory_space<semaphore_mem>>) src(%dma_wait3A_463 : memref<64x128xf32, #tpu.memory_space<hbm>>) dst(%arg13 : memref<64x128xf32, #tpu.memory_space<vmem>>)
      %dma_wait3A_464 = arith.constant 0 : i32
      %dma_wait3A_465 = arith.constant 0 : i32
      %dma_wait3A_466 = tpu.memref_slice %arg5[%dma_wait3A_464, %dma_wait3A_465] : memref<64x1000000xf32, #tpu.memory_space<hbm>> -> memref<64x128xf32, #tpu.memory_space<hbm>>
      %dma_wait3A_467 = arith.constant 0 : i32
      %dma_wait3A_468 = arith.constant 0 : i32
      %dma_wait3A_469 = tpu.memref_slice %arg5[%dma_wait3A_467, %dma_wait3A_468] : memref<64x1000000xf32, #tpu.memory_space<hbm>> -> memref<64x128xf32, #tpu.memory_space<hbm>>
      tpu.wait_dma2 semaphore(%arg51 : memref<!tpu.dma_semaphore, #tpu.memory_space<semaphore_mem>>) src(%dma_wait3A_469 : memref<64x128xf32, #tpu.memory_space<hbm>>) dst(%arg21 : memref<64x128xf32, #tpu.memory_space<vmem>>)
      %dma_wait3A_470 = arith.constant 0 : i32
      %dma_wait3A_471 = arith.constant 0 : i32
      %dma_wait3A_472 = tpu.memref_slice %arg6[%dma_wait3A_470, %dma_wait3A_471] : memref<1x1000000xf32, #tpu.memory_space<hbm>> -> memref<1x128xf32, #tpu.memory_space<hbm>>
      %dma_wait3A_473 = arith.constant 0 : i32
      %dma_wait3A_474 = arith.constant 0 : i32
      %dma_wait3A_475 = tpu.memref_slice %arg6[%dma_wait3A_473, %dma_wait3A_474] : memref<1x1000000xf32, #tpu.memory_space<hbm>> -> memref<1x128xf32, #tpu.memory_space<hbm>>
      tpu.wait_dma2 semaphore(%arg55 : memref<!tpu.dma_semaphore, #tpu.memory_space<semaphore_mem>>) src(%dma_wait3A_475 : memref<1x128xf32, #tpu.memory_space<hbm>>) dst(%arg25 : memref<1x128xf32, #tpu.memory_space<vmem>>)
      %dma_wait3A_476 = arith.constant 0 : i32
      %dma_wait3A_477 = arith.constant 0 : i32
      %dma_wait3A_478 = tpu.memref_slice %arg7[%dma_wait3A_476, %dma_wait3A_477] : memref<1x1000000xf32, #tpu.memory_space<hbm>> -> memref<1x128xf32, #tpu.memory_space<hbm>>
      %dma_wait3A_479 = arith.constant 0 : i32
      %dma_wait3A_480 = arith.constant 0 : i32
      %dma_wait3A_481 = tpu.memref_slice %arg7[%dma_wait3A_479, %dma_wait3A_480] : memref<1x1000000xf32, #tpu.memory_space<hbm>> -> memref<1x128xf32, #tpu.memory_space<hbm>>
      tpu.wait_dma2 semaphore(%arg55 : memref<!tpu.dma_semaphore, #tpu.memory_space<semaphore_mem>>) src(%dma_wait3A_481 : memref<1x128xf32, #tpu.memory_space<hbm>>) dst(%arg33 : memref<1x128xf32, #tpu.memory_space<vmem>>)
      %slice3A_482 = vector.extract_strided_slice %get3A_326 {offsets = [1], sizes = [1], strides = [1]} : vector<16xi32> to vector<1xi32>
      %squeeze3A_483 = vector.extract %slice3A_482[0] : i32 from vector<1xi32>
      %and3A_484 = arith.constant 127 : i32
      %and3A_485 = arith.andi %squeeze3A_483, %and3A_484 : i32
      %broadcast_in_dim3A_486 = vector.broadcast %and3A_485 : i32 to vector<16xi32>
      %slice3A_487 = vector.extract_strided_slice %get3A_330 {offsets = [1], sizes = [1], strides = [1]} : vector<16xi32> to vector<1xi32>
      %squeeze3A_488 = vector.extract %slice3A_487[0] : i32 from vector<1xi32>
      %and3A_489 = arith.constant 127 : i32
      %and3A_490 = arith.andi %squeeze3A_488, %and3A_489 : i32
      %broadcast_in_dim3A_491 = vector.broadcast %and3A_490 : i32 to vector<16xi32>
      %broadcast_in_dim3A_492 = arith.constant 0.000000e+00 : f32
      %broadcast_in_dim3A_493 = vector.broadcast %broadcast_in_dim3A_492 : f32 to vector<16xf32>
      %add3A_494 = arith.constant 0 : i32
      %add3A_495 = vector.broadcast %add3A_494 : i32 to vector<16xi32>
      %add3A_496 = arith.addi %add3A_495, %iota3A : vector<16xi32>
      %gather3A_497 = tpu.vector_load_idx %arg13[%add3A_496, %broadcast_in_dim3A_486] : memref<64x128xf32, #tpu.memory_space<vmem>>[vector<16xi32>, vector<16xi32>], vector<16xf32>,
      %gather3A_498 = tpu.vector_load_idx %arg21[%add3A_496, %broadcast_in_dim3A_491] : memref<64x128xf32, #tpu.memory_space<vmem>>[vector<16xi32>, vector<16xi32>], vector<16xf32>,
      %mul3A_499 = arith.mulf %gather3A_497, %gather3A_498 : vector<16xf32>
      %add3A_500 = arith.addf %broadcast_in_dim3A_493, %mul3A_499 : vector<16xf32>
      %add3A_501 = arith.constant 16 : i32
      %add3A_502 = vector.broadcast %add3A_501 : i32 to vector<16xi32>
      %add3A_503 = arith.addi %add3A_502, %iota3A : vector<16xi32>
      %gather3A_504 = tpu.vector_load_idx %arg13[%add3A_503, %broadcast_in_dim3A_486] : memref<64x128xf32, #tpu.memory_space<vmem>>[vector<16xi32>, vector<16xi32>], vector<16xf32>,
      %gather3A_505 = tpu.vector_load_idx %arg21[%add3A_503, %broadcast_in_dim3A_491] : memref<64x128xf32, #tpu.memory_space<vmem>>[vector<16xi32>, vector<16xi32>], vector<16xf32>,
      %mul3A_506 = arith.mulf %gather3A_504, %gather3A_505 : vector<16xf32>
      %add3A_507 = arith.addf %add3A_500, %mul3A_506 : vector<16xf32>
      %add3A_508 = arith.constant 32 : i32
      %add3A_509 = vector.broadcast %add3A_508 : i32 to vector<16xi32>
      %add3A_510 = arith.addi %add3A_509, %iota3A : vector<16xi32>
      %gather3A_511 = tpu.vector_load_idx %arg13[%add3A_510, %broadcast_in_dim3A_486] : memref<64x128xf32, #tpu.memory_space<vmem>>[vector<16xi32>, vector<16xi32>], vector<16xf32>,
      %gather3A_512 = tpu.vector_load_idx %arg21[%add3A_510, %broadcast_in_dim3A_491] : memref<64x128xf32, #tpu.memory_space<vmem>>[vector<16xi32>, vector<16xi32>], vector<16xf32>,
      %mul3A_513 = arith.mulf %gather3A_511, %gather3A_512 : vector<16xf32>
      %add3A_514 = arith.addf %add3A_507, %mul3A_513 : vector<16xf32>
      %add3A_515 = arith.constant 48 : i32
      %add3A_516 = vector.broadcast %add3A_515 : i32 to vector<16xi32>
      %add3A_517 = arith.addi %add3A_516, %iota3A : vector<16xi32>
      %gather3A_518 = tpu.vector_load_idx %arg13[%add3A_517, %broadcast_in_dim3A_486] : memref<64x128xf32, #tpu.memory_space<vmem>>[vector<16xi32>, vector<16xi32>], vector<16xf32>,
      %gather3A_519 = tpu.vector_load_idx %arg21[%add3A_517, %broadcast_in_dim3A_491] : memref<64x128xf32, #tpu.memory_space<vmem>>[vector<16xi32>, vector<16xi32>], vector<16xf32>,
      %mul3A_520 = arith.mulf %gather3A_518, %gather3A_519 : vector<16xf32>
      %add3A_521 = arith.addf %add3A_514, %mul3A_520 : vector<16xf32>
      %gather3A_522 = tpu.vector_load_idx %arg25[%broadcast_in_dim3A_313, %broadcast_in_dim3A_486] : memref<1x128xf32, #tpu.memory_space<vmem>>[vector<16xi32>, vector<16xi32>], vector<16xf32>,
      %gather3A_523 = tpu.vector_load_idx %arg33[%broadcast_in_dim3A_313, %broadcast_in_dim3A_491] : memref<1x128xf32, #tpu.memory_space<vmem>>[vector<16xi32>, vector<16xi32>], vector<16xf32>,
      %add3A_524 = arith.addf %gather3A_522, %gather3A_523 : vector<16xf32>
      %slice3A_525 = vector.extract_strided_slice %get3A_326 {offsets = [9], sizes = [1], strides = [1]} : vector<16xi32> to vector<1xi32>
      %squeeze3A_526 = vector.extract %slice3A_525[0] : i32 from vector<1xi32>
      %shift_right_arithmetic3A_527 = arith.constant 7 : i32
      %shift_right_arithmetic3A_528 = arith.shrsi %squeeze3A_526, %shift_right_arithmetic3A_527 : i32
      %mul3A_529 = arith.constant 128 : i32
      %mul3A_530 = arith.muli %shift_right_arithmetic3A_528, %mul3A_529 : i32
      %multiple_of3A_531 = tpu.assume_multiple %mul3A_530, 128 : i32
      %dma_start3A_532 = arith.constant 0 : i32
      %dma_start3A_533 = tpu.memref_slice %arg4[%dma_start3A_532, %multiple_of3A_531] : memref<64x1000000xf32, #tpu.memory_space<hbm>> -> memref<64x128xf32, #tpu.memory_space<hbm>>
      %dma_start3A_534 = arith.constant 0 : i32
      %dma_start3A_535 = tpu.memref_slice %arg4[%dma_start3A_534, %multiple_of3A_531] : memref<64x1000000xf32, #tpu.memory_space<hbm>> -> memref<64x128xf32, #tpu.memory_space<hbm>>
      tpu.enqueue_dma source(%dma_start3A_535 : memref<64x128xf32, #tpu.memory_space<hbm>>) target(%arg13 : memref<64x128xf32, #tpu.memory_space<vmem>>) target_semaphore(%arg43 : memref<!tpu.dma_semaphore, #tpu.memory_space<semaphore_mem>>)
      %slice3A_536 = vector.extract_strided_slice %get3A_330 {offsets = [5], sizes = [1], strides = [1]} : vector<16xi32> to vector<1xi32>
      %squeeze3A_537 = vector.extract %slice3A_536[0] : i32 from vector<1xi32>
      %shift_right_arithmetic3A_538 = arith.constant 7 : i32
      %shift_right_arithmetic3A_539 = arith.shrsi %squeeze3A_537, %shift_right_arithmetic3A_538 : i32
      %mul3A_540 = arith.constant 128 : i32
      %mul3A_541 = arith.muli %shift_right_arithmetic3A_539, %mul3A_540 : i32
      %multiple_of3A_542 = tpu.assume_multiple %mul3A_541, 128 : i32
      %dma_start3A_543 = arith.constant 0 : i32
      %dma_start3A_544 = tpu.memref_slice %arg5[%dma_start3A_543, %multiple_of3A_542] : memref<64x1000000xf32, #tpu.memory_space<hbm>> -> memref<64x128xf32, #tpu.memory_space<hbm>>
      %dma_start3A_545 = arith.constant 0 : i32
      %dma_start3A_546 = tpu.memref_slice %arg5[%dma_start3A_545, %multiple_of3A_542] : memref<64x1000000xf32, #tpu.memory_space<hbm>> -> memref<64x128xf32, #tpu.memory_space<hbm>>
      tpu.enqueue_dma source(%dma_start3A_546 : memref<64x128xf32, #tpu.memory_space<hbm>>) target(%arg21 : memref<64x128xf32, #tpu.memory_space<vmem>>) target_semaphore(%arg51 : memref<!tpu.dma_semaphore, #tpu.memory_space<semaphore_mem>>)
      %slice3A_547 = vector.extract_strided_slice %get3A_326 {offsets = [9], sizes = [1], strides = [1]} : vector<16xi32> to vector<1xi32>
      %squeeze3A_548 = vector.extract %slice3A_547[0] : i32 from vector<1xi32>
      %slice3A_549 = vector.extract_strided_slice %get3A_330 {offsets = [9], sizes = [1], strides = [1]} : vector<16xi32> to vector<1xi32>
      %squeeze3A_550 = vector.extract %slice3A_549[0] : i32 from vector<1xi32>
      %shift_right_arithmetic3A_551 = arith.constant 7 : i32
      %shift_right_arithmetic3A_552 = arith.shrsi %squeeze3A_548, %shift_right_arithmetic3A_551 : i32
      %mul3A_553 = arith.constant 128 : i32
      %mul3A_554 = arith.muli %shift_right_arithmetic3A_552, %mul3A_553 : i32
      %multiple_of3A_555 = tpu.assume_multiple %mul3A_554, 128 : i32
      %shift_right_arithmetic3A_556 = arith.constant 7 : i32
      %shift_right_arithmetic3A_557 = arith.shrsi %squeeze3A_550, %shift_right_arithmetic3A_556 : i32
      %mul3A_558 = arith.constant 128 : i32
      %mul3A_559 = arith.muli %shift_right_arithmetic3A_557, %mul3A_558 : i32
      %multiple_of3A_560 = tpu.assume_multiple %mul3A_559, 128 : i32
      %dma_start3A_561 = arith.constant 0 : i32
      %dma_start3A_562 = tpu.memref_slice %arg6[%dma_start3A_561, %multiple_of3A_555] : memref<1x1000000xf32, #tpu.memory_space<hbm>> -> memref<1x128xf32, #tpu.memory_space<hbm>>
      %dma_start3A_563 = arith.constant 0 : i32
      %dma_start3A_564 = tpu.memref_slice %arg6[%dma_start3A_563, %multiple_of3A_555] : memref<1x1000000xf32, #tpu.memory_space<hbm>> -> memref<1x128xf32, #tpu.memory_space<hbm>>
      tpu.enqueue_dma source(%dma_start3A_564 : memref<1x128xf32, #tpu.memory_space<hbm>>) target(%arg25 : memref<1x128xf32, #tpu.memory_space<vmem>>) target_semaphore(%arg55 : memref<!tpu.dma_semaphore, #tpu.memory_space<semaphore_mem>>)
      %dma_start3A_565 = arith.constant 0 : i32
      %dma_start3A_566 = tpu.memref_slice %arg7[%dma_start3A_565, %multiple_of3A_560] : memref<1x1000000xf32, #tpu.memory_space<hbm>> -> memref<1x128xf32, #tpu.memory_space<hbm>>
      %dma_start3A_567 = arith.constant 0 : i32
      %dma_start3A_568 = tpu.memref_slice %arg7[%dma_start3A_567, %multiple_of3A_560] : memref<1x1000000xf32, #tpu.memory_space<hbm>> -> memref<1x128xf32, #tpu.memory_space<hbm>>
      tpu.enqueue_dma source(%dma_start3A_568 : memref<1x128xf32, #tpu.memory_space<hbm>>) target(%arg33 : memref<1x128xf32, #tpu.memory_space<vmem>>) target_semaphore(%arg55 : memref<!tpu.dma_semaphore, #tpu.memory_space<semaphore_mem>>)
      %reduce_sum3A_569 = arith.constant true
      %reduce_sum3A_570 = vector.broadcast %reduce_sum3A_569 : i1 to vector<16xi1>
      %reduce_sum3A_571 = tpu.scan <sum>, %add3A_521 masked %reduce_sum3A_570 : vector<16xf32>, vector<16xi1> -> vector<16xf32>
      %reduce_sum3A_572 = vector.extract %reduce_sum3A_571[15] : f32 from vector<16xf32>
      %slice3A_573 = vector.extract_strided_slice %add3A_524 {offsets = [0], sizes = [1], strides = [1]} : vector<16xf32> to vector<1xf32>
      %squeeze3A_574 = vector.extract %slice3A_573[0] : f32 from vector<1xf32>
      %add3A_575 = arith.addf %reduce_sum3A_572, %squeeze3A_574 : f32
      %add3A_576 = arith.addf %add3A_575, %squeeze3A_312 : f32
      %eq3A_577 = arith.constant 1 : i32
      %eq3A_578 = vector.broadcast %eq3A_577 : i32 to vector<16xi32>
      %eq3A_579 = arith.cmpi eq, %iota3A, %eq3A_578 : vector<16xi32>
      %broadcast_in_dim3A_580 = vector.broadcast %add3A_576 : f32 to vector<16xf32>
      %select_n3A_581 = arith.select %eq3A_579, %broadcast_in_dim3A_580, %select_n3A : vector<16xi1>, vector<16xf32>
      %dma_wait3A_582 = arith.constant 0 : i32
      %dma_wait3A_583 = arith.constant 0 : i32
      %dma_wait3A_584 = tpu.memref_slice %arg4[%dma_wait3A_582, %dma_wait3A_583] : memref<64x1000000xf32, #tpu.memory_space<hbm>> -> memref<64x128xf32, #tpu.memory_space<hbm>>
      %dma_wait3A_585 = arith.constant 0 : i32
      %dma_wait3A_586 = arith.constant 0 : i32
      %dma_wait3A_587 = tpu.memref_slice %arg4[%dma_wait3A_585, %dma_wait3A_586] : memref<64x1000000xf32, #tpu.memory_space<hbm>> -> memref<64x128xf32, #tpu.memory_space<hbm>>
      tpu.wait_dma2 semaphore(%arg44 : memref<!tpu.dma_semaphore, #tpu.memory_space<semaphore_mem>>) src(%dma_wait3A_587 : memref<64x128xf32, #tpu.memory_space<hbm>>) dst(%arg14 : memref<64x128xf32, #tpu.memory_space<vmem>>)
      %dma_wait3A_588 = arith.constant 0 : i32
      %dma_wait3A_589 = arith.constant 0 : i32
      %dma_wait3A_590 = tpu.memref_slice %arg5[%dma_wait3A_588, %dma_wait3A_589] : memref<64x1000000xf32, #tpu.memory_space<hbm>> -> memref<64x128xf32, #tpu.memory_space<hbm>>
      %dma_wait3A_591 = arith.constant 0 : i32
      %dma_wait3A_592 = arith.constant 0 : i32
      %dma_wait3A_593 = tpu.memref_slice %arg5[%dma_wait3A_591, %dma_wait3A_592] : memref<64x1000000xf32, #tpu.memory_space<hbm>> -> memref<64x128xf32, #tpu.memory_space<hbm>>
      tpu.wait_dma2 semaphore(%arg52 : memref<!tpu.dma_semaphore, #tpu.memory_space<semaphore_mem>>) src(%dma_wait3A_593 : memref<64x128xf32, #tpu.memory_space<hbm>>) dst(%arg22 : memref<64x128xf32, #tpu.memory_space<vmem>>)
      %dma_wait3A_594 = arith.constant 0 : i32
      %dma_wait3A_595 = arith.constant 0 : i32
      %dma_wait3A_596 = tpu.memref_slice %arg6[%dma_wait3A_594, %dma_wait3A_595] : memref<1x1000000xf32, #tpu.memory_space<hbm>> -> memref<1x128xf32, #tpu.memory_space<hbm>>
      %dma_wait3A_597 = arith.constant 0 : i32
      %dma_wait3A_598 = arith.constant 0 : i32
      %dma_wait3A_599 = tpu.memref_slice %arg6[%dma_wait3A_597, %dma_wait3A_598] : memref<1x1000000xf32, #tpu.memory_space<hbm>> -> memref<1x128xf32, #tpu.memory_space<hbm>>
      tpu.wait_dma2 semaphore(%arg56 : memref<!tpu.dma_semaphore, #tpu.memory_space<semaphore_mem>>) src(%dma_wait3A_599 : memref<1x128xf32, #tpu.memory_space<hbm>>) dst(%arg26 : memref<1x128xf32, #tpu.memory_space<vmem>>)
      %dma_wait3A_600 = arith.constant 0 : i32
      %dma_wait3A_601 = arith.constant 0 : i32
      %dma_wait3A_602 = tpu.memref_slice %arg7[%dma_wait3A_600, %dma_wait3A_601] : memref<1x1000000xf32, #tpu.memory_space<hbm>> -> memref<1x128xf32, #tpu.memory_space<hbm>>
      %dma_wait3A_603 = arith.constant 0 : i32
      %dma_wait3A_604 = arith.constant 0 : i32
      %dma_wait3A_605 = tpu.memref_slice %arg7[%dma_wait3A_603, %dma_wait3A_604] : memref<1x1000000xf32, #tpu.memory_space<hbm>> -> memref<1x128xf32, #tpu.memory_space<hbm>>
      tpu.wait_dma2 semaphore(%arg56 : memref<!tpu.dma_semaphore, #tpu.memory_space<semaphore_mem>>) src(%dma_wait3A_605 : memref<1x128xf32, #tpu.memory_space<hbm>>) dst(%arg34 : memref<1x128xf32, #tpu.memory_space<vmem>>)
      %slice3A_606 = vector.extract_strided_slice %get3A_326 {offsets = [2], sizes = [1], strides = [1]} : vector<16xi32> to vector<1xi32>
      %squeeze3A_607 = vector.extract %slice3A_606[0] : i32 from vector<1xi32>
      %and3A_608 = arith.constant 127 : i32
      %and3A_609 = arith.andi %squeeze3A_607, %and3A_608 : i32
      %broadcast_in_dim3A_610 = vector.broadcast %and3A_609 : i32 to vector<16xi32>
      %slice3A_611 = vector.extract_strided_slice %get3A_330 {offsets = [2], sizes = [1], strides = [1]} : vector<16xi32> to vector<1xi32>
      %squeeze3A_612 = vector.extract %slice3A_611[0] : i32 from vector<1xi32>
      %and3A_613 = arith.constant 127 : i32
      %and3A_614 = arith.andi %squeeze3A_612, %and3A_613 : i32
      %broadcast_in_dim3A_615 = vector.broadcast %and3A_614 : i32 to vector<16xi32>
      %broadcast_in_dim3A_616 = arith.constant 0.000000e+00 : f32
      %broadcast_in_dim3A_617 = vector.broadcast %broadcast_in_dim3A_616 : f32 to vector<16xf32>
      %add3A_618 = arith.constant 0 : i32
      %add3A_619 = vector.broadcast %add3A_618 : i32 to vector<16xi32>
      %add3A_620 = arith.addi %add3A_619, %iota3A : vector<16xi32>
      %gather3A_621 = tpu.vector_load_idx %arg14[%add3A_620, %broadcast_in_dim3A_610] : memref<64x128xf32, #tpu.memory_space<vmem>>[vector<16xi32>, vector<16xi32>], vector<16xf32>,
      %gather3A_622 = tpu.vector_load_idx %arg22[%add3A_620, %broadcast_in_dim3A_615] : memref<64x128xf32, #tpu.memory_space<vmem>>[vector<16xi32>, vector<16xi32>], vector<16xf32>,
      %mul3A_623 = arith.mulf %gather3A_621, %gather3A_622 : vector<16xf32>
      %add3A_624 = arith.addf %broadcast_in_dim3A_617, %mul3A_623 : vector<16xf32>
      %add3A_625 = arith.constant 16 : i32
      %add3A_626 = vector.broadcast %add3A_625 : i32 to vector<16xi32>
      %add3A_627 = arith.addi %add3A_626, %iota3A : vector<16xi32>
      %gather3A_628 = tpu.vector_load_idx %arg14[%add3A_627, %broadcast_in_dim3A_610] : memref<64x128xf32, #tpu.memory_space<vmem>>[vector<16xi32>, vector<16xi32>], vector<16xf32>,
      %gather3A_629 = tpu.vector_load_idx %arg22[%add3A_627, %broadcast_in_dim3A_615] : memref<64x128xf32, #tpu.memory_space<vmem>>[vector<16xi32>, vector<16xi32>], vector<16xf32>,
      %mul3A_630 = arith.mulf %gather3A_628, %gather3A_629 : vector<16xf32>
      %add3A_631 = arith.addf %add3A_624, %mul3A_630 : vector<16xf32>
      %add3A_632 = arith.constant 32 : i32
      %add3A_633 = vector.broadcast %add3A_632 : i32 to vector<16xi32>
      %add3A_634 = arith.addi %add3A_633, %iota3A : vector<16xi32>
      %gather3A_635 = tpu.vector_load_idx %arg14[%add3A_634, %broadcast_in_dim3A_610] : memref<64x128xf32, #tpu.memory_space<vmem>>[vector<16xi32>, vector<16xi32>], vector<16xf32>,
      %gather3A_636 = tpu.vector_load_idx %arg22[%add3A_634, %broadcast_in_dim3A_615] : memref<64x128xf32, #tpu.memory_space<vmem>>[vector<16xi32>, vector<16xi32>], vector<16xf32>,
      %mul3A_637 = arith.mulf %gather3A_635, %gather3A_636 : vector<16xf32>
      %add3A_638 = arith.addf %add3A_631, %mul3A_637 : vector<16xf32>
      %add3A_639 = arith.constant 48 : i32
      %add3A_640 = vector.broadcast %add3A_639 : i32 to vector<16xi32>
      %add3A_641 = arith.addi %add3A_640, %iota3A : vector<16xi32>
      %gather3A_642 = tpu.vector_load_idx %arg14[%add3A_641, %broadcast_in_dim3A_610] : memref<64x128xf32, #tpu.memory_space<vmem>>[vector<16xi32>, vector<16xi32>], vector<16xf32>,
      %gather3A_643 = tpu.vector_load_idx %arg22[%add3A_641, %broadcast_in_dim3A_615] : memref<64x128xf32, #tpu.memory_space<vmem>>[vector<16xi32>, vector<16xi32>], vector<16xf32>,
      %mul3A_644 = arith.mulf %gather3A_642, %gather3A_643 : vector<16xf32>
      %add3A_645 = arith.addf %add3A_638, %mul3A_644 : vector<16xf32>
      %gather3A_646 = tpu.vector_load_idx %arg26[%broadcast_in_dim3A_313, %broadcast_in_dim3A_610] : memref<1x128xf32, #tpu.memory_space<vmem>>[vector<16xi32>, vector<16xi32>], vector<16xf32>,
      %gather3A_647 = tpu.vector_load_idx %arg34[%broadcast_in_dim3A_313, %broadcast_in_dim3A_615] : memref<1x128xf32, #tpu.memory_space<vmem>>[vector<16xi32>, vector<16xi32>], vector<16xf32>,
      %add3A_648 = arith.addf %gather3A_646, %gather3A_647 : vector<16xf32>
      %slice3A_649 = vector.extract_strided_slice %get3A_326 {offsets = [10], sizes = [1], strides = [1]} : vector<16xi32> to vector<1xi32>
      %squeeze3A_650 = vector.extract %slice3A_649[0] : i32 from vector<1xi32>
      %shift_right_arithmetic3A_651 = arith.constant 7 : i32
      %shift_right_arithmetic3A_652 = arith.shrsi %squeeze3A_650, %shift_right_arithmetic3A_651 : i32
      %mul3A_653 = arith.constant 128 : i32
      %mul3A_654 = arith.muli %shift_right_arithmetic3A_652, %mul3A_653 : i32
      %multiple_of3A_655 = tpu.assume_multiple %mul3A_654, 128 : i32
      %dma_start3A_656 = arith.constant 0 : i32
      %dma_start3A_657 = tpu.memref_slice %arg4[%dma_start3A_656, %multiple_of3A_655] : memref<64x1000000xf32, #tpu.memory_space<hbm>> -> memref<64x128xf32, #tpu.memory_space<hbm>>
      %dma_start3A_658 = arith.constant 0 : i32
      %dma_start3A_659 = tpu.memref_slice %arg4[%dma_start3A_658, %multiple_of3A_655] : memref<64x1000000xf32, #tpu.memory_space<hbm>> -> memref<64x128xf32, #tpu.memory_space<hbm>>
      tpu.enqueue_dma source(%dma_start3A_659 : memref<64x128xf32, #tpu.memory_space<hbm>>) target(%arg14 : memref<64x128xf32, #tpu.memory_space<vmem>>) target_semaphore(%arg44 : memref<!tpu.dma_semaphore, #tpu.memory_space<semaphore_mem>>)
      %slice3A_660 = vector.extract_strided_slice %get3A_330 {offsets = [6], sizes = [1], strides = [1]} : vector<16xi32> to vector<1xi32>
      %squeeze3A_661 = vector.extract %slice3A_660[0] : i32 from vector<1xi32>
      %shift_right_arithmetic3A_662 = arith.constant 7 : i32
      %shift_right_arithmetic3A_663 = arith.shrsi %squeeze3A_661, %shift_right_arithmetic3A_662 : i32
      %mul3A_664 = arith.constant 128 : i32
      %mul3A_665 = arith.muli %shift_right_arithmetic3A_663, %mul3A_664 : i32
      %multiple_of3A_666 = tpu.assume_multiple %mul3A_665, 128 : i32
      %dma_start3A_667 = arith.constant 0 : i32
      %dma_start3A_668 = tpu.memref_slice %arg5[%dma_start3A_667, %multiple_of3A_666] : memref<64x1000000xf32, #tpu.memory_space<hbm>> -> memref<64x128xf32, #tpu.memory_space<hbm>>
      %dma_start3A_669 = arith.constant 0 : i32
      %dma_start3A_670 = tpu.memref_slice %arg5[%dma_start3A_669, %multiple_of3A_666] : memref<64x1000000xf32, #tpu.memory_space<hbm>> -> memref<64x128xf32, #tpu.memory_space<hbm>>
      tpu.enqueue_dma source(%dma_start3A_670 : memref<64x128xf32, #tpu.memory_space<hbm>>) target(%arg22 : memref<64x128xf32, #tpu.memory_space<vmem>>) target_semaphore(%arg52 : memref<!tpu.dma_semaphore, #tpu.memory_space<semaphore_mem>>)
      %slice3A_671 = vector.extract_strided_slice %get3A_326 {offsets = [10], sizes = [1], strides = [1]} : vector<16xi32> to vector<1xi32>
      %squeeze3A_672 = vector.extract %slice3A_671[0] : i32 from vector<1xi32>
      %slice3A_673 = vector.extract_strided_slice %get3A_330 {offsets = [10], sizes = [1], strides = [1]} : vector<16xi32> to vector<1xi32>
      %squeeze3A_674 = vector.extract %slice3A_673[0] : i32 from vector<1xi32>
      %shift_right_arithmetic3A_675 = arith.constant 7 : i32
      %shift_right_arithmetic3A_676 = arith.shrsi %squeeze3A_672, %shift_right_arithmetic3A_675 : i32
      %mul3A_677 = arith.constant 128 : i32
      %mul3A_678 = arith.muli %shift_right_arithmetic3A_676, %mul3A_677 : i32
      %multiple_of3A_679 = tpu.assume_multiple %mul3A_678, 128 : i32
      %shift_right_arithmetic3A_680 = arith.constant 7 : i32
      %shift_right_arithmetic3A_681 = arith.shrsi %squeeze3A_674, %shift_right_arithmetic3A_680 : i32
      %mul3A_682 = arith.constant 128 : i32
      %mul3A_683 = arith.muli %shift_right_arithmetic3A_681, %mul3A_682 : i32
      %multiple_of3A_684 = tpu.assume_multiple %mul3A_683, 128 : i32
      %dma_start3A_685 = arith.constant 0 : i32
      %dma_start3A_686 = tpu.memref_slice %arg6[%dma_start3A_685, %multiple_of3A_679] : memref<1x1000000xf32, #tpu.memory_space<hbm>> -> memref<1x128xf32, #tpu.memory_space<hbm>>
      %dma_start3A_687 = arith.constant 0 : i32
      %dma_start3A_688 = tpu.memref_slice %arg6[%dma_start3A_687, %multiple_of3A_679] : memref<1x1000000xf32, #tpu.memory_space<hbm>> -> memref<1x128xf32, #tpu.memory_space<hbm>>
      tpu.enqueue_dma source(%dma_start3A_688 : memref<1x128xf32, #tpu.memory_space<hbm>>) target(%arg26 : memref<1x128xf32, #tpu.memory_space<vmem>>) target_semaphore(%arg56 : memref<!tpu.dma_semaphore, #tpu.memory_space<semaphore_mem>>)
      %dma_start3A_689 = arith.constant 0 : i32
      %dma_start3A_690 = tpu.memref_slice %arg7[%dma_start3A_689, %multiple_of3A_684] : memref<1x1000000xf32, #tpu.memory_space<hbm>> -> memref<1x128xf32, #tpu.memory_space<hbm>>
      %dma_start3A_691 = arith.constant 0 : i32
      %dma_start3A_692 = tpu.memref_slice %arg7[%dma_start3A_691, %multiple_of3A_684] : memref<1x1000000xf32, #tpu.memory_space<hbm>> -> memref<1x128xf32, #tpu.memory_space<hbm>>
      tpu.enqueue_dma source(%dma_start3A_692 : memref<1x128xf32, #tpu.memory_space<hbm>>) target(%arg34 : memref<1x128xf32, #tpu.memory_space<vmem>>) target_semaphore(%arg56 : memref<!tpu.dma_semaphore, #tpu.memory_space<semaphore_mem>>)
      %reduce_sum3A_693 = arith.constant true
      %reduce_sum3A_694 = vector.broadcast %reduce_sum3A_693 : i1 to vector<16xi1>
      %reduce_sum3A_695 = tpu.scan <sum>, %add3A_645 masked %reduce_sum3A_694 : vector<16xf32>, vector<16xi1> -> vector<16xf32>
      %reduce_sum3A_696 = vector.extract %reduce_sum3A_695[15] : f32 from vector<16xf32>
      %slice3A_697 = vector.extract_strided_slice %add3A_648 {offsets = [0], sizes = [1], strides = [1]} : vector<16xf32> to vector<1xf32>
      %squeeze3A_698 = vector.extract %slice3A_697[0] : f32 from vector<1xf32>
      %add3A_699 = arith.addf %reduce_sum3A_696, %squeeze3A_698 : f32
      %add3A_700 = arith.addf %add3A_699, %squeeze3A_312 : f32
      %eq3A_701 = arith.constant 2 : i32
      %eq3A_702 = vector.broadcast %eq3A_701 : i32 to vector<16xi32>
      %eq3A_703 = arith.cmpi eq, %iota3A, %eq3A_702 : vector<16xi32>
      %broadcast_in_dim3A_704 = vector.broadcast %add3A_700 : f32 to vector<16xf32>
      %select_n3A_705 = arith.select %eq3A_703, %broadcast_in_dim3A_704, %select_n3A_581 : vector<16xi1>, vector<16xf32>
      %dma_wait3A_706 = arith.constant 0 : i32
      %dma_wait3A_707 = arith.constant 0 : i32
      %dma_wait3A_708 = tpu.memref_slice %arg4[%dma_wait3A_706, %dma_wait3A_707] : memref<64x1000000xf32, #tpu.memory_space<hbm>> -> memref<64x128xf32, #tpu.memory_space<hbm>>
      %dma_wait3A_709 = arith.constant 0 : i32
      %dma_wait3A_710 = arith.constant 0 : i32
      %dma_wait3A_711 = tpu.memref_slice %arg4[%dma_wait3A_709, %dma_wait3A_710] : memref<64x1000000xf32, #tpu.memory_space<hbm>> -> memref<64x128xf32, #tpu.memory_space<hbm>>
      tpu.wait_dma2 semaphore(%arg45 : memref<!tpu.dma_semaphore, #tpu.memory_space<semaphore_mem>>) src(%dma_wait3A_711 : memref<64x128xf32, #tpu.memory_space<hbm>>) dst(%arg15 : memref<64x128xf32, #tpu.memory_space<vmem>>)
      %dma_wait3A_712 = arith.constant 0 : i32
      %dma_wait3A_713 = arith.constant 0 : i32
      %dma_wait3A_714 = tpu.memref_slice %arg5[%dma_wait3A_712, %dma_wait3A_713] : memref<64x1000000xf32, #tpu.memory_space<hbm>> -> memref<64x128xf32, #tpu.memory_space<hbm>>
      %dma_wait3A_715 = arith.constant 0 : i32
      %dma_wait3A_716 = arith.constant 0 : i32
      %dma_wait3A_717 = tpu.memref_slice %arg5[%dma_wait3A_715, %dma_wait3A_716] : memref<64x1000000xf32, #tpu.memory_space<hbm>> -> memref<64x128xf32, #tpu.memory_space<hbm>>
      tpu.wait_dma2 semaphore(%arg53 : memref<!tpu.dma_semaphore, #tpu.memory_space<semaphore_mem>>) src(%dma_wait3A_717 : memref<64x128xf32, #tpu.memory_space<hbm>>) dst(%arg23 : memref<64x128xf32, #tpu.memory_space<vmem>>)
      %dma_wait3A_718 = arith.constant 0 : i32
      %dma_wait3A_719 = arith.constant 0 : i32
      %dma_wait3A_720 = tpu.memref_slice %arg6[%dma_wait3A_718, %dma_wait3A_719] : memref<1x1000000xf32, #tpu.memory_space<hbm>> -> memref<1x128xf32, #tpu.memory_space<hbm>>
      %dma_wait3A_721 = arith.constant 0 : i32
      %dma_wait3A_722 = arith.constant 0 : i32
      %dma_wait3A_723 = tpu.memref_slice %arg6[%dma_wait3A_721, %dma_wait3A_722] : memref<1x1000000xf32, #tpu.memory_space<hbm>> -> memref<1x128xf32, #tpu.memory_space<hbm>>
      tpu.wait_dma2 semaphore(%arg57 : memref<!tpu.dma_semaphore, #tpu.memory_space<semaphore_mem>>) src(%dma_wait3A_723 : memref<1x128xf32, #tpu.memory_space<hbm>>) dst(%arg27 : memref<1x128xf32, #tpu.memory_space<vmem>>)
      %dma_wait3A_724 = arith.constant 0 : i32
      %dma_wait3A_725 = arith.constant 0 : i32
      %dma_wait3A_726 = tpu.memref_slice %arg7[%dma_wait3A_724, %dma_wait3A_725] : memref<1x1000000xf32, #tpu.memory_space<hbm>> -> memref<1x128xf32, #tpu.memory_space<hbm>>
      %dma_wait3A_727 = arith.constant 0 : i32
      %dma_wait3A_728 = arith.constant 0 : i32
      %dma_wait3A_729 = tpu.memref_slice %arg7[%dma_wait3A_727, %dma_wait3A_728] : memref<1x1000000xf32, #tpu.memory_space<hbm>> -> memref<1x128xf32, #tpu.memory_space<hbm>>
      tpu.wait_dma2 semaphore(%arg57 : memref<!tpu.dma_semaphore, #tpu.memory_space<semaphore_mem>>) src(%dma_wait3A_729 : memref<1x128xf32, #tpu.memory_space<hbm>>) dst(%arg35 : memref<1x128xf32, #tpu.memory_space<vmem>>)
      %slice3A_730 = vector.extract_strided_slice %get3A_326 {offsets = [3], sizes = [1], strides = [1]} : vector<16xi32> to vector<1xi32>
      %squeeze3A_731 = vector.extract %slice3A_730[0] : i32 from vector<1xi32>
      %and3A_732 = arith.constant 127 : i32
      %and3A_733 = arith.andi %squeeze3A_731, %and3A_732 : i32
      %broadcast_in_dim3A_734 = vector.broadcast %and3A_733 : i32 to vector<16xi32>
      %slice3A_735 = vector.extract_strided_slice %get3A_330 {offsets = [3], sizes = [1], strides = [1]} : vector<16xi32> to vector<1xi32>
      %squeeze3A_736 = vector.extract %slice3A_735[0] : i32 from vector<1xi32>
      %and3A_737 = arith.constant 127 : i32
      %and3A_738 = arith.andi %squeeze3A_736, %and3A_737 : i32
      %broadcast_in_dim3A_739 = vector.broadcast %and3A_738 : i32 to vector<16xi32>
      %broadcast_in_dim3A_740 = arith.constant 0.000000e+00 : f32
      %broadcast_in_dim3A_741 = vector.broadcast %broadcast_in_dim3A_740 : f32 to vector<16xf32>
      %add3A_742 = arith.constant 0 : i32
      %add3A_743 = vector.broadcast %add3A_742 : i32 to vector<16xi32>
      %add3A_744 = arith.addi %add3A_743, %iota3A : vector<16xi32>
      %gather3A_745 = tpu.vector_load_idx %arg15[%add3A_744, %broadcast_in_dim3A_734] : memref<64x128xf32, #tpu.memory_space<vmem>>[vector<16xi32>, vector<16xi32>], vector<16xf32>,
      %gather3A_746 = tpu.vector_load_idx %arg23[%add3A_744, %broadcast_in_dim3A_739] : memref<64x128xf32, #tpu.memory_space<vmem>>[vector<16xi32>, vector<16xi32>], vector<16xf32>,
      %mul3A_747 = arith.mulf %gather3A_745, %gather3A_746 : vector<16xf32>
      %add3A_748 = arith.addf %broadcast_in_dim3A_741, %mul3A_747 : vector<16xf32>
      %add3A_749 = arith.constant 16 : i32
      %add3A_750 = vector.broadcast %add3A_749 : i32 to vector<16xi32>
      %add3A_751 = arith.addi %add3A_750, %iota3A : vector<16xi32>
      %gather3A_752 = tpu.vector_load_idx %arg15[%add3A_751, %broadcast_in_dim3A_734] : memref<64x128xf32, #tpu.memory_space<vmem>>[vector<16xi32>, vector<16xi32>], vector<16xf32>,
      %gather3A_753 = tpu.vector_load_idx %arg23[%add3A_751, %broadcast_in_dim3A_739] : memref<64x128xf32, #tpu.memory_space<vmem>>[vector<16xi32>, vector<16xi32>], vector<16xf32>,
      %mul3A_754 = arith.mulf %gather3A_752, %gather3A_753 : vector<16xf32>
      %add3A_755 = arith.addf %add3A_748, %mul3A_754 : vector<16xf32>
      %add3A_756 = arith.constant 32 : i32
      %add3A_757 = vector.broadcast %add3A_756 : i32 to vector<16xi32>
      %add3A_758 = arith.addi %add3A_757, %iota3A : vector<16xi32>
      %gather3A_759 = tpu.vector_load_idx %arg15[%add3A_758, %broadcast_in_dim3A_734] : memref<64x128xf32, #tpu.memory_space<vmem>>[vector<16xi32>, vector<16xi32>], vector<16xf32>,
      %gather3A_760 = tpu.vector_load_idx %arg23[%add3A_758, %broadcast_in_dim3A_739] : memref<64x128xf32, #tpu.memory_space<vmem>>[vector<16xi32>, vector<16xi32>], vector<16xf32>,
      %mul3A_761 = arith.mulf %gather3A_759, %gather3A_760 : vector<16xf32>
      %add3A_762 = arith.addf %add3A_755, %mul3A_761 : vector<16xf32>
      %add3A_763 = arith.constant 48 : i32
      %add3A_764 = vector.broadcast %add3A_763 : i32 to vector<16xi32>
      %add3A_765 = arith.addi %add3A_764, %iota3A : vector<16xi32>
      %gather3A_766 = tpu.vector_load_idx %arg15[%add3A_765, %broadcast_in_dim3A_734] : memref<64x128xf32, #tpu.memory_space<vmem>>[vector<16xi32>, vector<16xi32>], vector<16xf32>,
      %gather3A_767 = tpu.vector_load_idx %arg23[%add3A_765, %broadcast_in_dim3A_739] : memref<64x128xf32, #tpu.memory_space<vmem>>[vector<16xi32>, vector<16xi32>], vector<16xf32>,
      %mul3A_768 = arith.mulf %gather3A_766, %gather3A_767 : vector<16xf32>
      %add3A_769 = arith.addf %add3A_762, %mul3A_768 : vector<16xf32>
      %gather3A_770 = tpu.vector_load_idx %arg27[%broadcast_in_dim3A_313, %broadcast_in_dim3A_734] : memref<1x128xf32, #tpu.memory_space<vmem>>[vector<16xi32>, vector<16xi32>], vector<16xf32>,
      %gather3A_771 = tpu.vector_load_idx %arg35[%broadcast_in_dim3A_313, %broadcast_in_dim3A_739] : memref<1x128xf32, #tpu.memory_space<vmem>>[vector<16xi32>, vector<16xi32>], vector<16xf32>,
      %add3A_772 = arith.addf %gather3A_770, %gather3A_771 : vector<16xf32>
      %slice3A_773 = vector.extract_strided_slice %get3A_326 {offsets = [11], sizes = [1], strides = [1]} : vector<16xi32> to vector<1xi32>
      %squeeze3A_774 = vector.extract %slice3A_773[0] : i32 from vector<1xi32>
      %shift_right_arithmetic3A_775 = arith.constant 7 : i32
      %shift_right_arithmetic3A_776 = arith.shrsi %squeeze3A_774, %shift_right_arithmetic3A_775 : i32
      %mul3A_777 = arith.constant 128 : i32
      %mul3A_778 = arith.muli %shift_right_arithmetic3A_776, %mul3A_777 : i32
      %multiple_of3A_779 = tpu.assume_multiple %mul3A_778, 128 : i32
      %dma_start3A_780 = arith.constant 0 : i32
      %dma_start3A_781 = tpu.memref_slice %arg4[%dma_start3A_780, %multiple_of3A_779] : memref<64x1000000xf32, #tpu.memory_space<hbm>> -> memref<64x128xf32, #tpu.memory_space<hbm>>
      %dma_start3A_782 = arith.constant 0 : i32
      %dma_start3A_783 = tpu.memref_slice %arg4[%dma_start3A_782, %multiple_of3A_779] : memref<64x1000000xf32, #tpu.memory_space<hbm>> -> memref<64x128xf32, #tpu.memory_space<hbm>>
      tpu.enqueue_dma source(%dma_start3A_783 : memref<64x128xf32, #tpu.memory_space<hbm>>) target(%arg15 : memref<64x128xf32, #tpu.memory_space<vmem>>) target_semaphore(%arg45 : memref<!tpu.dma_semaphore, #tpu.memory_space<semaphore_mem>>)
      %slice3A_784 = vector.extract_strided_slice %get3A_330 {offsets = [7], sizes = [1], strides = [1]} : vector<16xi32> to vector<1xi32>
      %squeeze3A_785 = vector.extract %slice3A_784[0] : i32 from vector<1xi32>
      %shift_right_arithmetic3A_786 = arith.constant 7 : i32
      %shift_right_arithmetic3A_787 = arith.shrsi %squeeze3A_785, %shift_right_arithmetic3A_786 : i32
      %mul3A_788 = arith.constant 128 : i32
      %mul3A_789 = arith.muli %shift_right_arithmetic3A_787, %mul3A_788 : i32
      %multiple_of3A_790 = tpu.assume_multiple %mul3A_789, 128 : i32
      %dma_start3A_791 = arith.constant 0 : i32
      %dma_start3A_792 = tpu.memref_slice %arg5[%dma_start3A_791, %multiple_of3A_790] : memref<64x1000000xf32, #tpu.memory_space<hbm>> -> memref<64x128xf32, #tpu.memory_space<hbm>>
      %dma_start3A_793 = arith.constant 0 : i32
      %dma_start3A_794 = tpu.memref_slice %arg5[%dma_start3A_793, %multiple_of3A_790] : memref<64x1000000xf32, #tpu.memory_space<hbm>> -> memref<64x128xf32, #tpu.memory_space<hbm>>
      tpu.enqueue_dma source(%dma_start3A_794 : memref<64x128xf32, #tpu.memory_space<hbm>>) target(%arg23 : memref<64x128xf32, #tpu.memory_space<vmem>>) target_semaphore(%arg53 : memref<!tpu.dma_semaphore, #tpu.memory_space<semaphore_mem>>)
      %slice3A_795 = vector.extract_strided_slice %get3A_326 {offsets = [11], sizes = [1], strides = [1]} : vector<16xi32> to vector<1xi32>
      %squeeze3A_796 = vector.extract %slice3A_795[0] : i32 from vector<1xi32>
      %slice3A_797 = vector.extract_strided_slice %get3A_330 {offsets = [11], sizes = [1], strides = [1]} : vector<16xi32> to vector<1xi32>
      %squeeze3A_798 = vector.extract %slice3A_797[0] : i32 from vector<1xi32>
      %shift_right_arithmetic3A_799 = arith.constant 7 : i32
      %shift_right_arithmetic3A_800 = arith.shrsi %squeeze3A_796, %shift_right_arithmetic3A_799 : i32
      %mul3A_801 = arith.constant 128 : i32
      %mul3A_802 = arith.muli %shift_right_arithmetic3A_800, %mul3A_801 : i32
      %multiple_of3A_803 = tpu.assume_multiple %mul3A_802, 128 : i32
      %shift_right_arithmetic3A_804 = arith.constant 7 : i32
      %shift_right_arithmetic3A_805 = arith.shrsi %squeeze3A_798, %shift_right_arithmetic3A_804 : i32
      %mul3A_806 = arith.constant 128 : i32
      %mul3A_807 = arith.muli %shift_right_arithmetic3A_805, %mul3A_806 : i32
      %multiple_of3A_808 = tpu.assume_multiple %mul3A_807, 128 : i32
      %dma_start3A_809 = arith.constant 0 : i32
      %dma_start3A_810 = tpu.memref_slice %arg6[%dma_start3A_809, %multiple_of3A_803] : memref<1x1000000xf32, #tpu.memory_space<hbm>> -> memref<1x128xf32, #tpu.memory_space<hbm>>
      %dma_start3A_811 = arith.constant 0 : i32
      %dma_start3A_812 = tpu.memref_slice %arg6[%dma_start3A_811, %multiple_of3A_803] : memref<1x1000000xf32, #tpu.memory_space<hbm>> -> memref<1x128xf32, #tpu.memory_space<hbm>>
      tpu.enqueue_dma source(%dma_start3A_812 : memref<1x128xf32, #tpu.memory_space<hbm>>) target(%arg27 : memref<1x128xf32, #tpu.memory_space<vmem>>) target_semaphore(%arg57 : memref<!tpu.dma_semaphore, #tpu.memory_space<semaphore_mem>>)
      %dma_start3A_813 = arith.constant 0 : i32
      %dma_start3A_814 = tpu.memref_slice %arg7[%dma_start3A_813, %multiple_of3A_808] : memref<1x1000000xf32, #tpu.memory_space<hbm>> -> memref<1x128xf32, #tpu.memory_space<hbm>>
      %dma_start3A_815 = arith.constant 0 : i32
      %dma_start3A_816 = tpu.memref_slice %arg7[%dma_start3A_815, %multiple_of3A_808] : memref<1x1000000xf32, #tpu.memory_space<hbm>> -> memref<1x128xf32, #tpu.memory_space<hbm>>
      tpu.enqueue_dma source(%dma_start3A_816 : memref<1x128xf32, #tpu.memory_space<hbm>>) target(%arg35 : memref<1x128xf32, #tpu.memory_space<vmem>>) target_semaphore(%arg57 : memref<!tpu.dma_semaphore, #tpu.memory_space<semaphore_mem>>)
      %reduce_sum3A_817 = arith.constant true
      %reduce_sum3A_818 = vector.broadcast %reduce_sum3A_817 : i1 to vector<16xi1>
      %reduce_sum3A_819 = tpu.scan <sum>, %add3A_769 masked %reduce_sum3A_818 : vector<16xf32>, vector<16xi1> -> vector<16xf32>
      %reduce_sum3A_820 = vector.extract %reduce_sum3A_819[15] : f32 from vector<16xf32>
      %slice3A_821 = vector.extract_strided_slice %add3A_772 {offsets = [0], sizes = [1], strides = [1]} : vector<16xf32> to vector<1xf32>
      %squeeze3A_822 = vector.extract %slice3A_821[0] : f32 from vector<1xf32>
      %add3A_823 = arith.addf %reduce_sum3A_820, %squeeze3A_822 : f32
      %add3A_824 = arith.addf %add3A_823, %squeeze3A_312 : f32
      %eq3A_825 = arith.constant 3 : i32
      %eq3A_826 = vector.broadcast %eq3A_825 : i32 to vector<16xi32>
      %eq3A_827 = arith.cmpi eq, %iota3A, %eq3A_826 : vector<16xi32>
      %broadcast_in_dim3A_828 = vector.broadcast %add3A_824 : f32 to vector<16xf32>
      %select_n3A_829 = arith.select %eq3A_827, %broadcast_in_dim3A_828, %select_n3A_705 : vector<16xi1>, vector<16xf32>
      %dma_wait3A_830 = arith.constant 0 : i32
      %dma_wait3A_831 = arith.constant 0 : i32
      %dma_wait3A_832 = tpu.memref_slice %arg4[%dma_wait3A_830, %dma_wait3A_831] : memref<64x1000000xf32, #tpu.memory_space<hbm>> -> memref<64x128xf32, #tpu.memory_space<hbm>>
      %dma_wait3A_833 = arith.constant 0 : i32
      %dma_wait3A_834 = arith.constant 0 : i32
      %dma_wait3A_835 = tpu.memref_slice %arg4[%dma_wait3A_833, %dma_wait3A_834] : memref<64x1000000xf32, #tpu.memory_space<hbm>> -> memref<64x128xf32, #tpu.memory_space<hbm>>
      tpu.wait_dma2 semaphore(%arg46 : memref<!tpu.dma_semaphore, #tpu.memory_space<semaphore_mem>>) src(%dma_wait3A_835 : memref<64x128xf32, #tpu.memory_space<hbm>>) dst(%arg16 : memref<64x128xf32, #tpu.memory_space<vmem>>)
      %dma_wait3A_836 = arith.constant 0 : i32
      %dma_wait3A_837 = arith.constant 0 : i32
      %dma_wait3A_838 = tpu.memref_slice %arg5[%dma_wait3A_836, %dma_wait3A_837] : memref<64x1000000xf32, #tpu.memory_space<hbm>> -> memref<64x128xf32, #tpu.memory_space<hbm>>
      %dma_wait3A_839 = arith.constant 0 : i32
      %dma_wait3A_840 = arith.constant 0 : i32
      %dma_wait3A_841 = tpu.memref_slice %arg5[%dma_wait3A_839, %dma_wait3A_840] : memref<64x1000000xf32, #tpu.memory_space<hbm>> -> memref<64x128xf32, #tpu.memory_space<hbm>>
      tpu.wait_dma2 semaphore(%arg50 : memref<!tpu.dma_semaphore, #tpu.memory_space<semaphore_mem>>) src(%dma_wait3A_841 : memref<64x128xf32, #tpu.memory_space<hbm>>) dst(%arg20 : memref<64x128xf32, #tpu.memory_space<vmem>>)
      %dma_wait3A_842 = arith.constant 0 : i32
      %dma_wait3A_843 = arith.constant 0 : i32
      %dma_wait3A_844 = tpu.memref_slice %arg6[%dma_wait3A_842, %dma_wait3A_843] : memref<1x1000000xf32, #tpu.memory_space<hbm>> -> memref<1x128xf32, #tpu.memory_space<hbm>>
      %dma_wait3A_845 = arith.constant 0 : i32
      %dma_wait3A_846 = arith.constant 0 : i32
      %dma_wait3A_847 = tpu.memref_slice %arg6[%dma_wait3A_845, %dma_wait3A_846] : memref<1x1000000xf32, #tpu.memory_space<hbm>> -> memref<1x128xf32, #tpu.memory_space<hbm>>
      tpu.wait_dma2 semaphore(%arg58 : memref<!tpu.dma_semaphore, #tpu.memory_space<semaphore_mem>>) src(%dma_wait3A_847 : memref<1x128xf32, #tpu.memory_space<hbm>>) dst(%arg28 : memref<1x128xf32, #tpu.memory_space<vmem>>)
      %dma_wait3A_848 = arith.constant 0 : i32
      %dma_wait3A_849 = arith.constant 0 : i32
      %dma_wait3A_850 = tpu.memref_slice %arg7[%dma_wait3A_848, %dma_wait3A_849] : memref<1x1000000xf32, #tpu.memory_space<hbm>> -> memref<1x128xf32, #tpu.memory_space<hbm>>
      %dma_wait3A_851 = arith.constant 0 : i32
      %dma_wait3A_852 = arith.constant 0 : i32
      %dma_wait3A_853 = tpu.memref_slice %arg7[%dma_wait3A_851, %dma_wait3A_852] : memref<1x1000000xf32, #tpu.memory_space<hbm>> -> memref<1x128xf32, #tpu.memory_space<hbm>>
      tpu.wait_dma2 semaphore(%arg58 : memref<!tpu.dma_semaphore, #tpu.memory_space<semaphore_mem>>) src(%dma_wait3A_853 : memref<1x128xf32, #tpu.memory_space<hbm>>) dst(%arg36 : memref<1x128xf32, #tpu.memory_space<vmem>>)
      %slice3A_854 = vector.extract_strided_slice %get3A_326 {offsets = [4], sizes = [1], strides = [1]} : vector<16xi32> to vector<1xi32>
      %squeeze3A_855 = vector.extract %slice3A_854[0] : i32 from vector<1xi32>
      %and3A_856 = arith.constant 127 : i32
      %and3A_857 = arith.andi %squeeze3A_855, %and3A_856 : i32
      %broadcast_in_dim3A_858 = vector.broadcast %and3A_857 : i32 to vector<16xi32>
      %slice3A_859 = vector.extract_strided_slice %get3A_330 {offsets = [4], sizes = [1], strides = [1]} : vector<16xi32> to vector<1xi32>
      %squeeze3A_860 = vector.extract %slice3A_859[0] : i32 from vector<1xi32>
      %and3A_861 = arith.constant 127 : i32
      %and3A_862 = arith.andi %squeeze3A_860, %and3A_861 : i32
      %broadcast_in_dim3A_863 = vector.broadcast %and3A_862 : i32 to vector<16xi32>
      %broadcast_in_dim3A_864 = arith.constant 0.000000e+00 : f32
      %broadcast_in_dim3A_865 = vector.broadcast %broadcast_in_dim3A_864 : f32 to vector<16xf32>
      %add3A_866 = arith.constant 0 : i32
      %add3A_867 = vector.broadcast %add3A_866 : i32 to vector<16xi32>
      %add3A_868 = arith.addi %add3A_867, %iota3A : vector<16xi32>
      %gather3A_869 = tpu.vector_load_idx %arg16[%add3A_868, %broadcast_in_dim3A_858] : memref<64x128xf32, #tpu.memory_space<vmem>>[vector<16xi32>, vector<16xi32>], vector<16xf32>,
      %gather3A_870 = tpu.vector_load_idx %arg20[%add3A_868, %broadcast_in_dim3A_863] : memref<64x128xf32, #tpu.memory_space<vmem>>[vector<16xi32>, vector<16xi32>], vector<16xf32>,
      %mul3A_871 = arith.mulf %gather3A_869, %gather3A_870 : vector<16xf32>
      %add3A_872 = arith.addf %broadcast_in_dim3A_865, %mul3A_871 : vector<16xf32>
      %add3A_873 = arith.constant 16 : i32
      %add3A_874 = vector.broadcast %add3A_873 : i32 to vector<16xi32>
      %add3A_875 = arith.addi %add3A_874, %iota3A : vector<16xi32>
      %gather3A_876 = tpu.vector_load_idx %arg16[%add3A_875, %broadcast_in_dim3A_858] : memref<64x128xf32, #tpu.memory_space<vmem>>[vector<16xi32>, vector<16xi32>], vector<16xf32>,
      %gather3A_877 = tpu.vector_load_idx %arg20[%add3A_875, %broadcast_in_dim3A_863] : memref<64x128xf32, #tpu.memory_space<vmem>>[vector<16xi32>, vector<16xi32>], vector<16xf32>,
      %mul3A_878 = arith.mulf %gather3A_876, %gather3A_877 : vector<16xf32>
      %add3A_879 = arith.addf %add3A_872, %mul3A_878 : vector<16xf32>
      %add3A_880 = arith.constant 32 : i32
      %add3A_881 = vector.broadcast %add3A_880 : i32 to vector<16xi32>
      %add3A_882 = arith.addi %add3A_881, %iota3A : vector<16xi32>
      %gather3A_883 = tpu.vector_load_idx %arg16[%add3A_882, %broadcast_in_dim3A_858] : memref<64x128xf32, #tpu.memory_space<vmem>>[vector<16xi32>, vector<16xi32>], vector<16xf32>,
      %gather3A_884 = tpu.vector_load_idx %arg20[%add3A_882, %broadcast_in_dim3A_863] : memref<64x128xf32, #tpu.memory_space<vmem>>[vector<16xi32>, vector<16xi32>], vector<16xf32>,
      %mul3A_885 = arith.mulf %gather3A_883, %gather3A_884 : vector<16xf32>
      %add3A_886 = arith.addf %add3A_879, %mul3A_885 : vector<16xf32>
      %add3A_887 = arith.constant 48 : i32
      %add3A_888 = vector.broadcast %add3A_887 : i32 to vector<16xi32>
      %add3A_889 = arith.addi %add3A_888, %iota3A : vector<16xi32>
      %gather3A_890 = tpu.vector_load_idx %arg16[%add3A_889, %broadcast_in_dim3A_858] : memref<64x128xf32, #tpu.memory_space<vmem>>[vector<16xi32>, vector<16xi32>], vector<16xf32>,
      %gather3A_891 = tpu.vector_load_idx %arg20[%add3A_889, %broadcast_in_dim3A_863] : memref<64x128xf32, #tpu.memory_space<vmem>>[vector<16xi32>, vector<16xi32>], vector<16xf32>,
      %mul3A_892 = arith.mulf %gather3A_890, %gather3A_891 : vector<16xf32>
      %add3A_893 = arith.addf %add3A_886, %mul3A_892 : vector<16xf32>
      %gather3A_894 = tpu.vector_load_idx %arg28[%broadcast_in_dim3A_313, %broadcast_in_dim3A_858] : memref<1x128xf32, #tpu.memory_space<vmem>>[vector<16xi32>, vector<16xi32>], vector<16xf32>,
      %gather3A_895 = tpu.vector_load_idx %arg36[%broadcast_in_dim3A_313, %broadcast_in_dim3A_863] : memref<1x128xf32, #tpu.memory_space<vmem>>[vector<16xi32>, vector<16xi32>], vector<16xf32>,
      %add3A_896 = arith.addf %gather3A_894, %gather3A_895 : vector<16xf32>
      %slice3A_897 = vector.extract_strided_slice %get3A_326 {offsets = [12], sizes = [1], strides = [1]} : vector<16xi32> to vector<1xi32>
      %squeeze3A_898 = vector.extract %slice3A_897[0] : i32 from vector<1xi32>
      %shift_right_arithmetic3A_899 = arith.constant 7 : i32
      %shift_right_arithmetic3A_900 = arith.shrsi %squeeze3A_898, %shift_right_arithmetic3A_899 : i32
      %mul3A_901 = arith.constant 128 : i32
      %mul3A_902 = arith.muli %shift_right_arithmetic3A_900, %mul3A_901 : i32
      %multiple_of3A_903 = tpu.assume_multiple %mul3A_902, 128 : i32
      %dma_start3A_904 = arith.constant 0 : i32
      %dma_start3A_905 = tpu.memref_slice %arg4[%dma_start3A_904, %multiple_of3A_903] : memref<64x1000000xf32, #tpu.memory_space<hbm>> -> memref<64x128xf32, #tpu.memory_space<hbm>>
      %dma_start3A_906 = arith.constant 0 : i32
      %dma_start3A_907 = tpu.memref_slice %arg4[%dma_start3A_906, %multiple_of3A_903] : memref<64x1000000xf32, #tpu.memory_space<hbm>> -> memref<64x128xf32, #tpu.memory_space<hbm>>
      tpu.enqueue_dma source(%dma_start3A_907 : memref<64x128xf32, #tpu.memory_space<hbm>>) target(%arg16 : memref<64x128xf32, #tpu.memory_space<vmem>>) target_semaphore(%arg46 : memref<!tpu.dma_semaphore, #tpu.memory_space<semaphore_mem>>)
      %slice3A_908 = vector.extract_strided_slice %get3A_330 {offsets = [8], sizes = [1], strides = [1]} : vector<16xi32> to vector<1xi32>
      %squeeze3A_909 = vector.extract %slice3A_908[0] : i32 from vector<1xi32>
      %shift_right_arithmetic3A_910 = arith.constant 7 : i32
      %shift_right_arithmetic3A_911 = arith.shrsi %squeeze3A_909, %shift_right_arithmetic3A_910 : i32
      %mul3A_912 = arith.constant 128 : i32
      %mul3A_913 = arith.muli %shift_right_arithmetic3A_911, %mul3A_912 : i32
      %multiple_of3A_914 = tpu.assume_multiple %mul3A_913, 128 : i32
      %dma_start3A_915 = arith.constant 0 : i32
      %dma_start3A_916 = tpu.memref_slice %arg5[%dma_start3A_915, %multiple_of3A_914] : memref<64x1000000xf32, #tpu.memory_space<hbm>> -> memref<64x128xf32, #tpu.memory_space<hbm>>
      %dma_start3A_917 = arith.constant 0 : i32
      %dma_start3A_918 = tpu.memref_slice %arg5[%dma_start3A_917, %multiple_of3A_914] : memref<64x1000000xf32, #tpu.memory_space<hbm>> -> memref<64x128xf32, #tpu.memory_space<hbm>>
      tpu.enqueue_dma source(%dma_start3A_918 : memref<64x128xf32, #tpu.memory_space<hbm>>) target(%arg20 : memref<64x128xf32, #tpu.memory_space<vmem>>) target_semaphore(%arg50 : memref<!tpu.dma_semaphore, #tpu.memory_space<semaphore_mem>>)
      %slice3A_919 = vector.extract_strided_slice %get3A_326 {offsets = [12], sizes = [1], strides = [1]} : vector<16xi32> to vector<1xi32>
      %squeeze3A_920 = vector.extract %slice3A_919[0] : i32 from vector<1xi32>
      %slice3A_921 = vector.extract_strided_slice %get3A_330 {offsets = [12], sizes = [1], strides = [1]} : vector<16xi32> to vector<1xi32>
      %squeeze3A_922 = vector.extract %slice3A_921[0] : i32 from vector<1xi32>
      %shift_right_arithmetic3A_923 = arith.constant 7 : i32
      %shift_right_arithmetic3A_924 = arith.shrsi %squeeze3A_920, %shift_right_arithmetic3A_923 : i32
      %mul3A_925 = arith.constant 128 : i32
      %mul3A_926 = arith.muli %shift_right_arithmetic3A_924, %mul3A_925 : i32
      %multiple_of3A_927 = tpu.assume_multiple %mul3A_926, 128 : i32
      %shift_right_arithmetic3A_928 = arith.constant 7 : i32
      %shift_right_arithmetic3A_929 = arith.shrsi %squeeze3A_922, %shift_right_arithmetic3A_928 : i32
      %mul3A_930 = arith.constant 128 : i32
      %mul3A_931 = arith.muli %shift_right_arithmetic3A_929, %mul3A_930 : i32
      %multiple_of3A_932 = tpu.assume_multiple %mul3A_931, 128 : i32
      %dma_start3A_933 = arith.constant 0 : i32
      %dma_start3A_934 = tpu.memref_slice %arg6[%dma_start3A_933, %multiple_of3A_927] : memref<1x1000000xf32, #tpu.memory_space<hbm>> -> memref<1x128xf32, #tpu.memory_space<hbm>>
      %dma_start3A_935 = arith.constant 0 : i32
      %dma_start3A_936 = tpu.memref_slice %arg6[%dma_start3A_935, %multiple_of3A_927] : memref<1x1000000xf32, #tpu.memory_space<hbm>> -> memref<1x128xf32, #tpu.memory_space<hbm>>
      tpu.enqueue_dma source(%dma_start3A_936 : memref<1x128xf32, #tpu.memory_space<hbm>>) target(%arg28 : memref<1x128xf32, #tpu.memory_space<vmem>>) target_semaphore(%arg58 : memref<!tpu.dma_semaphore, #tpu.memory_space<semaphore_mem>>)
      %dma_start3A_937 = arith.constant 0 : i32
      %dma_start3A_938 = tpu.memref_slice %arg7[%dma_start3A_937, %multiple_of3A_932] : memref<1x1000000xf32, #tpu.memory_space<hbm>> -> memref<1x128xf32, #tpu.memory_space<hbm>>
      %dma_start3A_939 = arith.constant 0 : i32
      %dma_start3A_940 = tpu.memref_slice %arg7[%dma_start3A_939, %multiple_of3A_932] : memref<1x1000000xf32, #tpu.memory_space<hbm>> -> memref<1x128xf32, #tpu.memory_space<hbm>>
      tpu.enqueue_dma source(%dma_start3A_940 : memref<1x128xf32, #tpu.memory_space<hbm>>) target(%arg36 : memref<1x128xf32, #tpu.memory_space<vmem>>) target_semaphore(%arg58 : memref<!tpu.dma_semaphore, #tpu.memory_space<semaphore_mem>>)
      %reduce_sum3A_941 = arith.constant true
      %reduce_sum3A_942 = vector.broadcast %reduce_sum3A_941 : i1 to vector<16xi1>
      %reduce_sum3A_943 = tpu.scan <sum>, %add3A_893 masked %reduce_sum3A_942 : vector<16xf32>, vector<16xi1> -> vector<16xf32>
      %reduce_sum3A_944 = vector.extract %reduce_sum3A_943[15] : f32 from vector<16xf32>
      %slice3A_945 = vector.extract_strided_slice %add3A_896 {offsets = [0], sizes = [1], strides = [1]} : vector<16xf32> to vector<1xf32>
      %squeeze3A_946 = vector.extract %slice3A_945[0] : f32 from vector<1xf32>
      %add3A_947 = arith.addf %reduce_sum3A_944, %squeeze3A_946 : f32
      %add3A_948 = arith.addf %add3A_947, %squeeze3A_312 : f32
      %eq3A_949 = arith.constant 4 : i32
      %eq3A_950 = vector.broadcast %eq3A_949 : i32 to vector<16xi32>
      %eq3A_951 = arith.cmpi eq, %iota3A, %eq3A_950 : vector<16xi32>
      %broadcast_in_dim3A_952 = vector.broadcast %add3A_948 : f32 to vector<16xf32>
      %select_n3A_953 = arith.select %eq3A_951, %broadcast_in_dim3A_952, %select_n3A_829 : vector<16xi1>, vector<16xf32>
      %dma_wait3A_954 = arith.constant 0 : i32
      %dma_wait3A_955 = arith.constant 0 : i32
      %dma_wait3A_956 = tpu.memref_slice %arg4[%dma_wait3A_954, %dma_wait3A_955] : memref<64x1000000xf32, #tpu.memory_space<hbm>> -> memref<64x128xf32, #tpu.memory_space<hbm>>
      %dma_wait3A_957 = arith.constant 0 : i32
      %dma_wait3A_958 = arith.constant 0 : i32
      %dma_wait3A_959 = tpu.memref_slice %arg4[%dma_wait3A_957, %dma_wait3A_958] : memref<64x1000000xf32, #tpu.memory_space<hbm>> -> memref<64x128xf32, #tpu.memory_space<hbm>>
      tpu.wait_dma2 semaphore(%arg47 : memref<!tpu.dma_semaphore, #tpu.memory_space<semaphore_mem>>) src(%dma_wait3A_959 : memref<64x128xf32, #tpu.memory_space<hbm>>) dst(%arg17 : memref<64x128xf32, #tpu.memory_space<vmem>>)
      %dma_wait3A_960 = arith.constant 0 : i32
      %dma_wait3A_961 = arith.constant 0 : i32
      %dma_wait3A_962 = tpu.memref_slice %arg5[%dma_wait3A_960, %dma_wait3A_961] : memref<64x1000000xf32, #tpu.memory_space<hbm>> -> memref<64x128xf32, #tpu.memory_space<hbm>>
      %dma_wait3A_963 = arith.constant 0 : i32
      %dma_wait3A_964 = arith.constant 0 : i32
      %dma_wait3A_965 = tpu.memref_slice %arg5[%dma_wait3A_963, %dma_wait3A_964] : memref<64x1000000xf32, #tpu.memory_space<hbm>> -> memref<64x128xf32, #tpu.memory_space<hbm>>
      tpu.wait_dma2 semaphore(%arg51 : memref<!tpu.dma_semaphore, #tpu.memory_space<semaphore_mem>>) src(%dma_wait3A_965 : memref<64x128xf32, #tpu.memory_space<hbm>>) dst(%arg21 : memref<64x128xf32, #tpu.memory_space<vmem>>)
      %dma_wait3A_966 = arith.constant 0 : i32
      %dma_wait3A_967 = arith.constant 0 : i32
      %dma_wait3A_968 = tpu.memref_slice %arg6[%dma_wait3A_966, %dma_wait3A_967] : memref<1x1000000xf32, #tpu.memory_space<hbm>> -> memref<1x128xf32, #tpu.memory_space<hbm>>
      %dma_wait3A_969 = arith.constant 0 : i32
      %dma_wait3A_970 = arith.constant 0 : i32
      %dma_wait3A_971 = tpu.memref_slice %arg6[%dma_wait3A_969, %dma_wait3A_970] : memref<1x1000000xf32, #tpu.memory_space<hbm>> -> memref<1x128xf32, #tpu.memory_space<hbm>>
      tpu.wait_dma2 semaphore(%arg59 : memref<!tpu.dma_semaphore, #tpu.memory_space<semaphore_mem>>) src(%dma_wait3A_971 : memref<1x128xf32, #tpu.memory_space<hbm>>) dst(%arg29 : memref<1x128xf32, #tpu.memory_space<vmem>>)
      %dma_wait3A_972 = arith.constant 0 : i32
      %dma_wait3A_973 = arith.constant 0 : i32
      %dma_wait3A_974 = tpu.memref_slice %arg7[%dma_wait3A_972, %dma_wait3A_973] : memref<1x1000000xf32, #tpu.memory_space<hbm>> -> memref<1x128xf32, #tpu.memory_space<hbm>>
      %dma_wait3A_975 = arith.constant 0 : i32
      %dma_wait3A_976 = arith.constant 0 : i32
      %dma_wait3A_977 = tpu.memref_slice %arg7[%dma_wait3A_975, %dma_wait3A_976] : memref<1x1000000xf32, #tpu.memory_space<hbm>> -> memref<1x128xf32, #tpu.memory_space<hbm>>
      tpu.wait_dma2 semaphore(%arg59 : memref<!tpu.dma_semaphore, #tpu.memory_space<semaphore_mem>>) src(%dma_wait3A_977 : memref<1x128xf32, #tpu.memory_space<hbm>>) dst(%arg37 : memref<1x128xf32, #tpu.memory_space<vmem>>)
      %slice3A_978 = vector.extract_strided_slice %get3A_326 {offsets = [5], sizes = [1], strides = [1]} : vector<16xi32> to vector<1xi32>
      %squeeze3A_979 = vector.extract %slice3A_978[0] : i32 from vector<1xi32>
      %and3A_980 = arith.constant 127 : i32
      %and3A_981 = arith.andi %squeeze3A_979, %and3A_980 : i32
      %broadcast_in_dim3A_982 = vector.broadcast %and3A_981 : i32 to vector<16xi32>
      %slice3A_983 = vector.extract_strided_slice %get3A_330 {offsets = [5], sizes = [1], strides = [1]} : vector<16xi32> to vector<1xi32>
      %squeeze3A_984 = vector.extract %slice3A_983[0] : i32 from vector<1xi32>
      %and3A_985 = arith.constant 127 : i32
      %and3A_986 = arith.andi %squeeze3A_984, %and3A_985 : i32
      %broadcast_in_dim3A_987 = vector.broadcast %and3A_986 : i32 to vector<16xi32>
      %broadcast_in_dim3A_988 = arith.constant 0.000000e+00 : f32
      %broadcast_in_dim3A_989 = vector.broadcast %broadcast_in_dim3A_988 : f32 to vector<16xf32>
      %add3A_990 = arith.constant 0 : i32
      %add3A_991 = vector.broadcast %add3A_990 : i32 to vector<16xi32>
      %add3A_992 = arith.addi %add3A_991, %iota3A : vector<16xi32>
      %gather3A_993 = tpu.vector_load_idx %arg17[%add3A_992, %broadcast_in_dim3A_982] : memref<64x128xf32, #tpu.memory_space<vmem>>[vector<16xi32>, vector<16xi32>], vector<16xf32>,
      %gather3A_994 = tpu.vector_load_idx %arg21[%add3A_992, %broadcast_in_dim3A_987] : memref<64x128xf32, #tpu.memory_space<vmem>>[vector<16xi32>, vector<16xi32>], vector<16xf32>,
      %mul3A_995 = arith.mulf %gather3A_993, %gather3A_994 : vector<16xf32>
      %add3A_996 = arith.addf %broadcast_in_dim3A_989, %mul3A_995 : vector<16xf32>
      %add3A_997 = arith.constant 16 : i32
      %add3A_998 = vector.broadcast %add3A_997 : i32 to vector<16xi32>
      %add3A_999 = arith.addi %add3A_998, %iota3A : vector<16xi32>
      %gather3A_1000 = tpu.vector_load_idx %arg17[%add3A_999, %broadcast_in_dim3A_982] : memref<64x128xf32, #tpu.memory_space<vmem>>[vector<16xi32>, vector<16xi32>], vector<16xf32>,
      %gather3A_1001 = tpu.vector_load_idx %arg21[%add3A_999, %broadcast_in_dim3A_987] : memref<64x128xf32, #tpu.memory_space<vmem>>[vector<16xi32>, vector<16xi32>], vector<16xf32>,
      %mul3A_1002 = arith.mulf %gather3A_1000, %gather3A_1001 : vector<16xf32>
      %add3A_1003 = arith.addf %add3A_996, %mul3A_1002 : vector<16xf32>
      %add3A_1004 = arith.constant 32 : i32
      %add3A_1005 = vector.broadcast %add3A_1004 : i32 to vector<16xi32>
      %add3A_1006 = arith.addi %add3A_1005, %iota3A : vector<16xi32>
      %gather3A_1007 = tpu.vector_load_idx %arg17[%add3A_1006, %broadcast_in_dim3A_982] : memref<64x128xf32, #tpu.memory_space<vmem>>[vector<16xi32>, vector<16xi32>], vector<16xf32>,
      %gather3A_1008 = tpu.vector_load_idx %arg21[%add3A_1006, %broadcast_in_dim3A_987] : memref<64x128xf32, #tpu.memory_space<vmem>>[vector<16xi32>, vector<16xi32>], vector<16xf32>,
      %mul3A_1009 = arith.mulf %gather3A_1007, %gather3A_1008 : vector<16xf32>
      %add3A_1010 = arith.addf %add3A_1003, %mul3A_1009 : vector<16xf32>
      %add3A_1011 = arith.constant 48 : i32
      %add3A_1012 = vector.broadcast %add3A_1011 : i32 to vector<16xi32>
      %add3A_1013 = arith.addi %add3A_1012, %iota3A : vector<16xi32>
      %gather3A_1014 = tpu.vector_load_idx %arg17[%add3A_1013, %broadcast_in_dim3A_982] : memref<64x128xf32, #tpu.memory_space<vmem>>[vector<16xi32>, vector<16xi32>], vector<16xf32>,
      %gather3A_1015 = tpu.vector_load_idx %arg21[%add3A_1013, %broadcast_in_dim3A_987] : memref<64x128xf32, #tpu.memory_space<vmem>>[vector<16xi32>, vector<16xi32>], vector<16xf32>,
      %mul3A_1016 = arith.mulf %gather3A_1014, %gather3A_1015 : vector<16xf32>
      %add3A_1017 = arith.addf %add3A_1010, %mul3A_1016 : vector<16xf32>
      %gather3A_1018 = tpu.vector_load_idx %arg29[%broadcast_in_dim3A_313, %broadcast_in_dim3A_982] : memref<1x128xf32, #tpu.memory_space<vmem>>[vector<16xi32>, vector<16xi32>], vector<16xf32>,
      %gather3A_1019 = tpu.vector_load_idx %arg37[%broadcast_in_dim3A_313, %broadcast_in_dim3A_987] : memref<1x128xf32, #tpu.memory_space<vmem>>[vector<16xi32>, vector<16xi32>], vector<16xf32>,
      %add3A_1020 = arith.addf %gather3A_1018, %gather3A_1019 : vector<16xf32>
      %slice3A_1021 = vector.extract_strided_slice %get3A_326 {offsets = [13], sizes = [1], strides = [1]} : vector<16xi32> to vector<1xi32>
      %squeeze3A_1022 = vector.extract %slice3A_1021[0] : i32 from vector<1xi32>
      %shift_right_arithmetic3A_1023 = arith.constant 7 : i32
      %shift_right_arithmetic3A_1024 = arith.shrsi %squeeze3A_1022, %shift_right_arithmetic3A_1023 : i32
      %mul3A_1025 = arith.constant 128 : i32
      %mul3A_1026 = arith.muli %shift_right_arithmetic3A_1024, %mul3A_1025 : i32
      %multiple_of3A_1027 = tpu.assume_multiple %mul3A_1026, 128 : i32
      %dma_start3A_1028 = arith.constant 0 : i32
      %dma_start3A_1029 = tpu.memref_slice %arg4[%dma_start3A_1028, %multiple_of3A_1027] : memref<64x1000000xf32, #tpu.memory_space<hbm>> -> memref<64x128xf32, #tpu.memory_space<hbm>>
      %dma_start3A_1030 = arith.constant 0 : i32
      %dma_start3A_1031 = tpu.memref_slice %arg4[%dma_start3A_1030, %multiple_of3A_1027] : memref<64x1000000xf32, #tpu.memory_space<hbm>> -> memref<64x128xf32, #tpu.memory_space<hbm>>
      tpu.enqueue_dma source(%dma_start3A_1031 : memref<64x128xf32, #tpu.memory_space<hbm>>) target(%arg17 : memref<64x128xf32, #tpu.memory_space<vmem>>) target_semaphore(%arg47 : memref<!tpu.dma_semaphore, #tpu.memory_space<semaphore_mem>>)
      %slice3A_1032 = vector.extract_strided_slice %get3A_330 {offsets = [9], sizes = [1], strides = [1]} : vector<16xi32> to vector<1xi32>
      %squeeze3A_1033 = vector.extract %slice3A_1032[0] : i32 from vector<1xi32>
      %shift_right_arithmetic3A_1034 = arith.constant 7 : i32
      %shift_right_arithmetic3A_1035 = arith.shrsi %squeeze3A_1033, %shift_right_arithmetic3A_1034 : i32
      %mul3A_1036 = arith.constant 128 : i32
      %mul3A_1037 = arith.muli %shift_right_arithmetic3A_1035, %mul3A_1036 : i32
      %multiple_of3A_1038 = tpu.assume_multiple %mul3A_1037, 128 : i32
      %dma_start3A_1039 = arith.constant 0 : i32
      %dma_start3A_1040 = tpu.memref_slice %arg5[%dma_start3A_1039, %multiple_of3A_1038] : memref<64x1000000xf32, #tpu.memory_space<hbm>> -> memref<64x128xf32, #tpu.memory_space<hbm>>
      %dma_start3A_1041 = arith.constant 0 : i32
      %dma_start3A_1042 = tpu.memref_slice %arg5[%dma_start3A_1041, %multiple_of3A_1038] : memref<64x1000000xf32, #tpu.memory_space<hbm>> -> memref<64x128xf32, #tpu.memory_space<hbm>>
      tpu.enqueue_dma source(%dma_start3A_1042 : memref<64x128xf32, #tpu.memory_space<hbm>>) target(%arg21 : memref<64x128xf32, #tpu.memory_space<vmem>>) target_semaphore(%arg51 : memref<!tpu.dma_semaphore, #tpu.memory_space<semaphore_mem>>)
      %slice3A_1043 = vector.extract_strided_slice %get3A_326 {offsets = [13], sizes = [1], strides = [1]} : vector<16xi32> to vector<1xi32>
      %squeeze3A_1044 = vector.extract %slice3A_1043[0] : i32 from vector<1xi32>
      %slice3A_1045 = vector.extract_strided_slice %get3A_330 {offsets = [13], sizes = [1], strides = [1]} : vector<16xi32> to vector<1xi32>
      %squeeze3A_1046 = vector.extract %slice3A_1045[0] : i32 from vector<1xi32>
      %shift_right_arithmetic3A_1047 = arith.constant 7 : i32
      %shift_right_arithmetic3A_1048 = arith.shrsi %squeeze3A_1044, %shift_right_arithmetic3A_1047 : i32
      %mul3A_1049 = arith.constant 128 : i32
      %mul3A_1050 = arith.muli %shift_right_arithmetic3A_1048, %mul3A_1049 : i32
      %multiple_of3A_1051 = tpu.assume_multiple %mul3A_1050, 128 : i32
      %shift_right_arithmetic3A_1052 = arith.constant 7 : i32
      %shift_right_arithmetic3A_1053 = arith.shrsi %squeeze3A_1046, %shift_right_arithmetic3A_1052 : i32
      %mul3A_1054 = arith.constant 128 : i32
      %mul3A_1055 = arith.muli %shift_right_arithmetic3A_1053, %mul3A_1054 : i32
      %multiple_of3A_1056 = tpu.assume_multiple %mul3A_1055, 128 : i32
      %dma_start3A_1057 = arith.constant 0 : i32
      %dma_start3A_1058 = tpu.memref_slice %arg6[%dma_start3A_1057, %multiple_of3A_1051] : memref<1x1000000xf32, #tpu.memory_space<hbm>> -> memref<1x128xf32, #tpu.memory_space<hbm>>
      %dma_start3A_1059 = arith.constant 0 : i32
      %dma_start3A_1060 = tpu.memref_slice %arg6[%dma_start3A_1059, %multiple_of3A_1051] : memref<1x1000000xf32, #tpu.memory_space<hbm>> -> memref<1x128xf32, #tpu.memory_space<hbm>>
      tpu.enqueue_dma source(%dma_start3A_1060 : memref<1x128xf32, #tpu.memory_space<hbm>>) target(%arg29 : memref<1x128xf32, #tpu.memory_space<vmem>>) target_semaphore(%arg59 : memref<!tpu.dma_semaphore, #tpu.memory_space<semaphore_mem>>)
      %dma_start3A_1061 = arith.constant 0 : i32
      %dma_start3A_1062 = tpu.memref_slice %arg7[%dma_start3A_1061, %multiple_of3A_1056] : memref<1x1000000xf32, #tpu.memory_space<hbm>> -> memref<1x128xf32, #tpu.memory_space<hbm>>
      %dma_start3A_1063 = arith.constant 0 : i32
      %dma_start3A_1064 = tpu.memref_slice %arg7[%dma_start3A_1063, %multiple_of3A_1056] : memref<1x1000000xf32, #tpu.memory_space<hbm>> -> memref<1x128xf32, #tpu.memory_space<hbm>>
      tpu.enqueue_dma source(%dma_start3A_1064 : memref<1x128xf32, #tpu.memory_space<hbm>>) target(%arg37 : memref<1x128xf32, #tpu.memory_space<vmem>>) target_semaphore(%arg59 : memref<!tpu.dma_semaphore, #tpu.memory_space<semaphore_mem>>)
      %reduce_sum3A_1065 = arith.constant true
      %reduce_sum3A_1066 = vector.broadcast %reduce_sum3A_1065 : i1 to vector<16xi1>
      %reduce_sum3A_1067 = tpu.scan <sum>, %add3A_1017 masked %reduce_sum3A_1066 : vector<16xf32>, vector<16xi1> -> vector<16xf32>
      %reduce_sum3A_1068 = vector.extract %reduce_sum3A_1067[15] : f32 from vector<16xf32>
      %slice3A_1069 = vector.extract_strided_slice %add3A_1020 {offsets = [0], sizes = [1], strides = [1]} : vector<16xf32> to vector<1xf32>
      %squeeze3A_1070 = vector.extract %slice3A_1069[0] : f32 from vector<1xf32>
      %add3A_1071 = arith.addf %reduce_sum3A_1068, %squeeze3A_1070 : f32
      %add3A_1072 = arith.addf %add3A_1071, %squeeze3A_312 : f32
      %eq3A_1073 = arith.constant 5 : i32
      %eq3A_1074 = vector.broadcast %eq3A_1073 : i32 to vector<16xi32>
      %eq3A_1075 = arith.cmpi eq, %iota3A, %eq3A_1074 : vector<16xi32>
      %broadcast_in_dim3A_1076 = vector.broadcast %add3A_1072 : f32 to vector<16xf32>
      %select_n3A_1077 = arith.select %eq3A_1075, %broadcast_in_dim3A_1076, %select_n3A_953 : vector<16xi1>, vector<16xf32>
      %dma_wait3A_1078 = arith.constant 0 : i32
      %dma_wait3A_1079 = arith.constant 0 : i32
      %dma_wait3A_1080 = tpu.memref_slice %arg4[%dma_wait3A_1078, %dma_wait3A_1079] : memref<64x1000000xf32, #tpu.memory_space<hbm>> -> memref<64x128xf32, #tpu.memory_space<hbm>>
      %dma_wait3A_1081 = arith.constant 0 : i32
      %dma_wait3A_1082 = arith.constant 0 : i32
      %dma_wait3A_1083 = tpu.memref_slice %arg4[%dma_wait3A_1081, %dma_wait3A_1082] : memref<64x1000000xf32, #tpu.memory_space<hbm>> -> memref<64x128xf32, #tpu.memory_space<hbm>>
      tpu.wait_dma2 semaphore(%arg48 : memref<!tpu.dma_semaphore, #tpu.memory_space<semaphore_mem>>) src(%dma_wait3A_1083 : memref<64x128xf32, #tpu.memory_space<hbm>>) dst(%arg18 : memref<64x128xf32, #tpu.memory_space<vmem>>)
      %dma_wait3A_1084 = arith.constant 0 : i32
      %dma_wait3A_1085 = arith.constant 0 : i32
      %dma_wait3A_1086 = tpu.memref_slice %arg5[%dma_wait3A_1084, %dma_wait3A_1085] : memref<64x1000000xf32, #tpu.memory_space<hbm>> -> memref<64x128xf32, #tpu.memory_space<hbm>>
      %dma_wait3A_1087 = arith.constant 0 : i32
      %dma_wait3A_1088 = arith.constant 0 : i32
      %dma_wait3A_1089 = tpu.memref_slice %arg5[%dma_wait3A_1087, %dma_wait3A_1088] : memref<64x1000000xf32, #tpu.memory_space<hbm>> -> memref<64x128xf32, #tpu.memory_space<hbm>>
      tpu.wait_dma2 semaphore(%arg52 : memref<!tpu.dma_semaphore, #tpu.memory_space<semaphore_mem>>) src(%dma_wait3A_1089 : memref<64x128xf32, #tpu.memory_space<hbm>>) dst(%arg22 : memref<64x128xf32, #tpu.memory_space<vmem>>)
      %dma_wait3A_1090 = arith.constant 0 : i32
      %dma_wait3A_1091 = arith.constant 0 : i32
      %dma_wait3A_1092 = tpu.memref_slice %arg6[%dma_wait3A_1090, %dma_wait3A_1091] : memref<1x1000000xf32, #tpu.memory_space<hbm>> -> memref<1x128xf32, #tpu.memory_space<hbm>>
      %dma_wait3A_1093 = arith.constant 0 : i32
      %dma_wait3A_1094 = arith.constant 0 : i32
      %dma_wait3A_1095 = tpu.memref_slice %arg6[%dma_wait3A_1093, %dma_wait3A_1094] : memref<1x1000000xf32, #tpu.memory_space<hbm>> -> memref<1x128xf32, #tpu.memory_space<hbm>>
      tpu.wait_dma2 semaphore(%arg60 : memref<!tpu.dma_semaphore, #tpu.memory_space<semaphore_mem>>) src(%dma_wait3A_1095 : memref<1x128xf32, #tpu.memory_space<hbm>>) dst(%arg30 : memref<1x128xf32, #tpu.memory_space<vmem>>)
      %dma_wait3A_1096 = arith.constant 0 : i32
      %dma_wait3A_1097 = arith.constant 0 : i32
      %dma_wait3A_1098 = tpu.memref_slice %arg7[%dma_wait3A_1096, %dma_wait3A_1097] : memref<1x1000000xf32, #tpu.memory_space<hbm>> -> memref<1x128xf32, #tpu.memory_space<hbm>>
      %dma_wait3A_1099 = arith.constant 0 : i32
      %dma_wait3A_1100 = arith.constant 0 : i32
      %dma_wait3A_1101 = tpu.memref_slice %arg7[%dma_wait3A_1099, %dma_wait3A_1100] : memref<1x1000000xf32, #tpu.memory_space<hbm>> -> memref<1x128xf32, #tpu.memory_space<hbm>>
      tpu.wait_dma2 semaphore(%arg60 : memref<!tpu.dma_semaphore, #tpu.memory_space<semaphore_mem>>) src(%dma_wait3A_1101 : memref<1x128xf32, #tpu.memory_space<hbm>>) dst(%arg38 : memref<1x128xf32, #tpu.memory_space<vmem>>)
      %slice3A_1102 = vector.extract_strided_slice %get3A_326 {offsets = [6], sizes = [1], strides = [1]} : vector<16xi32> to vector<1xi32>
      %squeeze3A_1103 = vector.extract %slice3A_1102[0] : i32 from vector<1xi32>
      %and3A_1104 = arith.constant 127 : i32
      %and3A_1105 = arith.andi %squeeze3A_1103, %and3A_1104 : i32
      %broadcast_in_dim3A_1106 = vector.broadcast %and3A_1105 : i32 to vector<16xi32>
      %slice3A_1107 = vector.extract_strided_slice %get3A_330 {offsets = [6], sizes = [1], strides = [1]} : vector<16xi32> to vector<1xi32>
      %squeeze3A_1108 = vector.extract %slice3A_1107[0] : i32 from vector<1xi32>
      %and3A_1109 = arith.constant 127 : i32
      %and3A_1110 = arith.andi %squeeze3A_1108, %and3A_1109 : i32
      %broadcast_in_dim3A_1111 = vector.broadcast %and3A_1110 : i32 to vector<16xi32>
      %broadcast_in_dim3A_1112 = arith.constant 0.000000e+00 : f32
      %broadcast_in_dim3A_1113 = vector.broadcast %broadcast_in_dim3A_1112 : f32 to vector<16xf32>
      %add3A_1114 = arith.constant 0 : i32
      %add3A_1115 = vector.broadcast %add3A_1114 : i32 to vector<16xi32>
      %add3A_1116 = arith.addi %add3A_1115, %iota3A : vector<16xi32>
      %gather3A_1117 = tpu.vector_load_idx %arg18[%add3A_1116, %broadcast_in_dim3A_1106] : memref<64x128xf32, #tpu.memory_space<vmem>>[vector<16xi32>, vector<16xi32>], vector<16xf32>,
      %gather3A_1118 = tpu.vector_load_idx %arg22[%add3A_1116, %broadcast_in_dim3A_1111] : memref<64x128xf32, #tpu.memory_space<vmem>>[vector<16xi32>, vector<16xi32>], vector<16xf32>,
      %mul3A_1119 = arith.mulf %gather3A_1117, %gather3A_1118 : vector<16xf32>
      %add3A_1120 = arith.addf %broadcast_in_dim3A_1113, %mul3A_1119 : vector<16xf32>
      %add3A_1121 = arith.constant 16 : i32
      %add3A_1122 = vector.broadcast %add3A_1121 : i32 to vector<16xi32>
      %add3A_1123 = arith.addi %add3A_1122, %iota3A : vector<16xi32>
      %gather3A_1124 = tpu.vector_load_idx %arg18[%add3A_1123, %broadcast_in_dim3A_1106] : memref<64x128xf32, #tpu.memory_space<vmem>>[vector<16xi32>, vector<16xi32>], vector<16xf32>,
      %gather3A_1125 = tpu.vector_load_idx %arg22[%add3A_1123, %broadcast_in_dim3A_1111] : memref<64x128xf32, #tpu.memory_space<vmem>>[vector<16xi32>, vector<16xi32>], vector<16xf32>,
      %mul3A_1126 = arith.mulf %gather3A_1124, %gather3A_1125 : vector<16xf32>
      %add3A_1127 = arith.addf %add3A_1120, %mul3A_1126 : vector<16xf32>
      %add3A_1128 = arith.constant 32 : i32
      %add3A_1129 = vector.broadcast %add3A_1128 : i32 to vector<16xi32>
      %add3A_1130 = arith.addi %add3A_1129, %iota3A : vector<16xi32>
      %gather3A_1131 = tpu.vector_load_idx %arg18[%add3A_1130, %broadcast_in_dim3A_1106] : memref<64x128xf32, #tpu.memory_space<vmem>>[vector<16xi32>, vector<16xi32>], vector<16xf32>,
      %gather3A_1132 = tpu.vector_load_idx %arg22[%add3A_1130, %broadcast_in_dim3A_1111] : memref<64x128xf32, #tpu.memory_space<vmem>>[vector<16xi32>, vector<16xi32>], vector<16xf32>,
      %mul3A_1133 = arith.mulf %gather3A_1131, %gather3A_1132 : vector<16xf32>
      %add3A_1134 = arith.addf %add3A_1127, %mul3A_1133 : vector<16xf32>
      %add3A_1135 = arith.constant 48 : i32
      %add3A_1136 = vector.broadcast %add3A_1135 : i32 to vector<16xi32>
      %add3A_1137 = arith.addi %add3A_1136, %iota3A : vector<16xi32>
      %gather3A_1138 = tpu.vector_load_idx %arg18[%add3A_1137, %broadcast_in_dim3A_1106] : memref<64x128xf32, #tpu.memory_space<vmem>>[vector<16xi32>, vector<16xi32>], vector<16xf32>,
      %gather3A_1139 = tpu.vector_load_idx %arg22[%add3A_1137, %broadcast_in_dim3A_1111] : memref<64x128xf32, #tpu.memory_space<vmem>>[vector<16xi32>, vector<16xi32>], vector<16xf32>,
      %mul3A_1140 = arith.mulf %gather3A_1138, %gather3A_1139 : vector<16xf32>
      %add3A_1141 = arith.addf %add3A_1134, %mul3A_1140 : vector<16xf32>
      %gather3A_1142 = tpu.vector_load_idx %arg30[%broadcast_in_dim3A_313, %broadcast_in_dim3A_1106] : memref<1x128xf32, #tpu.memory_space<vmem>>[vector<16xi32>, vector<16xi32>], vector<16xf32>,
      %gather3A_1143 = tpu.vector_load_idx %arg38[%broadcast_in_dim3A_313, %broadcast_in_dim3A_1111] : memref<1x128xf32, #tpu.memory_space<vmem>>[vector<16xi32>, vector<16xi32>], vector<16xf32>,
      %add3A_1144 = arith.addf %gather3A_1142, %gather3A_1143 : vector<16xf32>
      %slice3A_1145 = vector.extract_strided_slice %get3A_326 {offsets = [14], sizes = [1], strides = [1]} : vector<16xi32> to vector<1xi32>
      %squeeze3A_1146 = vector.extract %slice3A_1145[0] : i32 from vector<1xi32>
      %shift_right_arithmetic3A_1147 = arith.constant 7 : i32
      %shift_right_arithmetic3A_1148 = arith.shrsi %squeeze3A_1146, %shift_right_arithmetic3A_1147 : i32
      %mul3A_1149 = arith.constant 128 : i32
      %mul3A_1150 = arith.muli %shift_right_arithmetic3A_1148, %mul3A_1149 : i32
      %multiple_of3A_1151 = tpu.assume_multiple %mul3A_1150, 128 : i32
      %dma_start3A_1152 = arith.constant 0 : i32
      %dma_start3A_1153 = tpu.memref_slice %arg4[%dma_start3A_1152, %multiple_of3A_1151] : memref<64x1000000xf32, #tpu.memory_space<hbm>> -> memref<64x128xf32, #tpu.memory_space<hbm>>
      %dma_start3A_1154 = arith.constant 0 : i32
      %dma_start3A_1155 = tpu.memref_slice %arg4[%dma_start3A_1154, %multiple_of3A_1151] : memref<64x1000000xf32, #tpu.memory_space<hbm>> -> memref<64x128xf32, #tpu.memory_space<hbm>>
      tpu.enqueue_dma source(%dma_start3A_1155 : memref<64x128xf32, #tpu.memory_space<hbm>>) target(%arg18 : memref<64x128xf32, #tpu.memory_space<vmem>>) target_semaphore(%arg48 : memref<!tpu.dma_semaphore, #tpu.memory_space<semaphore_mem>>)
      %slice3A_1156 = vector.extract_strided_slice %get3A_330 {offsets = [10], sizes = [1], strides = [1]} : vector<16xi32> to vector<1xi32>
      %squeeze3A_1157 = vector.extract %slice3A_1156[0] : i32 from vector<1xi32>
      %shift_right_arithmetic3A_1158 = arith.constant 7 : i32
      %shift_right_arithmetic3A_1159 = arith.shrsi %squeeze3A_1157, %shift_right_arithmetic3A_1158 : i32
      %mul3A_1160 = arith.constant 128 : i32
      %mul3A_1161 = arith.muli %shift_right_arithmetic3A_1159, %mul3A_1160 : i32
      %multiple_of3A_1162 = tpu.assume_multiple %mul3A_1161, 128 : i32
      %dma_start3A_1163 = arith.constant 0 : i32
      %dma_start3A_1164 = tpu.memref_slice %arg5[%dma_start3A_1163, %multiple_of3A_1162] : memref<64x1000000xf32, #tpu.memory_space<hbm>> -> memref<64x128xf32, #tpu.memory_space<hbm>>
      %dma_start3A_1165 = arith.constant 0 : i32
      %dma_start3A_1166 = tpu.memref_slice %arg5[%dma_start3A_1165, %multiple_of3A_1162] : memref<64x1000000xf32, #tpu.memory_space<hbm>> -> memref<64x128xf32, #tpu.memory_space<hbm>>
      tpu.enqueue_dma source(%dma_start3A_1166 : memref<64x128xf32, #tpu.memory_space<hbm>>) target(%arg22 : memref<64x128xf32, #tpu.memory_space<vmem>>) target_semaphore(%arg52 : memref<!tpu.dma_semaphore, #tpu.memory_space<semaphore_mem>>)
      %slice3A_1167 = vector.extract_strided_slice %get3A_326 {offsets = [14], sizes = [1], strides = [1]} : vector<16xi32> to vector<1xi32>
      %squeeze3A_1168 = vector.extract %slice3A_1167[0] : i32 from vector<1xi32>
      %slice3A_1169 = vector.extract_strided_slice %get3A_330 {offsets = [14], sizes = [1], strides = [1]} : vector<16xi32> to vector<1xi32>
      %squeeze3A_1170 = vector.extract %slice3A_1169[0] : i32 from vector<1xi32>
      %shift_right_arithmetic3A_1171 = arith.constant 7 : i32
      %shift_right_arithmetic3A_1172 = arith.shrsi %squeeze3A_1168, %shift_right_arithmetic3A_1171 : i32
      %mul3A_1173 = arith.constant 128 : i32
      %mul3A_1174 = arith.muli %shift_right_arithmetic3A_1172, %mul3A_1173 : i32
      %multiple_of3A_1175 = tpu.assume_multiple %mul3A_1174, 128 : i32
      %shift_right_arithmetic3A_1176 = arith.constant 7 : i32
      %shift_right_arithmetic3A_1177 = arith.shrsi %squeeze3A_1170, %shift_right_arithmetic3A_1176 : i32
      %mul3A_1178 = arith.constant 128 : i32
      %mul3A_1179 = arith.muli %shift_right_arithmetic3A_1177, %mul3A_1178 : i32
      %multiple_of3A_1180 = tpu.assume_multiple %mul3A_1179, 128 : i32
      %dma_start3A_1181 = arith.constant 0 : i32
      %dma_start3A_1182 = tpu.memref_slice %arg6[%dma_start3A_1181, %multiple_of3A_1175] : memref<1x1000000xf32, #tpu.memory_space<hbm>> -> memref<1x128xf32, #tpu.memory_space<hbm>>
      %dma_start3A_1183 = arith.constant 0 : i32
      %dma_start3A_1184 = tpu.memref_slice %arg6[%dma_start3A_1183, %multiple_of3A_1175] : memref<1x1000000xf32, #tpu.memory_space<hbm>> -> memref<1x128xf32, #tpu.memory_space<hbm>>
      tpu.enqueue_dma source(%dma_start3A_1184 : memref<1x128xf32, #tpu.memory_space<hbm>>) target(%arg30 : memref<1x128xf32, #tpu.memory_space<vmem>>) target_semaphore(%arg60 : memref<!tpu.dma_semaphore, #tpu.memory_space<semaphore_mem>>)
      %dma_start3A_1185 = arith.constant 0 : i32
      %dma_start3A_1186 = tpu.memref_slice %arg7[%dma_start3A_1185, %multiple_of3A_1180] : memref<1x1000000xf32, #tpu.memory_space<hbm>> -> memref<1x128xf32, #tpu.memory_space<hbm>>
      %dma_start3A_1187 = arith.constant 0 : i32
      %dma_start3A_1188 = tpu.memref_slice %arg7[%dma_start3A_1187, %multiple_of3A_1180] : memref<1x1000000xf32, #tpu.memory_space<hbm>> -> memref<1x128xf32, #tpu.memory_space<hbm>>
      tpu.enqueue_dma source(%dma_start3A_1188 : memref<1x128xf32, #tpu.memory_space<hbm>>) target(%arg38 : memref<1x128xf32, #tpu.memory_space<vmem>>) target_semaphore(%arg60 : memref<!tpu.dma_semaphore, #tpu.memory_space<semaphore_mem>>)
      %reduce_sum3A_1189 = arith.constant true
      %reduce_sum3A_1190 = vector.broadcast %reduce_sum3A_1189 : i1 to vector<16xi1>
      %reduce_sum3A_1191 = tpu.scan <sum>, %add3A_1141 masked %reduce_sum3A_1190 : vector<16xf32>, vector<16xi1> -> vector<16xf32>
      %reduce_sum3A_1192 = vector.extract %reduce_sum3A_1191[15] : f32 from vector<16xf32>
      %slice3A_1193 = vector.extract_strided_slice %add3A_1144 {offsets = [0], sizes = [1], strides = [1]} : vector<16xf32> to vector<1xf32>
      %squeeze3A_1194 = vector.extract %slice3A_1193[0] : f32 from vector<1xf32>
      %add3A_1195 = arith.addf %reduce_sum3A_1192, %squeeze3A_1194 : f32
      %add3A_1196 = arith.addf %add3A_1195, %squeeze3A_312 : f32
      %eq3A_1197 = arith.constant 6 : i32
      %eq3A_1198 = vector.broadcast %eq3A_1197 : i32 to vector<16xi32>
      %eq3A_1199 = arith.cmpi eq, %iota3A, %eq3A_1198 : vector<16xi32>
      %broadcast_in_dim3A_1200 = vector.broadcast %add3A_1196 : f32 to vector<16xf32>
      %select_n3A_1201 = arith.select %eq3A_1199, %broadcast_in_dim3A_1200, %select_n3A_1077 : vector<16xi1>, vector<16xf32>
      %dma_wait3A_1202 = arith.constant 0 : i32
      %dma_wait3A_1203 = arith.constant 0 : i32
      %dma_wait3A_1204 = tpu.memref_slice %arg4[%dma_wait3A_1202, %dma_wait3A_1203] : memref<64x1000000xf32, #tpu.memory_space<hbm>> -> memref<64x128xf32, #tpu.memory_space<hbm>>
      %dma_wait3A_1205 = arith.constant 0 : i32
      %dma_wait3A_1206 = arith.constant 0 : i32
      %dma_wait3A_1207 = tpu.memref_slice %arg4[%dma_wait3A_1205, %dma_wait3A_1206] : memref<64x1000000xf32, #tpu.memory_space<hbm>> -> memref<64x128xf32, #tpu.memory_space<hbm>>
      tpu.wait_dma2 semaphore(%arg49 : memref<!tpu.dma_semaphore, #tpu.memory_space<semaphore_mem>>) src(%dma_wait3A_1207 : memref<64x128xf32, #tpu.memory_space<hbm>>) dst(%arg19 : memref<64x128xf32, #tpu.memory_space<vmem>>)
      %dma_wait3A_1208 = arith.constant 0 : i32
      %dma_wait3A_1209 = arith.constant 0 : i32
      %dma_wait3A_1210 = tpu.memref_slice %arg5[%dma_wait3A_1208, %dma_wait3A_1209] : memref<64x1000000xf32, #tpu.memory_space<hbm>> -> memref<64x128xf32, #tpu.memory_space<hbm>>
      %dma_wait3A_1211 = arith.constant 0 : i32
      %dma_wait3A_1212 = arith.constant 0 : i32
      %dma_wait3A_1213 = tpu.memref_slice %arg5[%dma_wait3A_1211, %dma_wait3A_1212] : memref<64x1000000xf32, #tpu.memory_space<hbm>> -> memref<64x128xf32, #tpu.memory_space<hbm>>
      tpu.wait_dma2 semaphore(%arg53 : memref<!tpu.dma_semaphore, #tpu.memory_space<semaphore_mem>>) src(%dma_wait3A_1213 : memref<64x128xf32, #tpu.memory_space<hbm>>) dst(%arg23 : memref<64x128xf32, #tpu.memory_space<vmem>>)
      %dma_wait3A_1214 = arith.constant 0 : i32
      %dma_wait3A_1215 = arith.constant 0 : i32
      %dma_wait3A_1216 = tpu.memref_slice %arg6[%dma_wait3A_1214, %dma_wait3A_1215] : memref<1x1000000xf32, #tpu.memory_space<hbm>> -> memref<1x128xf32, #tpu.memory_space<hbm>>
      %dma_wait3A_1217 = arith.constant 0 : i32
      %dma_wait3A_1218 = arith.constant 0 : i32
      %dma_wait3A_1219 = tpu.memref_slice %arg6[%dma_wait3A_1217, %dma_wait3A_1218] : memref<1x1000000xf32, #tpu.memory_space<hbm>> -> memref<1x128xf32, #tpu.memory_space<hbm>>
      tpu.wait_dma2 semaphore(%arg61 : memref<!tpu.dma_semaphore, #tpu.memory_space<semaphore_mem>>) src(%dma_wait3A_1219 : memref<1x128xf32, #tpu.memory_space<hbm>>) dst(%arg31 : memref<1x128xf32, #tpu.memory_space<vmem>>)
      %dma_wait3A_1220 = arith.constant 0 : i32
      %dma_wait3A_1221 = arith.constant 0 : i32
      %dma_wait3A_1222 = tpu.memref_slice %arg7[%dma_wait3A_1220, %dma_wait3A_1221] : memref<1x1000000xf32, #tpu.memory_space<hbm>> -> memref<1x128xf32, #tpu.memory_space<hbm>>
      %dma_wait3A_1223 = arith.constant 0 : i32
      %dma_wait3A_1224 = arith.constant 0 : i32
      %dma_wait3A_1225 = tpu.memref_slice %arg7[%dma_wait3A_1223, %dma_wait3A_1224] : memref<1x1000000xf32, #tpu.memory_space<hbm>> -> memref<1x128xf32, #tpu.memory_space<hbm>>
      tpu.wait_dma2 semaphore(%arg61 : memref<!tpu.dma_semaphore, #tpu.memory_space<semaphore_mem>>) src(%dma_wait3A_1225 : memref<1x128xf32, #tpu.memory_space<hbm>>) dst(%arg39 : memref<1x128xf32, #tpu.memory_space<vmem>>)
      %slice3A_1226 = vector.extract_strided_slice %get3A_326 {offsets = [7], sizes = [1], strides = [1]} : vector<16xi32> to vector<1xi32>
      %squeeze3A_1227 = vector.extract %slice3A_1226[0] : i32 from vector<1xi32>
      %and3A_1228 = arith.constant 127 : i32
      %and3A_1229 = arith.andi %squeeze3A_1227, %and3A_1228 : i32
      %broadcast_in_dim3A_1230 = vector.broadcast %and3A_1229 : i32 to vector<16xi32>
      %slice3A_1231 = vector.extract_strided_slice %get3A_330 {offsets = [7], sizes = [1], strides = [1]} : vector<16xi32> to vector<1xi32>
      %squeeze3A_1232 = vector.extract %slice3A_1231[0] : i32 from vector<1xi32>
      %and3A_1233 = arith.constant 127 : i32
      %and3A_1234 = arith.andi %squeeze3A_1232, %and3A_1233 : i32
      %broadcast_in_dim3A_1235 = vector.broadcast %and3A_1234 : i32 to vector<16xi32>
      %broadcast_in_dim3A_1236 = arith.constant 0.000000e+00 : f32
      %broadcast_in_dim3A_1237 = vector.broadcast %broadcast_in_dim3A_1236 : f32 to vector<16xf32>
      %add3A_1238 = arith.constant 0 : i32
      %add3A_1239 = vector.broadcast %add3A_1238 : i32 to vector<16xi32>
      %add3A_1240 = arith.addi %add3A_1239, %iota3A : vector<16xi32>
      %gather3A_1241 = tpu.vector_load_idx %arg19[%add3A_1240, %broadcast_in_dim3A_1230] : memref<64x128xf32, #tpu.memory_space<vmem>>[vector<16xi32>, vector<16xi32>], vector<16xf32>,
      %gather3A_1242 = tpu.vector_load_idx %arg23[%add3A_1240, %broadcast_in_dim3A_1235] : memref<64x128xf32, #tpu.memory_space<vmem>>[vector<16xi32>, vector<16xi32>], vector<16xf32>,
      %mul3A_1243 = arith.mulf %gather3A_1241, %gather3A_1242 : vector<16xf32>
      %add3A_1244 = arith.addf %broadcast_in_dim3A_1237, %mul3A_1243 : vector<16xf32>
      %add3A_1245 = arith.constant 16 : i32
      %add3A_1246 = vector.broadcast %add3A_1245 : i32 to vector<16xi32>
      %add3A_1247 = arith.addi %add3A_1246, %iota3A : vector<16xi32>
      %gather3A_1248 = tpu.vector_load_idx %arg19[%add3A_1247, %broadcast_in_dim3A_1230] : memref<64x128xf32, #tpu.memory_space<vmem>>[vector<16xi32>, vector<16xi32>], vector<16xf32>,
      %gather3A_1249 = tpu.vector_load_idx %arg23[%add3A_1247, %broadcast_in_dim3A_1235] : memref<64x128xf32, #tpu.memory_space<vmem>>[vector<16xi32>, vector<16xi32>], vector<16xf32>,
      %mul3A_1250 = arith.mulf %gather3A_1248, %gather3A_1249 : vector<16xf32>
      %add3A_1251 = arith.addf %add3A_1244, %mul3A_1250 : vector<16xf32>
      %add3A_1252 = arith.constant 32 : i32
      %add3A_1253 = vector.broadcast %add3A_1252 : i32 to vector<16xi32>
      %add3A_1254 = arith.addi %add3A_1253, %iota3A : vector<16xi32>
      %gather3A_1255 = tpu.vector_load_idx %arg19[%add3A_1254, %broadcast_in_dim3A_1230] : memref<64x128xf32, #tpu.memory_space<vmem>>[vector<16xi32>, vector<16xi32>], vector<16xf32>,
      %gather3A_1256 = tpu.vector_load_idx %arg23[%add3A_1254, %broadcast_in_dim3A_1235] : memref<64x128xf32, #tpu.memory_space<vmem>>[vector<16xi32>, vector<16xi32>], vector<16xf32>,
      %mul3A_1257 = arith.mulf %gather3A_1255, %gather3A_1256 : vector<16xf32>
      %add3A_1258 = arith.addf %add3A_1251, %mul3A_1257 : vector<16xf32>
      %add3A_1259 = arith.constant 48 : i32
      %add3A_1260 = vector.broadcast %add3A_1259 : i32 to vector<16xi32>
      %add3A_1261 = arith.addi %add3A_1260, %iota3A : vector<16xi32>
      %gather3A_1262 = tpu.vector_load_idx %arg19[%add3A_1261, %broadcast_in_dim3A_1230] : memref<64x128xf32, #tpu.memory_space<vmem>>[vector<16xi32>, vector<16xi32>], vector<16xf32>,
      %gather3A_1263 = tpu.vector_load_idx %arg23[%add3A_1261, %broadcast_in_dim3A_1235] : memref<64x128xf32, #tpu.memory_space<vmem>>[vector<16xi32>, vector<16xi32>], vector<16xf32>,
      %mul3A_1264 = arith.mulf %gather3A_1262, %gather3A_1263 : vector<16xf32>
      %add3A_1265 = arith.addf %add3A_1258, %mul3A_1264 : vector<16xf32>
      %gather3A_1266 = tpu.vector_load_idx %arg31[%broadcast_in_dim3A_313, %broadcast_in_dim3A_1230] : memref<1x128xf32, #tpu.memory_space<vmem>>[vector<16xi32>, vector<16xi32>], vector<16xf32>,
      %gather3A_1267 = tpu.vector_load_idx %arg39[%broadcast_in_dim3A_313, %broadcast_in_dim3A_1235] : memref<1x128xf32, #tpu.memory_space<vmem>>[vector<16xi32>, vector<16xi32>], vector<16xf32>,
      %add3A_1268 = arith.addf %gather3A_1266, %gather3A_1267 : vector<16xf32>
      %slice3A_1269 = vector.extract_strided_slice %get3A_326 {offsets = [15], sizes = [1], strides = [1]} : vector<16xi32> to vector<1xi32>
      %squeeze3A_1270 = vector.extract %slice3A_1269[0] : i32 from vector<1xi32>
      %shift_right_arithmetic3A_1271 = arith.constant 7 : i32
      %shift_right_arithmetic3A_1272 = arith.shrsi %squeeze3A_1270, %shift_right_arithmetic3A_1271 : i32
      %mul3A_1273 = arith.constant 128 : i32
      %mul3A_1274 = arith.muli %shift_right_arithmetic3A_1272, %mul3A_1273 : i32
      %multiple_of3A_1275 = tpu.assume_multiple %mul3A_1274, 128 : i32
      %dma_start3A_1276 = arith.constant 0 : i32
      %dma_start3A_1277 = tpu.memref_slice %arg4[%dma_start3A_1276, %multiple_of3A_1275] : memref<64x1000000xf32, #tpu.memory_space<hbm>> -> memref<64x128xf32, #tpu.memory_space<hbm>>
      %dma_start3A_1278 = arith.constant 0 : i32
      %dma_start3A_1279 = tpu.memref_slice %arg4[%dma_start3A_1278, %multiple_of3A_1275] : memref<64x1000000xf32, #tpu.memory_space<hbm>> -> memref<64x128xf32, #tpu.memory_space<hbm>>
      tpu.enqueue_dma source(%dma_start3A_1279 : memref<64x128xf32, #tpu.memory_space<hbm>>) target(%arg19 : memref<64x128xf32, #tpu.memory_space<vmem>>) target_semaphore(%arg49 : memref<!tpu.dma_semaphore, #tpu.memory_space<semaphore_mem>>)
      %slice3A_1280 = vector.extract_strided_slice %get3A_330 {offsets = [11], sizes = [1], strides = [1]} : vector<16xi32> to vector<1xi32>
      %squeeze3A_1281 = vector.extract %slice3A_1280[0] : i32 from vector<1xi32>
      %shift_right_arithmetic3A_1282 = arith.constant 7 : i32
      %shift_right_arithmetic3A_1283 = arith.shrsi %squeeze3A_1281, %shift_right_arithmetic3A_1282 : i32
      %mul3A_1284 = arith.constant 128 : i32
      %mul3A_1285 = arith.muli %shift_right_arithmetic3A_1283, %mul3A_1284 : i32
      %multiple_of3A_1286 = tpu.assume_multiple %mul3A_1285, 128 : i32
      %dma_start3A_1287 = arith.constant 0 : i32
      %dma_start3A_1288 = tpu.memref_slice %arg5[%dma_start3A_1287, %multiple_of3A_1286] : memref<64x1000000xf32, #tpu.memory_space<hbm>> -> memref<64x128xf32, #tpu.memory_space<hbm>>
      %dma_start3A_1289 = arith.constant 0 : i32
      %dma_start3A_1290 = tpu.memref_slice %arg5[%dma_start3A_1289, %multiple_of3A_1286] : memref<64x1000000xf32, #tpu.memory_space<hbm>> -> memref<64x128xf32, #tpu.memory_space<hbm>>
      tpu.enqueue_dma source(%dma_start3A_1290 : memref<64x128xf32, #tpu.memory_space<hbm>>) target(%arg23 : memref<64x128xf32, #tpu.memory_space<vmem>>) target_semaphore(%arg53 : memref<!tpu.dma_semaphore, #tpu.memory_space<semaphore_mem>>)
      %slice3A_1291 = vector.extract_strided_slice %get3A_326 {offsets = [15], sizes = [1], strides = [1]} : vector<16xi32> to vector<1xi32>
      %squeeze3A_1292 = vector.extract %slice3A_1291[0] : i32 from vector<1xi32>
      %slice3A_1293 = vector.extract_strided_slice %get3A_330 {offsets = [15], sizes = [1], strides = [1]} : vector<16xi32> to vector<1xi32>
      %squeeze3A_1294 = vector.extract %slice3A_1293[0] : i32 from vector<1xi32>
      %shift_right_arithmetic3A_1295 = arith.constant 7 : i32
      %shift_right_arithmetic3A_1296 = arith.shrsi %squeeze3A_1292, %shift_right_arithmetic3A_1295 : i32
      %mul3A_1297 = arith.constant 128 : i32
      %mul3A_1298 = arith.muli %shift_right_arithmetic3A_1296, %mul3A_1297 : i32
      %multiple_of3A_1299 = tpu.assume_multiple %mul3A_1298, 128 : i32
      %shift_right_arithmetic3A_1300 = arith.constant 7 : i32
      %shift_right_arithmetic3A_1301 = arith.shrsi %squeeze3A_1294, %shift_right_arithmetic3A_1300 : i32
      %mul3A_1302 = arith.constant 128 : i32
      %mul3A_1303 = arith.muli %shift_right_arithmetic3A_1301, %mul3A_1302 : i32
      %multiple_of3A_1304 = tpu.assume_multiple %mul3A_1303, 128 : i32
      %dma_start3A_1305 = arith.constant 0 : i32
      %dma_start3A_1306 = tpu.memref_slice %arg6[%dma_start3A_1305, %multiple_of3A_1299] : memref<1x1000000xf32, #tpu.memory_space<hbm>> -> memref<1x128xf32, #tpu.memory_space<hbm>>
      %dma_start3A_1307 = arith.constant 0 : i32
      %dma_start3A_1308 = tpu.memref_slice %arg6[%dma_start3A_1307, %multiple_of3A_1299] : memref<1x1000000xf32, #tpu.memory_space<hbm>> -> memref<1x128xf32, #tpu.memory_space<hbm>>
      tpu.enqueue_dma source(%dma_start3A_1308 : memref<1x128xf32, #tpu.memory_space<hbm>>) target(%arg31 : memref<1x128xf32, #tpu.memory_space<vmem>>) target_semaphore(%arg61 : memref<!tpu.dma_semaphore, #tpu.memory_space<semaphore_mem>>)
      %dma_start3A_1309 = arith.constant 0 : i32
      %dma_start3A_1310 = tpu.memref_slice %arg7[%dma_start3A_1309, %multiple_of3A_1304] : memref<1x1000000xf32, #tpu.memory_space<hbm>> -> memref<1x128xf32, #tpu.memory_space<hbm>>
      %dma_start3A_1311 = arith.constant 0 : i32
      %dma_start3A_1312 = tpu.memref_slice %arg7[%dma_start3A_1311, %multiple_of3A_1304] : memref<1x1000000xf32, #tpu.memory_space<hbm>> -> memref<1x128xf32, #tpu.memory_space<hbm>>
      tpu.enqueue_dma source(%dma_start3A_1312 : memref<1x128xf32, #tpu.memory_space<hbm>>) target(%arg39 : memref<1x128xf32, #tpu.memory_space<vmem>>) target_semaphore(%arg61 : memref<!tpu.dma_semaphore, #tpu.memory_space<semaphore_mem>>)
      %reduce_sum3A_1313 = arith.constant true
      %reduce_sum3A_1314 = vector.broadcast %reduce_sum3A_1313 : i1 to vector<16xi1>
      %reduce_sum3A_1315 = tpu.scan <sum>, %add3A_1265 masked %reduce_sum3A_1314 : vector<16xf32>, vector<16xi1> -> vector<16xf32>
      %reduce_sum3A_1316 = vector.extract %reduce_sum3A_1315[15] : f32 from vector<16xf32>
      %slice3A_1317 = vector.extract_strided_slice %add3A_1268 {offsets = [0], sizes = [1], strides = [1]} : vector<16xf32> to vector<1xf32>
      %squeeze3A_1318 = vector.extract %slice3A_1317[0] : f32 from vector<1xf32>
      %add3A_1319 = arith.addf %reduce_sum3A_1316, %squeeze3A_1318 : f32
      %add3A_1320 = arith.addf %add3A_1319, %squeeze3A_312 : f32
      %eq3A_1321 = arith.constant 7 : i32
      %eq3A_1322 = vector.broadcast %eq3A_1321 : i32 to vector<16xi32>
      %eq3A_1323 = arith.cmpi eq, %iota3A, %eq3A_1322 : vector<16xi32>
      %broadcast_in_dim3A_1324 = vector.broadcast %add3A_1320 : f32 to vector<16xf32>
      %select_n3A_1325 = arith.select %eq3A_1323, %broadcast_in_dim3A_1324, %select_n3A_1201 : vector<16xi1>, vector<16xf32>
      %dma_wait3A_1326 = arith.constant 0 : i32
      %dma_wait3A_1327 = arith.constant 0 : i32
      %dma_wait3A_1328 = tpu.memref_slice %arg4[%dma_wait3A_1326, %dma_wait3A_1327] : memref<64x1000000xf32, #tpu.memory_space<hbm>> -> memref<64x128xf32, #tpu.memory_space<hbm>>
      %dma_wait3A_1329 = arith.constant 0 : i32
      %dma_wait3A_1330 = arith.constant 0 : i32
      %dma_wait3A_1331 = tpu.memref_slice %arg4[%dma_wait3A_1329, %dma_wait3A_1330] : memref<64x1000000xf32, #tpu.memory_space<hbm>> -> memref<64x128xf32, #tpu.memory_space<hbm>>
      tpu.wait_dma2 semaphore(%arg42 : memref<!tpu.dma_semaphore, #tpu.memory_space<semaphore_mem>>) src(%dma_wait3A_1331 : memref<64x128xf32, #tpu.memory_space<hbm>>) dst(%arg12 : memref<64x128xf32, #tpu.memory_space<vmem>>)
      %dma_wait3A_1332 = arith.constant 0 : i32
      %dma_wait3A_1333 = arith.constant 0 : i32
      %dma_wait3A_1334 = tpu.memref_slice %arg5[%dma_wait3A_1332, %dma_wait3A_1333] : memref<64x1000000xf32, #tpu.memory_space<hbm>> -> memref<64x128xf32, #tpu.memory_space<hbm>>
      %dma_wait3A_1335 = arith.constant 0 : i32
      %dma_wait3A_1336 = arith.constant 0 : i32
      %dma_wait3A_1337 = tpu.memref_slice %arg5[%dma_wait3A_1335, %dma_wait3A_1336] : memref<64x1000000xf32, #tpu.memory_space<hbm>> -> memref<64x128xf32, #tpu.memory_space<hbm>>
      tpu.wait_dma2 semaphore(%arg50 : memref<!tpu.dma_semaphore, #tpu.memory_space<semaphore_mem>>) src(%dma_wait3A_1337 : memref<64x128xf32, #tpu.memory_space<hbm>>) dst(%arg20 : memref<64x128xf32, #tpu.memory_space<vmem>>)
      %dma_wait3A_1338 = arith.constant 0 : i32
      %dma_wait3A_1339 = arith.constant 0 : i32
      %dma_wait3A_1340 = tpu.memref_slice %arg6[%dma_wait3A_1338, %dma_wait3A_1339] : memref<1x1000000xf32, #tpu.memory_space<hbm>> -> memref<1x128xf32, #tpu.memory_space<hbm>>
      %dma_wait3A_1341 = arith.constant 0 : i32
      %dma_wait3A_1342 = arith.constant 0 : i32
      %dma_wait3A_1343 = tpu.memref_slice %arg6[%dma_wait3A_1341, %dma_wait3A_1342] : memref<1x1000000xf32, #tpu.memory_space<hbm>> -> memref<1x128xf32, #tpu.memory_space<hbm>>
      tpu.wait_dma2 semaphore(%arg54 : memref<!tpu.dma_semaphore, #tpu.memory_space<semaphore_mem>>) src(%dma_wait3A_1343 : memref<1x128xf32, #tpu.memory_space<hbm>>) dst(%arg24 : memref<1x128xf32, #tpu.memory_space<vmem>>)
      %dma_wait3A_1344 = arith.constant 0 : i32
      %dma_wait3A_1345 = arith.constant 0 : i32
      %dma_wait3A_1346 = tpu.memref_slice %arg7[%dma_wait3A_1344, %dma_wait3A_1345] : memref<1x1000000xf32, #tpu.memory_space<hbm>> -> memref<1x128xf32, #tpu.memory_space<hbm>>
      %dma_wait3A_1347 = arith.constant 0 : i32
      %dma_wait3A_1348 = arith.constant 0 : i32
      %dma_wait3A_1349 = tpu.memref_slice %arg7[%dma_wait3A_1347, %dma_wait3A_1348] : memref<1x1000000xf32, #tpu.memory_space<hbm>> -> memref<1x128xf32, #tpu.memory_space<hbm>>
      tpu.wait_dma2 semaphore(%arg54 : memref<!tpu.dma_semaphore, #tpu.memory_space<semaphore_mem>>) src(%dma_wait3A_1349 : memref<1x128xf32, #tpu.memory_space<hbm>>) dst(%arg32 : memref<1x128xf32, #tpu.memory_space<vmem>>)
      %slice3A_1350 = vector.extract_strided_slice %get3A_326 {offsets = [8], sizes = [1], strides = [1]} : vector<16xi32> to vector<1xi32>
      %squeeze3A_1351 = vector.extract %slice3A_1350[0] : i32 from vector<1xi32>
      %and3A_1352 = arith.constant 127 : i32
      %and3A_1353 = arith.andi %squeeze3A_1351, %and3A_1352 : i32
      %broadcast_in_dim3A_1354 = vector.broadcast %and3A_1353 : i32 to vector<16xi32>
      %slice3A_1355 = vector.extract_strided_slice %get3A_330 {offsets = [8], sizes = [1], strides = [1]} : vector<16xi32> to vector<1xi32>
      %squeeze3A_1356 = vector.extract %slice3A_1355[0] : i32 from vector<1xi32>
      %and3A_1357 = arith.constant 127 : i32
      %and3A_1358 = arith.andi %squeeze3A_1356, %and3A_1357 : i32
      %broadcast_in_dim3A_1359 = vector.broadcast %and3A_1358 : i32 to vector<16xi32>
      %broadcast_in_dim3A_1360 = arith.constant 0.000000e+00 : f32
      %broadcast_in_dim3A_1361 = vector.broadcast %broadcast_in_dim3A_1360 : f32 to vector<16xf32>
      %add3A_1362 = arith.constant 0 : i32
      %add3A_1363 = vector.broadcast %add3A_1362 : i32 to vector<16xi32>
      %add3A_1364 = arith.addi %add3A_1363, %iota3A : vector<16xi32>
      %gather3A_1365 = tpu.vector_load_idx %arg12[%add3A_1364, %broadcast_in_dim3A_1354] : memref<64x128xf32, #tpu.memory_space<vmem>>[vector<16xi32>, vector<16xi32>], vector<16xf32>,
      %gather3A_1366 = tpu.vector_load_idx %arg20[%add3A_1364, %broadcast_in_dim3A_1359] : memref<64x128xf32, #tpu.memory_space<vmem>>[vector<16xi32>, vector<16xi32>], vector<16xf32>,
      %mul3A_1367 = arith.mulf %gather3A_1365, %gather3A_1366 : vector<16xf32>
      %add3A_1368 = arith.addf %broadcast_in_dim3A_1361, %mul3A_1367 : vector<16xf32>
      %add3A_1369 = arith.constant 16 : i32
      %add3A_1370 = vector.broadcast %add3A_1369 : i32 to vector<16xi32>
      %add3A_1371 = arith.addi %add3A_1370, %iota3A : vector<16xi32>
      %gather3A_1372 = tpu.vector_load_idx %arg12[%add3A_1371, %broadcast_in_dim3A_1354] : memref<64x128xf32, #tpu.memory_space<vmem>>[vector<16xi32>, vector<16xi32>], vector<16xf32>,
      %gather3A_1373 = tpu.vector_load_idx %arg20[%add3A_1371, %broadcast_in_dim3A_1359] : memref<64x128xf32, #tpu.memory_space<vmem>>[vector<16xi32>, vector<16xi32>], vector<16xf32>,
      %mul3A_1374 = arith.mulf %gather3A_1372, %gather3A_1373 : vector<16xf32>
      %add3A_1375 = arith.addf %add3A_1368, %mul3A_1374 : vector<16xf32>
      %add3A_1376 = arith.constant 32 : i32
      %add3A_1377 = vector.broadcast %add3A_1376 : i32 to vector<16xi32>
      %add3A_1378 = arith.addi %add3A_1377, %iota3A : vector<16xi32>
      %gather3A_1379 = tpu.vector_load_idx %arg12[%add3A_1378, %broadcast_in_dim3A_1354] : memref<64x128xf32, #tpu.memory_space<vmem>>[vector<16xi32>, vector<16xi32>], vector<16xf32>,
      %gather3A_1380 = tpu.vector_load_idx %arg20[%add3A_1378, %broadcast_in_dim3A_1359] : memref<64x128xf32, #tpu.memory_space<vmem>>[vector<16xi32>, vector<16xi32>], vector<16xf32>,
      %mul3A_1381 = arith.mulf %gather3A_1379, %gather3A_1380 : vector<16xf32>
      %add3A_1382 = arith.addf %add3A_1375, %mul3A_1381 : vector<16xf32>
      %add3A_1383 = arith.constant 48 : i32
      %add3A_1384 = vector.broadcast %add3A_1383 : i32 to vector<16xi32>
      %add3A_1385 = arith.addi %add3A_1384, %iota3A : vector<16xi32>
      %gather3A_1386 = tpu.vector_load_idx %arg12[%add3A_1385, %broadcast_in_dim3A_1354] : memref<64x128xf32, #tpu.memory_space<vmem>>[vector<16xi32>, vector<16xi32>], vector<16xf32>,
      %gather3A_1387 = tpu.vector_load_idx %arg20[%add3A_1385, %broadcast_in_dim3A_1359] : memref<64x128xf32, #tpu.memory_space<vmem>>[vector<16xi32>, vector<16xi32>], vector<16xf32>,
      %mul3A_1388 = arith.mulf %gather3A_1386, %gather3A_1387 : vector<16xf32>
      %add3A_1389 = arith.addf %add3A_1382, %mul3A_1388 : vector<16xf32>
      %gather3A_1390 = tpu.vector_load_idx %arg24[%broadcast_in_dim3A_313, %broadcast_in_dim3A_1354] : memref<1x128xf32, #tpu.memory_space<vmem>>[vector<16xi32>, vector<16xi32>], vector<16xf32>,
      %gather3A_1391 = tpu.vector_load_idx %arg32[%broadcast_in_dim3A_313, %broadcast_in_dim3A_1359] : memref<1x128xf32, #tpu.memory_space<vmem>>[vector<16xi32>, vector<16xi32>], vector<16xf32>,
      %add3A_1392 = arith.addf %gather3A_1390, %gather3A_1391 : vector<16xf32>
      %lt3A = arith.constant 31 : i32
      %lt3A_1393 = arith.cmpi slt, %scan3A_321, %lt3A : i32
      %convert_element_type3A = arith.extui %lt3A_1393 : i1 to i32
      %cond3A = arith.constant 0 : i32
      %cond3A_1394 = arith.cmpi ne, %convert_element_type3A, %cond3A : i32
      scf.if %cond3A_1394 {
        %slice3A_2110 = vector.extract_strided_slice %get3A_337 {offsets = [0], sizes = [1], strides = [1]} : vector<16xi32> to vector<1xi32>
        %squeeze3A_2111 = vector.extract %slice3A_2110[0] : i32 from vector<1xi32>
        %shift_right_arithmetic3A_2112 = arith.constant 7 : i32
        %shift_right_arithmetic3A_2113 = arith.shrsi %squeeze3A_2111, %shift_right_arithmetic3A_2112 : i32
        %mul3A_2114 = arith.constant 128 : i32
        %mul3A_2115 = arith.muli %shift_right_arithmetic3A_2113, %mul3A_2114 : i32
        %multiple_of3A_2116 = tpu.assume_multiple %mul3A_2115, 128 : i32
        %dma_start3A_2117 = arith.constant 0 : i32
        %dma_start3A_2118 = tpu.memref_slice %arg4[%dma_start3A_2117, %multiple_of3A_2116] : memref<64x1000000xf32, #tpu.memory_space<hbm>> -> memref<64x128xf32, #tpu.memory_space<hbm>>
        %dma_start3A_2119 = arith.constant 0 : i32
        %dma_start3A_2120 = tpu.memref_slice %arg4[%dma_start3A_2119, %multiple_of3A_2116] : memref<64x1000000xf32, #tpu.memory_space<hbm>> -> memref<64x128xf32, #tpu.memory_space<hbm>>
        tpu.enqueue_dma source(%dma_start3A_2120 : memref<64x128xf32, #tpu.memory_space<hbm>>) target(%arg12 : memref<64x128xf32, #tpu.memory_space<vmem>>) target_semaphore(%arg42 : memref<!tpu.dma_semaphore, #tpu.memory_space<semaphore_mem>>)
      } else {
      }
      %slice3A_1395 = vector.extract_strided_slice %get3A_330 {offsets = [12], sizes = [1], strides = [1]} : vector<16xi32> to vector<1xi32>
      %squeeze3A_1396 = vector.extract %slice3A_1395[0] : i32 from vector<1xi32>
      %shift_right_arithmetic3A_1397 = arith.constant 7 : i32
      %shift_right_arithmetic3A_1398 = arith.shrsi %squeeze3A_1396, %shift_right_arithmetic3A_1397 : i32
      %mul3A_1399 = arith.constant 128 : i32
      %mul3A_1400 = arith.muli %shift_right_arithmetic3A_1398, %mul3A_1399 : i32
      %multiple_of3A_1401 = tpu.assume_multiple %mul3A_1400, 128 : i32
      %dma_start3A_1402 = arith.constant 0 : i32
      %dma_start3A_1403 = tpu.memref_slice %arg5[%dma_start3A_1402, %multiple_of3A_1401] : memref<64x1000000xf32, #tpu.memory_space<hbm>> -> memref<64x128xf32, #tpu.memory_space<hbm>>
      %dma_start3A_1404 = arith.constant 0 : i32
      %dma_start3A_1405 = tpu.memref_slice %arg5[%dma_start3A_1404, %multiple_of3A_1401] : memref<64x1000000xf32, #tpu.memory_space<hbm>> -> memref<64x128xf32, #tpu.memory_space<hbm>>
      tpu.enqueue_dma source(%dma_start3A_1405 : memref<64x128xf32, #tpu.memory_space<hbm>>) target(%arg20 : memref<64x128xf32, #tpu.memory_space<vmem>>) target_semaphore(%arg50 : memref<!tpu.dma_semaphore, #tpu.memory_space<semaphore_mem>>)
      %lt3A_1406 = arith.constant 31 : i32
      %lt3A_1407 = arith.cmpi slt, %scan3A_321, %lt3A_1406 : i32
      %convert_element_type3A_1408 = arith.extui %lt3A_1407 : i1 to i32
      %cond3A_1409 = arith.constant 0 : i32
      %cond3A_1410 = arith.cmpi ne, %convert_element_type3A_1408, %cond3A_1409 : i32
      scf.if %cond3A_1410 {
        %slice3A_2110 = vector.extract_strided_slice %get3A_337 {offsets = [0], sizes = [1], strides = [1]} : vector<16xi32> to vector<1xi32>
        %squeeze3A_2111 = vector.extract %slice3A_2110[0] : i32 from vector<1xi32>
        %slice3A_2112 = vector.extract_strided_slice %get3A_339 {offsets = [0], sizes = [1], strides = [1]} : vector<16xi32> to vector<1xi32>
        %squeeze3A_2113 = vector.extract %slice3A_2112[0] : i32 from vector<1xi32>
        %shift_right_arithmetic3A_2114 = arith.constant 7 : i32
        %shift_right_arithmetic3A_2115 = arith.shrsi %squeeze3A_2111, %shift_right_arithmetic3A_2114 : i32
        %mul3A_2116 = arith.constant 128 : i32
        %mul3A_2117 = arith.muli %shift_right_arithmetic3A_2115, %mul3A_2116 : i32
        %multiple_of3A_2118 = tpu.assume_multiple %mul3A_2117, 128 : i32
        %shift_right_arithmetic3A_2119 = arith.constant 7 : i32
        %shift_right_arithmetic3A_2120 = arith.shrsi %squeeze3A_2113, %shift_right_arithmetic3A_2119 : i32
        %mul3A_2121 = arith.constant 128 : i32
        %mul3A_2122 = arith.muli %shift_right_arithmetic3A_2120, %mul3A_2121 : i32
        %multiple_of3A_2123 = tpu.assume_multiple %mul3A_2122, 128 : i32
        %dma_start3A_2124 = arith.constant 0 : i32
        %dma_start3A_2125 = tpu.memref_slice %arg6[%dma_start3A_2124, %multiple_of3A_2118] : memref<1x1000000xf32, #tpu.memory_space<hbm>> -> memref<1x128xf32, #tpu.memory_space<hbm>>
        %dma_start3A_2126 = arith.constant 0 : i32
        %dma_start3A_2127 = tpu.memref_slice %arg6[%dma_start3A_2126, %multiple_of3A_2118] : memref<1x1000000xf32, #tpu.memory_space<hbm>> -> memref<1x128xf32, #tpu.memory_space<hbm>>
        tpu.enqueue_dma source(%dma_start3A_2127 : memref<1x128xf32, #tpu.memory_space<hbm>>) target(%arg24 : memref<1x128xf32, #tpu.memory_space<vmem>>) target_semaphore(%arg54 : memref<!tpu.dma_semaphore, #tpu.memory_space<semaphore_mem>>)
        %dma_start3A_2128 = arith.constant 0 : i32
        %dma_start3A_2129 = tpu.memref_slice %arg7[%dma_start3A_2128, %multiple_of3A_2123] : memref<1x1000000xf32, #tpu.memory_space<hbm>> -> memref<1x128xf32, #tpu.memory_space<hbm>>
        %dma_start3A_2130 = arith.constant 0 : i32
        %dma_start3A_2131 = tpu.memref_slice %arg7[%dma_start3A_2130, %multiple_of3A_2123] : memref<1x1000000xf32, #tpu.memory_space<hbm>> -> memref<1x128xf32, #tpu.memory_space<hbm>>
        tpu.enqueue_dma source(%dma_start3A_2131 : memref<1x128xf32, #tpu.memory_space<hbm>>) target(%arg32 : memref<1x128xf32, #tpu.memory_space<vmem>>) target_semaphore(%arg54 : memref<!tpu.dma_semaphore, #tpu.memory_space<semaphore_mem>>)
      } else {
      }
      %reduce_sum3A_1411 = arith.constant true
      %reduce_sum3A_1412 = vector.broadcast %reduce_sum3A_1411 : i1 to vector<16xi1>
      %reduce_sum3A_1413 = tpu.scan <sum>, %add3A_1389 masked %reduce_sum3A_1412 : vector<16xf32>, vector<16xi1> -> vector<16xf32>
      %reduce_sum3A_1414 = vector.extract %reduce_sum3A_1413[15] : f32 from vector<16xf32>
      %slice3A_1415 = vector.extract_strided_slice %add3A_1392 {offsets = [0], sizes = [1], strides = [1]} : vector<16xf32> to vector<1xf32>
      %squeeze3A_1416 = vector.extract %slice3A_1415[0] : f32 from vector<1xf32>
      %add3A_1417 = arith.addf %reduce_sum3A_1414, %squeeze3A_1416 : f32
      %add3A_1418 = arith.addf %add3A_1417, %squeeze3A_312 : f32
      %eq3A_1419 = arith.constant 8 : i32
      %eq3A_1420 = vector.broadcast %eq3A_1419 : i32 to vector<16xi32>
      %eq3A_1421 = arith.cmpi eq, %iota3A, %eq3A_1420 : vector<16xi32>
      %broadcast_in_dim3A_1422 = vector.broadcast %add3A_1418 : f32 to vector<16xf32>
      %select_n3A_1423 = arith.select %eq3A_1421, %broadcast_in_dim3A_1422, %select_n3A_1325 : vector<16xi1>, vector<16xf32>
      %dma_wait3A_1424 = arith.constant 0 : i32
      %dma_wait3A_1425 = arith.constant 0 : i32
      %dma_wait3A_1426 = tpu.memref_slice %arg4[%dma_wait3A_1424, %dma_wait3A_1425] : memref<64x1000000xf32, #tpu.memory_space<hbm>> -> memref<64x128xf32, #tpu.memory_space<hbm>>
      %dma_wait3A_1427 = arith.constant 0 : i32
      %dma_wait3A_1428 = arith.constant 0 : i32
      %dma_wait3A_1429 = tpu.memref_slice %arg4[%dma_wait3A_1427, %dma_wait3A_1428] : memref<64x1000000xf32, #tpu.memory_space<hbm>> -> memref<64x128xf32, #tpu.memory_space<hbm>>
      tpu.wait_dma2 semaphore(%arg43 : memref<!tpu.dma_semaphore, #tpu.memory_space<semaphore_mem>>) src(%dma_wait3A_1429 : memref<64x128xf32, #tpu.memory_space<hbm>>) dst(%arg13 : memref<64x128xf32, #tpu.memory_space<vmem>>)
      %dma_wait3A_1430 = arith.constant 0 : i32
      %dma_wait3A_1431 = arith.constant 0 : i32
      %dma_wait3A_1432 = tpu.memref_slice %arg5[%dma_wait3A_1430, %dma_wait3A_1431] : memref<64x1000000xf32, #tpu.memory_space<hbm>> -> memref<64x128xf32, #tpu.memory_space<hbm>>
      %dma_wait3A_1433 = arith.constant 0 : i32
      %dma_wait3A_1434 = arith.constant 0 : i32
      %dma_wait3A_1435 = tpu.memref_slice %arg5[%dma_wait3A_1433, %dma_wait3A_1434] : memref<64x1000000xf32, #tpu.memory_space<hbm>> -> memref<64x128xf32, #tpu.memory_space<hbm>>
      tpu.wait_dma2 semaphore(%arg51 : memref<!tpu.dma_semaphore, #tpu.memory_space<semaphore_mem>>) src(%dma_wait3A_1435 : memref<64x128xf32, #tpu.memory_space<hbm>>) dst(%arg21 : memref<64x128xf32, #tpu.memory_space<vmem>>)
      %dma_wait3A_1436 = arith.constant 0 : i32
      %dma_wait3A_1437 = arith.constant 0 : i32
      %dma_wait3A_1438 = tpu.memref_slice %arg6[%dma_wait3A_1436, %dma_wait3A_1437] : memref<1x1000000xf32, #tpu.memory_space<hbm>> -> memref<1x128xf32, #tpu.memory_space<hbm>>
      %dma_wait3A_1439 = arith.constant 0 : i32
      %dma_wait3A_1440 = arith.constant 0 : i32
      %dma_wait3A_1441 = tpu.memref_slice %arg6[%dma_wait3A_1439, %dma_wait3A_1440] : memref<1x1000000xf32, #tpu.memory_space<hbm>> -> memref<1x128xf32, #tpu.memory_space<hbm>>
      tpu.wait_dma2 semaphore(%arg55 : memref<!tpu.dma_semaphore, #tpu.memory_space<semaphore_mem>>) src(%dma_wait3A_1441 : memref<1x128xf32, #tpu.memory_space<hbm>>) dst(%arg25 : memref<1x128xf32, #tpu.memory_space<vmem>>)
      %dma_wait3A_1442 = arith.constant 0 : i32
      %dma_wait3A_1443 = arith.constant 0 : i32
      %dma_wait3A_1444 = tpu.memref_slice %arg7[%dma_wait3A_1442, %dma_wait3A_1443] : memref<1x1000000xf32, #tpu.memory_space<hbm>> -> memref<1x128xf32, #tpu.memory_space<hbm>>
      %dma_wait3A_1445 = arith.constant 0 : i32
      %dma_wait3A_1446 = arith.constant 0 : i32
      %dma_wait3A_1447 = tpu.memref_slice %arg7[%dma_wait3A_1445, %dma_wait3A_1446] : memref<1x1000000xf32, #tpu.memory_space<hbm>> -> memref<1x128xf32, #tpu.memory_space<hbm>>
      tpu.wait_dma2 semaphore(%arg55 : memref<!tpu.dma_semaphore, #tpu.memory_space<semaphore_mem>>) src(%dma_wait3A_1447 : memref<1x128xf32, #tpu.memory_space<hbm>>) dst(%arg33 : memref<1x128xf32, #tpu.memory_space<vmem>>)
      %slice3A_1448 = vector.extract_strided_slice %get3A_326 {offsets = [9], sizes = [1], strides = [1]} : vector<16xi32> to vector<1xi32>
      %squeeze3A_1449 = vector.extract %slice3A_1448[0] : i32 from vector<1xi32>
      %and3A_1450 = arith.constant 127 : i32
      %and3A_1451 = arith.andi %squeeze3A_1449, %and3A_1450 : i32
      %broadcast_in_dim3A_1452 = vector.broadcast %and3A_1451 : i32 to vector<16xi32>
      %slice3A_1453 = vector.extract_strided_slice %get3A_330 {offsets = [9], sizes = [1], strides = [1]} : vector<16xi32> to vector<1xi32>
      %squeeze3A_1454 = vector.extract %slice3A_1453[0] : i32 from vector<1xi32>
      %and3A_1455 = arith.constant 127 : i32
      %and3A_1456 = arith.andi %squeeze3A_1454, %and3A_1455 : i32
      %broadcast_in_dim3A_1457 = vector.broadcast %and3A_1456 : i32 to vector<16xi32>
      %broadcast_in_dim3A_1458 = arith.constant 0.000000e+00 : f32
      %broadcast_in_dim3A_1459 = vector.broadcast %broadcast_in_dim3A_1458 : f32 to vector<16xf32>
      %add3A_1460 = arith.constant 0 : i32
      %add3A_1461 = vector.broadcast %add3A_1460 : i32 to vector<16xi32>
      %add3A_1462 = arith.addi %add3A_1461, %iota3A : vector<16xi32>
      %gather3A_1463 = tpu.vector_load_idx %arg13[%add3A_1462, %broadcast_in_dim3A_1452] : memref<64x128xf32, #tpu.memory_space<vmem>>[vector<16xi32>, vector<16xi32>], vector<16xf32>,
      %gather3A_1464 = tpu.vector_load_idx %arg21[%add3A_1462, %broadcast_in_dim3A_1457] : memref<64x128xf32, #tpu.memory_space<vmem>>[vector<16xi32>, vector<16xi32>], vector<16xf32>,
      %mul3A_1465 = arith.mulf %gather3A_1463, %gather3A_1464 : vector<16xf32>
      %add3A_1466 = arith.addf %broadcast_in_dim3A_1459, %mul3A_1465 : vector<16xf32>
      %add3A_1467 = arith.constant 16 : i32
      %add3A_1468 = vector.broadcast %add3A_1467 : i32 to vector<16xi32>
      %add3A_1469 = arith.addi %add3A_1468, %iota3A : vector<16xi32>
      %gather3A_1470 = tpu.vector_load_idx %arg13[%add3A_1469, %broadcast_in_dim3A_1452] : memref<64x128xf32, #tpu.memory_space<vmem>>[vector<16xi32>, vector<16xi32>], vector<16xf32>,
      %gather3A_1471 = tpu.vector_load_idx %arg21[%add3A_1469, %broadcast_in_dim3A_1457] : memref<64x128xf32, #tpu.memory_space<vmem>>[vector<16xi32>, vector<16xi32>], vector<16xf32>,
      %mul3A_1472 = arith.mulf %gather3A_1470, %gather3A_1471 : vector<16xf32>
      %add3A_1473 = arith.addf %add3A_1466, %mul3A_1472 : vector<16xf32>
      %add3A_1474 = arith.constant 32 : i32
      %add3A_1475 = vector.broadcast %add3A_1474 : i32 to vector<16xi32>
      %add3A_1476 = arith.addi %add3A_1475, %iota3A : vector<16xi32>
      %gather3A_1477 = tpu.vector_load_idx %arg13[%add3A_1476, %broadcast_in_dim3A_1452] : memref<64x128xf32, #tpu.memory_space<vmem>>[vector<16xi32>, vector<16xi32>], vector<16xf32>,
      %gather3A_1478 = tpu.vector_load_idx %arg21[%add3A_1476, %broadcast_in_dim3A_1457] : memref<64x128xf32, #tpu.memory_space<vmem>>[vector<16xi32>, vector<16xi32>], vector<16xf32>,
      %mul3A_1479 = arith.mulf %gather3A_1477, %gather3A_1478 : vector<16xf32>
      %add3A_1480 = arith.addf %add3A_1473, %mul3A_1479 : vector<16xf32>
      %add3A_1481 = arith.constant 48 : i32
      %add3A_1482 = vector.broadcast %add3A_1481 : i32 to vector<16xi32>
      %add3A_1483 = arith.addi %add3A_1482, %iota3A : vector<16xi32>
      %gather3A_1484 = tpu.vector_load_idx %arg13[%add3A_1483, %broadcast_in_dim3A_1452] : memref<64x128xf32, #tpu.memory_space<vmem>>[vector<16xi32>, vector<16xi32>], vector<16xf32>,
      %gather3A_1485 = tpu.vector_load_idx %arg21[%add3A_1483, %broadcast_in_dim3A_1457] : memref<64x128xf32, #tpu.memory_space<vmem>>[vector<16xi32>, vector<16xi32>], vector<16xf32>,
      %mul3A_1486 = arith.mulf %gather3A_1484, %gather3A_1485 : vector<16xf32>
      %add3A_1487 = arith.addf %add3A_1480, %mul3A_1486 : vector<16xf32>
      %gather3A_1488 = tpu.vector_load_idx %arg25[%broadcast_in_dim3A_313, %broadcast_in_dim3A_1452] : memref<1x128xf32, #tpu.memory_space<vmem>>[vector<16xi32>, vector<16xi32>], vector<16xf32>,
      %gather3A_1489 = tpu.vector_load_idx %arg33[%broadcast_in_dim3A_313, %broadcast_in_dim3A_1457] : memref<1x128xf32, #tpu.memory_space<vmem>>[vector<16xi32>, vector<16xi32>], vector<16xf32>,
      %add3A_1490 = arith.addf %gather3A_1488, %gather3A_1489 : vector<16xf32>
      %lt3A_1491 = arith.constant 31 : i32
      %lt3A_1492 = arith.cmpi slt, %scan3A_321, %lt3A_1491 : i32
      %convert_element_type3A_1493 = arith.extui %lt3A_1492 : i1 to i32
      %cond3A_1494 = arith.constant 0 : i32
      %cond3A_1495 = arith.cmpi ne, %convert_element_type3A_1493, %cond3A_1494 : i32
      scf.if %cond3A_1495 {
        %slice3A_2110 = vector.extract_strided_slice %get3A_337 {offsets = [1], sizes = [1], strides = [1]} : vector<16xi32> to vector<1xi32>
        %squeeze3A_2111 = vector.extract %slice3A_2110[0] : i32 from vector<1xi32>
        %shift_right_arithmetic3A_2112 = arith.constant 7 : i32
        %shift_right_arithmetic3A_2113 = arith.shrsi %squeeze3A_2111, %shift_right_arithmetic3A_2112 : i32
        %mul3A_2114 = arith.constant 128 : i32
        %mul3A_2115 = arith.muli %shift_right_arithmetic3A_2113, %mul3A_2114 : i32
        %multiple_of3A_2116 = tpu.assume_multiple %mul3A_2115, 128 : i32
        %dma_start3A_2117 = arith.constant 0 : i32
        %dma_start3A_2118 = tpu.memref_slice %arg4[%dma_start3A_2117, %multiple_of3A_2116] : memref<64x1000000xf32, #tpu.memory_space<hbm>> -> memref<64x128xf32, #tpu.memory_space<hbm>>
        %dma_start3A_2119 = arith.constant 0 : i32
        %dma_start3A_2120 = tpu.memref_slice %arg4[%dma_start3A_2119, %multiple_of3A_2116] : memref<64x1000000xf32, #tpu.memory_space<hbm>> -> memref<64x128xf32, #tpu.memory_space<hbm>>
        tpu.enqueue_dma source(%dma_start3A_2120 : memref<64x128xf32, #tpu.memory_space<hbm>>) target(%arg13 : memref<64x128xf32, #tpu.memory_space<vmem>>) target_semaphore(%arg43 : memref<!tpu.dma_semaphore, #tpu.memory_space<semaphore_mem>>)
      } else {
      }
      %slice3A_1496 = vector.extract_strided_slice %get3A_330 {offsets = [13], sizes = [1], strides = [1]} : vector<16xi32> to vector<1xi32>
      %squeeze3A_1497 = vector.extract %slice3A_1496[0] : i32 from vector<1xi32>
      %shift_right_arithmetic3A_1498 = arith.constant 7 : i32
      %shift_right_arithmetic3A_1499 = arith.shrsi %squeeze3A_1497, %shift_right_arithmetic3A_1498 : i32
      %mul3A_1500 = arith.constant 128 : i32
      %mul3A_1501 = arith.muli %shift_right_arithmetic3A_1499, %mul3A_1500 : i32
      %multiple_of3A_1502 = tpu.assume_multiple %mul3A_1501, 128 : i32
      %dma_start3A_1503 = arith.constant 0 : i32
      %dma_start3A_1504 = tpu.memref_slice %arg5[%dma_start3A_1503, %multiple_of3A_1502] : memref<64x1000000xf32, #tpu.memory_space<hbm>> -> memref<64x128xf32, #tpu.memory_space<hbm>>
      %dma_start3A_1505 = arith.constant 0 : i32
      %dma_start3A_1506 = tpu.memref_slice %arg5[%dma_start3A_1505, %multiple_of3A_1502] : memref<64x1000000xf32, #tpu.memory_space<hbm>> -> memref<64x128xf32, #tpu.memory_space<hbm>>
      tpu.enqueue_dma source(%dma_start3A_1506 : memref<64x128xf32, #tpu.memory_space<hbm>>) target(%arg21 : memref<64x128xf32, #tpu.memory_space<vmem>>) target_semaphore(%arg51 : memref<!tpu.dma_semaphore, #tpu.memory_space<semaphore_mem>>)
      %lt3A_1507 = arith.constant 31 : i32
      %lt3A_1508 = arith.cmpi slt, %scan3A_321, %lt3A_1507 : i32
      %convert_element_type3A_1509 = arith.extui %lt3A_1508 : i1 to i32
      %cond3A_1510 = arith.constant 0 : i32
      %cond3A_1511 = arith.cmpi ne, %convert_element_type3A_1509, %cond3A_1510 : i32
      scf.if %cond3A_1511 {
        %slice3A_2110 = vector.extract_strided_slice %get3A_337 {offsets = [1], sizes = [1], strides = [1]} : vector<16xi32> to vector<1xi32>
        %squeeze3A_2111 = vector.extract %slice3A_2110[0] : i32 from vector<1xi32>
        %slice3A_2112 = vector.extract_strided_slice %get3A_339 {offsets = [1], sizes = [1], strides = [1]} : vector<16xi32> to vector<1xi32>
        %squeeze3A_2113 = vector.extract %slice3A_2112[0] : i32 from vector<1xi32>
        %shift_right_arithmetic3A_2114 = arith.constant 7 : i32
        %shift_right_arithmetic3A_2115 = arith.shrsi %squeeze3A_2111, %shift_right_arithmetic3A_2114 : i32
        %mul3A_2116 = arith.constant 128 : i32
        %mul3A_2117 = arith.muli %shift_right_arithmetic3A_2115, %mul3A_2116 : i32
        %multiple_of3A_2118 = tpu.assume_multiple %mul3A_2117, 128 : i32
        %shift_right_arithmetic3A_2119 = arith.constant 7 : i32
        %shift_right_arithmetic3A_2120 = arith.shrsi %squeeze3A_2113, %shift_right_arithmetic3A_2119 : i32
        %mul3A_2121 = arith.constant 128 : i32
        %mul3A_2122 = arith.muli %shift_right_arithmetic3A_2120, %mul3A_2121 : i32
        %multiple_of3A_2123 = tpu.assume_multiple %mul3A_2122, 128 : i32
        %dma_start3A_2124 = arith.constant 0 : i32
        %dma_start3A_2125 = tpu.memref_slice %arg6[%dma_start3A_2124, %multiple_of3A_2118] : memref<1x1000000xf32, #tpu.memory_space<hbm>> -> memref<1x128xf32, #tpu.memory_space<hbm>>
        %dma_start3A_2126 = arith.constant 0 : i32
        %dma_start3A_2127 = tpu.memref_slice %arg6[%dma_start3A_2126, %multiple_of3A_2118] : memref<1x1000000xf32, #tpu.memory_space<hbm>> -> memref<1x128xf32, #tpu.memory_space<hbm>>
        tpu.enqueue_dma source(%dma_start3A_2127 : memref<1x128xf32, #tpu.memory_space<hbm>>) target(%arg25 : memref<1x128xf32, #tpu.memory_space<vmem>>) target_semaphore(%arg55 : memref<!tpu.dma_semaphore, #tpu.memory_space<semaphore_mem>>)
        %dma_start3A_2128 = arith.constant 0 : i32
        %dma_start3A_2129 = tpu.memref_slice %arg7[%dma_start3A_2128, %multiple_of3A_2123] : memref<1x1000000xf32, #tpu.memory_space<hbm>> -> memref<1x128xf32, #tpu.memory_space<hbm>>
        %dma_start3A_2130 = arith.constant 0 : i32
        %dma_start3A_2131 = tpu.memref_slice %arg7[%dma_start3A_2130, %multiple_of3A_2123] : memref<1x1000000xf32, #tpu.memory_space<hbm>> -> memref<1x128xf32, #tpu.memory_space<hbm>>
        tpu.enqueue_dma source(%dma_start3A_2131 : memref<1x128xf32, #tpu.memory_space<hbm>>) target(%arg33 : memref<1x128xf32, #tpu.memory_space<vmem>>) target_semaphore(%arg55 : memref<!tpu.dma_semaphore, #tpu.memory_space<semaphore_mem>>)
      } else {
      }
      %reduce_sum3A_1512 = arith.constant true
      %reduce_sum3A_1513 = vector.broadcast %reduce_sum3A_1512 : i1 to vector<16xi1>
      %reduce_sum3A_1514 = tpu.scan <sum>, %add3A_1487 masked %reduce_sum3A_1513 : vector<16xf32>, vector<16xi1> -> vector<16xf32>
      %reduce_sum3A_1515 = vector.extract %reduce_sum3A_1514[15] : f32 from vector<16xf32>
      %slice3A_1516 = vector.extract_strided_slice %add3A_1490 {offsets = [0], sizes = [1], strides = [1]} : vector<16xf32> to vector<1xf32>
      %squeeze3A_1517 = vector.extract %slice3A_1516[0] : f32 from vector<1xf32>
      %add3A_1518 = arith.addf %reduce_sum3A_1515, %squeeze3A_1517 : f32
      %add3A_1519 = arith.addf %add3A_1518, %squeeze3A_312 : f32
      %eq3A_1520 = arith.constant 9 : i32
      %eq3A_1521 = vector.broadcast %eq3A_1520 : i32 to vector<16xi32>
      %eq3A_1522 = arith.cmpi eq, %iota3A, %eq3A_1521 : vector<16xi32>
      %broadcast_in_dim3A_1523 = vector.broadcast %add3A_1519 : f32 to vector<16xf32>
      %select_n3A_1524 = arith.select %eq3A_1522, %broadcast_in_dim3A_1523, %select_n3A_1423 : vector<16xi1>, vector<16xf32>
      %dma_wait3A_1525 = arith.constant 0 : i32
      %dma_wait3A_1526 = arith.constant 0 : i32
      %dma_wait3A_1527 = tpu.memref_slice %arg4[%dma_wait3A_1525, %dma_wait3A_1526] : memref<64x1000000xf32, #tpu.memory_space<hbm>> -> memref<64x128xf32, #tpu.memory_space<hbm>>
      %dma_wait3A_1528 = arith.constant 0 : i32
      %dma_wait3A_1529 = arith.constant 0 : i32
      %dma_wait3A_1530 = tpu.memref_slice %arg4[%dma_wait3A_1528, %dma_wait3A_1529] : memref<64x1000000xf32, #tpu.memory_space<hbm>> -> memref<64x128xf32, #tpu.memory_space<hbm>>
      tpu.wait_dma2 semaphore(%arg44 : memref<!tpu.dma_semaphore, #tpu.memory_space<semaphore_mem>>) src(%dma_wait3A_1530 : memref<64x128xf32, #tpu.memory_space<hbm>>) dst(%arg14 : memref<64x128xf32, #tpu.memory_space<vmem>>)
      %dma_wait3A_1531 = arith.constant 0 : i32
      %dma_wait3A_1532 = arith.constant 0 : i32
      %dma_wait3A_1533 = tpu.memref_slice %arg5[%dma_wait3A_1531, %dma_wait3A_1532] : memref<64x1000000xf32, #tpu.memory_space<hbm>> -> memref<64x128xf32, #tpu.memory_space<hbm>>
      %dma_wait3A_1534 = arith.constant 0 : i32
      %dma_wait3A_1535 = arith.constant 0 : i32
      %dma_wait3A_1536 = tpu.memref_slice %arg5[%dma_wait3A_1534, %dma_wait3A_1535] : memref<64x1000000xf32, #tpu.memory_space<hbm>> -> memref<64x128xf32, #tpu.memory_space<hbm>>
      tpu.wait_dma2 semaphore(%arg52 : memref<!tpu.dma_semaphore, #tpu.memory_space<semaphore_mem>>) src(%dma_wait3A_1536 : memref<64x128xf32, #tpu.memory_space<hbm>>) dst(%arg22 : memref<64x128xf32, #tpu.memory_space<vmem>>)
      %dma_wait3A_1537 = arith.constant 0 : i32
      %dma_wait3A_1538 = arith.constant 0 : i32
      %dma_wait3A_1539 = tpu.memref_slice %arg6[%dma_wait3A_1537, %dma_wait3A_1538] : memref<1x1000000xf32, #tpu.memory_space<hbm>> -> memref<1x128xf32, #tpu.memory_space<hbm>>
      %dma_wait3A_1540 = arith.constant 0 : i32
      %dma_wait3A_1541 = arith.constant 0 : i32
      %dma_wait3A_1542 = tpu.memref_slice %arg6[%dma_wait3A_1540, %dma_wait3A_1541] : memref<1x1000000xf32, #tpu.memory_space<hbm>> -> memref<1x128xf32, #tpu.memory_space<hbm>>
      tpu.wait_dma2 semaphore(%arg56 : memref<!tpu.dma_semaphore, #tpu.memory_space<semaphore_mem>>) src(%dma_wait3A_1542 : memref<1x128xf32, #tpu.memory_space<hbm>>) dst(%arg26 : memref<1x128xf32, #tpu.memory_space<vmem>>)
      %dma_wait3A_1543 = arith.constant 0 : i32
      %dma_wait3A_1544 = arith.constant 0 : i32
      %dma_wait3A_1545 = tpu.memref_slice %arg7[%dma_wait3A_1543, %dma_wait3A_1544] : memref<1x1000000xf32, #tpu.memory_space<hbm>> -> memref<1x128xf32, #tpu.memory_space<hbm>>
      %dma_wait3A_1546 = arith.constant 0 : i32
      %dma_wait3A_1547 = arith.constant 0 : i32
      %dma_wait3A_1548 = tpu.memref_slice %arg7[%dma_wait3A_1546, %dma_wait3A_1547] : memref<1x1000000xf32, #tpu.memory_space<hbm>> -> memref<1x128xf32, #tpu.memory_space<hbm>>
      tpu.wait_dma2 semaphore(%arg56 : memref<!tpu.dma_semaphore, #tpu.memory_space<semaphore_mem>>) src(%dma_wait3A_1548 : memref<1x128xf32, #tpu.memory_space<hbm>>) dst(%arg34 : memref<1x128xf32, #tpu.memory_space<vmem>>)
      %slice3A_1549 = vector.extract_strided_slice %get3A_326 {offsets = [10], sizes = [1], strides = [1]} : vector<16xi32> to vector<1xi32>
      %squeeze3A_1550 = vector.extract %slice3A_1549[0] : i32 from vector<1xi32>
      %and3A_1551 = arith.constant 127 : i32
      %and3A_1552 = arith.andi %squeeze3A_1550, %and3A_1551 : i32
      %broadcast_in_dim3A_1553 = vector.broadcast %and3A_1552 : i32 to vector<16xi32>
      %slice3A_1554 = vector.extract_strided_slice %get3A_330 {offsets = [10], sizes = [1], strides = [1]} : vector<16xi32> to vector<1xi32>
      %squeeze3A_1555 = vector.extract %slice3A_1554[0] : i32 from vector<1xi32>
      %and3A_1556 = arith.constant 127 : i32
      %and3A_1557 = arith.andi %squeeze3A_1555, %and3A_1556 : i32
      %broadcast_in_dim3A_1558 = vector.broadcast %and3A_1557 : i32 to vector<16xi32>
      %broadcast_in_dim3A_1559 = arith.constant 0.000000e+00 : f32
      %broadcast_in_dim3A_1560 = vector.broadcast %broadcast_in_dim3A_1559 : f32 to vector<16xf32>
      %add3A_1561 = arith.constant 0 : i32
      %add3A_1562 = vector.broadcast %add3A_1561 : i32 to vector<16xi32>
      %add3A_1563 = arith.addi %add3A_1562, %iota3A : vector<16xi32>
      %gather3A_1564 = tpu.vector_load_idx %arg14[%add3A_1563, %broadcast_in_dim3A_1553] : memref<64x128xf32, #tpu.memory_space<vmem>>[vector<16xi32>, vector<16xi32>], vector<16xf32>,
      %gather3A_1565 = tpu.vector_load_idx %arg22[%add3A_1563, %broadcast_in_dim3A_1558] : memref<64x128xf32, #tpu.memory_space<vmem>>[vector<16xi32>, vector<16xi32>], vector<16xf32>,
      %mul3A_1566 = arith.mulf %gather3A_1564, %gather3A_1565 : vector<16xf32>
      %add3A_1567 = arith.addf %broadcast_in_dim3A_1560, %mul3A_1566 : vector<16xf32>
      %add3A_1568 = arith.constant 16 : i32
      %add3A_1569 = vector.broadcast %add3A_1568 : i32 to vector<16xi32>
      %add3A_1570 = arith.addi %add3A_1569, %iota3A : vector<16xi32>
      %gather3A_1571 = tpu.vector_load_idx %arg14[%add3A_1570, %broadcast_in_dim3A_1553] : memref<64x128xf32, #tpu.memory_space<vmem>>[vector<16xi32>, vector<16xi32>], vector<16xf32>,
      %gather3A_1572 = tpu.vector_load_idx %arg22[%add3A_1570, %broadcast_in_dim3A_1558] : memref<64x128xf32, #tpu.memory_space<vmem>>[vector<16xi32>, vector<16xi32>], vector<16xf32>,
      %mul3A_1573 = arith.mulf %gather3A_1571, %gather3A_1572 : vector<16xf32>
      %add3A_1574 = arith.addf %add3A_1567, %mul3A_1573 : vector<16xf32>
      %add3A_1575 = arith.constant 32 : i32
      %add3A_1576 = vector.broadcast %add3A_1575 : i32 to vector<16xi32>
      %add3A_1577 = arith.addi %add3A_1576, %iota3A : vector<16xi32>
      %gather3A_1578 = tpu.vector_load_idx %arg14[%add3A_1577, %broadcast_in_dim3A_1553] : memref<64x128xf32, #tpu.memory_space<vmem>>[vector<16xi32>, vector<16xi32>], vector<16xf32>,
      %gather3A_1579 = tpu.vector_load_idx %arg22[%add3A_1577, %broadcast_in_dim3A_1558] : memref<64x128xf32, #tpu.memory_space<vmem>>[vector<16xi32>, vector<16xi32>], vector<16xf32>,
      %mul3A_1580 = arith.mulf %gather3A_1578, %gather3A_1579 : vector<16xf32>
      %add3A_1581 = arith.addf %add3A_1574, %mul3A_1580 : vector<16xf32>
      %add3A_1582 = arith.constant 48 : i32
      %add3A_1583 = vector.broadcast %add3A_1582 : i32 to vector<16xi32>
      %add3A_1584 = arith.addi %add3A_1583, %iota3A : vector<16xi32>
      %gather3A_1585 = tpu.vector_load_idx %arg14[%add3A_1584, %broadcast_in_dim3A_1553] : memref<64x128xf32, #tpu.memory_space<vmem>>[vector<16xi32>, vector<16xi32>], vector<16xf32>,
      %gather3A_1586 = tpu.vector_load_idx %arg22[%add3A_1584, %broadcast_in_dim3A_1558] : memref<64x128xf32, #tpu.memory_space<vmem>>[vector<16xi32>, vector<16xi32>], vector<16xf32>,
      %mul3A_1587 = arith.mulf %gather3A_1585, %gather3A_1586 : vector<16xf32>
      %add3A_1588 = arith.addf %add3A_1581, %mul3A_1587 : vector<16xf32>
      %gather3A_1589 = tpu.vector_load_idx %arg26[%broadcast_in_dim3A_313, %broadcast_in_dim3A_1553] : memref<1x128xf32, #tpu.memory_space<vmem>>[vector<16xi32>, vector<16xi32>], vector<16xf32>,
      %gather3A_1590 = tpu.vector_load_idx %arg34[%broadcast_in_dim3A_313, %broadcast_in_dim3A_1558] : memref<1x128xf32, #tpu.memory_space<vmem>>[vector<16xi32>, vector<16xi32>], vector<16xf32>,
      %add3A_1591 = arith.addf %gather3A_1589, %gather3A_1590 : vector<16xf32>
      %lt3A_1592 = arith.constant 31 : i32
      %lt3A_1593 = arith.cmpi slt, %scan3A_321, %lt3A_1592 : i32
      %convert_element_type3A_1594 = arith.extui %lt3A_1593 : i1 to i32
      %cond3A_1595 = arith.constant 0 : i32
      %cond3A_1596 = arith.cmpi ne, %convert_element_type3A_1594, %cond3A_1595 : i32
      scf.if %cond3A_1596 {
        %slice3A_2110 = vector.extract_strided_slice %get3A_337 {offsets = [2], sizes = [1], strides = [1]} : vector<16xi32> to vector<1xi32>
        %squeeze3A_2111 = vector.extract %slice3A_2110[0] : i32 from vector<1xi32>
        %shift_right_arithmetic3A_2112 = arith.constant 7 : i32
        %shift_right_arithmetic3A_2113 = arith.shrsi %squeeze3A_2111, %shift_right_arithmetic3A_2112 : i32
        %mul3A_2114 = arith.constant 128 : i32
        %mul3A_2115 = arith.muli %shift_right_arithmetic3A_2113, %mul3A_2114 : i32
        %multiple_of3A_2116 = tpu.assume_multiple %mul3A_2115, 128 : i32
        %dma_start3A_2117 = arith.constant 0 : i32
        %dma_start3A_2118 = tpu.memref_slice %arg4[%dma_start3A_2117, %multiple_of3A_2116] : memref<64x1000000xf32, #tpu.memory_space<hbm>> -> memref<64x128xf32, #tpu.memory_space<hbm>>
        %dma_start3A_2119 = arith.constant 0 : i32
        %dma_start3A_2120 = tpu.memref_slice %arg4[%dma_start3A_2119, %multiple_of3A_2116] : memref<64x1000000xf32, #tpu.memory_space<hbm>> -> memref<64x128xf32, #tpu.memory_space<hbm>>
        tpu.enqueue_dma source(%dma_start3A_2120 : memref<64x128xf32, #tpu.memory_space<hbm>>) target(%arg14 : memref<64x128xf32, #tpu.memory_space<vmem>>) target_semaphore(%arg44 : memref<!tpu.dma_semaphore, #tpu.memory_space<semaphore_mem>>)
      } else {
      }
      %slice3A_1597 = vector.extract_strided_slice %get3A_330 {offsets = [14], sizes = [1], strides = [1]} : vector<16xi32> to vector<1xi32>
      %squeeze3A_1598 = vector.extract %slice3A_1597[0] : i32 from vector<1xi32>
      %shift_right_arithmetic3A_1599 = arith.constant 7 : i32
      %shift_right_arithmetic3A_1600 = arith.shrsi %squeeze3A_1598, %shift_right_arithmetic3A_1599 : i32
      %mul3A_1601 = arith.constant 128 : i32
      %mul3A_1602 = arith.muli %shift_right_arithmetic3A_1600, %mul3A_1601 : i32
      %multiple_of3A_1603 = tpu.assume_multiple %mul3A_1602, 128 : i32
      %dma_start3A_1604 = arith.constant 0 : i32
      %dma_start3A_1605 = tpu.memref_slice %arg5[%dma_start3A_1604, %multiple_of3A_1603] : memref<64x1000000xf32, #tpu.memory_space<hbm>> -> memref<64x128xf32, #tpu.memory_space<hbm>>
      %dma_start3A_1606 = arith.constant 0 : i32
      %dma_start3A_1607 = tpu.memref_slice %arg5[%dma_start3A_1606, %multiple_of3A_1603] : memref<64x1000000xf32, #tpu.memory_space<hbm>> -> memref<64x128xf32, #tpu.memory_space<hbm>>
      tpu.enqueue_dma source(%dma_start3A_1607 : memref<64x128xf32, #tpu.memory_space<hbm>>) target(%arg22 : memref<64x128xf32, #tpu.memory_space<vmem>>) target_semaphore(%arg52 : memref<!tpu.dma_semaphore, #tpu.memory_space<semaphore_mem>>)
      %lt3A_1608 = arith.constant 31 : i32
      %lt3A_1609 = arith.cmpi slt, %scan3A_321, %lt3A_1608 : i32
      %convert_element_type3A_1610 = arith.extui %lt3A_1609 : i1 to i32
      %cond3A_1611 = arith.constant 0 : i32
      %cond3A_1612 = arith.cmpi ne, %convert_element_type3A_1610, %cond3A_1611 : i32
      scf.if %cond3A_1612 {
        %slice3A_2110 = vector.extract_strided_slice %get3A_337 {offsets = [2], sizes = [1], strides = [1]} : vector<16xi32> to vector<1xi32>
        %squeeze3A_2111 = vector.extract %slice3A_2110[0] : i32 from vector<1xi32>
        %slice3A_2112 = vector.extract_strided_slice %get3A_339 {offsets = [2], sizes = [1], strides = [1]} : vector<16xi32> to vector<1xi32>
        %squeeze3A_2113 = vector.extract %slice3A_2112[0] : i32 from vector<1xi32>
        %shift_right_arithmetic3A_2114 = arith.constant 7 : i32
        %shift_right_arithmetic3A_2115 = arith.shrsi %squeeze3A_2111, %shift_right_arithmetic3A_2114 : i32
        %mul3A_2116 = arith.constant 128 : i32
        %mul3A_2117 = arith.muli %shift_right_arithmetic3A_2115, %mul3A_2116 : i32
        %multiple_of3A_2118 = tpu.assume_multiple %mul3A_2117, 128 : i32
        %shift_right_arithmetic3A_2119 = arith.constant 7 : i32
        %shift_right_arithmetic3A_2120 = arith.shrsi %squeeze3A_2113, %shift_right_arithmetic3A_2119 : i32
        %mul3A_2121 = arith.constant 128 : i32
        %mul3A_2122 = arith.muli %shift_right_arithmetic3A_2120, %mul3A_2121 : i32
        %multiple_of3A_2123 = tpu.assume_multiple %mul3A_2122, 128 : i32
        %dma_start3A_2124 = arith.constant 0 : i32
        %dma_start3A_2125 = tpu.memref_slice %arg6[%dma_start3A_2124, %multiple_of3A_2118] : memref<1x1000000xf32, #tpu.memory_space<hbm>> -> memref<1x128xf32, #tpu.memory_space<hbm>>
        %dma_start3A_2126 = arith.constant 0 : i32
        %dma_start3A_2127 = tpu.memref_slice %arg6[%dma_start3A_2126, %multiple_of3A_2118] : memref<1x1000000xf32, #tpu.memory_space<hbm>> -> memref<1x128xf32, #tpu.memory_space<hbm>>
        tpu.enqueue_dma source(%dma_start3A_2127 : memref<1x128xf32, #tpu.memory_space<hbm>>) target(%arg26 : memref<1x128xf32, #tpu.memory_space<vmem>>) target_semaphore(%arg56 : memref<!tpu.dma_semaphore, #tpu.memory_space<semaphore_mem>>)
        %dma_start3A_2128 = arith.constant 0 : i32
        %dma_start3A_2129 = tpu.memref_slice %arg7[%dma_start3A_2128, %multiple_of3A_2123] : memref<1x1000000xf32, #tpu.memory_space<hbm>> -> memref<1x128xf32, #tpu.memory_space<hbm>>
        %dma_start3A_2130 = arith.constant 0 : i32
        %dma_start3A_2131 = tpu.memref_slice %arg7[%dma_start3A_2130, %multiple_of3A_2123] : memref<1x1000000xf32, #tpu.memory_space<hbm>> -> memref<1x128xf32, #tpu.memory_space<hbm>>
        tpu.enqueue_dma source(%dma_start3A_2131 : memref<1x128xf32, #tpu.memory_space<hbm>>) target(%arg34 : memref<1x128xf32, #tpu.memory_space<vmem>>) target_semaphore(%arg56 : memref<!tpu.dma_semaphore, #tpu.memory_space<semaphore_mem>>)
      } else {
      }
      %reduce_sum3A_1613 = arith.constant true
      %reduce_sum3A_1614 = vector.broadcast %reduce_sum3A_1613 : i1 to vector<16xi1>
      %reduce_sum3A_1615 = tpu.scan <sum>, %add3A_1588 masked %reduce_sum3A_1614 : vector<16xf32>, vector<16xi1> -> vector<16xf32>
      %reduce_sum3A_1616 = vector.extract %reduce_sum3A_1615[15] : f32 from vector<16xf32>
      %slice3A_1617 = vector.extract_strided_slice %add3A_1591 {offsets = [0], sizes = [1], strides = [1]} : vector<16xf32> to vector<1xf32>
      %squeeze3A_1618 = vector.extract %slice3A_1617[0] : f32 from vector<1xf32>
      %add3A_1619 = arith.addf %reduce_sum3A_1616, %squeeze3A_1618 : f32
      %add3A_1620 = arith.addf %add3A_1619, %squeeze3A_312 : f32
      %eq3A_1621 = arith.constant 10 : i32
      %eq3A_1622 = vector.broadcast %eq3A_1621 : i32 to vector<16xi32>
      %eq3A_1623 = arith.cmpi eq, %iota3A, %eq3A_1622 : vector<16xi32>
      %broadcast_in_dim3A_1624 = vector.broadcast %add3A_1620 : f32 to vector<16xf32>
      %select_n3A_1625 = arith.select %eq3A_1623, %broadcast_in_dim3A_1624, %select_n3A_1524 : vector<16xi1>, vector<16xf32>
      %dma_wait3A_1626 = arith.constant 0 : i32
      %dma_wait3A_1627 = arith.constant 0 : i32
      %dma_wait3A_1628 = tpu.memref_slice %arg4[%dma_wait3A_1626, %dma_wait3A_1627] : memref<64x1000000xf32, #tpu.memory_space<hbm>> -> memref<64x128xf32, #tpu.memory_space<hbm>>
      %dma_wait3A_1629 = arith.constant 0 : i32
      %dma_wait3A_1630 = arith.constant 0 : i32
      %dma_wait3A_1631 = tpu.memref_slice %arg4[%dma_wait3A_1629, %dma_wait3A_1630] : memref<64x1000000xf32, #tpu.memory_space<hbm>> -> memref<64x128xf32, #tpu.memory_space<hbm>>
      tpu.wait_dma2 semaphore(%arg45 : memref<!tpu.dma_semaphore, #tpu.memory_space<semaphore_mem>>) src(%dma_wait3A_1631 : memref<64x128xf32, #tpu.memory_space<hbm>>) dst(%arg15 : memref<64x128xf32, #tpu.memory_space<vmem>>)
      %dma_wait3A_1632 = arith.constant 0 : i32
      %dma_wait3A_1633 = arith.constant 0 : i32
      %dma_wait3A_1634 = tpu.memref_slice %arg5[%dma_wait3A_1632, %dma_wait3A_1633] : memref<64x1000000xf32, #tpu.memory_space<hbm>> -> memref<64x128xf32, #tpu.memory_space<hbm>>
      %dma_wait3A_1635 = arith.constant 0 : i32
      %dma_wait3A_1636 = arith.constant 0 : i32
      %dma_wait3A_1637 = tpu.memref_slice %arg5[%dma_wait3A_1635, %dma_wait3A_1636] : memref<64x1000000xf32, #tpu.memory_space<hbm>> -> memref<64x128xf32, #tpu.memory_space<hbm>>
      tpu.wait_dma2 semaphore(%arg53 : memref<!tpu.dma_semaphore, #tpu.memory_space<semaphore_mem>>) src(%dma_wait3A_1637 : memref<64x128xf32, #tpu.memory_space<hbm>>) dst(%arg23 : memref<64x128xf32, #tpu.memory_space<vmem>>)
      %dma_wait3A_1638 = arith.constant 0 : i32
      %dma_wait3A_1639 = arith.constant 0 : i32
      %dma_wait3A_1640 = tpu.memref_slice %arg6[%dma_wait3A_1638, %dma_wait3A_1639] : memref<1x1000000xf32, #tpu.memory_space<hbm>> -> memref<1x128xf32, #tpu.memory_space<hbm>>
      %dma_wait3A_1641 = arith.constant 0 : i32
      %dma_wait3A_1642 = arith.constant 0 : i32
      %dma_wait3A_1643 = tpu.memref_slice %arg6[%dma_wait3A_1641, %dma_wait3A_1642] : memref<1x1000000xf32, #tpu.memory_space<hbm>> -> memref<1x128xf32, #tpu.memory_space<hbm>>
      tpu.wait_dma2 semaphore(%arg57 : memref<!tpu.dma_semaphore, #tpu.memory_space<semaphore_mem>>) src(%dma_wait3A_1643 : memref<1x128xf32, #tpu.memory_space<hbm>>) dst(%arg27 : memref<1x128xf32, #tpu.memory_space<vmem>>)
      %dma_wait3A_1644 = arith.constant 0 : i32
      %dma_wait3A_1645 = arith.constant 0 : i32
      %dma_wait3A_1646 = tpu.memref_slice %arg7[%dma_wait3A_1644, %dma_wait3A_1645] : memref<1x1000000xf32, #tpu.memory_space<hbm>> -> memref<1x128xf32, #tpu.memory_space<hbm>>
      %dma_wait3A_1647 = arith.constant 0 : i32
      %dma_wait3A_1648 = arith.constant 0 : i32
      %dma_wait3A_1649 = tpu.memref_slice %arg7[%dma_wait3A_1647, %dma_wait3A_1648] : memref<1x1000000xf32, #tpu.memory_space<hbm>> -> memref<1x128xf32, #tpu.memory_space<hbm>>
      tpu.wait_dma2 semaphore(%arg57 : memref<!tpu.dma_semaphore, #tpu.memory_space<semaphore_mem>>) src(%dma_wait3A_1649 : memref<1x128xf32, #tpu.memory_space<hbm>>) dst(%arg35 : memref<1x128xf32, #tpu.memory_space<vmem>>)
      %slice3A_1650 = vector.extract_strided_slice %get3A_326 {offsets = [11], sizes = [1], strides = [1]} : vector<16xi32> to vector<1xi32>
      %squeeze3A_1651 = vector.extract %slice3A_1650[0] : i32 from vector<1xi32>
      %and3A_1652 = arith.constant 127 : i32
      %and3A_1653 = arith.andi %squeeze3A_1651, %and3A_1652 : i32
      %broadcast_in_dim3A_1654 = vector.broadcast %and3A_1653 : i32 to vector<16xi32>
      %slice3A_1655 = vector.extract_strided_slice %get3A_330 {offsets = [11], sizes = [1], strides = [1]} : vector<16xi32> to vector<1xi32>
      %squeeze3A_1656 = vector.extract %slice3A_1655[0] : i32 from vector<1xi32>
      %and3A_1657 = arith.constant 127 : i32
      %and3A_1658 = arith.andi %squeeze3A_1656, %and3A_1657 : i32
      %broadcast_in_dim3A_1659 = vector.broadcast %and3A_1658 : i32 to vector<16xi32>
      %broadcast_in_dim3A_1660 = arith.constant 0.000000e+00 : f32
      %broadcast_in_dim3A_1661 = vector.broadcast %broadcast_in_dim3A_1660 : f32 to vector<16xf32>
      %add3A_1662 = arith.constant 0 : i32
      %add3A_1663 = vector.broadcast %add3A_1662 : i32 to vector<16xi32>
      %add3A_1664 = arith.addi %add3A_1663, %iota3A : vector<16xi32>
      %gather3A_1665 = tpu.vector_load_idx %arg15[%add3A_1664, %broadcast_in_dim3A_1654] : memref<64x128xf32, #tpu.memory_space<vmem>>[vector<16xi32>, vector<16xi32>], vector<16xf32>,
      %gather3A_1666 = tpu.vector_load_idx %arg23[%add3A_1664, %broadcast_in_dim3A_1659] : memref<64x128xf32, #tpu.memory_space<vmem>>[vector<16xi32>, vector<16xi32>], vector<16xf32>,
      %mul3A_1667 = arith.mulf %gather3A_1665, %gather3A_1666 : vector<16xf32>
      %add3A_1668 = arith.addf %broadcast_in_dim3A_1661, %mul3A_1667 : vector<16xf32>
      %add3A_1669 = arith.constant 16 : i32
      %add3A_1670 = vector.broadcast %add3A_1669 : i32 to vector<16xi32>
      %add3A_1671 = arith.addi %add3A_1670, %iota3A : vector<16xi32>
      %gather3A_1672 = tpu.vector_load_idx %arg15[%add3A_1671, %broadcast_in_dim3A_1654] : memref<64x128xf32, #tpu.memory_space<vmem>>[vector<16xi32>, vector<16xi32>], vector<16xf32>,
      %gather3A_1673 = tpu.vector_load_idx %arg23[%add3A_1671, %broadcast_in_dim3A_1659] : memref<64x128xf32, #tpu.memory_space<vmem>>[vector<16xi32>, vector<16xi32>], vector<16xf32>,
      %mul3A_1674 = arith.mulf %gather3A_1672, %gather3A_1673 : vector<16xf32>
      %add3A_1675 = arith.addf %add3A_1668, %mul3A_1674 : vector<16xf32>
      %add3A_1676 = arith.constant 32 : i32
      %add3A_1677 = vector.broadcast %add3A_1676 : i32 to vector<16xi32>
      %add3A_1678 = arith.addi %add3A_1677, %iota3A : vector<16xi32>
      %gather3A_1679 = tpu.vector_load_idx %arg15[%add3A_1678, %broadcast_in_dim3A_1654] : memref<64x128xf32, #tpu.memory_space<vmem>>[vector<16xi32>, vector<16xi32>], vector<16xf32>,
      %gather3A_1680 = tpu.vector_load_idx %arg23[%add3A_1678, %broadcast_in_dim3A_1659] : memref<64x128xf32, #tpu.memory_space<vmem>>[vector<16xi32>, vector<16xi32>], vector<16xf32>,
      %mul3A_1681 = arith.mulf %gather3A_1679, %gather3A_1680 : vector<16xf32>
      %add3A_1682 = arith.addf %add3A_1675, %mul3A_1681 : vector<16xf32>
      %add3A_1683 = arith.constant 48 : i32
      %add3A_1684 = vector.broadcast %add3A_1683 : i32 to vector<16xi32>
      %add3A_1685 = arith.addi %add3A_1684, %iota3A : vector<16xi32>
      %gather3A_1686 = tpu.vector_load_idx %arg15[%add3A_1685, %broadcast_in_dim3A_1654] : memref<64x128xf32, #tpu.memory_space<vmem>>[vector<16xi32>, vector<16xi32>], vector<16xf32>,
      %gather3A_1687 = tpu.vector_load_idx %arg23[%add3A_1685, %broadcast_in_dim3A_1659] : memref<64x128xf32, #tpu.memory_space<vmem>>[vector<16xi32>, vector<16xi32>], vector<16xf32>,
      %mul3A_1688 = arith.mulf %gather3A_1686, %gather3A_1687 : vector<16xf32>
      %add3A_1689 = arith.addf %add3A_1682, %mul3A_1688 : vector<16xf32>
      %gather3A_1690 = tpu.vector_load_idx %arg27[%broadcast_in_dim3A_313, %broadcast_in_dim3A_1654] : memref<1x128xf32, #tpu.memory_space<vmem>>[vector<16xi32>, vector<16xi32>], vector<16xf32>,
      %gather3A_1691 = tpu.vector_load_idx %arg35[%broadcast_in_dim3A_313, %broadcast_in_dim3A_1659] : memref<1x128xf32, #tpu.memory_space<vmem>>[vector<16xi32>, vector<16xi32>], vector<16xf32>,
      %add3A_1692 = arith.addf %gather3A_1690, %gather3A_1691 : vector<16xf32>
      %lt3A_1693 = arith.constant 31 : i32
      %lt3A_1694 = arith.cmpi slt, %scan3A_321, %lt3A_1693 : i32
      %convert_element_type3A_1695 = arith.extui %lt3A_1694 : i1 to i32
      %cond3A_1696 = arith.constant 0 : i32
      %cond3A_1697 = arith.cmpi ne, %convert_element_type3A_1695, %cond3A_1696 : i32
      scf.if %cond3A_1697 {
        %slice3A_2110 = vector.extract_strided_slice %get3A_337 {offsets = [3], sizes = [1], strides = [1]} : vector<16xi32> to vector<1xi32>
        %squeeze3A_2111 = vector.extract %slice3A_2110[0] : i32 from vector<1xi32>
        %shift_right_arithmetic3A_2112 = arith.constant 7 : i32
        %shift_right_arithmetic3A_2113 = arith.shrsi %squeeze3A_2111, %shift_right_arithmetic3A_2112 : i32
        %mul3A_2114 = arith.constant 128 : i32
        %mul3A_2115 = arith.muli %shift_right_arithmetic3A_2113, %mul3A_2114 : i32
        %multiple_of3A_2116 = tpu.assume_multiple %mul3A_2115, 128 : i32
        %dma_start3A_2117 = arith.constant 0 : i32
        %dma_start3A_2118 = tpu.memref_slice %arg4[%dma_start3A_2117, %multiple_of3A_2116] : memref<64x1000000xf32, #tpu.memory_space<hbm>> -> memref<64x128xf32, #tpu.memory_space<hbm>>
        %dma_start3A_2119 = arith.constant 0 : i32
        %dma_start3A_2120 = tpu.memref_slice %arg4[%dma_start3A_2119, %multiple_of3A_2116] : memref<64x1000000xf32, #tpu.memory_space<hbm>> -> memref<64x128xf32, #tpu.memory_space<hbm>>
        tpu.enqueue_dma source(%dma_start3A_2120 : memref<64x128xf32, #tpu.memory_space<hbm>>) target(%arg15 : memref<64x128xf32, #tpu.memory_space<vmem>>) target_semaphore(%arg45 : memref<!tpu.dma_semaphore, #tpu.memory_space<semaphore_mem>>)
      } else {
      }
      %slice3A_1698 = vector.extract_strided_slice %get3A_330 {offsets = [15], sizes = [1], strides = [1]} : vector<16xi32> to vector<1xi32>
      %squeeze3A_1699 = vector.extract %slice3A_1698[0] : i32 from vector<1xi32>
      %shift_right_arithmetic3A_1700 = arith.constant 7 : i32
      %shift_right_arithmetic3A_1701 = arith.shrsi %squeeze3A_1699, %shift_right_arithmetic3A_1700 : i32
      %mul3A_1702 = arith.constant 128 : i32
      %mul3A_1703 = arith.muli %shift_right_arithmetic3A_1701, %mul3A_1702 : i32
      %multiple_of3A_1704 = tpu.assume_multiple %mul3A_1703, 128 : i32
      %dma_start3A_1705 = arith.constant 0 : i32
      %dma_start3A_1706 = tpu.memref_slice %arg5[%dma_start3A_1705, %multiple_of3A_1704] : memref<64x1000000xf32, #tpu.memory_space<hbm>> -> memref<64x128xf32, #tpu.memory_space<hbm>>
      %dma_start3A_1707 = arith.constant 0 : i32
      %dma_start3A_1708 = tpu.memref_slice %arg5[%dma_start3A_1707, %multiple_of3A_1704] : memref<64x1000000xf32, #tpu.memory_space<hbm>> -> memref<64x128xf32, #tpu.memory_space<hbm>>
      tpu.enqueue_dma source(%dma_start3A_1708 : memref<64x128xf32, #tpu.memory_space<hbm>>) target(%arg23 : memref<64x128xf32, #tpu.memory_space<vmem>>) target_semaphore(%arg53 : memref<!tpu.dma_semaphore, #tpu.memory_space<semaphore_mem>>)
      %lt3A_1709 = arith.constant 31 : i32
      %lt3A_1710 = arith.cmpi slt, %scan3A_321, %lt3A_1709 : i32
      %convert_element_type3A_1711 = arith.extui %lt3A_1710 : i1 to i32
      %cond3A_1712 = arith.constant 0 : i32
      %cond3A_1713 = arith.cmpi ne, %convert_element_type3A_1711, %cond3A_1712 : i32
      scf.if %cond3A_1713 {
        %slice3A_2110 = vector.extract_strided_slice %get3A_337 {offsets = [3], sizes = [1], strides = [1]} : vector<16xi32> to vector<1xi32>
        %squeeze3A_2111 = vector.extract %slice3A_2110[0] : i32 from vector<1xi32>
        %slice3A_2112 = vector.extract_strided_slice %get3A_339 {offsets = [3], sizes = [1], strides = [1]} : vector<16xi32> to vector<1xi32>
        %squeeze3A_2113 = vector.extract %slice3A_2112[0] : i32 from vector<1xi32>
        %shift_right_arithmetic3A_2114 = arith.constant 7 : i32
        %shift_right_arithmetic3A_2115 = arith.shrsi %squeeze3A_2111, %shift_right_arithmetic3A_2114 : i32
        %mul3A_2116 = arith.constant 128 : i32
        %mul3A_2117 = arith.muli %shift_right_arithmetic3A_2115, %mul3A_2116 : i32
        %multiple_of3A_2118 = tpu.assume_multiple %mul3A_2117, 128 : i32
        %shift_right_arithmetic3A_2119 = arith.constant 7 : i32
        %shift_right_arithmetic3A_2120 = arith.shrsi %squeeze3A_2113, %shift_right_arithmetic3A_2119 : i32
        %mul3A_2121 = arith.constant 128 : i32
        %mul3A_2122 = arith.muli %shift_right_arithmetic3A_2120, %mul3A_2121 : i32
        %multiple_of3A_2123 = tpu.assume_multiple %mul3A_2122, 128 : i32
        %dma_start3A_2124 = arith.constant 0 : i32
        %dma_start3A_2125 = tpu.memref_slice %arg6[%dma_start3A_2124, %multiple_of3A_2118] : memref<1x1000000xf32, #tpu.memory_space<hbm>> -> memref<1x128xf32, #tpu.memory_space<hbm>>
        %dma_start3A_2126 = arith.constant 0 : i32
        %dma_start3A_2127 = tpu.memref_slice %arg6[%dma_start3A_2126, %multiple_of3A_2118] : memref<1x1000000xf32, #tpu.memory_space<hbm>> -> memref<1x128xf32, #tpu.memory_space<hbm>>
        tpu.enqueue_dma source(%dma_start3A_2127 : memref<1x128xf32, #tpu.memory_space<hbm>>) target(%arg27 : memref<1x128xf32, #tpu.memory_space<vmem>>) target_semaphore(%arg57 : memref<!tpu.dma_semaphore, #tpu.memory_space<semaphore_mem>>)
        %dma_start3A_2128 = arith.constant 0 : i32
        %dma_start3A_2129 = tpu.memref_slice %arg7[%dma_start3A_2128, %multiple_of3A_2123] : memref<1x1000000xf32, #tpu.memory_space<hbm>> -> memref<1x128xf32, #tpu.memory_space<hbm>>
        %dma_start3A_2130 = arith.constant 0 : i32
        %dma_start3A_2131 = tpu.memref_slice %arg7[%dma_start3A_2130, %multiple_of3A_2123] : memref<1x1000000xf32, #tpu.memory_space<hbm>> -> memref<1x128xf32, #tpu.memory_space<hbm>>
        tpu.enqueue_dma source(%dma_start3A_2131 : memref<1x128xf32, #tpu.memory_space<hbm>>) target(%arg35 : memref<1x128xf32, #tpu.memory_space<vmem>>) target_semaphore(%arg57 : memref<!tpu.dma_semaphore, #tpu.memory_space<semaphore_mem>>)
      } else {
      }
      %reduce_sum3A_1714 = arith.constant true
      %reduce_sum3A_1715 = vector.broadcast %reduce_sum3A_1714 : i1 to vector<16xi1>
      %reduce_sum3A_1716 = tpu.scan <sum>, %add3A_1689 masked %reduce_sum3A_1715 : vector<16xf32>, vector<16xi1> -> vector<16xf32>
      %reduce_sum3A_1717 = vector.extract %reduce_sum3A_1716[15] : f32 from vector<16xf32>
      %slice3A_1718 = vector.extract_strided_slice %add3A_1692 {offsets = [0], sizes = [1], strides = [1]} : vector<16xf32> to vector<1xf32>
      %squeeze3A_1719 = vector.extract %slice3A_1718[0] : f32 from vector<1xf32>
      %add3A_1720 = arith.addf %reduce_sum3A_1717, %squeeze3A_1719 : f32
      %add3A_1721 = arith.addf %add3A_1720, %squeeze3A_312 : f32
      %eq3A_1722 = arith.constant 11 : i32
      %eq3A_1723 = vector.broadcast %eq3A_1722 : i32 to vector<16xi32>
      %eq3A_1724 = arith.cmpi eq, %iota3A, %eq3A_1723 : vector<16xi32>
      %broadcast_in_dim3A_1725 = vector.broadcast %add3A_1721 : f32 to vector<16xf32>
      %select_n3A_1726 = arith.select %eq3A_1724, %broadcast_in_dim3A_1725, %select_n3A_1625 : vector<16xi1>, vector<16xf32>
      %dma_wait3A_1727 = arith.constant 0 : i32
      %dma_wait3A_1728 = arith.constant 0 : i32
      %dma_wait3A_1729 = tpu.memref_slice %arg4[%dma_wait3A_1727, %dma_wait3A_1728] : memref<64x1000000xf32, #tpu.memory_space<hbm>> -> memref<64x128xf32, #tpu.memory_space<hbm>>
      %dma_wait3A_1730 = arith.constant 0 : i32
      %dma_wait3A_1731 = arith.constant 0 : i32
      %dma_wait3A_1732 = tpu.memref_slice %arg4[%dma_wait3A_1730, %dma_wait3A_1731] : memref<64x1000000xf32, #tpu.memory_space<hbm>> -> memref<64x128xf32, #tpu.memory_space<hbm>>
      tpu.wait_dma2 semaphore(%arg46 : memref<!tpu.dma_semaphore, #tpu.memory_space<semaphore_mem>>) src(%dma_wait3A_1732 : memref<64x128xf32, #tpu.memory_space<hbm>>) dst(%arg16 : memref<64x128xf32, #tpu.memory_space<vmem>>)
      %dma_wait3A_1733 = arith.constant 0 : i32
      %dma_wait3A_1734 = arith.constant 0 : i32
      %dma_wait3A_1735 = tpu.memref_slice %arg5[%dma_wait3A_1733, %dma_wait3A_1734] : memref<64x1000000xf32, #tpu.memory_space<hbm>> -> memref<64x128xf32, #tpu.memory_space<hbm>>
      %dma_wait3A_1736 = arith.constant 0 : i32
      %dma_wait3A_1737 = arith.constant 0 : i32
      %dma_wait3A_1738 = tpu.memref_slice %arg5[%dma_wait3A_1736, %dma_wait3A_1737] : memref<64x1000000xf32, #tpu.memory_space<hbm>> -> memref<64x128xf32, #tpu.memory_space<hbm>>
      tpu.wait_dma2 semaphore(%arg50 : memref<!tpu.dma_semaphore, #tpu.memory_space<semaphore_mem>>) src(%dma_wait3A_1738 : memref<64x128xf32, #tpu.memory_space<hbm>>) dst(%arg20 : memref<64x128xf32, #tpu.memory_space<vmem>>)
      %dma_wait3A_1739 = arith.constant 0 : i32
      %dma_wait3A_1740 = arith.constant 0 : i32
      %dma_wait3A_1741 = tpu.memref_slice %arg6[%dma_wait3A_1739, %dma_wait3A_1740] : memref<1x1000000xf32, #tpu.memory_space<hbm>> -> memref<1x128xf32, #tpu.memory_space<hbm>>
      %dma_wait3A_1742 = arith.constant 0 : i32
      %dma_wait3A_1743 = arith.constant 0 : i32
      %dma_wait3A_1744 = tpu.memref_slice %arg6[%dma_wait3A_1742, %dma_wait3A_1743] : memref<1x1000000xf32, #tpu.memory_space<hbm>> -> memref<1x128xf32, #tpu.memory_space<hbm>>
      tpu.wait_dma2 semaphore(%arg58 : memref<!tpu.dma_semaphore, #tpu.memory_space<semaphore_mem>>) src(%dma_wait3A_1744 : memref<1x128xf32, #tpu.memory_space<hbm>>) dst(%arg28 : memref<1x128xf32, #tpu.memory_space<vmem>>)
      %dma_wait3A_1745 = arith.constant 0 : i32
      %dma_wait3A_1746 = arith.constant 0 : i32
      %dma_wait3A_1747 = tpu.memref_slice %arg7[%dma_wait3A_1745, %dma_wait3A_1746] : memref<1x1000000xf32, #tpu.memory_space<hbm>> -> memref<1x128xf32, #tpu.memory_space<hbm>>
      %dma_wait3A_1748 = arith.constant 0 : i32
      %dma_wait3A_1749 = arith.constant 0 : i32
      %dma_wait3A_1750 = tpu.memref_slice %arg7[%dma_wait3A_1748, %dma_wait3A_1749] : memref<1x1000000xf32, #tpu.memory_space<hbm>> -> memref<1x128xf32, #tpu.memory_space<hbm>>
      tpu.wait_dma2 semaphore(%arg58 : memref<!tpu.dma_semaphore, #tpu.memory_space<semaphore_mem>>) src(%dma_wait3A_1750 : memref<1x128xf32, #tpu.memory_space<hbm>>) dst(%arg36 : memref<1x128xf32, #tpu.memory_space<vmem>>)
      %slice3A_1751 = vector.extract_strided_slice %get3A_326 {offsets = [12], sizes = [1], strides = [1]} : vector<16xi32> to vector<1xi32>
      %squeeze3A_1752 = vector.extract %slice3A_1751[0] : i32 from vector<1xi32>
      %and3A_1753 = arith.constant 127 : i32
      %and3A_1754 = arith.andi %squeeze3A_1752, %and3A_1753 : i32
      %broadcast_in_dim3A_1755 = vector.broadcast %and3A_1754 : i32 to vector<16xi32>
      %slice3A_1756 = vector.extract_strided_slice %get3A_330 {offsets = [12], sizes = [1], strides = [1]} : vector<16xi32> to vector<1xi32>
      %squeeze3A_1757 = vector.extract %slice3A_1756[0] : i32 from vector<1xi32>
      %and3A_1758 = arith.constant 127 : i32
      %and3A_1759 = arith.andi %squeeze3A_1757, %and3A_1758 : i32
      %broadcast_in_dim3A_1760 = vector.broadcast %and3A_1759 : i32 to vector<16xi32>
      %broadcast_in_dim3A_1761 = arith.constant 0.000000e+00 : f32
      %broadcast_in_dim3A_1762 = vector.broadcast %broadcast_in_dim3A_1761 : f32 to vector<16xf32>
      %add3A_1763 = arith.constant 0 : i32
      %add3A_1764 = vector.broadcast %add3A_1763 : i32 to vector<16xi32>
      %add3A_1765 = arith.addi %add3A_1764, %iota3A : vector<16xi32>
      %gather3A_1766 = tpu.vector_load_idx %arg16[%add3A_1765, %broadcast_in_dim3A_1755] : memref<64x128xf32, #tpu.memory_space<vmem>>[vector<16xi32>, vector<16xi32>], vector<16xf32>,
      %gather3A_1767 = tpu.vector_load_idx %arg20[%add3A_1765, %broadcast_in_dim3A_1760] : memref<64x128xf32, #tpu.memory_space<vmem>>[vector<16xi32>, vector<16xi32>], vector<16xf32>,
      %mul3A_1768 = arith.mulf %gather3A_1766, %gather3A_1767 : vector<16xf32>
      %add3A_1769 = arith.addf %broadcast_in_dim3A_1762, %mul3A_1768 : vector<16xf32>
      %add3A_1770 = arith.constant 16 : i32
      %add3A_1771 = vector.broadcast %add3A_1770 : i32 to vector<16xi32>
      %add3A_1772 = arith.addi %add3A_1771, %iota3A : vector<16xi32>
      %gather3A_1773 = tpu.vector_load_idx %arg16[%add3A_1772, %broadcast_in_dim3A_1755] : memref<64x128xf32, #tpu.memory_space<vmem>>[vector<16xi32>, vector<16xi32>], vector<16xf32>,
      %gather3A_1774 = tpu.vector_load_idx %arg20[%add3A_1772, %broadcast_in_dim3A_1760] : memref<64x128xf32, #tpu.memory_space<vmem>>[vector<16xi32>, vector<16xi32>], vector<16xf32>,
      %mul3A_1775 = arith.mulf %gather3A_1773, %gather3A_1774 : vector<16xf32>
      %add3A_1776 = arith.addf %add3A_1769, %mul3A_1775 : vector<16xf32>
      %add3A_1777 = arith.constant 32 : i32
      %add3A_1778 = vector.broadcast %add3A_1777 : i32 to vector<16xi32>
      %add3A_1779 = arith.addi %add3A_1778, %iota3A : vector<16xi32>
      %gather3A_1780 = tpu.vector_load_idx %arg16[%add3A_1779, %broadcast_in_dim3A_1755] : memref<64x128xf32, #tpu.memory_space<vmem>>[vector<16xi32>, vector<16xi32>], vector<16xf32>,
      %gather3A_1781 = tpu.vector_load_idx %arg20[%add3A_1779, %broadcast_in_dim3A_1760] : memref<64x128xf32, #tpu.memory_space<vmem>>[vector<16xi32>, vector<16xi32>], vector<16xf32>,
      %mul3A_1782 = arith.mulf %gather3A_1780, %gather3A_1781 : vector<16xf32>
      %add3A_1783 = arith.addf %add3A_1776, %mul3A_1782 : vector<16xf32>
      %add3A_1784 = arith.constant 48 : i32
      %add3A_1785 = vector.broadcast %add3A_1784 : i32 to vector<16xi32>
      %add3A_1786 = arith.addi %add3A_1785, %iota3A : vector<16xi32>
      %gather3A_1787 = tpu.vector_load_idx %arg16[%add3A_1786, %broadcast_in_dim3A_1755] : memref<64x128xf32, #tpu.memory_space<vmem>>[vector<16xi32>, vector<16xi32>], vector<16xf32>,
      %gather3A_1788 = tpu.vector_load_idx %arg20[%add3A_1786, %broadcast_in_dim3A_1760] : memref<64x128xf32, #tpu.memory_space<vmem>>[vector<16xi32>, vector<16xi32>], vector<16xf32>,
      %mul3A_1789 = arith.mulf %gather3A_1787, %gather3A_1788 : vector<16xf32>
      %add3A_1790 = arith.addf %add3A_1783, %mul3A_1789 : vector<16xf32>
      %gather3A_1791 = tpu.vector_load_idx %arg28[%broadcast_in_dim3A_313, %broadcast_in_dim3A_1755] : memref<1x128xf32, #tpu.memory_space<vmem>>[vector<16xi32>, vector<16xi32>], vector<16xf32>,
      %gather3A_1792 = tpu.vector_load_idx %arg36[%broadcast_in_dim3A_313, %broadcast_in_dim3A_1760] : memref<1x128xf32, #tpu.memory_space<vmem>>[vector<16xi32>, vector<16xi32>], vector<16xf32>,
      %add3A_1793 = arith.addf %gather3A_1791, %gather3A_1792 : vector<16xf32>
      %lt3A_1794 = arith.constant 31 : i32
      %lt3A_1795 = arith.cmpi slt, %scan3A_321, %lt3A_1794 : i32
      %convert_element_type3A_1796 = arith.extui %lt3A_1795 : i1 to i32
      %cond3A_1797 = arith.constant 0 : i32
      %cond3A_1798 = arith.cmpi ne, %convert_element_type3A_1796, %cond3A_1797 : i32
      scf.if %cond3A_1798 {
        %slice3A_2110 = vector.extract_strided_slice %get3A_337 {offsets = [4], sizes = [1], strides = [1]} : vector<16xi32> to vector<1xi32>
        %squeeze3A_2111 = vector.extract %slice3A_2110[0] : i32 from vector<1xi32>
        %shift_right_arithmetic3A_2112 = arith.constant 7 : i32
        %shift_right_arithmetic3A_2113 = arith.shrsi %squeeze3A_2111, %shift_right_arithmetic3A_2112 : i32
        %mul3A_2114 = arith.constant 128 : i32
        %mul3A_2115 = arith.muli %shift_right_arithmetic3A_2113, %mul3A_2114 : i32
        %multiple_of3A_2116 = tpu.assume_multiple %mul3A_2115, 128 : i32
        %dma_start3A_2117 = arith.constant 0 : i32
        %dma_start3A_2118 = tpu.memref_slice %arg4[%dma_start3A_2117, %multiple_of3A_2116] : memref<64x1000000xf32, #tpu.memory_space<hbm>> -> memref<64x128xf32, #tpu.memory_space<hbm>>
        %dma_start3A_2119 = arith.constant 0 : i32
        %dma_start3A_2120 = tpu.memref_slice %arg4[%dma_start3A_2119, %multiple_of3A_2116] : memref<64x1000000xf32, #tpu.memory_space<hbm>> -> memref<64x128xf32, #tpu.memory_space<hbm>>
        tpu.enqueue_dma source(%dma_start3A_2120 : memref<64x128xf32, #tpu.memory_space<hbm>>) target(%arg16 : memref<64x128xf32, #tpu.memory_space<vmem>>) target_semaphore(%arg46 : memref<!tpu.dma_semaphore, #tpu.memory_space<semaphore_mem>>)
      } else {
      }
      %lt3A_1799 = arith.constant 31 : i32
      %lt3A_1800 = arith.cmpi slt, %scan3A_321, %lt3A_1799 : i32
      %convert_element_type3A_1801 = arith.extui %lt3A_1800 : i1 to i32
      %cond3A_1802 = arith.constant 0 : i32
      %cond3A_1803 = arith.cmpi ne, %convert_element_type3A_1801, %cond3A_1802 : i32
      scf.if %cond3A_1803 {
        %slice3A_2110 = vector.extract_strided_slice %get3A_339 {offsets = [0], sizes = [1], strides = [1]} : vector<16xi32> to vector<1xi32>
        %squeeze3A_2111 = vector.extract %slice3A_2110[0] : i32 from vector<1xi32>
        %shift_right_arithmetic3A_2112 = arith.constant 7 : i32
        %shift_right_arithmetic3A_2113 = arith.shrsi %squeeze3A_2111, %shift_right_arithmetic3A_2112 : i32
        %mul3A_2114 = arith.constant 128 : i32
        %mul3A_2115 = arith.muli %shift_right_arithmetic3A_2113, %mul3A_2114 : i32
        %multiple_of3A_2116 = tpu.assume_multiple %mul3A_2115, 128 : i32
        %dma_start3A_2117 = arith.constant 0 : i32
        %dma_start3A_2118 = tpu.memref_slice %arg5[%dma_start3A_2117, %multiple_of3A_2116] : memref<64x1000000xf32, #tpu.memory_space<hbm>> -> memref<64x128xf32, #tpu.memory_space<hbm>>
        %dma_start3A_2119 = arith.constant 0 : i32
        %dma_start3A_2120 = tpu.memref_slice %arg5[%dma_start3A_2119, %multiple_of3A_2116] : memref<64x1000000xf32, #tpu.memory_space<hbm>> -> memref<64x128xf32, #tpu.memory_space<hbm>>
        tpu.enqueue_dma source(%dma_start3A_2120 : memref<64x128xf32, #tpu.memory_space<hbm>>) target(%arg20 : memref<64x128xf32, #tpu.memory_space<vmem>>) target_semaphore(%arg50 : memref<!tpu.dma_semaphore, #tpu.memory_space<semaphore_mem>>)
      } else {
      }
      %lt3A_1804 = arith.constant 31 : i32
      %lt3A_1805 = arith.cmpi slt, %scan3A_321, %lt3A_1804 : i32
      %convert_element_type3A_1806 = arith.extui %lt3A_1805 : i1 to i32
      %cond3A_1807 = arith.constant 0 : i32
      %cond3A_1808 = arith.cmpi ne, %convert_element_type3A_1806, %cond3A_1807 : i32
      scf.if %cond3A_1808 {
        %slice3A_2110 = vector.extract_strided_slice %get3A_337 {offsets = [4], sizes = [1], strides = [1]} : vector<16xi32> to vector<1xi32>
        %squeeze3A_2111 = vector.extract %slice3A_2110[0] : i32 from vector<1xi32>
        %slice3A_2112 = vector.extract_strided_slice %get3A_339 {offsets = [4], sizes = [1], strides = [1]} : vector<16xi32> to vector<1xi32>
        %squeeze3A_2113 = vector.extract %slice3A_2112[0] : i32 from vector<1xi32>
        %shift_right_arithmetic3A_2114 = arith.constant 7 : i32
        %shift_right_arithmetic3A_2115 = arith.shrsi %squeeze3A_2111, %shift_right_arithmetic3A_2114 : i32
        %mul3A_2116 = arith.constant 128 : i32
        %mul3A_2117 = arith.muli %shift_right_arithmetic3A_2115, %mul3A_2116 : i32
        %multiple_of3A_2118 = tpu.assume_multiple %mul3A_2117, 128 : i32
        %shift_right_arithmetic3A_2119 = arith.constant 7 : i32
        %shift_right_arithmetic3A_2120 = arith.shrsi %squeeze3A_2113, %shift_right_arithmetic3A_2119 : i32
        %mul3A_2121 = arith.constant 128 : i32
        %mul3A_2122 = arith.muli %shift_right_arithmetic3A_2120, %mul3A_2121 : i32
        %multiple_of3A_2123 = tpu.assume_multiple %mul3A_2122, 128 : i32
        %dma_start3A_2124 = arith.constant 0 : i32
        %dma_start3A_2125 = tpu.memref_slice %arg6[%dma_start3A_2124, %multiple_of3A_2118] : memref<1x1000000xf32, #tpu.memory_space<hbm>> -> memref<1x128xf32, #tpu.memory_space<hbm>>
        %dma_start3A_2126 = arith.constant 0 : i32
        %dma_start3A_2127 = tpu.memref_slice %arg6[%dma_start3A_2126, %multiple_of3A_2118] : memref<1x1000000xf32, #tpu.memory_space<hbm>> -> memref<1x128xf32, #tpu.memory_space<hbm>>
        tpu.enqueue_dma source(%dma_start3A_2127 : memref<1x128xf32, #tpu.memory_space<hbm>>) target(%arg28 : memref<1x128xf32, #tpu.memory_space<vmem>>) target_semaphore(%arg58 : memref<!tpu.dma_semaphore, #tpu.memory_space<semaphore_mem>>)
        %dma_start3A_2128 = arith.constant 0 : i32
        %dma_start3A_2129 = tpu.memref_slice %arg7[%dma_start3A_2128, %multiple_of3A_2123] : memref<1x1000000xf32, #tpu.memory_space<hbm>> -> memref<1x128xf32, #tpu.memory_space<hbm>>
        %dma_start3A_2130 = arith.constant 0 : i32
        %dma_start3A_2131 = tpu.memref_slice %arg7[%dma_start3A_2130, %multiple_of3A_2123] : memref<1x1000000xf32, #tpu.memory_space<hbm>> -> memref<1x128xf32, #tpu.memory_space<hbm>>
        tpu.enqueue_dma source(%dma_start3A_2131 : memref<1x128xf32, #tpu.memory_space<hbm>>) target(%arg36 : memref<1x128xf32, #tpu.memory_space<vmem>>) target_semaphore(%arg58 : memref<!tpu.dma_semaphore, #tpu.memory_space<semaphore_mem>>)
      } else {
      }
      %reduce_sum3A_1809 = arith.constant true
      %reduce_sum3A_1810 = vector.broadcast %reduce_sum3A_1809 : i1 to vector<16xi1>
      %reduce_sum3A_1811 = tpu.scan <sum>, %add3A_1790 masked %reduce_sum3A_1810 : vector<16xf32>, vector<16xi1> -> vector<16xf32>
      %reduce_sum3A_1812 = vector.extract %reduce_sum3A_1811[15] : f32 from vector<16xf32>
      %slice3A_1813 = vector.extract_strided_slice %add3A_1793 {offsets = [0], sizes = [1], strides = [1]} : vector<16xf32> to vector<1xf32>
      %squeeze3A_1814 = vector.extract %slice3A_1813[0] : f32 from vector<1xf32>
      %add3A_1815 = arith.addf %reduce_sum3A_1812, %squeeze3A_1814 : f32
      %add3A_1816 = arith.addf %add3A_1815, %squeeze3A_312 : f32
      %eq3A_1817 = arith.constant 12 : i32
      %eq3A_1818 = vector.broadcast %eq3A_1817 : i32 to vector<16xi32>
      %eq3A_1819 = arith.cmpi eq, %iota3A, %eq3A_1818 : vector<16xi32>
      %broadcast_in_dim3A_1820 = vector.broadcast %add3A_1816 : f32 to vector<16xf32>
      %select_n3A_1821 = arith.select %eq3A_1819, %broadcast_in_dim3A_1820, %select_n3A_1726 : vector<16xi1>, vector<16xf32>
      %dma_wait3A_1822 = arith.constant 0 : i32
      %dma_wait3A_1823 = arith.constant 0 : i32
      %dma_wait3A_1824 = tpu.memref_slice %arg4[%dma_wait3A_1822, %dma_wait3A_1823] : memref<64x1000000xf32, #tpu.memory_space<hbm>> -> memref<64x128xf32, #tpu.memory_space<hbm>>
      %dma_wait3A_1825 = arith.constant 0 : i32
      %dma_wait3A_1826 = arith.constant 0 : i32
      %dma_wait3A_1827 = tpu.memref_slice %arg4[%dma_wait3A_1825, %dma_wait3A_1826] : memref<64x1000000xf32, #tpu.memory_space<hbm>> -> memref<64x128xf32, #tpu.memory_space<hbm>>
      tpu.wait_dma2 semaphore(%arg47 : memref<!tpu.dma_semaphore, #tpu.memory_space<semaphore_mem>>) src(%dma_wait3A_1827 : memref<64x128xf32, #tpu.memory_space<hbm>>) dst(%arg17 : memref<64x128xf32, #tpu.memory_space<vmem>>)
      %dma_wait3A_1828 = arith.constant 0 : i32
      %dma_wait3A_1829 = arith.constant 0 : i32
      %dma_wait3A_1830 = tpu.memref_slice %arg5[%dma_wait3A_1828, %dma_wait3A_1829] : memref<64x1000000xf32, #tpu.memory_space<hbm>> -> memref<64x128xf32, #tpu.memory_space<hbm>>
      %dma_wait3A_1831 = arith.constant 0 : i32
      %dma_wait3A_1832 = arith.constant 0 : i32
      %dma_wait3A_1833 = tpu.memref_slice %arg5[%dma_wait3A_1831, %dma_wait3A_1832] : memref<64x1000000xf32, #tpu.memory_space<hbm>> -> memref<64x128xf32, #tpu.memory_space<hbm>>
      tpu.wait_dma2 semaphore(%arg51 : memref<!tpu.dma_semaphore, #tpu.memory_space<semaphore_mem>>) src(%dma_wait3A_1833 : memref<64x128xf32, #tpu.memory_space<hbm>>) dst(%arg21 : memref<64x128xf32, #tpu.memory_space<vmem>>)
      %dma_wait3A_1834 = arith.constant 0 : i32
      %dma_wait3A_1835 = arith.constant 0 : i32
      %dma_wait3A_1836 = tpu.memref_slice %arg6[%dma_wait3A_1834, %dma_wait3A_1835] : memref<1x1000000xf32, #tpu.memory_space<hbm>> -> memref<1x128xf32, #tpu.memory_space<hbm>>
      %dma_wait3A_1837 = arith.constant 0 : i32
      %dma_wait3A_1838 = arith.constant 0 : i32
      %dma_wait3A_1839 = tpu.memref_slice %arg6[%dma_wait3A_1837, %dma_wait3A_1838] : memref<1x1000000xf32, #tpu.memory_space<hbm>> -> memref<1x128xf32, #tpu.memory_space<hbm>>
      tpu.wait_dma2 semaphore(%arg59 : memref<!tpu.dma_semaphore, #tpu.memory_space<semaphore_mem>>) src(%dma_wait3A_1839 : memref<1x128xf32, #tpu.memory_space<hbm>>) dst(%arg29 : memref<1x128xf32, #tpu.memory_space<vmem>>)
      %dma_wait3A_1840 = arith.constant 0 : i32
      %dma_wait3A_1841 = arith.constant 0 : i32
      %dma_wait3A_1842 = tpu.memref_slice %arg7[%dma_wait3A_1840, %dma_wait3A_1841] : memref<1x1000000xf32, #tpu.memory_space<hbm>> -> memref<1x128xf32, #tpu.memory_space<hbm>>
      %dma_wait3A_1843 = arith.constant 0 : i32
      %dma_wait3A_1844 = arith.constant 0 : i32
      %dma_wait3A_1845 = tpu.memref_slice %arg7[%dma_wait3A_1843, %dma_wait3A_1844] : memref<1x1000000xf32, #tpu.memory_space<hbm>> -> memref<1x128xf32, #tpu.memory_space<hbm>>
      tpu.wait_dma2 semaphore(%arg59 : memref<!tpu.dma_semaphore, #tpu.memory_space<semaphore_mem>>) src(%dma_wait3A_1845 : memref<1x128xf32, #tpu.memory_space<hbm>>) dst(%arg37 : memref<1x128xf32, #tpu.memory_space<vmem>>)
      %slice3A_1846 = vector.extract_strided_slice %get3A_326 {offsets = [13], sizes = [1], strides = [1]} : vector<16xi32> to vector<1xi32>
      %squeeze3A_1847 = vector.extract %slice3A_1846[0] : i32 from vector<1xi32>
      %and3A_1848 = arith.constant 127 : i32
      %and3A_1849 = arith.andi %squeeze3A_1847, %and3A_1848 : i32
      %broadcast_in_dim3A_1850 = vector.broadcast %and3A_1849 : i32 to vector<16xi32>
      %slice3A_1851 = vector.extract_strided_slice %get3A_330 {offsets = [13], sizes = [1], strides = [1]} : vector<16xi32> to vector<1xi32>
      %squeeze3A_1852 = vector.extract %slice3A_1851[0] : i32 from vector<1xi32>
      %and3A_1853 = arith.constant 127 : i32
      %and3A_1854 = arith.andi %squeeze3A_1852, %and3A_1853 : i32
      %broadcast_in_dim3A_1855 = vector.broadcast %and3A_1854 : i32 to vector<16xi32>
      %broadcast_in_dim3A_1856 = arith.constant 0.000000e+00 : f32
      %broadcast_in_dim3A_1857 = vector.broadcast %broadcast_in_dim3A_1856 : f32 to vector<16xf32>
      %add3A_1858 = arith.constant 0 : i32
      %add3A_1859 = vector.broadcast %add3A_1858 : i32 to vector<16xi32>
      %add3A_1860 = arith.addi %add3A_1859, %iota3A : vector<16xi32>
      %gather3A_1861 = tpu.vector_load_idx %arg17[%add3A_1860, %broadcast_in_dim3A_1850] : memref<64x128xf32, #tpu.memory_space<vmem>>[vector<16xi32>, vector<16xi32>], vector<16xf32>,
      %gather3A_1862 = tpu.vector_load_idx %arg21[%add3A_1860, %broadcast_in_dim3A_1855] : memref<64x128xf32, #tpu.memory_space<vmem>>[vector<16xi32>, vector<16xi32>], vector<16xf32>,
      %mul3A_1863 = arith.mulf %gather3A_1861, %gather3A_1862 : vector<16xf32>
      %add3A_1864 = arith.addf %broadcast_in_dim3A_1857, %mul3A_1863 : vector<16xf32>
      %add3A_1865 = arith.constant 16 : i32
      %add3A_1866 = vector.broadcast %add3A_1865 : i32 to vector<16xi32>
      %add3A_1867 = arith.addi %add3A_1866, %iota3A : vector<16xi32>
      %gather3A_1868 = tpu.vector_load_idx %arg17[%add3A_1867, %broadcast_in_dim3A_1850] : memref<64x128xf32, #tpu.memory_space<vmem>>[vector<16xi32>, vector<16xi32>], vector<16xf32>,
      %gather3A_1869 = tpu.vector_load_idx %arg21[%add3A_1867, %broadcast_in_dim3A_1855] : memref<64x128xf32, #tpu.memory_space<vmem>>[vector<16xi32>, vector<16xi32>], vector<16xf32>,
      %mul3A_1870 = arith.mulf %gather3A_1868, %gather3A_1869 : vector<16xf32>
      %add3A_1871 = arith.addf %add3A_1864, %mul3A_1870 : vector<16xf32>
      %add3A_1872 = arith.constant 32 : i32
      %add3A_1873 = vector.broadcast %add3A_1872 : i32 to vector<16xi32>
      %add3A_1874 = arith.addi %add3A_1873, %iota3A : vector<16xi32>
      %gather3A_1875 = tpu.vector_load_idx %arg17[%add3A_1874, %broadcast_in_dim3A_1850] : memref<64x128xf32, #tpu.memory_space<vmem>>[vector<16xi32>, vector<16xi32>], vector<16xf32>,
      %gather3A_1876 = tpu.vector_load_idx %arg21[%add3A_1874, %broadcast_in_dim3A_1855] : memref<64x128xf32, #tpu.memory_space<vmem>>[vector<16xi32>, vector<16xi32>], vector<16xf32>,
      %mul3A_1877 = arith.mulf %gather3A_1875, %gather3A_1876 : vector<16xf32>
      %add3A_1878 = arith.addf %add3A_1871, %mul3A_1877 : vector<16xf32>
      %add3A_1879 = arith.constant 48 : i32
      %add3A_1880 = vector.broadcast %add3A_1879 : i32 to vector<16xi32>
      %add3A_1881 = arith.addi %add3A_1880, %iota3A : vector<16xi32>
      %gather3A_1882 = tpu.vector_load_idx %arg17[%add3A_1881, %broadcast_in_dim3A_1850] : memref<64x128xf32, #tpu.memory_space<vmem>>[vector<16xi32>, vector<16xi32>], vector<16xf32>,
      %gather3A_1883 = tpu.vector_load_idx %arg21[%add3A_1881, %broadcast_in_dim3A_1855] : memref<64x128xf32, #tpu.memory_space<vmem>>[vector<16xi32>, vector<16xi32>], vector<16xf32>,
      %mul3A_1884 = arith.mulf %gather3A_1882, %gather3A_1883 : vector<16xf32>
      %add3A_1885 = arith.addf %add3A_1878, %mul3A_1884 : vector<16xf32>
      %gather3A_1886 = tpu.vector_load_idx %arg29[%broadcast_in_dim3A_313, %broadcast_in_dim3A_1850] : memref<1x128xf32, #tpu.memory_space<vmem>>[vector<16xi32>, vector<16xi32>], vector<16xf32>,
      %gather3A_1887 = tpu.vector_load_idx %arg37[%broadcast_in_dim3A_313, %broadcast_in_dim3A_1855] : memref<1x128xf32, #tpu.memory_space<vmem>>[vector<16xi32>, vector<16xi32>], vector<16xf32>,
      %add3A_1888 = arith.addf %gather3A_1886, %gather3A_1887 : vector<16xf32>
      %lt3A_1889 = arith.constant 31 : i32
      %lt3A_1890 = arith.cmpi slt, %scan3A_321, %lt3A_1889 : i32
      %convert_element_type3A_1891 = arith.extui %lt3A_1890 : i1 to i32
      %cond3A_1892 = arith.constant 0 : i32
      %cond3A_1893 = arith.cmpi ne, %convert_element_type3A_1891, %cond3A_1892 : i32
      scf.if %cond3A_1893 {
        %slice3A_2110 = vector.extract_strided_slice %get3A_337 {offsets = [5], sizes = [1], strides = [1]} : vector<16xi32> to vector<1xi32>
        %squeeze3A_2111 = vector.extract %slice3A_2110[0] : i32 from vector<1xi32>
        %shift_right_arithmetic3A_2112 = arith.constant 7 : i32
        %shift_right_arithmetic3A_2113 = arith.shrsi %squeeze3A_2111, %shift_right_arithmetic3A_2112 : i32
        %mul3A_2114 = arith.constant 128 : i32
        %mul3A_2115 = arith.muli %shift_right_arithmetic3A_2113, %mul3A_2114 : i32
        %multiple_of3A_2116 = tpu.assume_multiple %mul3A_2115, 128 : i32
        %dma_start3A_2117 = arith.constant 0 : i32
        %dma_start3A_2118 = tpu.memref_slice %arg4[%dma_start3A_2117, %multiple_of3A_2116] : memref<64x1000000xf32, #tpu.memory_space<hbm>> -> memref<64x128xf32, #tpu.memory_space<hbm>>
        %dma_start3A_2119 = arith.constant 0 : i32
        %dma_start3A_2120 = tpu.memref_slice %arg4[%dma_start3A_2119, %multiple_of3A_2116] : memref<64x1000000xf32, #tpu.memory_space<hbm>> -> memref<64x128xf32, #tpu.memory_space<hbm>>
        tpu.enqueue_dma source(%dma_start3A_2120 : memref<64x128xf32, #tpu.memory_space<hbm>>) target(%arg17 : memref<64x128xf32, #tpu.memory_space<vmem>>) target_semaphore(%arg47 : memref<!tpu.dma_semaphore, #tpu.memory_space<semaphore_mem>>)
      } else {
      }
      %lt3A_1894 = arith.constant 31 : i32
      %lt3A_1895 = arith.cmpi slt, %scan3A_321, %lt3A_1894 : i32
      %convert_element_type3A_1896 = arith.extui %lt3A_1895 : i1 to i32
      %cond3A_1897 = arith.constant 0 : i32
      %cond3A_1898 = arith.cmpi ne, %convert_element_type3A_1896, %cond3A_1897 : i32
      scf.if %cond3A_1898 {
        %slice3A_2110 = vector.extract_strided_slice %get3A_339 {offsets = [1], sizes = [1], strides = [1]} : vector<16xi32> to vector<1xi32>
        %squeeze3A_2111 = vector.extract %slice3A_2110[0] : i32 from vector<1xi32>
        %shift_right_arithmetic3A_2112 = arith.constant 7 : i32
        %shift_right_arithmetic3A_2113 = arith.shrsi %squeeze3A_2111, %shift_right_arithmetic3A_2112 : i32
        %mul3A_2114 = arith.constant 128 : i32
        %mul3A_2115 = arith.muli %shift_right_arithmetic3A_2113, %mul3A_2114 : i32
        %multiple_of3A_2116 = tpu.assume_multiple %mul3A_2115, 128 : i32
        %dma_start3A_2117 = arith.constant 0 : i32
        %dma_start3A_2118 = tpu.memref_slice %arg5[%dma_start3A_2117, %multiple_of3A_2116] : memref<64x1000000xf32, #tpu.memory_space<hbm>> -> memref<64x128xf32, #tpu.memory_space<hbm>>
        %dma_start3A_2119 = arith.constant 0 : i32
        %dma_start3A_2120 = tpu.memref_slice %arg5[%dma_start3A_2119, %multiple_of3A_2116] : memref<64x1000000xf32, #tpu.memory_space<hbm>> -> memref<64x128xf32, #tpu.memory_space<hbm>>
        tpu.enqueue_dma source(%dma_start3A_2120 : memref<64x128xf32, #tpu.memory_space<hbm>>) target(%arg21 : memref<64x128xf32, #tpu.memory_space<vmem>>) target_semaphore(%arg51 : memref<!tpu.dma_semaphore, #tpu.memory_space<semaphore_mem>>)
      } else {
      }
      %lt3A_1899 = arith.constant 31 : i32
      %lt3A_1900 = arith.cmpi slt, %scan3A_321, %lt3A_1899 : i32
      %convert_element_type3A_1901 = arith.extui %lt3A_1900 : i1 to i32
      %cond3A_1902 = arith.constant 0 : i32
      %cond3A_1903 = arith.cmpi ne, %convert_element_type3A_1901, %cond3A_1902 : i32
      scf.if %cond3A_1903 {
        %slice3A_2110 = vector.extract_strided_slice %get3A_337 {offsets = [5], sizes = [1], strides = [1]} : vector<16xi32> to vector<1xi32>
        %squeeze3A_2111 = vector.extract %slice3A_2110[0] : i32 from vector<1xi32>
        %slice3A_2112 = vector.extract_strided_slice %get3A_339 {offsets = [5], sizes = [1], strides = [1]} : vector<16xi32> to vector<1xi32>
        %squeeze3A_2113 = vector.extract %slice3A_2112[0] : i32 from vector<1xi32>
        %shift_right_arithmetic3A_2114 = arith.constant 7 : i32
        %shift_right_arithmetic3A_2115 = arith.shrsi %squeeze3A_2111, %shift_right_arithmetic3A_2114 : i32
        %mul3A_2116 = arith.constant 128 : i32
        %mul3A_2117 = arith.muli %shift_right_arithmetic3A_2115, %mul3A_2116 : i32
        %multiple_of3A_2118 = tpu.assume_multiple %mul3A_2117, 128 : i32
        %shift_right_arithmetic3A_2119 = arith.constant 7 : i32
        %shift_right_arithmetic3A_2120 = arith.shrsi %squeeze3A_2113, %shift_right_arithmetic3A_2119 : i32
        %mul3A_2121 = arith.constant 128 : i32
        %mul3A_2122 = arith.muli %shift_right_arithmetic3A_2120, %mul3A_2121 : i32
        %multiple_of3A_2123 = tpu.assume_multiple %mul3A_2122, 128 : i32
        %dma_start3A_2124 = arith.constant 0 : i32
        %dma_start3A_2125 = tpu.memref_slice %arg6[%dma_start3A_2124, %multiple_of3A_2118] : memref<1x1000000xf32, #tpu.memory_space<hbm>> -> memref<1x128xf32, #tpu.memory_space<hbm>>
        %dma_start3A_2126 = arith.constant 0 : i32
        %dma_start3A_2127 = tpu.memref_slice %arg6[%dma_start3A_2126, %multiple_of3A_2118] : memref<1x1000000xf32, #tpu.memory_space<hbm>> -> memref<1x128xf32, #tpu.memory_space<hbm>>
        tpu.enqueue_dma source(%dma_start3A_2127 : memref<1x128xf32, #tpu.memory_space<hbm>>) target(%arg29 : memref<1x128xf32, #tpu.memory_space<vmem>>) target_semaphore(%arg59 : memref<!tpu.dma_semaphore, #tpu.memory_space<semaphore_mem>>)
        %dma_start3A_2128 = arith.constant 0 : i32
        %dma_start3A_2129 = tpu.memref_slice %arg7[%dma_start3A_2128, %multiple_of3A_2123] : memref<1x1000000xf32, #tpu.memory_space<hbm>> -> memref<1x128xf32, #tpu.memory_space<hbm>>
        %dma_start3A_2130 = arith.constant 0 : i32
        %dma_start3A_2131 = tpu.memref_slice %arg7[%dma_start3A_2130, %multiple_of3A_2123] : memref<1x1000000xf32, #tpu.memory_space<hbm>> -> memref<1x128xf32, #tpu.memory_space<hbm>>
        tpu.enqueue_dma source(%dma_start3A_2131 : memref<1x128xf32, #tpu.memory_space<hbm>>) target(%arg37 : memref<1x128xf32, #tpu.memory_space<vmem>>) target_semaphore(%arg59 : memref<!tpu.dma_semaphore, #tpu.memory_space<semaphore_mem>>)
      } else {
      }
      %reduce_sum3A_1904 = arith.constant true
      %reduce_sum3A_1905 = vector.broadcast %reduce_sum3A_1904 : i1 to vector<16xi1>
      %reduce_sum3A_1906 = tpu.scan <sum>, %add3A_1885 masked %reduce_sum3A_1905 : vector<16xf32>, vector<16xi1> -> vector<16xf32>
      %reduce_sum3A_1907 = vector.extract %reduce_sum3A_1906[15] : f32 from vector<16xf32>
      %slice3A_1908 = vector.extract_strided_slice %add3A_1888 {offsets = [0], sizes = [1], strides = [1]} : vector<16xf32> to vector<1xf32>
      %squeeze3A_1909 = vector.extract %slice3A_1908[0] : f32 from vector<1xf32>
      %add3A_1910 = arith.addf %reduce_sum3A_1907, %squeeze3A_1909 : f32
      %add3A_1911 = arith.addf %add3A_1910, %squeeze3A_312 : f32
      %eq3A_1912 = arith.constant 13 : i32
      %eq3A_1913 = vector.broadcast %eq3A_1912 : i32 to vector<16xi32>
      %eq3A_1914 = arith.cmpi eq, %iota3A, %eq3A_1913 : vector<16xi32>
      %broadcast_in_dim3A_1915 = vector.broadcast %add3A_1911 : f32 to vector<16xf32>
      %select_n3A_1916 = arith.select %eq3A_1914, %broadcast_in_dim3A_1915, %select_n3A_1821 : vector<16xi1>, vector<16xf32>
      %dma_wait3A_1917 = arith.constant 0 : i32
      %dma_wait3A_1918 = arith.constant 0 : i32
      %dma_wait3A_1919 = tpu.memref_slice %arg4[%dma_wait3A_1917, %dma_wait3A_1918] : memref<64x1000000xf32, #tpu.memory_space<hbm>> -> memref<64x128xf32, #tpu.memory_space<hbm>>
      %dma_wait3A_1920 = arith.constant 0 : i32
      %dma_wait3A_1921 = arith.constant 0 : i32
      %dma_wait3A_1922 = tpu.memref_slice %arg4[%dma_wait3A_1920, %dma_wait3A_1921] : memref<64x1000000xf32, #tpu.memory_space<hbm>> -> memref<64x128xf32, #tpu.memory_space<hbm>>
      tpu.wait_dma2 semaphore(%arg48 : memref<!tpu.dma_semaphore, #tpu.memory_space<semaphore_mem>>) src(%dma_wait3A_1922 : memref<64x128xf32, #tpu.memory_space<hbm>>) dst(%arg18 : memref<64x128xf32, #tpu.memory_space<vmem>>)
      %dma_wait3A_1923 = arith.constant 0 : i32
      %dma_wait3A_1924 = arith.constant 0 : i32
      %dma_wait3A_1925 = tpu.memref_slice %arg5[%dma_wait3A_1923, %dma_wait3A_1924] : memref<64x1000000xf32, #tpu.memory_space<hbm>> -> memref<64x128xf32, #tpu.memory_space<hbm>>
      %dma_wait3A_1926 = arith.constant 0 : i32
      %dma_wait3A_1927 = arith.constant 0 : i32
      %dma_wait3A_1928 = tpu.memref_slice %arg5[%dma_wait3A_1926, %dma_wait3A_1927] : memref<64x1000000xf32, #tpu.memory_space<hbm>> -> memref<64x128xf32, #tpu.memory_space<hbm>>
      tpu.wait_dma2 semaphore(%arg52 : memref<!tpu.dma_semaphore, #tpu.memory_space<semaphore_mem>>) src(%dma_wait3A_1928 : memref<64x128xf32, #tpu.memory_space<hbm>>) dst(%arg22 : memref<64x128xf32, #tpu.memory_space<vmem>>)
      %dma_wait3A_1929 = arith.constant 0 : i32
      %dma_wait3A_1930 = arith.constant 0 : i32
      %dma_wait3A_1931 = tpu.memref_slice %arg6[%dma_wait3A_1929, %dma_wait3A_1930] : memref<1x1000000xf32, #tpu.memory_space<hbm>> -> memref<1x128xf32, #tpu.memory_space<hbm>>
      %dma_wait3A_1932 = arith.constant 0 : i32
      %dma_wait3A_1933 = arith.constant 0 : i32
      %dma_wait3A_1934 = tpu.memref_slice %arg6[%dma_wait3A_1932, %dma_wait3A_1933] : memref<1x1000000xf32, #tpu.memory_space<hbm>> -> memref<1x128xf32, #tpu.memory_space<hbm>>
      tpu.wait_dma2 semaphore(%arg60 : memref<!tpu.dma_semaphore, #tpu.memory_space<semaphore_mem>>) src(%dma_wait3A_1934 : memref<1x128xf32, #tpu.memory_space<hbm>>) dst(%arg30 : memref<1x128xf32, #tpu.memory_space<vmem>>)
      %dma_wait3A_1935 = arith.constant 0 : i32
      %dma_wait3A_1936 = arith.constant 0 : i32
      %dma_wait3A_1937 = tpu.memref_slice %arg7[%dma_wait3A_1935, %dma_wait3A_1936] : memref<1x1000000xf32, #tpu.memory_space<hbm>> -> memref<1x128xf32, #tpu.memory_space<hbm>>
      %dma_wait3A_1938 = arith.constant 0 : i32
      %dma_wait3A_1939 = arith.constant 0 : i32
      %dma_wait3A_1940 = tpu.memref_slice %arg7[%dma_wait3A_1938, %dma_wait3A_1939] : memref<1x1000000xf32, #tpu.memory_space<hbm>> -> memref<1x128xf32, #tpu.memory_space<hbm>>
      tpu.wait_dma2 semaphore(%arg60 : memref<!tpu.dma_semaphore, #tpu.memory_space<semaphore_mem>>) src(%dma_wait3A_1940 : memref<1x128xf32, #tpu.memory_space<hbm>>) dst(%arg38 : memref<1x128xf32, #tpu.memory_space<vmem>>)
      %slice3A_1941 = vector.extract_strided_slice %get3A_326 {offsets = [14], sizes = [1], strides = [1]} : vector<16xi32> to vector<1xi32>
      %squeeze3A_1942 = vector.extract %slice3A_1941[0] : i32 from vector<1xi32>
      %and3A_1943 = arith.constant 127 : i32
      %and3A_1944 = arith.andi %squeeze3A_1942, %and3A_1943 : i32
      %broadcast_in_dim3A_1945 = vector.broadcast %and3A_1944 : i32 to vector<16xi32>
      %slice3A_1946 = vector.extract_strided_slice %get3A_330 {offsets = [14], sizes = [1], strides = [1]} : vector<16xi32> to vector<1xi32>
      %squeeze3A_1947 = vector.extract %slice3A_1946[0] : i32 from vector<1xi32>
      %and3A_1948 = arith.constant 127 : i32
      %and3A_1949 = arith.andi %squeeze3A_1947, %and3A_1948 : i32
      %broadcast_in_dim3A_1950 = vector.broadcast %and3A_1949 : i32 to vector<16xi32>
      %broadcast_in_dim3A_1951 = arith.constant 0.000000e+00 : f32
      %broadcast_in_dim3A_1952 = vector.broadcast %broadcast_in_dim3A_1951 : f32 to vector<16xf32>
      %add3A_1953 = arith.constant 0 : i32
      %add3A_1954 = vector.broadcast %add3A_1953 : i32 to vector<16xi32>
      %add3A_1955 = arith.addi %add3A_1954, %iota3A : vector<16xi32>
      %gather3A_1956 = tpu.vector_load_idx %arg18[%add3A_1955, %broadcast_in_dim3A_1945] : memref<64x128xf32, #tpu.memory_space<vmem>>[vector<16xi32>, vector<16xi32>], vector<16xf32>,
      %gather3A_1957 = tpu.vector_load_idx %arg22[%add3A_1955, %broadcast_in_dim3A_1950] : memref<64x128xf32, #tpu.memory_space<vmem>>[vector<16xi32>, vector<16xi32>], vector<16xf32>,
      %mul3A_1958 = arith.mulf %gather3A_1956, %gather3A_1957 : vector<16xf32>
      %add3A_1959 = arith.addf %broadcast_in_dim3A_1952, %mul3A_1958 : vector<16xf32>
      %add3A_1960 = arith.constant 16 : i32
      %add3A_1961 = vector.broadcast %add3A_1960 : i32 to vector<16xi32>
      %add3A_1962 = arith.addi %add3A_1961, %iota3A : vector<16xi32>
      %gather3A_1963 = tpu.vector_load_idx %arg18[%add3A_1962, %broadcast_in_dim3A_1945] : memref<64x128xf32, #tpu.memory_space<vmem>>[vector<16xi32>, vector<16xi32>], vector<16xf32>,
      %gather3A_1964 = tpu.vector_load_idx %arg22[%add3A_1962, %broadcast_in_dim3A_1950] : memref<64x128xf32, #tpu.memory_space<vmem>>[vector<16xi32>, vector<16xi32>], vector<16xf32>,
      %mul3A_1965 = arith.mulf %gather3A_1963, %gather3A_1964 : vector<16xf32>
      %add3A_1966 = arith.addf %add3A_1959, %mul3A_1965 : vector<16xf32>
      %add3A_1967 = arith.constant 32 : i32
      %add3A_1968 = vector.broadcast %add3A_1967 : i32 to vector<16xi32>
      %add3A_1969 = arith.addi %add3A_1968, %iota3A : vector<16xi32>
      %gather3A_1970 = tpu.vector_load_idx %arg18[%add3A_1969, %broadcast_in_dim3A_1945] : memref<64x128xf32, #tpu.memory_space<vmem>>[vector<16xi32>, vector<16xi32>], vector<16xf32>,
      %gather3A_1971 = tpu.vector_load_idx %arg22[%add3A_1969, %broadcast_in_dim3A_1950] : memref<64x128xf32, #tpu.memory_space<vmem>>[vector<16xi32>, vector<16xi32>], vector<16xf32>,
      %mul3A_1972 = arith.mulf %gather3A_1970, %gather3A_1971 : vector<16xf32>
      %add3A_1973 = arith.addf %add3A_1966, %mul3A_1972 : vector<16xf32>
      %add3A_1974 = arith.constant 48 : i32
      %add3A_1975 = vector.broadcast %add3A_1974 : i32 to vector<16xi32>
      %add3A_1976 = arith.addi %add3A_1975, %iota3A : vector<16xi32>
      %gather3A_1977 = tpu.vector_load_idx %arg18[%add3A_1976, %broadcast_in_dim3A_1945] : memref<64x128xf32, #tpu.memory_space<vmem>>[vector<16xi32>, vector<16xi32>], vector<16xf32>,
      %gather3A_1978 = tpu.vector_load_idx %arg22[%add3A_1976, %broadcast_in_dim3A_1950] : memref<64x128xf32, #tpu.memory_space<vmem>>[vector<16xi32>, vector<16xi32>], vector<16xf32>,
      %mul3A_1979 = arith.mulf %gather3A_1977, %gather3A_1978 : vector<16xf32>
      %add3A_1980 = arith.addf %add3A_1973, %mul3A_1979 : vector<16xf32>
      %gather3A_1981 = tpu.vector_load_idx %arg30[%broadcast_in_dim3A_313, %broadcast_in_dim3A_1945] : memref<1x128xf32, #tpu.memory_space<vmem>>[vector<16xi32>, vector<16xi32>], vector<16xf32>,
      %gather3A_1982 = tpu.vector_load_idx %arg38[%broadcast_in_dim3A_313, %broadcast_in_dim3A_1950] : memref<1x128xf32, #tpu.memory_space<vmem>>[vector<16xi32>, vector<16xi32>], vector<16xf32>,
      %add3A_1983 = arith.addf %gather3A_1981, %gather3A_1982 : vector<16xf32>
      %lt3A_1984 = arith.constant 31 : i32
      %lt3A_1985 = arith.cmpi slt, %scan3A_321, %lt3A_1984 : i32
      %convert_element_type3A_1986 = arith.extui %lt3A_1985 : i1 to i32
      %cond3A_1987 = arith.constant 0 : i32
      %cond3A_1988 = arith.cmpi ne, %convert_element_type3A_1986, %cond3A_1987 : i32
      scf.if %cond3A_1988 {
        %slice3A_2110 = vector.extract_strided_slice %get3A_337 {offsets = [6], sizes = [1], strides = [1]} : vector<16xi32> to vector<1xi32>
        %squeeze3A_2111 = vector.extract %slice3A_2110[0] : i32 from vector<1xi32>
        %shift_right_arithmetic3A_2112 = arith.constant 7 : i32
        %shift_right_arithmetic3A_2113 = arith.shrsi %squeeze3A_2111, %shift_right_arithmetic3A_2112 : i32
        %mul3A_2114 = arith.constant 128 : i32
        %mul3A_2115 = arith.muli %shift_right_arithmetic3A_2113, %mul3A_2114 : i32
        %multiple_of3A_2116 = tpu.assume_multiple %mul3A_2115, 128 : i32
        %dma_start3A_2117 = arith.constant 0 : i32
        %dma_start3A_2118 = tpu.memref_slice %arg4[%dma_start3A_2117, %multiple_of3A_2116] : memref<64x1000000xf32, #tpu.memory_space<hbm>> -> memref<64x128xf32, #tpu.memory_space<hbm>>
        %dma_start3A_2119 = arith.constant 0 : i32
        %dma_start3A_2120 = tpu.memref_slice %arg4[%dma_start3A_2119, %multiple_of3A_2116] : memref<64x1000000xf32, #tpu.memory_space<hbm>> -> memref<64x128xf32, #tpu.memory_space<hbm>>
        tpu.enqueue_dma source(%dma_start3A_2120 : memref<64x128xf32, #tpu.memory_space<hbm>>) target(%arg18 : memref<64x128xf32, #tpu.memory_space<vmem>>) target_semaphore(%arg48 : memref<!tpu.dma_semaphore, #tpu.memory_space<semaphore_mem>>)
      } else {
      }
      %lt3A_1989 = arith.constant 31 : i32
      %lt3A_1990 = arith.cmpi slt, %scan3A_321, %lt3A_1989 : i32
      %convert_element_type3A_1991 = arith.extui %lt3A_1990 : i1 to i32
      %cond3A_1992 = arith.constant 0 : i32
      %cond3A_1993 = arith.cmpi ne, %convert_element_type3A_1991, %cond3A_1992 : i32
      scf.if %cond3A_1993 {
        %slice3A_2110 = vector.extract_strided_slice %get3A_339 {offsets = [2], sizes = [1], strides = [1]} : vector<16xi32> to vector<1xi32>
        %squeeze3A_2111 = vector.extract %slice3A_2110[0] : i32 from vector<1xi32>
        %shift_right_arithmetic3A_2112 = arith.constant 7 : i32
        %shift_right_arithmetic3A_2113 = arith.shrsi %squeeze3A_2111, %shift_right_arithmetic3A_2112 : i32
        %mul3A_2114 = arith.constant 128 : i32
        %mul3A_2115 = arith.muli %shift_right_arithmetic3A_2113, %mul3A_2114 : i32
        %multiple_of3A_2116 = tpu.assume_multiple %mul3A_2115, 128 : i32
        %dma_start3A_2117 = arith.constant 0 : i32
        %dma_start3A_2118 = tpu.memref_slice %arg5[%dma_start3A_2117, %multiple_of3A_2116] : memref<64x1000000xf32, #tpu.memory_space<hbm>> -> memref<64x128xf32, #tpu.memory_space<hbm>>
        %dma_start3A_2119 = arith.constant 0 : i32
        %dma_start3A_2120 = tpu.memref_slice %arg5[%dma_start3A_2119, %multiple_of3A_2116] : memref<64x1000000xf32, #tpu.memory_space<hbm>> -> memref<64x128xf32, #tpu.memory_space<hbm>>
        tpu.enqueue_dma source(%dma_start3A_2120 : memref<64x128xf32, #tpu.memory_space<hbm>>) target(%arg22 : memref<64x128xf32, #tpu.memory_space<vmem>>) target_semaphore(%arg52 : memref<!tpu.dma_semaphore, #tpu.memory_space<semaphore_mem>>)
      } else {
      }
      %lt3A_1994 = arith.constant 31 : i32
      %lt3A_1995 = arith.cmpi slt, %scan3A_321, %lt3A_1994 : i32
      %convert_element_type3A_1996 = arith.extui %lt3A_1995 : i1 to i32
      %cond3A_1997 = arith.constant 0 : i32
      %cond3A_1998 = arith.cmpi ne, %convert_element_type3A_1996, %cond3A_1997 : i32
      scf.if %cond3A_1998 {
        %slice3A_2110 = vector.extract_strided_slice %get3A_337 {offsets = [6], sizes = [1], strides = [1]} : vector<16xi32> to vector<1xi32>
        %squeeze3A_2111 = vector.extract %slice3A_2110[0] : i32 from vector<1xi32>
        %slice3A_2112 = vector.extract_strided_slice %get3A_339 {offsets = [6], sizes = [1], strides = [1]} : vector<16xi32> to vector<1xi32>
        %squeeze3A_2113 = vector.extract %slice3A_2112[0] : i32 from vector<1xi32>
        %shift_right_arithmetic3A_2114 = arith.constant 7 : i32
        %shift_right_arithmetic3A_2115 = arith.shrsi %squeeze3A_2111, %shift_right_arithmetic3A_2114 : i32
        %mul3A_2116 = arith.constant 128 : i32
        %mul3A_2117 = arith.muli %shift_right_arithmetic3A_2115, %mul3A_2116 : i32
        %multiple_of3A_2118 = tpu.assume_multiple %mul3A_2117, 128 : i32
        %shift_right_arithmetic3A_2119 = arith.constant 7 : i32
        %shift_right_arithmetic3A_2120 = arith.shrsi %squeeze3A_2113, %shift_right_arithmetic3A_2119 : i32
        %mul3A_2121 = arith.constant 128 : i32
        %mul3A_2122 = arith.muli %shift_right_arithmetic3A_2120, %mul3A_2121 : i32
        %multiple_of3A_2123 = tpu.assume_multiple %mul3A_2122, 128 : i32
        %dma_start3A_2124 = arith.constant 0 : i32
        %dma_start3A_2125 = tpu.memref_slice %arg6[%dma_start3A_2124, %multiple_of3A_2118] : memref<1x1000000xf32, #tpu.memory_space<hbm>> -> memref<1x128xf32, #tpu.memory_space<hbm>>
        %dma_start3A_2126 = arith.constant 0 : i32
        %dma_start3A_2127 = tpu.memref_slice %arg6[%dma_start3A_2126, %multiple_of3A_2118] : memref<1x1000000xf32, #tpu.memory_space<hbm>> -> memref<1x128xf32, #tpu.memory_space<hbm>>
        tpu.enqueue_dma source(%dma_start3A_2127 : memref<1x128xf32, #tpu.memory_space<hbm>>) target(%arg30 : memref<1x128xf32, #tpu.memory_space<vmem>>) target_semaphore(%arg60 : memref<!tpu.dma_semaphore, #tpu.memory_space<semaphore_mem>>)
        %dma_start3A_2128 = arith.constant 0 : i32
        %dma_start3A_2129 = tpu.memref_slice %arg7[%dma_start3A_2128, %multiple_of3A_2123] : memref<1x1000000xf32, #tpu.memory_space<hbm>> -> memref<1x128xf32, #tpu.memory_space<hbm>>
        %dma_start3A_2130 = arith.constant 0 : i32
        %dma_start3A_2131 = tpu.memref_slice %arg7[%dma_start3A_2130, %multiple_of3A_2123] : memref<1x1000000xf32, #tpu.memory_space<hbm>> -> memref<1x128xf32, #tpu.memory_space<hbm>>
        tpu.enqueue_dma source(%dma_start3A_2131 : memref<1x128xf32, #tpu.memory_space<hbm>>) target(%arg38 : memref<1x128xf32, #tpu.memory_space<vmem>>) target_semaphore(%arg60 : memref<!tpu.dma_semaphore, #tpu.memory_space<semaphore_mem>>)
      } else {
      }
      %reduce_sum3A_1999 = arith.constant true
      %reduce_sum3A_2000 = vector.broadcast %reduce_sum3A_1999 : i1 to vector<16xi1>
      %reduce_sum3A_2001 = tpu.scan <sum>, %add3A_1980 masked %reduce_sum3A_2000 : vector<16xf32>, vector<16xi1> -> vector<16xf32>
      %reduce_sum3A_2002 = vector.extract %reduce_sum3A_2001[15] : f32 from vector<16xf32>
      %slice3A_2003 = vector.extract_strided_slice %add3A_1983 {offsets = [0], sizes = [1], strides = [1]} : vector<16xf32> to vector<1xf32>
      %squeeze3A_2004 = vector.extract %slice3A_2003[0] : f32 from vector<1xf32>
      %add3A_2005 = arith.addf %reduce_sum3A_2002, %squeeze3A_2004 : f32
      %add3A_2006 = arith.addf %add3A_2005, %squeeze3A_312 : f32
      %eq3A_2007 = arith.constant 14 : i32
      %eq3A_2008 = vector.broadcast %eq3A_2007 : i32 to vector<16xi32>
      %eq3A_2009 = arith.cmpi eq, %iota3A, %eq3A_2008 : vector<16xi32>
      %broadcast_in_dim3A_2010 = vector.broadcast %add3A_2006 : f32 to vector<16xf32>
      %select_n3A_2011 = arith.select %eq3A_2009, %broadcast_in_dim3A_2010, %select_n3A_1916 : vector<16xi1>, vector<16xf32>
      %dma_wait3A_2012 = arith.constant 0 : i32
      %dma_wait3A_2013 = arith.constant 0 : i32
      %dma_wait3A_2014 = tpu.memref_slice %arg4[%dma_wait3A_2012, %dma_wait3A_2013] : memref<64x1000000xf32, #tpu.memory_space<hbm>> -> memref<64x128xf32, #tpu.memory_space<hbm>>
      %dma_wait3A_2015 = arith.constant 0 : i32
      %dma_wait3A_2016 = arith.constant 0 : i32
      %dma_wait3A_2017 = tpu.memref_slice %arg4[%dma_wait3A_2015, %dma_wait3A_2016] : memref<64x1000000xf32, #tpu.memory_space<hbm>> -> memref<64x128xf32, #tpu.memory_space<hbm>>
      tpu.wait_dma2 semaphore(%arg49 : memref<!tpu.dma_semaphore, #tpu.memory_space<semaphore_mem>>) src(%dma_wait3A_2017 : memref<64x128xf32, #tpu.memory_space<hbm>>) dst(%arg19 : memref<64x128xf32, #tpu.memory_space<vmem>>)
      %dma_wait3A_2018 = arith.constant 0 : i32
      %dma_wait3A_2019 = arith.constant 0 : i32
      %dma_wait3A_2020 = tpu.memref_slice %arg5[%dma_wait3A_2018, %dma_wait3A_2019] : memref<64x1000000xf32, #tpu.memory_space<hbm>> -> memref<64x128xf32, #tpu.memory_space<hbm>>
      %dma_wait3A_2021 = arith.constant 0 : i32
      %dma_wait3A_2022 = arith.constant 0 : i32
      %dma_wait3A_2023 = tpu.memref_slice %arg5[%dma_wait3A_2021, %dma_wait3A_2022] : memref<64x1000000xf32, #tpu.memory_space<hbm>> -> memref<64x128xf32, #tpu.memory_space<hbm>>
      tpu.wait_dma2 semaphore(%arg53 : memref<!tpu.dma_semaphore, #tpu.memory_space<semaphore_mem>>) src(%dma_wait3A_2023 : memref<64x128xf32, #tpu.memory_space<hbm>>) dst(%arg23 : memref<64x128xf32, #tpu.memory_space<vmem>>)
      %dma_wait3A_2024 = arith.constant 0 : i32
      %dma_wait3A_2025 = arith.constant 0 : i32
      %dma_wait3A_2026 = tpu.memref_slice %arg6[%dma_wait3A_2024, %dma_wait3A_2025] : memref<1x1000000xf32, #tpu.memory_space<hbm>> -> memref<1x128xf32, #tpu.memory_space<hbm>>
      %dma_wait3A_2027 = arith.constant 0 : i32
      %dma_wait3A_2028 = arith.constant 0 : i32
      %dma_wait3A_2029 = tpu.memref_slice %arg6[%dma_wait3A_2027, %dma_wait3A_2028] : memref<1x1000000xf32, #tpu.memory_space<hbm>> -> memref<1x128xf32, #tpu.memory_space<hbm>>
      tpu.wait_dma2 semaphore(%arg61 : memref<!tpu.dma_semaphore, #tpu.memory_space<semaphore_mem>>) src(%dma_wait3A_2029 : memref<1x128xf32, #tpu.memory_space<hbm>>) dst(%arg31 : memref<1x128xf32, #tpu.memory_space<vmem>>)
      %dma_wait3A_2030 = arith.constant 0 : i32
      %dma_wait3A_2031 = arith.constant 0 : i32
      %dma_wait3A_2032 = tpu.memref_slice %arg7[%dma_wait3A_2030, %dma_wait3A_2031] : memref<1x1000000xf32, #tpu.memory_space<hbm>> -> memref<1x128xf32, #tpu.memory_space<hbm>>
      %dma_wait3A_2033 = arith.constant 0 : i32
      %dma_wait3A_2034 = arith.constant 0 : i32
      %dma_wait3A_2035 = tpu.memref_slice %arg7[%dma_wait3A_2033, %dma_wait3A_2034] : memref<1x1000000xf32, #tpu.memory_space<hbm>> -> memref<1x128xf32, #tpu.memory_space<hbm>>
      tpu.wait_dma2 semaphore(%arg61 : memref<!tpu.dma_semaphore, #tpu.memory_space<semaphore_mem>>) src(%dma_wait3A_2035 : memref<1x128xf32, #tpu.memory_space<hbm>>) dst(%arg39 : memref<1x128xf32, #tpu.memory_space<vmem>>)
      %slice3A_2036 = vector.extract_strided_slice %get3A_326 {offsets = [15], sizes = [1], strides = [1]} : vector<16xi32> to vector<1xi32>
      %squeeze3A_2037 = vector.extract %slice3A_2036[0] : i32 from vector<1xi32>
      %and3A_2038 = arith.constant 127 : i32
      %and3A_2039 = arith.andi %squeeze3A_2037, %and3A_2038 : i32
      %broadcast_in_dim3A_2040 = vector.broadcast %and3A_2039 : i32 to vector<16xi32>
      %slice3A_2041 = vector.extract_strided_slice %get3A_330 {offsets = [15], sizes = [1], strides = [1]} : vector<16xi32> to vector<1xi32>
      %squeeze3A_2042 = vector.extract %slice3A_2041[0] : i32 from vector<1xi32>
      %and3A_2043 = arith.constant 127 : i32
      %and3A_2044 = arith.andi %squeeze3A_2042, %and3A_2043 : i32
      %broadcast_in_dim3A_2045 = vector.broadcast %and3A_2044 : i32 to vector<16xi32>
      %broadcast_in_dim3A_2046 = arith.constant 0.000000e+00 : f32
      %broadcast_in_dim3A_2047 = vector.broadcast %broadcast_in_dim3A_2046 : f32 to vector<16xf32>
      %add3A_2048 = arith.constant 0 : i32
      %add3A_2049 = vector.broadcast %add3A_2048 : i32 to vector<16xi32>
      %add3A_2050 = arith.addi %add3A_2049, %iota3A : vector<16xi32>
      %gather3A_2051 = tpu.vector_load_idx %arg19[%add3A_2050, %broadcast_in_dim3A_2040] : memref<64x128xf32, #tpu.memory_space<vmem>>[vector<16xi32>, vector<16xi32>], vector<16xf32>,
      %gather3A_2052 = tpu.vector_load_idx %arg23[%add3A_2050, %broadcast_in_dim3A_2045] : memref<64x128xf32, #tpu.memory_space<vmem>>[vector<16xi32>, vector<16xi32>], vector<16xf32>,
      %mul3A_2053 = arith.mulf %gather3A_2051, %gather3A_2052 : vector<16xf32>
      %add3A_2054 = arith.addf %broadcast_in_dim3A_2047, %mul3A_2053 : vector<16xf32>
      %add3A_2055 = arith.constant 16 : i32
      %add3A_2056 = vector.broadcast %add3A_2055 : i32 to vector<16xi32>
      %add3A_2057 = arith.addi %add3A_2056, %iota3A : vector<16xi32>
      %gather3A_2058 = tpu.vector_load_idx %arg19[%add3A_2057, %broadcast_in_dim3A_2040] : memref<64x128xf32, #tpu.memory_space<vmem>>[vector<16xi32>, vector<16xi32>], vector<16xf32>,
      %gather3A_2059 = tpu.vector_load_idx %arg23[%add3A_2057, %broadcast_in_dim3A_2045] : memref<64x128xf32, #tpu.memory_space<vmem>>[vector<16xi32>, vector<16xi32>], vector<16xf32>,
      %mul3A_2060 = arith.mulf %gather3A_2058, %gather3A_2059 : vector<16xf32>
      %add3A_2061 = arith.addf %add3A_2054, %mul3A_2060 : vector<16xf32>
      %add3A_2062 = arith.constant 32 : i32
      %add3A_2063 = vector.broadcast %add3A_2062 : i32 to vector<16xi32>
      %add3A_2064 = arith.addi %add3A_2063, %iota3A : vector<16xi32>
      %gather3A_2065 = tpu.vector_load_idx %arg19[%add3A_2064, %broadcast_in_dim3A_2040] : memref<64x128xf32, #tpu.memory_space<vmem>>[vector<16xi32>, vector<16xi32>], vector<16xf32>,
      %gather3A_2066 = tpu.vector_load_idx %arg23[%add3A_2064, %broadcast_in_dim3A_2045] : memref<64x128xf32, #tpu.memory_space<vmem>>[vector<16xi32>, vector<16xi32>], vector<16xf32>,
      %mul3A_2067 = arith.mulf %gather3A_2065, %gather3A_2066 : vector<16xf32>
      %add3A_2068 = arith.addf %add3A_2061, %mul3A_2067 : vector<16xf32>
      %add3A_2069 = arith.constant 48 : i32
      %add3A_2070 = vector.broadcast %add3A_2069 : i32 to vector<16xi32>
      %add3A_2071 = arith.addi %add3A_2070, %iota3A : vector<16xi32>
      %gather3A_2072 = tpu.vector_load_idx %arg19[%add3A_2071, %broadcast_in_dim3A_2040] : memref<64x128xf32, #tpu.memory_space<vmem>>[vector<16xi32>, vector<16xi32>], vector<16xf32>,
      %gather3A_2073 = tpu.vector_load_idx %arg23[%add3A_2071, %broadcast_in_dim3A_2045] : memref<64x128xf32, #tpu.memory_space<vmem>>[vector<16xi32>, vector<16xi32>], vector<16xf32>,
      %mul3A_2074 = arith.mulf %gather3A_2072, %gather3A_2073 : vector<16xf32>
      %add3A_2075 = arith.addf %add3A_2068, %mul3A_2074 : vector<16xf32>
      %gather3A_2076 = tpu.vector_load_idx %arg31[%broadcast_in_dim3A_313, %broadcast_in_dim3A_2040] : memref<1x128xf32, #tpu.memory_space<vmem>>[vector<16xi32>, vector<16xi32>], vector<16xf32>,
      %gather3A_2077 = tpu.vector_load_idx %arg39[%broadcast_in_dim3A_313, %broadcast_in_dim3A_2045] : memref<1x128xf32, #tpu.memory_space<vmem>>[vector<16xi32>, vector<16xi32>], vector<16xf32>,
      %add3A_2078 = arith.addf %gather3A_2076, %gather3A_2077 : vector<16xf32>
      %lt3A_2079 = arith.constant 31 : i32
      %lt3A_2080 = arith.cmpi slt, %scan3A_321, %lt3A_2079 : i32
      %convert_element_type3A_2081 = arith.extui %lt3A_2080 : i1 to i32
      %cond3A_2082 = arith.constant 0 : i32
      %cond3A_2083 = arith.cmpi ne, %convert_element_type3A_2081, %cond3A_2082 : i32
      scf.if %cond3A_2083 {
        %slice3A_2110 = vector.extract_strided_slice %get3A_337 {offsets = [7], sizes = [1], strides = [1]} : vector<16xi32> to vector<1xi32>
        %squeeze3A_2111 = vector.extract %slice3A_2110[0] : i32 from vector<1xi32>
        %shift_right_arithmetic3A_2112 = arith.constant 7 : i32
        %shift_right_arithmetic3A_2113 = arith.shrsi %squeeze3A_2111, %shift_right_arithmetic3A_2112 : i32
        %mul3A_2114 = arith.constant 128 : i32
        %mul3A_2115 = arith.muli %shift_right_arithmetic3A_2113, %mul3A_2114 : i32
        %multiple_of3A_2116 = tpu.assume_multiple %mul3A_2115, 128 : i32
        %dma_start3A_2117 = arith.constant 0 : i32
        %dma_start3A_2118 = tpu.memref_slice %arg4[%dma_start3A_2117, %multiple_of3A_2116] : memref<64x1000000xf32, #tpu.memory_space<hbm>> -> memref<64x128xf32, #tpu.memory_space<hbm>>
        %dma_start3A_2119 = arith.constant 0 : i32
        %dma_start3A_2120 = tpu.memref_slice %arg4[%dma_start3A_2119, %multiple_of3A_2116] : memref<64x1000000xf32, #tpu.memory_space<hbm>> -> memref<64x128xf32, #tpu.memory_space<hbm>>
        tpu.enqueue_dma source(%dma_start3A_2120 : memref<64x128xf32, #tpu.memory_space<hbm>>) target(%arg19 : memref<64x128xf32, #tpu.memory_space<vmem>>) target_semaphore(%arg49 : memref<!tpu.dma_semaphore, #tpu.memory_space<semaphore_mem>>)
      } else {
      }
      %lt3A_2084 = arith.constant 31 : i32
      %lt3A_2085 = arith.cmpi slt, %scan3A_321, %lt3A_2084 : i32
      %convert_element_type3A_2086 = arith.extui %lt3A_2085 : i1 to i32
      %cond3A_2087 = arith.constant 0 : i32
      %cond3A_2088 = arith.cmpi ne, %convert_element_type3A_2086, %cond3A_2087 : i32
      scf.if %cond3A_2088 {
        %slice3A_2110 = vector.extract_strided_slice %get3A_339 {offsets = [3], sizes = [1], strides = [1]} : vector<16xi32> to vector<1xi32>
        %squeeze3A_2111 = vector.extract %slice3A_2110[0] : i32 from vector<1xi32>
        %shift_right_arithmetic3A_2112 = arith.constant 7 : i32
        %shift_right_arithmetic3A_2113 = arith.shrsi %squeeze3A_2111, %shift_right_arithmetic3A_2112 : i32
        %mul3A_2114 = arith.constant 128 : i32
        %mul3A_2115 = arith.muli %shift_right_arithmetic3A_2113, %mul3A_2114 : i32
        %multiple_of3A_2116 = tpu.assume_multiple %mul3A_2115, 128 : i32
        %dma_start3A_2117 = arith.constant 0 : i32
        %dma_start3A_2118 = tpu.memref_slice %arg5[%dma_start3A_2117, %multiple_of3A_2116] : memref<64x1000000xf32, #tpu.memory_space<hbm>> -> memref<64x128xf32, #tpu.memory_space<hbm>>
        %dma_start3A_2119 = arith.constant 0 : i32
        %dma_start3A_2120 = tpu.memref_slice %arg5[%dma_start3A_2119, %multiple_of3A_2116] : memref<64x1000000xf32, #tpu.memory_space<hbm>> -> memref<64x128xf32, #tpu.memory_space<hbm>>
        tpu.enqueue_dma source(%dma_start3A_2120 : memref<64x128xf32, #tpu.memory_space<hbm>>) target(%arg23 : memref<64x128xf32, #tpu.memory_space<vmem>>) target_semaphore(%arg53 : memref<!tpu.dma_semaphore, #tpu.memory_space<semaphore_mem>>)
      } else {
      }
      %lt3A_2089 = arith.constant 31 : i32
      %lt3A_2090 = arith.cmpi slt, %scan3A_321, %lt3A_2089 : i32
      %convert_element_type3A_2091 = arith.extui %lt3A_2090 : i1 to i32
      %cond3A_2092 = arith.constant 0 : i32
      %cond3A_2093 = arith.cmpi ne, %convert_element_type3A_2091, %cond3A_2092 : i32
      scf.if %cond3A_2093 {
        %slice3A_2110 = vector.extract_strided_slice %get3A_337 {offsets = [7], sizes = [1], strides = [1]} : vector<16xi32> to vector<1xi32>
        %squeeze3A_2111 = vector.extract %slice3A_2110[0] : i32 from vector<1xi32>
        %slice3A_2112 = vector.extract_strided_slice %get3A_339 {offsets = [7], sizes = [1], strides = [1]} : vector<16xi32> to vector<1xi32>
        %squeeze3A_2113 = vector.extract %slice3A_2112[0] : i32 from vector<1xi32>
        %shift_right_arithmetic3A_2114 = arith.constant 7 : i32
        %shift_right_arithmetic3A_2115 = arith.shrsi %squeeze3A_2111, %shift_right_arithmetic3A_2114 : i32
        %mul3A_2116 = arith.constant 128 : i32
        %mul3A_2117 = arith.muli %shift_right_arithmetic3A_2115, %mul3A_2116 : i32
        %multiple_of3A_2118 = tpu.assume_multiple %mul3A_2117, 128 : i32
        %shift_right_arithmetic3A_2119 = arith.constant 7 : i32
        %shift_right_arithmetic3A_2120 = arith.shrsi %squeeze3A_2113, %shift_right_arithmetic3A_2119 : i32
        %mul3A_2121 = arith.constant 128 : i32
        %mul3A_2122 = arith.muli %shift_right_arithmetic3A_2120, %mul3A_2121 : i32
        %multiple_of3A_2123 = tpu.assume_multiple %mul3A_2122, 128 : i32
        %dma_start3A_2124 = arith.constant 0 : i32
        %dma_start3A_2125 = tpu.memref_slice %arg6[%dma_start3A_2124, %multiple_of3A_2118] : memref<1x1000000xf32, #tpu.memory_space<hbm>> -> memref<1x128xf32, #tpu.memory_space<hbm>>
        %dma_start3A_2126 = arith.constant 0 : i32
        %dma_start3A_2127 = tpu.memref_slice %arg6[%dma_start3A_2126, %multiple_of3A_2118] : memref<1x1000000xf32, #tpu.memory_space<hbm>> -> memref<1x128xf32, #tpu.memory_space<hbm>>
        tpu.enqueue_dma source(%dma_start3A_2127 : memref<1x128xf32, #tpu.memory_space<hbm>>) target(%arg31 : memref<1x128xf32, #tpu.memory_space<vmem>>) target_semaphore(%arg61 : memref<!tpu.dma_semaphore, #tpu.memory_space<semaphore_mem>>)
        %dma_start3A_2128 = arith.constant 0 : i32
        %dma_start3A_2129 = tpu.memref_slice %arg7[%dma_start3A_2128, %multiple_of3A_2123] : memref<1x1000000xf32, #tpu.memory_space<hbm>> -> memref<1x128xf32, #tpu.memory_space<hbm>>
        %dma_start3A_2130 = arith.constant 0 : i32
        %dma_start3A_2131 = tpu.memref_slice %arg7[%dma_start3A_2130, %multiple_of3A_2123] : memref<1x1000000xf32, #tpu.memory_space<hbm>> -> memref<1x128xf32, #tpu.memory_space<hbm>>
        tpu.enqueue_dma source(%dma_start3A_2131 : memref<1x128xf32, #tpu.memory_space<hbm>>) target(%arg39 : memref<1x128xf32, #tpu.memory_space<vmem>>) target_semaphore(%arg61 : memref<!tpu.dma_semaphore, #tpu.memory_space<semaphore_mem>>)
      } else {
      }
      %reduce_sum3A_2094 = arith.constant true
      %reduce_sum3A_2095 = vector.broadcast %reduce_sum3A_2094 : i1 to vector<16xi1>
      %reduce_sum3A_2096 = tpu.scan <sum>, %add3A_2075 masked %reduce_sum3A_2095 : vector<16xf32>, vector<16xi1> -> vector<16xf32>
      %reduce_sum3A_2097 = vector.extract %reduce_sum3A_2096[15] : f32 from vector<16xf32>
      %slice3A_2098 = vector.extract_strided_slice %add3A_2078 {offsets = [0], sizes = [1], strides = [1]} : vector<16xf32> to vector<1xf32>
      %squeeze3A_2099 = vector.extract %slice3A_2098[0] : f32 from vector<1xf32>
      %add3A_2100 = arith.addf %reduce_sum3A_2097, %squeeze3A_2099 : f32
      %add3A_2101 = arith.addf %add3A_2100, %squeeze3A_312 : f32
      %eq3A_2102 = arith.constant 15 : i32
      %eq3A_2103 = vector.broadcast %eq3A_2102 : i32 to vector<16xi32>
      %eq3A_2104 = arith.cmpi eq, %iota3A, %eq3A_2103 : vector<16xi32>
      %broadcast_in_dim3A_2105 = vector.broadcast %add3A_2101 : f32 to vector<16xf32>
      %select_n3A_2106 = arith.select %eq3A_2104, %broadcast_in_dim3A_2105, %select_n3A_2011 : vector<16xi1>, vector<16xf32>
      %mul3A_2107 = arith.constant 16 : i32
      %mul3A_2108 = arith.muli %scan3A_321, %mul3A_2107 : i32
      %swap3A = arith.index_cast %mul3A_2108 : i32 to index
      %swap3A_2109 = tpu.vector_load %arg41[%swap3A] {strides = array<i32>} : memref<512xf32, #tpu.memory_space<vmem>>, vector<16xf32>,
      tpu.vector_store %arg41[%swap3A], %select_n3A_2106 {strides = array<i32>} : memref<512xf32, #tpu.memory_space<vmem>>, vector<16xf32>,
      scf.yield %select_n3A_2106 : vector<16xf32>
    }
    %scan3A_320 = arith.constant 32 : i32
    "tpu.region"() ({
      %run_scoped3A = tpu.sem_alloc : memref<!tpu.dma_semaphore, #tpu.memory_space<semaphore_mem>>
      %dma_start3A_321 = tpu.memref_slice %arg9[%mul3A_2] : memref<16384xf32, #tpu.memory_space<hbm>> -> memref<512xf32, #tpu.memory_space<hbm>>
      %dma_start3A_322 = tpu.memref_slice %arg9[%mul3A_2] : memref<16384xf32, #tpu.memory_space<hbm>> -> memref<512xf32, #tpu.memory_space<hbm>>
      tpu.enqueue_dma source(%arg41 : memref<512xf32, #tpu.memory_space<vmem>>) target(%dma_start3A_322 : memref<512xf32, #tpu.memory_space<hbm>>) target_semaphore(%run_scoped3A : memref<!tpu.dma_semaphore, #tpu.memory_space<semaphore_mem>>)
      %dma_wait3A = tpu.memref_slice %arg9[%mul3A_2] : memref<16384xf32, #tpu.memory_space<hbm>> -> memref<512xf32, #tpu.memory_space<hbm>>
      %dma_wait3A_323 = tpu.memref_slice %arg9[%mul3A_2] : memref<16384xf32, #tpu.memory_space<hbm>> -> memref<512xf32, #tpu.memory_space<hbm>>
      tpu.wait_dma2 semaphore(%run_scoped3A : memref<!tpu.dma_semaphore, #tpu.memory_space<semaphore_mem>>) src(%arg41 : memref<512xf32, #tpu.memory_space<vmem>>) dst(%dma_wait3A_323 : memref<512xf32, #tpu.memory_space<hbm>>)
      tpu.yield
    }) : () -> ()
    return
  }
}

</mosaic_0001>

<sc_bundles>
// kernel: kernel.3.cloned.1.call-start
scs
__scs_entry_jumppad:
0x0: {  	(pc) =	sbr.rel $0x88, $3  }
0x1: {  	(tag) =	ssettag $0x0;
	lr =	simm.s32 $0x1  }
0x2: {  	[smem:$0x3F9A] =	sst lr;
	_ =	strace $0xD0000000  }
0x3: {  	_ = 	snop  }
0x4: {  	_ = 	snop  }
0x5: {  	_ = 	snop  }
0x6: {  	_ = 	snop  }
0x7: {  	_ = 	snop  }
__scs_overlays_trampoline_lowered:
0x8: {  	[smem:$0x3FA9] =	sst s0  }
0x9: {  	[smem:$0x3FAA] =	sst s1  }
0xa: {  	[smem:$0x3FAB] =	sst s2  }
0xb: {  	[smem:$0x3FAC] =	sst s3  }
0xc: {  	[smem:$0x3FAD] =	sst s4  }
0xd: {  	[smem:$0x3FAE] =	sst s5  }
0xe: {  	[smem:$0x3FAF] =	sst s6  }
0xf: {  	[smem:$0x3FB0] =	sst s7  }
0x10: {  	[smem:$0x3FB1] =	sst s8  }
0x11: {  	[smem:$0x3FB2] =	sst s9;
	s0 =	simm.s32 @!p0 $0x0  }
0x12: {  	s1 =	sld [smem:$0x3F98];
	s0 =	simm.s32 @p0 $0x1  }
0x13: {  	[smem:$0x3FB3] =	sst s0;
	s0 =	simm.s32 @!p1 $0x0  }
0x14: {  	s2 =	sld [smem:$0x3F97];
	s0 =	simm.s32 @p1 $0x1  }
0x15: {  	[smem:$0x3FB4] =	sst s0;
	s0 =	simm.s32 @!p2 $0x0  }
0x16: {  	s3 =	sld [smem:$0x3FDB];
	s0 =	simm.s32 @p2 $0x1  }
0x17: {  	s4 =	simm.s32 $0x1BF5;
	[smem:$0x3FB6] =	sst s0  }
0x18: {  	s0 =	sld [smem:$0x3F99];
	_ =	swait.ge [sflag:s4], $0x0  }
0x19: {  	s7 =	sld [smem:$0x3F9A]  }
0x1a: {  	s8 =	sadd.s32 $0xFFFFE003, lr  }
0x1b: {  	s9 =	sadd.s32 $0xFFFFFEF7, lr;
	s5 =	simm.s32 $0xFFFFFFFF;
	p2 =	slt.u32 s8, $0xFFFFF086  }
0x1c: {  	p1 =	slt.u32 s9, $0xF7A;
	s5 =	simm.s32 @!p2 $0x0  }
0x1d: {  	s5 =	simm.s32 @p1 $0x1;
	p0 =	seq.s32 s7, s2  }
0x1e: {  	s7 =	smul.u32 @!p0 $0xF7A, s2;
	p2 =	seq.s32 @!p0 s5, $0x0  }
0x1f: {  	s9 =	smul.u32 $0xF7A, s1;
	s8 =	simm.s32 @!p0 $0x1BF5;
	p2 =	por !p2, p0  }
0x20: {  	[sflag:s8] =	ssyncset.s32 @!p0 $0xFFFFF086;
	s6 =	sadd.s32 @!p0 s3, s7;
	s7 =	simm.s32 @!p0 $0x108  }
0x21: {  	s3 =	sadd.s32 s3, s9;
	s6 =	sadd.s32 @!p0 $0x88, s6;
	s7 =	simm.s32 @p2 $0x1082  }
0x22: {  	[simem:s7], [sflag:s8] =	dma.local @!p0 [hbm:s6], $0xF7A  }
0x23: {  	s9 =	sor.u32 $0xD0000000, s2;
	s6 =	simm.s32 $0x108;
	_ =	swait.ge @!p0 [sflag:s8], $0x0  }
0x24: {  	s3 =	sadd.s32 $0x88, s3;
	s6 =	simm.s32 @!p1 $0x1082;
	[sflag:s4] =	ssyncset.s32 $0xFFFFF086  }
0x25: {  	[simem:s6], [sflag:s4] =	dma.local [hbm:s3], $0xF7A  }
0x26: {  	[smem:$0x3F9A] =	sst s1;
	(tag) =	ssettag s2;
	_ =	strace s9  }
0x27: {  	s1 =	sld [smem:$0x3FAA]  }
0x28: {  	s2 =	sld [smem:$0x3FAB]  }
0x29: {  	s4 =	sld [smem:$0x3FAD]  }
0x2a: {  	p0 =	seq.s32 s5, $0x0;
	s5 =	sld [smem:$0x3FAE]  }
0x2b: {  	s6 =	sld [smem:$0x3FAF]  }
0x2c: {  	s7 =	sld [smem:$0x3FB0]  }
0x2d: {  	s3 =	simm.s32 $0x108;
	s8 =	sld [smem:$0x3FB1]  }
0x2e: {  	s3 =	simm.s32 @!p0 $0x1082;
	s9 =	sld [smem:$0x3FB2]  }
0x2f: {  	lr =	sadd.s32 s0, s3;
	s0 =	sld [smem:$0x3FA9]  }
0x30: {  	s3 =	sld [smem:$0x3FAC]  }
0x31: {  	[smem:$0x3FB5] =	sst s10  }
0x32: {  	s10 =	sld [smem:$0x3FB3];
	_ =	sdelay $0x3  }
0x33: {  	p0 =	seq.s32 s10, $0x1;
	s10 =	sld [smem:$0x3FB5];
	_ =	sdelay $0x3  }
0x34: {  	[smem:$0x3FB5] =	sst s10  }
0x35: {  	s10 =	sld [smem:$0x3FB4];
	_ =	sdelay $0x3  }
0x36: {  	p1 =	seq.s32 s10, $0x1;
	s10 =	sld [smem:$0x3FB5];
	_ =	sdelay $0x3  }
0x37: {  	[smem:$0x3FB5] =	sst s10  }
0x38: {  	s10 =	sld [smem:$0x3FB6]  }
0x39: {  	_ = 	snop;
	(pc) =	sbr.ind lr, $3  }
0x3a: {  	_ = 	snop  }
0x3b: {  	_ = 	snop  }
0x3c: {  	p2 =	seq.s32 s10, $0x1;
	s10 =	sld [smem:$0x3FB5]  }
0x3d: {  	_ =	shalt  }
0x3e: {  	_ =	shalt  }
0x3f: {  	_ =	shalt  }
0x40: {  	_ =	shalt  }
0x41: {  	_ =	shalt  }
0x42: {  	_ =	shalt  }
0x43: {  	_ =	shalt  }
0x44: {  	_ =	shalt  }
0x45: {  	_ =	shalt  }
0x46: {  	_ =	shalt  }
0x47: {  	_ =	shalt  }
0x48: {  	_ =	shalt  }
0x49: {  	_ =	shalt  }
0x4a: {  	_ =	shalt  }
0x4b: {  	_ =	shalt  }
0x4c: {  	_ =	shalt  }
0x4d: {  	_ =	shalt  }
0x4e: {  	_ =	shalt  }
0x4f: {  	_ =	shalt  }
0x50: {  	_ =	shalt  }
0x51: {  	_ =	shalt  }
0x52: {  	_ =	shalt  }
0x53: {  	_ =	shalt  }
0x54: {  	_ =	shalt  }
0x55: {  	_ =	shalt  }
0x56: {  	_ =	shalt  }
0x57: {  	_ =	shalt  }
0x58: {  	_ =	shalt  }
0x59: {  	_ =	shalt  }
0x5a: {  	_ =	shalt  }
0x5b: {  	_ =	shalt  }
0x5c: {  	_ =	shalt  }
0x5d: {  	_ =	shalt  }
0x5e: {  	_ =	shalt  }
0x5f: {  	_ =	shalt  }
0x60: {  	_ =	shalt  }
0x61: {  	_ =	shalt  }
0x62: {  	_ =	shalt  }
0x63: {  	_ =	shalt  }
0x64: {  	_ =	shalt  }
0x65: {  	_ =	shalt  }
0x66: {  	_ =	shalt  }
0x67: {  	_ =	shalt  }
0x68: {  	_ =	shalt  }
0x69: {  	_ =	shalt  }
0x6a: {  	_ =	shalt  }
0x6b: {  	_ =	shalt  }
0x6c: {  	_ =	shalt  }
0x6d: {  	_ =	shalt  }
0x6e: {  	_ =	shalt  }
0x6f: {  	_ =	shalt  }
0x70: {  	_ =	shalt  }
0x71: {  	_ =	shalt  }
0x72: {  	_ =	shalt  }
0x73: {  	_ =	shalt  }
0x74: {  	_ =	shalt  }
0x75: {  	_ =	shalt  }
0x76: {  	_ =	shalt  }
0x77: {  	_ =	shalt  }
0x78: {  	_ =	shalt  }
0x79: {  	_ =	shalt  }
0x7a: {  	_ =	shalt  }
0x7b: {  	_ =	shalt  }
0x7c: {  	_ =	shalt  }
0x7d: {  	_ =	shalt  }
0x7e: {  	_ =	shalt  }
0x7f: {  	_ =	shalt  }
0x80: {  	_ =	shalt  }
0x81: {  	_ =	shalt  }
0x82: {  	_ =	shalt  }
0x83: {  	_ =	shalt  }
0x84: {  	_ =	shalt  }
0x85: {  	_ =	shalt  }
0x86: {  	_ =	shalt  }
0x87: {  	_ =	shalt  }
.Lfunc_end0:
.L_simem_size_0:
called_computation_lowered:
.L_overlay_start_0:
0x88: {  	s2 =	sld [smem:$0x3FD9]  }
0x89: {  	s3 =	sld [smem:$0x3FFE];
	_ =	sdelay $0x1  }
0x8a: {  	s1 =	srdreg.scid  }
0x8b: {  	s0 =	sand.u32 $0x1, s1  }
0x8c: {  	s17 =	sshll.u32 s0, $0xA;
	s2 =	sadd.s32 s3, s2  }
0x8d: {  	s2 =	sadd.s32 s2, s17  }
0x8e: {  	[smem:$0x3FC1] =	sst s2  }
0x8f: {  	_ = 	snop  }
0x90: {  	s2 =	sld [smem:$0x3FC9]  }
0x91: {  	s18 =	sld [smem:$0x3FC8]  }
0x92: {  	s4 =	sld [smem:$0x3FC7]  }
0x93: {  	s5 =	sld [smem:$0x3FC6]  }
0x94: {  	s6 =	sld [smem:$0x3FC5]  }
0x95: {  	s7 =	sld [smem:$0x3FC4]  }
0x96: {  	s8 =	sld [smem:$0x3FD0];
	(tm) =	ssettm $0x1  }
0x97: {  	s9 =	sld [smem:$0x3FFB];
	_ =	sdelay $0x3  }
0x98: {  	_ =	strace s9  }
0x99: {  	s9 =	sld [smem:$0x3FFC];
	_ =	sdelay $0x3  }
0x9a: {  	_ =	strace s9  }
0x9b: {  	s9 =	sld [smem:$0x3FFD];
	_ =	sdelay $0x3  }
0x9c: {  	_ =	strace s9  }
0x9d: {  	_ =	strace $0x8FFFFFFF  }
0x9e: {  	s19 =	sld [smem:$0x3FDB];
	_ =	sdelay $0x1  }
0x9f: {  	s10 =	simm.s32 $_scs_section_size  }
0xa0: {  	s11 =	simm.s32 $_size__tile_overlayer_lowered;
	s12 =	simm.s32 $_tile_overlayer_lowered  }
0xa1: {  	s22 =	simm.s32 $0x1BFF;
	s21 =	sshll.u32 s12, $0x1;
	s9 =	sadd.s32 s10, s19  }
0xa2: {  	s13 =	simm.s32 $0x0;
	s20 =	sshll.u32 s11, $0x1;
	s11 =	sadd.s32 s21, s9  }
0xa3: {  	[timem:s13], [sflag:s22] =	dma.local [hbm:s11], s20  }
0xa4: {  	_ =	swait.ge [sflag:s22], s20  }
0xa5: {  	s10 =	ssub.s32 $0x0, s20;
	[sflag:s22] =	ssyncset.done $0x0  }
0xa6: {  	[sflag:s22] =	ssyncadd.s32 s10;
	_ =	sdelay $0x1  }
0xa7: {  	s23 =	simm.s32 $0x1B8B  }
0xa8: {  	_ =	swait.ge [sflag:s23], $0x1  }
0xa9: {  	[sflag:s23] =	ssyncset.done $0x0  }
0xaa: {  	s25 =	simm.s32 $0x1B8E;
	s24 =	sld [smem:$0x3FFE];
	[sflag:s23] =	ssyncadd.s32 $0xFFFFFFFF  }
0xab: {  	s26 =	simm.s32 $execute0_lowered;
	[smem:$0x3FD2] =	sst s25  }
0xac: {  	s11 =	sshll.u32 s26, $0x1;
	_ =	strace $0x80000046;
	[dreg:$0x1] =	wrdreg $0xFFFFFFFF  }
0xad: {  	s28 =	simm.s32 $_size_execute0_lowered;
	s9 =	sadd.s32 s9, s11;
	[dreg:$0x0] =	wrdreg $0x0  }
0xae: {  	s11 =	sshll.u32 s28, $0x1;
	[dreg:$0x2] =	wrdreg s9  }
0xaf: {  	[dreg:$0x3] =	wrdreg s11  }
0xb0: {  	[dreg:$0x4] =	wrdreg $0xC0  }
0xb1: {  	_ =	task [dreg:s13], $0x5FFFF  }
0xb2: {  	[dreg:$0x1] =	wrdreg $0xFFFFFFFF  }
0xb3: {  	[dreg:$0x0] =	wrdreg $0x60  }
0xb4: {  	[dreg:$0x2] =	wrdreg s2  }
0xb5: {  	[dreg:$0x3] =	wrdreg s18  }
0xb6: {  	[dreg:$0x4] =	wrdreg s4  }
0xb7: {  	[dreg:$0x5] =	wrdreg s5  }
0xb8: {  	[dreg:$0x6] =	wrdreg s6  }
0xb9: {  	[dreg:$0x7] =	wrdreg s7  }
0xba: {  	[dreg:$0x8] =	wrdreg s24  }
0xbb: {  	[dreg:$0x9] =	wrdreg s8  }
0xbc: {  	[dreg:$0xa] =	wrdreg $0x9  }
0xbd: {  	_ =	task.clear_ibuf [dreg:s13], $0xBFFFF;
	_ =	strace $0x90000046  }
0xbe: {  	s29 =	simm.s32 $0x9;
	_ =	strace $0x80000048  }
0xbf: {  	_ =	swait.ge [sflag:s29], $0x1  }
0xc0: {  	[sflag:s29] =	ssyncadd.s32 $0xFFFFFFFF  }
0xc1: {  	_ =	strace $0x90000048  }
0xc2: {  	_ =	sfence  }
0xc3: {  	s30 =	sld [smem:$0x0];
	_ =	sdelay $0x2  }
0xc4: {  	s31 =	sshll.u32 s1, $0xD;
	s1 =	sshrl.u32 s1, $0x2  }
0xc5: {  	s3 =	sand.u32 $0x4000, s31;
	s1 =	sadd.s32 s1, s30  }
0xc6: {  	s0 =	sor.u32 s3, s0;
	s1 =	sshll.u32 s1, $0x11  }
0xc7: {  	s0 =	sor.u32 s1, s0  }
0xc8: {  	s0 =	sadd.s32 $0x8F2B, s0  }
0xc9: {  	[sflag:s0] =	ssyncadd.remote.s32 $0x1  }
0xca: {  	_ =	sfence.sel $0xFFFF  }
0xcb: {  	[dreg:$0x0] =	wrdreg $0xFFFFFFFF;
	(pc) =	sbr.abs _section_cstart, $3  }
0xcc: {  	[dreg:$0x1] =	wrdreg $0xFFFFFFFF  }
0xcd: {  	_ =	task.clear_ibuf [dreg:s13], $0x2FFFF;
	_ =	strace $0x9FFFFFFF  }
0xce: {  	(tm) =	ssettm $0x7FFFFFFF  }
0xcf: {  	_ =	shalt  }
tec
execute0_lowered:
.L_overlay_start_1:
0x0: {  	(tag) =	ssettag $0x1  }
0x1: {  	s0 =	rddreg [dreg:$0x0]  }
0x2: {  	s1 =	rddreg [dreg:$0x1]  }
0x3: {  	s18 =	rddreg [dreg:$0x2]  }
0x4: {  	s24 =	rddreg [dreg:$0x3]  }
0x5: {  	s19 =	rddreg [dreg:$0x4]  }
0x6: {  	s5 =	rddreg [dreg:$0x5]  }
0x7: {  	s3 =	rddreg [dreg:$0x6]  }
0x8: {  	s4 =	rddreg [dreg:$0x7];
	s7 =	simm.s32 $0x0  }
0x9: {  	s6 =	srdreg.scid;
	s9 =	stileid.u32;
	s10 =	simm.s32 $0x6400  }
0xa: {  	s11 =	simm.s32 $0x8400;
	s12 =	simm.s32 $0xA400;
	s13 =	simm.s32 $0xC400  }
0xb: {  	s16 =	simm.s32 $0xE400;
	s17 =	simm.s32 $0x10400;
	s20 =	simm.s32 $0x12400  }
0xc: {  	s21 =	simm.s32 $0x14400;
	s2 =	simm.s32 $0x16400;
	s15 =	simm.s32 $0x18480  }
0xd: {  	s28 =	simm.s32 $0x18880;
	s30 =	simm.s32 $0x18900;
	s31 =	simm.s32 $0x18580  }
0xe: {  	[smem:$0x7FF] =	sst s7;
	s6 =	sand.u32 $0x1, s6;
	s9 =	sshll.u32 s9, $0x7  }
0xf: {  	s3 =	sadd.s32 $0x400, s3;
	_ =	strace $0x80000047;
	s22 =	ssub.s32 $0x2, s6  }
0x10: {  	s6 =	sshll.u32 s6, $0x6;
	[dreg:$0x9] =	wrdreg s3;
	s8 =	sshrl.u32 s22, $0x1  }
0x11: {  	s3 =	simm.s32 $0x0;
	s6 =	sor.u32 s6, s9;
	s23 =	ssub.s32 s22, s8  }
0x12: {  	s0 =	sadd.s32 s0, s6;
	s25 =	sadd.s32 s1, s6;
	s26 =	sadd.s32 s4, s6  }
0x13: {  	v0 =	vlaneseq.u32;
	vm0 =	vcmask $0x704;
	vm1 =	vcmask $0xB08;
	s1 =	simm.s32 $0x15;
	s4 =	simm.s32 $0x2400;
	[dreg:$0xa] =	wrdreg s0  }
0x14: {  	vm2 =	vcmask $0xF0C;
	vm3 =	vcmask $0x1310;
	v1 =	vmul.u32 $0x80, v0;
	s6 =	simm.s32 $0x4400;
	s22 =	simm.s32 $0x18400;
	[dreg:$0xb] =	wrdreg s25  }
0x15: {  	vm4 =	vcmask $0x1714;
	vm5 =	vcmask $0x1B18;
	vm6 =	vcmask $0x1F1C;
	[dreg:$0xc] =	wrdreg s26;
	s29 =	smax.u32 s23, $0x1;
	s23 =	simm.s32 $0x7A1400  }
0x16: {  	v2 =	vor.u32 $0x800, v1;
	v3 =	vor.u32 $0x1000, v1;
	v4 =	vor.u32 $0x1800, v1;
	s25 =	simm.s32 $0x400;
	s26 =	simm.s32 $0x18800;
	[dreg:$0xd] =	wrdreg s29  }
.LBB2_1:
0x17: {  	[dreg:$0xe] =	wrdreg s3  }
0x18: {  	s14 =	simm.s32 $0x0;
	s0 =	rddreg [dreg:$0xa]  }
0x19: {  	[tilespmem:s14], [sflag:$0x15] =	stream.linear.gather [hbm4b:s0+s14], $0x200, $0x38;
	[tilespmem:$0x18E80] =	vst v63  }
0x1a: {  	_ =	swait.ge [sflag:s1], $0x200  }
0x1b: {  	[sflag:s1] =	ssyncset.done $0x0  }
0x1c: {  	s8 =	simm.s32 $0x200;
	s9 =	rddreg [dreg:$0xb];
	[sflag:s1] =	ssyncadd.s32 $0xFFFFFE00  }
0x1d: {  	[tilespmem:s8], [sflag:$0x15] =	stream.linear.gather [hbm4b:s9+s14], $0x200, $0x38;
	[tilespmem:$0x18E80] =	vst v63  }
0x1e: {  	_ =	swait.ge [sflag:s1], $0x200  }
0x1f: {  	[sflag:s1] =	ssyncset.done $0x0  }
0x20: {  	s8 =	simm.s32 $0x18C00;
	s7 =	rddreg [dreg:$0x9];
	[sflag:s1] =	ssyncadd.s32 $0xFFFFFE00  }
0x21: {  	[tilespmem:s8], [sflag:$0x15] =	stream.linear.gather [hbm4b:s7+s14], $0x80, $0x38;
	[tilespmem:$0x18E80] =	vst v63  }
0x22: {  	_ =	swait.ge [sflag:s1], $0x80  }
0x23: {  	[sflag:s1] =	ssyncset.done $0x0  }
0x24: {  	[sflag:s1] =	ssyncadd.s32 $0xFFFFFF80  }
0x25: {  	v5 =	vld [tilespmem:$0x0];
	_ =	sdelay $0x4  }
0x26: {  	(v2sf) =	vpush v5, $0x0;
	_ =	sdelay $0x2  }
0x27: {  	(v2sf) =	vpush v5, $0x1  }
0x28: {  	(v2sf) =	vpush v5, $0x2;
	_ =	sdelay $0x5  }
0x29: {  	(v2sf) =	vpush v5, $0x3;
	_ =	sdelay $0x1  }
0x2a: {  	(v2sf) =	vpush v5, $0x4;
	_ =	sdelay $0x2  }
0x2b: {  	s7 =	spop (v2sf);
	(v2sf) =	vpush v5, $0x5;
	_ =	sdelay $0x2  }
0x2c: {  	s9 =	sand.u32 $0x1FFFFF80, s7;
	s8 =	spop (v2sf);
	(v2sf) =	vpush v5, $0x6  }
0x2d: {  	s0 =	sadd.s32 s18, s9;
	s1 =	sand.u32 $0x1FFFFF80, s8;
	s9 =	spop (v2sf)  }
0x2e: {  	v6 =	vld [tilespmem:$0x200];
	[tilespmem:s25], [sflag:$0x1] =	stream.strided.gather [hbm4b:s0+s25], $0x2000, s23, s25, $0x38  }
0x2f: {  	s0 =	sadd.s32 s18, s1;
	s3 =	sand.u32 $0x1FFFFF80, s9  }
0x30: {  	[tilespmem:s4], [sflag:$0x2] =	stream.strided.gather [hbm4b:s0+s25], $0x2000, s23, s25, $0x38;
	[tilespmem:$0x18E80] =	vst v63  }
0x31: {  	(v2sf) =	vpush v5, $0x7;
	s0 =	sadd.s32 s18, s3  }
0x32: {  	[tilespmem:s6], [sflag:$0x3] =	stream.strided.gather [hbm4b:s0+s25], $0x2000, s23, s25, $0x38;
	[tilespmem:$0x18E80] =	vst v63  }
0x33: {  	s6 =	spop (v2sf);
	(v2sf) =	vpush v6, $0x0  }
0x34: {  	s4 =	sand.u32 $0x1FFFFF80, s6  }
0x35: {  	s0 =	sadd.s32 s18, s4;
	s4 =	spop (v2sf)  }
0x36: {  	[tilespmem:s10], [sflag:$0x4] =	stream.strided.gather [hbm4b:s0+s25], $0x2000, s23, s25, $0x38;
	[tilespmem:$0x18E80] =	vst v63  }
0x37: {  	s10 =	sand.u32 $0x1FFFFF80, s4  }
0x38: {  	s0 =	sadd.s32 s18, s10;
	s3 =	spop (v2sf);
	(v2sf) =	vpush v6, $0x1  }
0x39: {  	[tilespmem:s11], [sflag:$0x5] =	stream.strided.gather [hbm4b:s0+s25], $0x2000, s23, s25, $0x38;
	[tilespmem:$0x18E80] =	vst v63  }
0x3a: {  	s11 =	sand.u32 $0x1FFFFF80, s3  }
0x3b: {  	s1 =	spop (v2sf);
	s0 =	sadd.s32 s18, s11  }
0x3c: {  	(v2sf) =	vpush v6, $0x2;
	[tilespmem:s12], [sflag:$0x6] =	stream.strided.gather [hbm4b:s0+s25], $0x2000, s23, s25, $0x38;
	[tilespmem:$0x18E80] =	vst v63  }
0x3d: {  	s12 =	sand.u32 $0x1FFFFF80, s1  }
0x3e: {  	s0 =	sadd.s32 s18, s12  }
0x3f: {  	[tilespmem:s13], [sflag:$0x7] =	stream.strided.gather [hbm4b:s0+s25], $0x2000, s23, s25, $0x38;
	[tilespmem:$0x18E80] =	vst v63  }
0x40: {  	s0 =	spop (v2sf);
	(v2sf) =	vpush v6, $0x3  }
0x41: {  	s13 =	sand.u32 $0x1FFFFF80, s0  }
0x42: {  	s11 =	spop (v2sf);
	s10 =	sadd.s32 s18, s13  }
0x43: {  	[tilespmem:s16], [sflag:$0x8] =	stream.strided.gather [hbm4b:s10+s25], $0x2000, s23, s25, $0x38;
	[tilespmem:$0x18E80] =	vst v63  }
0x44: {  	s16 =	sand.u32 $0x1FFFFF80, s11  }
0x45: {  	s10 =	sadd.s32 s24, s16  }
0x46: {  	[tilespmem:s17], [sflag:$0x9] =	stream.strided.gather [hbm4b:s10+s25], $0x2000, s23, s25, $0x38;
	[tilespmem:$0x18E80] =	vst v63  }
0x47: {  	s10 =	spop (v2sf)  }
0x48: {  	s17 =	sand.u32 $0x1FFFFF80, s10  }
0x49: {  	s12 =	sadd.s32 s24, s17  }
0x4a: {  	[tilespmem:s20], [sflag:$0xA] =	stream.strided.gather [hbm4b:s12+s25], $0x2000, s23, s25, $0x38;
	[tilespmem:$0x18E80] =	vst v63  }
0x4b: {  	s12 =	spop (v2sf)  }
0x4c: {  	s20 =	sand.u32 $0x1FFFFF80, s12  }
0x4d: {  	s13 =	sadd.s32 s24, s20  }
0x4e: {  	[tilespmem:s21], [sflag:$0xB] =	stream.strided.gather [hbm4b:s13+s25], $0x2000, s23, s25, $0x38;
	[tilespmem:$0x18E80] =	vst v63  }
0x4f: {  	s13 =	spop (v2sf)  }
0x50: {  	s7 =	sshrl.u32 s7, $0x3;
	s21 =	sand.u32 $0x1FFFFF80, s13  }
0x51: {  	s7 =	sand.u32 $0x1FFFFFF0, s7;
	s16 =	sadd.s32 s24, s21  }
0x52: {  	[tilespmem:s2], [sflag:$0xC] =	stream.strided.gather [hbm4b:s16+s25], $0x2000, s23, s25, $0x38;
	[tilespmem:$0x18E80] =	vst v63  }
0x53: {  	s7 =	sadd.s32 s19, s7;
	s16 =	sshrl.u32 s11, $0x3  }
0x54: {  	[tilespmem:s22], [sflag:$0xD] =	stream.linear.gather [hbm4b:s7+s14], $0x80, $0x38;
	[tilespmem:$0x18E80] =	vst v63  }
0x55: {  	s7 =	sand.u32 $0x1FFFFFF0, s16  }
0x56: {  	s17 =	sshrl.u32 s8, $0x3;
	s7 =	sadd.s32 s5, s7  }
0x57: {  	v5 =	vshrl.u32 v6, $0x3;
	[tilespmem:s26], [sflag:$0xD] =	stream.linear.gather [hbm4b:s7+s14], $0x80, $0x38;
	[tilespmem:$0x18E80] =	vst v63  }
0x58: {  	(v2sf) =	vpush v5, $0x4;
	s7 =	sand.u32 $0x1FFFFFF0, s17  }
0x59: {  	s20 =	sshrl.u32 s10, $0x3;
	s7 =	sadd.s32 s19, s7  }
0x5a: {  	[tilespmem:s15], [sflag:$0xE] =	stream.linear.gather [hbm4b:s7+s14], $0x80, $0x38;
	[tilespmem:$0x18E80] =	vst v63  }
0x5b: {  	s7 =	sand.u32 $0x1FFFFFF0, s20  }
0x5c: {  	s21 =	sshrl.u32 s9, $0x3;
	s7 =	sadd.s32 s5, s7  }
0x5d: {  	[tilespmem:s28], [sflag:$0xE] =	stream.linear.gather [hbm4b:s7+s14], $0x80, $0x38;
	[tilespmem:$0x18E80] =	vst v63  }
0x5e: {  	s7 =	sand.u32 $0x1FFFFFF0, s21  }
0x5f: {  	(v2sf) =	vpush v5, $0x5;
	s22 =	simm.s32 $0x18500;
	s26 =	sshrl.u32 s12, $0x3;
	s7 =	sadd.s32 s19, s7  }
0x60: {  	[tilespmem:s22], [sflag:$0xF] =	stream.linear.gather [hbm4b:s7+s14], $0x80, $0x38;
	[tilespmem:$0x18E80] =	vst v63  }
0x61: {  	s6 =	sshrl.u32 s6, $0x3;
	s7 =	sand.u32 $0x1FFFFFF0, s26  }
0x62: {  	s6 =	sand.u32 $0x1FFFFFF0, s6;
	(v2sf) =	vpush v5, $0x6;
	s7 =	sadd.s32 s5, s7  }
0x63: {  	[tilespmem:s30], [sflag:$0xF] =	stream.linear.gather [hbm4b:s7+s14], $0x80, $0x38;
	[tilespmem:$0x18E80] =	vst v63  }
0x64: {  	s6 =	sadd.s32 s19, s6;
	s4 =	sshrl.u32 s4, $0x3;
	s2 =	sshrl.u32 s13, $0x3  }
0x65: {  	[tilespmem:s31], [sflag:$0x10] =	stream.linear.gather [hbm4b:s6+s14], $0x80, $0x38;
	[tilespmem:$0x18E80] =	vst v63  }
0x66: {  	s4 =	sand.u32 $0x1FFFFFF0, s4;
	s3 =	sshrl.u32 s3, $0x3;
	s6 =	sand.u32 $0x1FFFFFF0, s2  }
0x67: {  	s9 =	spop (v2sf);
	s7 =	simm.s32 $0x18980;
	s6 =	sadd.s32 s5, s6  }
0x68: {  	(v2sf) =	vpush v5, $0x7;
	[tilespmem:s7], [sflag:$0x10] =	stream.linear.gather [hbm4b:s6+s14], $0x80, $0x38;
	[tilespmem:$0x18E80] =	vst v63  }
0x69: {  	s4 =	sadd.s32 s19, s4;
	s3 =	sand.u32 $0x1FFFFFF0, s3;
	s8 =	simm.s32 $0x18600  }
0x6a: {  	[tilespmem:s8], [sflag:$0x11] =	stream.linear.gather [hbm4b:s4+s14], $0x80, $0x38;
	[tilespmem:$0x18E80] =	vst v63  }
0x6b: {  	s3 =	sadd.s32 s19, s3;
	s4 =	sand.u32 $0x1FFFFFF0, s9  }
0x6c: {  	s1 =	sshrl.u32 s1, $0x3;
	s10 =	simm.s32 $0x18A00;
	s4 =	sadd.s32 s5, s4  }
0x6d: {  	[tilespmem:s10], [sflag:$0x11] =	stream.linear.gather [hbm4b:s4+s14], $0x80, $0x38;
	[tilespmem:$0x18E80] =	vst v63  }
0x6e: {  	s1 =	sand.u32 $0x1FFFFFF0, s1;
	s11 =	simm.s32 $0x18680;
	s12 =	spop (v2sf)  }
0x6f: {  	[tilespmem:s11], [sflag:$0x12] =	stream.linear.gather [hbm4b:s3+s14], $0x80, $0x38;
	[tilespmem:$0x18E80] =	vst v63  }
0x70: {  	s1 =	sadd.s32 s19, s1;
	s3 =	sand.u32 $0x1FFFFFF0, s12  }
0x71: {  	s13 =	simm.s32 $0x18A80;
	s15 =	spop (v2sf);
	s3 =	sadd.s32 s5, s3  }
0x72: {  	[tilespmem:s13], [sflag:$0x12] =	stream.linear.gather [hbm4b:s3+s14], $0x80, $0x38;
	[tilespmem:$0x18E80] =	vst v63  }
0x73: {  	s0 =	sshrl.u32 s0, $0x3;
	s16 =	simm.s32 $0x18700;
	s17 =	sand.u32 $0x1FFFFFF0, s15  }
0x74: {  	[tilespmem:s16], [sflag:$0x13] =	stream.linear.gather [hbm4b:s1+s14], $0x80, $0x38;
	[tilespmem:$0x18E80] =	vst v63  }
0x75: {  	s0 =	sand.u32 $0x1FFFFFF0, s0;
	s20 =	simm.s32 $0x18B00;
	s1 =	sadd.s32 s5, s17  }
0x76: {  	[tilespmem:s20], [sflag:$0x13] =	stream.linear.gather [hbm4b:s1+s14], $0x80, $0x38;
	[tilespmem:$0x18E80] =	vst v63  }
0x77: {  	s0 =	sadd.s32 s19, s0;
	s21 =	simm.s32 $0x18780;
	s22 =	spop (v2sf)  }
0x78: {  	[tilespmem:s21], [sflag:$0x14] =	stream.linear.gather [hbm4b:s0+s14], $0x80, $0x38;
	[tilespmem:$0x18E80] =	vst v63  }
0x79: {  	s0 =	sand.u32 $0x1FFFFFF0, s22  }
0x7a: {  	s26 =	simm.s32 $0x18B80;
	s0 =	sadd.s32 s5, s0  }
0x7b: {  	[tilespmem:s26], [sflag:$0x14] =	stream.linear.gather [hbm4b:s0+s14], $0x80, $0x38;
	[tilespmem:$0x18E80] =	vst v63  }
0x7c: {  	v5 =	vld [tilespmem:$0x18C00];
	_ =	sdelay $0x4  }
0x7d: {  	(v2sf) =	vpush v5, $0x0;
	_ =	sdelay $0xd  }
0x7e: {  	s29 =	simm.s32 $0x200;
	s2 =	simm.s32 $0x0  }
0x7f: {  	s1 =	simm.s32 $0x18C80;
	s0 =	simm.s32 $0xFFFFFFE0;
	s16 =	spop (v2sf)  }
.LBB2_2:
0x80: {  	[dreg:$0xf] =	wrdreg s0  }
0x81: {  	s0 =	rddreg [dreg:$0xf]  }
0x82: {  	s0 =	sadd.s32 $0x21, s0  }
0x83: {  	[dreg:$0x11] =	wrdreg s2;
	v8 =	vld [tilespmem:s2+$0x0];
	s0 =	smin.u32 s0, $0x1F  }
0x84: {  	[dreg:$0x10] =	wrdreg s1;
	v7 =	vld [tilespmem:s29+$0x0];
	s0 =	sshll.u32 s0, $0x4  }
0x85: {  	[dreg:$0x12] =	wrdreg s29;
	s12 =	simm.s32 $0x1;
	v6 =	vld [tilespmem:s0+$0x0]  }
0x86: {  	v5 =	vld [tilespmem:s0+$0x200];
	_ =	swait.ge [sflag:s12], $0x2000  }
0x87: {  	[sflag:s12] =	ssyncset.done $0x0  }
0x88: {  	s13 =	simm.s32 $0x9;
	[sflag:s12] =	ssyncadd.s32 $0xFFFFE000  }
0x89: {  	_ =	swait.ge [sflag:s13], $0x2000  }
0x8a: {  	[sflag:s13] =	ssyncset.done $0x0  }
0x8b: {  	s26 =	simm.s32 $0xD;
	[sflag:s13] =	ssyncadd.s32 $0xFFFFE000  }
0x8c: {  	_ =	swait.ge [sflag:s26], $0x80  }
0x8d: {  	[sflag:s26] =	ssyncset.done $0x0  }
0x8e: {  	[sflag:s26] =	ssyncadd.s32 $0xFFFFFF80  }
0x8f: {  	_ =	swait.ge [sflag:s26], $0x80  }
0x90: {  	(v2sf) =	vpush v8, $0x0  }
0x91: {  	(v2sf) =	vpush v7, $0x0;
	_ =	sdelay $0xd  }
0x92: {  	s14 =	spop (v2sf)  }
0x93: {  	s0 =	sand.u32 $0x7F, s14;
	s15 =	spop (v2sf)  }
0x94: {  	s1 =	sand.u32 $0x7F, s15;
	v9 =	vor.u32 s0, v1  }
0x95: {  	v10 =	vor.u32 s1, v1  }
0x96: {  	v11 =	vor.u32 s0, v2  }
0x97: {  	[sflag:s26] =	ssyncset.done $0x0;
	v12 =	vor.u32 s1, v2  }
0x98: {  	[sflag:s26] =	ssyncadd.s32 $0xFFFFFF80;
	v13 =	vor.u32 s0, v3  }
0x99: {  	s21 =	simm.s32 $0x10400;
	v14 =	vor.u32 s1, v3;
	v9 =	vld.idx.msk [tilespmem:v9+s25+$0x0], $0xffff  }
0x9a: {  	v15 =	vor.u32 s0, v4;
	v10 =	vld.idx.msk [tilespmem:v10+s21+$0x0], $0xffff  }
0x9b: {  	v16 =	vor.u32 s1, v4;
	v11 =	vld.idx.msk [tilespmem:v11+s25+$0x0], $0xffff  }
0x9c: {  	v12 =	vld.idx.msk [tilespmem:v12+s21+$0x0], $0xffff  }
0x9d: {  	v13 =	vld.idx.msk [tilespmem:v13+s25+$0x0], $0xffff  }
0x9e: {  	v14 =	vld.idx.msk [tilespmem:v14+s21+$0x0], $0xffff  }
0x9f: {  	v30 =	vld.idx.msk [tilespmem:v15+s25+$0x0], $0xffff;
	v9 =	vmul.f32 v10, v9  }
0xa0: {  	v31 =	vld.idx.msk [tilespmem:v16+s21+$0x0], $0xffff  }
0xa1: {  	v11 =	vmul.f32 v12, v11;
	v9 =	vadd.f32 $0.0e+00, v9;
	_ =	sdelay $0x1  }
0xa2: {  	v32 =	vmul.f32 v14, v13;
	v9 =	vadd.f32 v11, v9;
	_ =	sdelay $0x1  }
0xa3: {  	v10 =	vmul.f32 v31, v30;
	v9 =	vadd.f32 v32, v9  }
0xa4: {  	(v2sf) =	vpush v8, $0x8  }
0xa5: {  	v9 =	vadd.f32 v10, v9  }
0xa6: {  	v33 =	vmov s0  }
0xa7: {  	v34 =	vmov s1;
	(xrf2) =	vadd.scan.msk.f32 $0xffff, v9;
	_ =	sdelay $0x1  }
0xa8: {  	(v2sf) =	vpush v7, $0x4  }
0xa9: {  	s17 =	simm.s32 $0x18400  }
0xaa: {  	s6 =	simm.s32 $0x18800;
	(v2sf) =	vpush v7, $0x8;
	v35 =	vld.idx.msk [tilespmem:v33+s17+$0x0], $0xffff  }
0xab: {  	v36 =	vld.idx.msk [tilespmem:v34+s6+$0x0], $0xffff;
	_ =	sdelay $0x4  }
0xac: {  	v9 =	vadd.f32 v36, v35;
	v37, _, _ =	vpop (xrf2)  }
0xad: {  	(v2sf) =	vpush v37, $0xF  }
0xae: {  	s22 =	spop (v2sf);
	(v2sf) =	vpush v9, $0x0;
	_ =	sdelay $0x1  }
0xaf: {  	s7 =	sand.u32 $0x1FFFFF80, s22  }
0xb0: {  	s0 =	sadd.s32 s18, s7  }
0xb1: {  	[tilespmem:s25], [sflag:$0x1] =	stream.strided.gather [hbm4b:s0+s25], $0x2000, s23, s25, $0x38;
	[tilespmem:$0x18E80] =	vst v63  }
0xb2: {  	s0 =	spop (v2sf)  }
0xb3: {  	s20 =	simm.s32 $0x18400;
	s9 =	sshrl.u32 s22, $0x3;
	s8 =	sand.u32 $0xFFFFF80, s0  }
0xb4: {  	s3 =	sand.u32 $0x1FFFFFF0, s9;
	s12 =	spop (v2sf);
	s1 =	sadd.s32 s24, s8  }
0xb5: {  	[tilespmem:s21], [sflag:$0x9] =	stream.strided.gather [hbm4b:s1+s25], $0x2000, s23, s25, $0x38;
	[tilespmem:$0x18E80] =	vst v63  }
0xb6: {  	s14 =	simm.s32 $0x0;
	s3 =	sadd.s32 s19, s3;
	s10 =	sshrl.u32 s12, $0x3  }
0xb7: {  	[tilespmem:s20], [sflag:$0xD] =	stream.linear.gather [hbm4b:s3+s14], $0x80, $0x38;
	[tilespmem:$0x18E80] =	vst v63  }
0xb8: {  	s3 =	sand.u32 $0x1FFFFFF0, s10  }
0xb9: {  	s4 =	simm.s32 $0x18800;
	s3 =	sadd.s32 s5, s3  }
0xba: {  	[tilespmem:s4], [sflag:$0xD] =	stream.linear.gather [hbm4b:s3+s14], $0x80, $0x38;
	[tilespmem:$0x18E80] =	vst v63  }
0xbb: {  	s11 =	spop (v2sf)  }
0xbc: {  	[dreg:$0x13] =	wrdreg s11;
	s13 =	spop (v2sf)  }
0xbd: {  	s15 =	simm.s32 $0x2;
	[dreg:$0x14] =	wrdreg s13  }
0xbe: {  	_ =	swait.ge [sflag:s15], $0x2000  }
0xbf: {  	[sflag:s15] =	ssyncset.done $0x0  }
0xc0: {  	s17 =	simm.s32 $0xA;
	[sflag:s15] =	ssyncadd.s32 $0xFFFFE000  }
0xc1: {  	_ =	swait.ge [sflag:s17], $0x2000  }
0xc2: {  	[sflag:s17] =	ssyncset.done $0x0  }
0xc3: {  	s25 =	simm.s32 $0xE;
	[sflag:s17] =	ssyncadd.s32 $0xFFFFE000  }
0xc4: {  	_ =	swait.ge [sflag:s25], $0x80  }
0xc5: {  	[sflag:s25] =	ssyncset.done $0x0  }
0xc6: {  	[sflag:s25] =	ssyncadd.s32 $0xFFFFFF80  }
0xc7: {  	_ =	swait.ge [sflag:s25], $0x80  }
0xc8: {  	(v2sf) =	vpush v8, $0x1  }
0xc9: {  	(v2sf) =	vpush v7, $0x1;
	_ =	sdelay $0xd  }
0xca: {  	s20 =	spop (v2sf)  }
0xcb: {  	s3 =	sand.u32 $0x7F, s20;
	s1 =	spop (v2sf)  }
0xcc: {  	s4 =	sand.u32 $0x7F, s1;
	v38 =	vor.u32 s3, v1  }
0xcd: {  	v39 =	vor.u32 s4, v1  }
0xce: {  	v40 =	vor.u32 s3, v2  }
0xcf: {  	[sflag:s25] =	ssyncset.done $0x0;
	v41 =	vor.u32 s4, v2  }
0xd0: {  	s6 =	simm.s32 $0x2400;
	[sflag:s25] =	ssyncadd.s32 $0xFFFFFF80;
	v42 =	vor.u32 s3, v3  }
0xd1: {  	s17 =	simm.s32 $0x12400;
	v43 =	vor.u32 s4, v3;
	v9 =	vld.idx.msk [tilespmem:v38+s6+$0x0], $0xffff  }
0xd2: {  	v44 =	vor.u32 s3, v4;
	v10 =	vld.idx.msk [tilespmem:v39+s17+$0x0], $0xffff  }
0xd3: {  	v45 =	vor.u32 s4, v4;
	v11 =	vld.idx.msk [tilespmem:v40+s6+$0x0], $0xffff  }
0xd4: {  	v12 =	vld.idx.msk [tilespmem:v41+s17+$0x0], $0xffff  }
0xd5: {  	v13 =	vld.idx.msk [tilespmem:v42+s6+$0x0], $0xffff  }
0xd6: {  	v14 =	vld.idx.msk [tilespmem:v43+s17+$0x0], $0xffff  }
0xd7: {  	v46 =	vld.idx.msk [tilespmem:v44+s6+$0x0], $0xffff;
	v9 =	vmul.f32 v10, v9  }
0xd8: {  	v47 =	vld.idx.msk [tilespmem:v45+s17+$0x0], $0xffff  }
0xd9: {  	v11 =	vmul.f32 v12, v11;
	v9 =	vadd.f32 $0.0e+00, v9;
	_ =	sdelay $0x1  }
0xda: {  	v48 =	vmul.f32 v14, v13;
	v9 =	vadd.f32 v11, v9;
	_ =	sdelay $0x1  }
0xdb: {  	v10 =	vmul.f32 v47, v46;
	v9 =	vadd.f32 v48, v9  }
0xdc: {  	(v2sf) =	vpush v8, $0x9  }
0xdd: {  	v9 =	vadd.f32 v10, v9  }
0xde: {  	v49 =	vmov s3  }
0xdf: {  	v50 =	vmov s4;
	(xrf2) =	vadd.scan.msk.f32 $0xffff, v9  }
0xe0: {  	(v2sf) =	vpush v7, $0x5;
	_ =	sdelay $0x1  }
0xe1: {  	s7 =	simm.s32 $0x18480  }
0xe2: {  	v51 =	vld.idx.msk [tilespmem:v49+s7+$0x0], $0xffff  }
0xe3: {  	(v2sf) =	vpush v7, $0x9;
	v52 =	vld.idx.msk [tilespmem:v50+s28+$0x0], $0xffff;
	_ =	sdelay $0x4  }
0xe4: {  	v9 =	vadd.f32 v52, v51;
	v53, _, _ =	vpop (xrf2)  }
0xe5: {  	(v2sf) =	vpush v53, $0xF  }
0xe6: {  	s9 =	spop (v2sf);
	(v2sf) =	vpush v9, $0x0  }
0xe7: {  	s10 =	sand.u32 $0x1FFFFF80, s9  }
0xe8: {  	s2 =	simm.s32 $0x400;
	s3 =	sadd.s32 s18, s10;
	s6 =	simm.s32 $0x2400  }
0xe9: {  	[tilespmem:s6], [sflag:$0x2] =	stream.strided.gather [hbm4b:s3+s2], $0x2000, s23, s2, $0x38;
	[tilespmem:$0x18E80] =	vst v63  }
0xea: {  	s7 =	spop (v2sf)  }
0xeb: {  	s11 =	sand.u32 $0xFFFFF80, s7  }
0xec: {  	s13 =	sshrl.u32 s9, $0x3;
	s3 =	sadd.s32 s24, s11  }
0xed: {  	[tilespmem:s17], [sflag:$0xA] =	stream.strided.gather [hbm4b:s3+s2], $0x2000, s23, s2, $0x38;
	[tilespmem:$0x18E80] =	vst v63  }
0xee: {  	s11 =	spop (v2sf);
	s3 =	sand.u32 $0x1FFFFFF0, s13  }
0xef: {  	s8 =	simm.s32 $0x18480;
	s15 =	sshrl.u32 s11, $0x3;
	s3 =	sadd.s32 s19, s3  }
0xf0: {  	[tilespmem:s8], [sflag:$0xE] =	stream.linear.gather [hbm4b:s3+s14], $0x80, $0x38;
	[tilespmem:$0x18E80] =	vst v63  }
0xf1: {  	s3 =	sand.u32 $0x1FFFFFF0, s15  }
0xf2: {  	s3 =	sadd.s32 s5, s3  }
0xf3: {  	[tilespmem:s28], [sflag:$0xE] =	stream.linear.gather [hbm4b:s3+s14], $0x80, $0x38;
	[tilespmem:$0x18E80] =	vst v63  }
0xf4: {  	[smem:$0x7EC] =	sst s9;
	s20 =	spop (v2sf)  }
0xf5: {  	[dreg:$0x15] =	wrdreg s20;
	s1 =	spop (v2sf)  }
0xf6: {  	s3 =	simm.s32 $0x3;
	[dreg:$0x16] =	wrdreg s1  }
0xf7: {  	_ =	swait.ge [sflag:s3], $0x2000  }
0xf8: {  	[sflag:s3] =	ssyncset.done $0x0  }
0xf9: {  	s4 =	simm.s32 $0xB;
	[sflag:s3] =	ssyncadd.s32 $0xFFFFE000  }
0xfa: {  	_ =	swait.ge [sflag:s4], $0x2000  }
0xfb: {  	[sflag:s4] =	ssyncset.done $0x0  }
0xfc: {  	s8 =	simm.s32 $0xF;
	[sflag:s4] =	ssyncadd.s32 $0xFFFFE000  }
0xfd: {  	_ =	swait.ge [sflag:s8], $0x80  }
0xfe: {  	[sflag:s8] =	ssyncset.done $0x0  }
0xff: {  	[sflag:s8] =	ssyncadd.s32 $0xFFFFFF80  }
0x100: {  	_ =	swait.ge [sflag:s8], $0x80  }
0x101: {  	(v2sf) =	vpush v8, $0x2  }
0x102: {  	(v2sf) =	vpush v7, $0x2;
	_ =	sdelay $0xd  }
0x103: {  	s6 =	spop (v2sf)  }
0x104: {  	s3 =	sand.u32 $0x7F, s6;
	s9 =	spop (v2sf)  }
0x105: {  	s4 =	sand.u32 $0x7F, s9;
	v54 =	vor.u32 s3, v1  }
0x106: {  	v55 =	vor.u32 s4, v1  }
0x107: {  	v56 =	vor.u32 s3, v2  }
0x108: {  	[sflag:s8] =	ssyncset.done $0x0;
	v57 =	vor.u32 s4, v2  }
0x109: {  	s10 =	simm.s32 $0x4400;
	[sflag:s8] =	ssyncadd.s32 $0xFFFFFF80;
	v58 =	vor.u32 s3, v3  }
0x10a: {  	s15 =	simm.s32 $0x14400;
	v59 =	vor.u32 s4, v3;
	v9 =	vld.idx.msk [tilespmem:v54+s10+$0x0], $0xffff  }
0x10b: {  	v60 =	vor.u32 s3, v4;
	v10 =	vld.idx.msk [tilespmem:v55+s15+$0x0], $0xffff  }
0x10c: {  	v61 =	vor.u32 s4, v4;
	v11 =	vld.idx.msk [tilespmem:v56+s10+$0x0], $0xffff  }
0x10d: {  	v12 =	vld.idx.msk [tilespmem:v57+s15+$0x0], $0xffff  }
0x10e: {  	v13 =	vld.idx.msk [tilespmem:v58+s10+$0x0], $0xffff  }
0x10f: {  	v14 =	vld.idx.msk [tilespmem:v59+s15+$0x0], $0xffff  }
0x110: {  	v62 =	vld.idx.msk [tilespmem:v60+s10+$0x0], $0xffff;
	v9 =	vmul.f32 v10, v9  }
0x111: {  	v63 =	vld.idx.msk [tilespmem:v61+s15+$0x0], $0xffff  }
0x112: {  	v11 =	vmul.f32 v12, v11;
	v9 =	vadd.f32 $0.0e+00, v9;
	_ =	sdelay $0x1  }
0x113: {  	v16 =	vmul.f32 v14, v13;
	v9 =	vadd.f32 v11, v9;
	_ =	sdelay $0x1  }
0x114: {  	v10 =	vmul.f32 v63, v62;
	v9 =	vadd.f32 v16, v9  }
0x115: {  	(v2sf) =	vpush v8, $0xA  }
0x116: {  	v9 =	vadd.f32 v10, v9  }
0x117: {  	v17 =	vmov s3  }
0x118: {  	v18 =	vmov s4;
	(xrf2) =	vadd.scan.msk.f32 $0xffff, v9  }
0x119: {  	(v2sf) =	vpush v7, $0x6;
	_ =	sdelay $0x1  }
0x11a: {  	s13 =	simm.s32 $0x18500  }
0x11b: {  	v19 =	vld.idx.msk [tilespmem:v17+s13+$0x0], $0xffff  }
0x11c: {  	(v2sf) =	vpush v7, $0xA;
	v20 =	vld.idx.msk [tilespmem:v18+s30+$0x0], $0xffff;
	_ =	sdelay $0x4  }
0x11d: {  	v9 =	vadd.f32 v20, v19;
	v21, _, _ =	vpop (xrf2)  }
0x11e: {  	(v2sf) =	vpush v21, $0xF  }
0x11f: {  	s20 =	spop (v2sf);
	(v2sf) =	vpush v9, $0x0  }
0x120: {  	s6 =	sand.u32 $0x1FFFFF80, s20  }
0x121: {  	s9 =	simm.s32 $0x4400;
	s3 =	sadd.s32 s18, s6  }
0x122: {  	[tilespmem:s9], [sflag:$0x3] =	stream.strided.gather [hbm4b:s3+s2], $0x2000, s23, s2, $0x38;
	[tilespmem:$0x18E80] =	vst v63  }
0x123: {  	s10 =	spop (v2sf)  }
0x124: {  	s9 =	sand.u32 $0xFFFFF80, s10  }
0x125: {  	s13 =	sshrl.u32 s20, $0x3;
	s3 =	sadd.s32 s24, s9  }
0x126: {  	[tilespmem:s15], [sflag:$0xB] =	stream.strided.gather [hbm4b:s3+s2], $0x2000, s23, s2, $0x38;
	[tilespmem:$0x18E80] =	vst v63  }
0x127: {  	s1 =	simm.s32 $0x18500;
	s6 =	spop (v2sf);
	s3 =	sand.u32 $0x1FFFFFF0, s13  }
0x128: {  	[smem:$0x7EE] =	sst s20;
	s20 =	sshrl.u32 s6, $0x3;
	s3 =	sadd.s32 s19, s3  }
0x129: {  	[tilespmem:s1], [sflag:$0xF] =	stream.linear.gather [hbm4b:s3+s14], $0x80, $0x38;
	[tilespmem:$0x18E80] =	vst v63  }
0x12a: {  	s3 =	sand.u32 $0x1FFFFFF0, s20  }
0x12b: {  	s1 =	simm.s32 $0x18900;
	s3 =	sadd.s32 s5, s3  }
0x12c: {  	[tilespmem:s1], [sflag:$0xF] =	stream.linear.gather [hbm4b:s3+s14], $0x80, $0x38;
	[tilespmem:$0x18E80] =	vst v63  }
0x12d: {  	[smem:$0x7EF] =	sst s6;
	s9 =	spop (v2sf)  }
0x12e: {  	[dreg:$0x17] =	wrdreg s9;
	s13 =	spop (v2sf)  }
0x12f: {  	s20 =	simm.s32 $0x4;
	[dreg:$0x18] =	wrdreg s13  }
0x130: {  	_ =	swait.ge [sflag:s20], $0x2000  }
0x131: {  	[sflag:s20] =	ssyncset.done $0x0  }
0x132: {  	s1 =	simm.s32 $0xC;
	[sflag:s20] =	ssyncadd.s32 $0xFFFFE000  }
0x133: {  	_ =	swait.ge [sflag:s1], $0x2000  }
0x134: {  	[sflag:s1] =	ssyncset.done $0x0  }
0x135: {  	s9 =	simm.s32 $0x10;
	[sflag:s1] =	ssyncadd.s32 $0xFFFFE000  }
0x136: {  	_ =	swait.ge [sflag:s9], $0x80  }
0x137: {  	[sflag:s9] =	ssyncset.done $0x0  }
0x138: {  	[sflag:s9] =	ssyncadd.s32 $0xFFFFFF80  }
0x139: {  	_ =	swait.ge [sflag:s9], $0x80  }
0x13a: {  	(v2sf) =	vpush v8, $0x3  }
0x13b: {  	(v2sf) =	vpush v7, $0x3;
	_ =	sdelay $0xd  }
0x13c: {  	s4 =	spop (v2sf)  }
0x13d: {  	s3 =	sand.u32 $0x7F, s4;
	s13 =	spop (v2sf)  }
0x13e: {  	s4 =	sand.u32 $0x7F, s13;
	v22 =	vor.u32 s3, v1  }
0x13f: {  	v23 =	vor.u32 s4, v1  }
0x140: {  	v24 =	vor.u32 s3, v2  }
0x141: {  	[sflag:s9] =	ssyncset.done $0x0;
	v25 =	vor.u32 s4, v2  }
0x142: {  	s20 =	simm.s32 $0x6400;
	[sflag:s9] =	ssyncadd.s32 $0xFFFFFF80;
	v26 =	vor.u32 s3, v3  }
0x143: {  	s30 =	simm.s32 $0x16400;
	v27 =	vor.u32 s4, v3;
	v9 =	vld.idx.msk [tilespmem:v22+s20+$0x0], $0xffff  }
0x144: {  	v28 =	vor.u32 s3, v4;
	v10 =	vld.idx.msk [tilespmem:v23+s30+$0x0], $0xffff  }
0x145: {  	v29 =	vor.u32 s4, v4;
	v11 =	vld.idx.msk [tilespmem:v24+s20+$0x0], $0xffff  }
0x146: {  	v12 =	vld.idx.msk [tilespmem:v25+s30+$0x0], $0xffff  }
0x147: {  	v13 =	vld.idx.msk [tilespmem:v26+s20+$0x0], $0xffff  }
0x148: {  	v14 =	vld.idx.msk [tilespmem:v27+s30+$0x0], $0xffff  }
0x149: {  	v30 =	vld.idx.msk [tilespmem:v28+s20+$0x0], $0xffff;
	v9 =	vmul.f32 v10, v9  }
0x14a: {  	v31 =	vld.idx.msk [tilespmem:v29+s30+$0x0], $0xffff  }
0x14b: {  	v11 =	vmul.f32 v12, v11;
	v9 =	vadd.f32 $0.0e+00, v9;
	_ =	sdelay $0x1  }
0x14c: {  	v32 =	vmul.f32 v14, v13;
	v9 =	vadd.f32 v11, v9;
	_ =	sdelay $0x1  }
0x14d: {  	v10 =	vmul.f32 v31, v30;
	v9 =	vadd.f32 v32, v9  }
0x14e: {  	(v2sf) =	vpush v8, $0xB  }
0x14f: {  	v9 =	vadd.f32 v10, v9  }
0x150: {  	v33 =	vmov s3  }
0x151: {  	v34 =	vmov s4;
	(xrf2) =	vadd.scan.msk.f32 $0xffff, v9  }
0x152: {  	(v2sf) =	vpush v7, $0x7;
	_ =	sdelay $0x2  }
0x153: {  	s4 =	simm.s32 $0x18980;
	v35 =	vld.idx.msk [tilespmem:v33+s31+$0x0], $0xffff  }
0x154: {  	(v2sf) =	vpush v7, $0xB;
	v36 =	vld.idx.msk [tilespmem:v34+s4+$0x0], $0xffff;
	_ =	sdelay $0x4  }
0x155: {  	v9 =	vadd.f32 v36, v35;
	v37, _, _ =	vpop (xrf2)  }
0x156: {  	(v2sf) =	vpush v37, $0xF  }
0x157: {  	s4 =	spop (v2sf);
	(v2sf) =	vpush v9, $0x0  }
0x158: {  	s20 =	sand.u32 $0x1FFFFF80, s4  }
0x159: {  	s13 =	simm.s32 $0x6400;
	s3 =	sadd.s32 s18, s20  }
0x15a: {  	[tilespmem:s13], [sflag:$0x4] =	stream.strided.gather [hbm4b:s3+s2], $0x2000, s23, s2, $0x38;
	[tilespmem:$0x18E80] =	vst v63  }
0x15b: {  	s13 =	spop (v2sf)  }
0x15c: {  	s20 =	sand.u32 $0xFFFFF80, s13  }
0x15d: {  	[smem:$0x7F0] =	sst s4;
	s4 =	sshrl.u32 s4, $0x3;
	s3 =	sadd.s32 s24, s20  }
0x15e: {  	[tilespmem:s30], [sflag:$0xC] =	stream.strided.gather [hbm4b:s3+s2], $0x2000, s23, s2, $0x38;
	[tilespmem:$0x18E80] =	vst v63  }
0x15f: {  	s20 =	spop (v2sf);
	s3 =	sand.u32 $0x1FFFFFF0, s4  }
0x160: {  	[smem:$0x7EB] =	sst s20;
	s20 =	sshrl.u32 s20, $0x3;
	s3 =	sadd.s32 s19, s3  }
0x161: {  	[tilespmem:s31], [sflag:$0x10] =	stream.linear.gather [hbm4b:s3+s14], $0x80, $0x38;
	[tilespmem:$0x18E80] =	vst v63  }
0x162: {  	s3 =	sand.u32 $0x1FFFFFF0, s20  }
0x163: {  	s1 =	simm.s32 $0x18980;
	s3 =	sadd.s32 s5, s3  }
0x164: {  	[tilespmem:s1], [sflag:$0x10] =	stream.linear.gather [hbm4b:s3+s14], $0x80, $0x38;
	[tilespmem:$0x18E80] =	vst v63  }
0x165: {  	s1 =	spop (v2sf)  }
0x166: {  	[dreg:$0x19] =	wrdreg s1;
	s4 =	spop (v2sf)  }
0x167: {  	s20 =	simm.s32 $0x5;
	[dreg:$0x1a] =	wrdreg s4  }
0x168: {  	_ =	swait.ge [sflag:s20], $0x2000  }
0x169: {  	[sflag:s20] =	ssyncset.done $0x0  }
0x16a: {  	s1 =	simm.s32 $0x9;
	[sflag:s20] =	ssyncadd.s32 $0xFFFFE000  }
0x16b: {  	_ =	swait.ge [sflag:s1], $0x2000  }
0x16c: {  	[sflag:s1] =	ssyncset.done $0x0  }
0x16d: {  	s20 =	simm.s32 $0x11;
	[sflag:s1] =	ssyncadd.s32 $0xFFFFE000  }
0x16e: {  	_ =	swait.ge [sflag:s20], $0x80  }
0x16f: {  	[sflag:s20] =	ssyncset.done $0x0  }
0x170: {  	[sflag:s20] =	ssyncadd.s32 $0xFFFFFF80  }
0x171: {  	_ =	swait.ge [sflag:s20], $0x80  }
0x172: {  	(v2sf) =	vpush v8, $0x4;
	_ =	sdelay $0xe  }
0x173: {  	s0 =	sand.u32 $0x7F, s0;
	s4 =	spop (v2sf)  }
0x174: {  	v39 =	vor.u32 s0, v1;
	s3 =	sand.u32 $0x7F, s4  }
0x175: {  	v38 =	vor.u32 s3, v1  }
0x176: {  	v41 =	vor.u32 s0, v2  }
0x177: {  	[sflag:s20] =	ssyncset.done $0x0;
	v40 =	vor.u32 s3, v2  }
0x178: {  	v43 =	vor.u32 s0, v3;
	[sflag:s20] =	ssyncadd.s32 $0xFFFFFF80  }
0x179: {  	s1 =	simm.s32 $0x8400;
	v10 =	vld.idx.msk [tilespmem:v39+s21+$0x0], $0xffff;
	v42 =	vor.u32 s3, v3  }
0x17a: {  	v45 =	vor.u32 s0, v4;
	v9 =	vld.idx.msk [tilespmem:v38+s1+$0x0], $0xffff  }
0x17b: {  	v12 =	vld.idx.msk [tilespmem:v41+s21+$0x0], $0xffff;
	v44 =	vor.u32 s3, v4  }
0x17c: {  	v11 =	vld.idx.msk [tilespmem:v40+s1+$0x0], $0xffff  }
0x17d: {  	v14 =	vld.idx.msk [tilespmem:v43+s21+$0x0], $0xffff  }
0x17e: {  	v13 =	vld.idx.msk [tilespmem:v42+s1+$0x0], $0xffff  }
0x17f: {  	v47 =	vld.idx.msk [tilespmem:v45+s21+$0x0], $0xffff;
	v9 =	vmul.f32 v10, v9  }
0x180: {  	v46 =	vld.idx.msk [tilespmem:v44+s1+$0x0], $0xffff  }
0x181: {  	v11 =	vmul.f32 v12, v11;
	v9 =	vadd.f32 $0.0e+00, v9;
	_ =	sdelay $0x1  }
0x182: {  	v48 =	vmul.f32 v14, v13;
	v9 =	vadd.f32 v11, v9;
	_ =	sdelay $0x1  }
0x183: {  	v10 =	vmul.f32 v47, v46;
	v9 =	vadd.f32 v48, v9  }
0x184: {  	(v2sf) =	vpush v8, $0xC  }
0x185: {  	v9 =	vadd.f32 v10, v9  }
0x186: {  	v50 =	vmov s0  }
0x187: {  	v49 =	vmov s3;
	(xrf2) =	vadd.scan.msk.f32 $0xffff, v9;
	_ =	sdelay $0x2  }
0x188: {  	s3 =	simm.s32 $0x18A00  }
0x189: {  	v52 =	vld.idx.msk [tilespmem:v50+s3+$0x0], $0xffff;
	s1 =	simm.s32 $0x18600  }
0x18a: {  	(v2sf) =	vpush v7, $0xC;
	v51 =	vld.idx.msk [tilespmem:v49+s1+$0x0], $0xffff;
	_ =	sdelay $0x4  }
0x18b: {  	v9 =	vadd.f32 v52, v51;
	v53, _, _ =	vpop (xrf2)  }
0x18c: {  	(v2sf) =	vpush v53, $0xF  }
0x18d: {  	s28 =	spop (v2sf);
	(v2sf) =	vpush v9, $0x0  }
0x18e: {  	s0 =	sand.u32 $0x1FFFFF80, s28  }
0x18f: {  	s4 =	simm.s32 $0x8400;
	s0 =	sadd.s32 s18, s0  }
0x190: {  	[tilespmem:s4], [sflag:$0x5] =	stream.strided.gather [hbm4b:s0+s2], $0x2000, s23, s2, $0x38;
	[tilespmem:$0x18E80] =	vst v63  }
0x191: {  	s4 =	sand.u32 $0xFFFFF80, s12  }
0x192: {  	s0 =	sadd.s32 s24, s4;
	s4 =	sshrl.u32 s28, $0x3  }
0x193: {  	[tilespmem:s21], [sflag:$0x9] =	stream.strided.gather [hbm4b:s0+s2], $0x2000, s23, s2, $0x38;
	[tilespmem:$0x18E80] =	vst v63  }
0x194: {  	s0 =	sand.u32 $0x1FFFFFF0, s4  }
0x195: {  	s31 =	spop (v2sf);
	s1 =	simm.s32 $0x18600;
	s0 =	sadd.s32 s19, s0  }
0x196: {  	[tilespmem:s1], [sflag:$0x11] =	stream.linear.gather [hbm4b:s0+s14], $0x80, $0x38;
	[tilespmem:$0x18E80] =	vst v63  }
0x197: {  	s1 =	sshrl.u32 s31, $0x3  }
0x198: {  	s0 =	sand.u32 $0x1FFFFFF0, s1  }
0x199: {  	s3 =	simm.s32 $0x18A00;
	s0 =	sadd.s32 s5, s0  }
0x19a: {  	[tilespmem:s3], [sflag:$0x11] =	stream.linear.gather [hbm4b:s0+s14], $0x80, $0x38;
	[tilespmem:$0x18E80] =	vst v63  }
0x19b: {  	[smem:$0x7F2] =	sst s28;
	s3 =	spop (v2sf)  }
0x19c: {  	[dreg:$0x1b] =	wrdreg s3;
	s4 =	spop (v2sf)  }
0x19d: {  	s1 =	simm.s32 $0x6;
	[dreg:$0x1c] =	wrdreg s4  }
0x19e: {  	_ =	swait.ge [sflag:s1], $0x2000  }
0x19f: {  	[sflag:s1] =	ssyncset.done $0x0  }
0x1a0: {  	s3 =	simm.s32 $0xA;
	[sflag:s1] =	ssyncadd.s32 $0xFFFFE000  }
0x1a1: {  	_ =	swait.ge [sflag:s3], $0x2000  }
0x1a2: {  	[sflag:s3] =	ssyncset.done $0x0  }
0x1a3: {  	s28 =	simm.s32 $0x12;
	[sflag:s3] =	ssyncadd.s32 $0xFFFFE000  }
0x1a4: {  	_ =	swait.ge [sflag:s28], $0x80  }
0x1a5: {  	[sflag:s28] =	ssyncset.done $0x0  }
0x1a6: {  	[sflag:s28] =	ssyncadd.s32 $0xFFFFFF80  }
0x1a7: {  	_ =	swait.ge [sflag:s28], $0x80  }
0x1a8: {  	(v2sf) =	vpush v8, $0x5;
	_ =	sdelay $0xe  }
0x1a9: {  	s1 =	sand.u32 $0x7F, s7;
	s4 =	spop (v2sf)  }
0x1aa: {  	v55 =	vor.u32 s1, v1;
	s0 =	sand.u32 $0x7F, s4  }
0x1ab: {  	v54 =	vor.u32 s0, v1  }
0x1ac: {  	v57 =	vor.u32 s1, v2  }
0x1ad: {  	[sflag:s28] =	ssyncset.done $0x0;
	v56 =	vor.u32 s0, v2  }
0x1ae: {  	v59 =	vor.u32 s1, v3;
	[sflag:s28] =	ssyncadd.s32 $0xFFFFFF80  }
0x1af: {  	s7 =	simm.s32 $0xA400;
	v10 =	vld.idx.msk [tilespmem:v55+s17+$0x0], $0xffff;
	v58 =	vor.u32 s0, v3  }
0x1b0: {  	v61 =	vor.u32 s1, v4;
	v9 =	vld.idx.msk [tilespmem:v54+s7+$0x0], $0xffff  }
0x1b1: {  	v12 =	vld.idx.msk [tilespmem:v57+s17+$0x0], $0xffff;
	v60 =	vor.u32 s0, v4  }
0x1b2: {  	v11 =	vld.idx.msk [tilespmem:v56+s7+$0x0], $0xffff  }
0x1b3: {  	v14 =	vld.idx.msk [tilespmem:v59+s17+$0x0], $0xffff  }
0x1b4: {  	v13 =	vld.idx.msk [tilespmem:v58+s7+$0x0], $0xffff  }
0x1b5: {  	v63 =	vld.idx.msk [tilespmem:v61+s17+$0x0], $0xffff;
	v9 =	vmul.f32 v10, v9  }
0x1b6: {  	v62 =	vld.idx.msk [tilespmem:v60+s7+$0x0], $0xffff  }
0x1b7: {  	v11 =	vmul.f32 v12, v11;
	v9 =	vadd.f32 $0.0e+00, v9;
	_ =	sdelay $0x1  }
0x1b8: {  	v14 =	vmul.f32 v14, v13;
	v9 =	vadd.f32 v11, v9;
	_ =	sdelay $0x1  }
0x1b9: {  	v10 =	vmul.f32 v63, v62;
	v9 =	vadd.f32 v14, v9  }
0x1ba: {  	(v2sf) =	vpush v8, $0xD  }
0x1bb: {  	v9 =	vadd.f32 v10, v9  }
0x1bc: {  	v17 =	vmov s1  }
0x1bd: {  	v16 =	vmov s0;
	(xrf2) =	vadd.scan.msk.f32 $0xffff, v9;
	_ =	sdelay $0x2  }
0x1be: {  	s3 =	simm.s32 $0x18A80  }
0x1bf: {  	s1 =	simm.s32 $0x18680;
	v19 =	vld.idx.msk [tilespmem:v17+s3+$0x0], $0xffff  }
0x1c0: {  	(v2sf) =	vpush v7, $0xD;
	v18 =	vld.idx.msk [tilespmem:v16+s1+$0x0], $0xffff;
	_ =	sdelay $0x4  }
0x1c1: {  	v9 =	vadd.f32 v19, v18;
	v20, _, _ =	vpop (xrf2)  }
0x1c2: {  	(v2sf) =	vpush v20, $0xF  }
0x1c3: {  	s7 =	spop (v2sf);
	(v2sf) =	vpush v9, $0x0  }
0x1c4: {  	s0 =	sand.u32 $0x1FFFFF80, s7  }
0x1c5: {  	s4 =	simm.s32 $0xA400;
	s0 =	sadd.s32 s18, s0  }
0x1c6: {  	[tilespmem:s4], [sflag:$0x6] =	stream.strided.gather [hbm4b:s0+s2], $0x2000, s23, s2, $0x38;
	[tilespmem:$0x18E80] =	vst v63  }
0x1c7: {  	s4 =	sand.u32 $0xFFFFF80, s11  }
0x1c8: {  	s0 =	sadd.s32 s24, s4;
	s4 =	sshrl.u32 s7, $0x3  }
0x1c9: {  	[tilespmem:s17], [sflag:$0xA] =	stream.strided.gather [hbm4b:s0+s2], $0x2000, s23, s2, $0x38;
	[tilespmem:$0x18E80] =	vst v63  }
0x1ca: {  	s1 =	simm.s32 $0x18680;
	s0 =	sand.u32 $0x1FFFFFF0, s4  }
0x1cb: {  	[smem:$0x7F3] =	sst s7;
	s7 =	spop (v2sf);
	s0 =	sadd.s32 s19, s0  }
0x1cc: {  	[tilespmem:s1], [sflag:$0x12] =	stream.linear.gather [hbm4b:s0+s14], $0x80, $0x38;
	[tilespmem:$0x18E80] =	vst v63  }
0x1cd: {  	s1 =	sshrl.u32 s7, $0x3  }
0x1ce: {  	s0 =	sand.u32 $0x1FFFFFF0, s1  }
0x1cf: {  	s3 =	simm.s32 $0x18A80;
	s0 =	sadd.s32 s5, s0  }
0x1d0: {  	[tilespmem:s3], [sflag:$0x12] =	stream.linear.gather [hbm4b:s0+s14], $0x80, $0x38;
	[tilespmem:$0x18E80] =	vst v63  }
0x1d1: {  	[smem:$0x7ED] =	sst s7;
	s4 =	spop (v2sf)  }
0x1d2: {  	[dreg:$0x1d] =	wrdreg s4;
	s7 =	spop (v2sf)  }
0x1d3: {  	s1 =	simm.s32 $0x7;
	[dreg:$0x1e] =	wrdreg s7  }
0x1d4: {  	_ =	swait.ge [sflag:s1], $0x2000  }
0x1d5: {  	[sflag:s1] =	ssyncset.done $0x0  }
0x1d6: {  	s3 =	simm.s32 $0xB;
	[sflag:s1] =	ssyncadd.s32 $0xFFFFE000  }
0x1d7: {  	_ =	swait.ge [sflag:s3], $0x2000  }
0x1d8: {  	[sflag:s3] =	ssyncset.done $0x0  }
0x1d9: {  	s7 =	simm.s32 $0x13;
	[sflag:s3] =	ssyncadd.s32 $0xFFFFE000  }
0x1da: {  	_ =	swait.ge [sflag:s7], $0x80  }
0x1db: {  	[sflag:s7] =	ssyncset.done $0x0  }
0x1dc: {  	[sflag:s7] =	ssyncadd.s32 $0xFFFFFF80  }
0x1dd: {  	_ =	swait.ge [sflag:s7], $0x80  }
0x1de: {  	(v2sf) =	vpush v8, $0x6;
	_ =	sdelay $0xe  }
0x1df: {  	s1 =	sand.u32 $0x7F, s10;
	s4 =	spop (v2sf)  }
0x1e0: {  	v22 =	vor.u32 s1, v1;
	s0 =	sand.u32 $0x7F, s4  }
0x1e1: {  	v21 =	vor.u32 s0, v1  }
0x1e2: {  	v24 =	vor.u32 s1, v2  }
0x1e3: {  	[sflag:s7] =	ssyncset.done $0x0;
	v23 =	vor.u32 s0, v2  }
0x1e4: {  	v26 =	vor.u32 s1, v3;
	[sflag:s7] =	ssyncadd.s32 $0xFFFFFF80  }
0x1e5: {  	s10 =	simm.s32 $0xC400;
	v10 =	vld.idx.msk [tilespmem:v22+s15+$0x0], $0xffff;
	v25 =	vor.u32 s0, v3  }
0x1e6: {  	v28 =	vor.u32 s1, v4;
	v9 =	vld.idx.msk [tilespmem:v21+s10+$0x0], $0xffff  }
0x1e7: {  	v12 =	vld.idx.msk [tilespmem:v24+s15+$0x0], $0xffff;
	v27 =	vor.u32 s0, v4  }
0x1e8: {  	v11 =	vld.idx.msk [tilespmem:v23+s10+$0x0], $0xffff  }
0x1e9: {  	v14 =	vld.idx.msk [tilespmem:v26+s15+$0x0], $0xffff  }
0x1ea: {  	v13 =	vld.idx.msk [tilespmem:v25+s10+$0x0], $0xffff  }
0x1eb: {  	v30 =	vld.idx.msk [tilespmem:v28+s15+$0x0], $0xffff;
	v9 =	vmul.f32 v10, v9  }
0x1ec: {  	v29 =	vld.idx.msk [tilespmem:v27+s10+$0x0], $0xffff  }
0x1ed: {  	v11 =	vmul.f32 v12, v11;
	v9 =	vadd.f32 $0.0e+00, v9;
	_ =	sdelay $0x1  }
0x1ee: {  	v31 =	vmul.f32 v14, v13;
	v9 =	vadd.f32 v11, v9;
	_ =	sdelay $0x1  }
0x1ef: {  	v10 =	vmul.f32 v30, v29;
	v9 =	vadd.f32 v31, v9  }
0x1f0: {  	(v2sf) =	vpush v8, $0xE  }
0x1f1: {  	v9 =	vadd.f32 v10, v9  }
0x1f2: {  	v33 =	vmov s1  }
0x1f3: {  	v32 =	vmov s0;
	(xrf2) =	vadd.scan.msk.f32 $0xffff, v9;
	_ =	sdelay $0x2  }
0x1f4: {  	s3 =	simm.s32 $0x18B00  }
0x1f5: {  	s1 =	simm.s32 $0x18700;
	v35 =	vld.idx.msk [tilespmem:v33+s3+$0x0], $0xffff  }
0x1f6: {  	(v2sf) =	vpush v7, $0xE;
	v34 =	vld.idx.msk [tilespmem:v32+s1+$0x0], $0xffff;
	_ =	sdelay $0x4  }
0x1f7: {  	v9 =	vadd.f32 v35, v34;
	v36, _, _ =	vpop (xrf2)  }
0x1f8: {  	(v2sf) =	vpush v36, $0xF  }
0x1f9: {  	s10 =	spop (v2sf);
	(v2sf) =	vpush v9, $0x0;
	_ =	sdelay $0x2  }
0x1fa: {  	s0 =	sand.u32 $0x1FFFFF80, s10  }
0x1fb: {  	s6 =	sand.u32 $0xFFFFF80, s6;
	s4 =	simm.s32 $0xC400;
	s0 =	sadd.s32 s18, s0  }
0x1fc: {  	[tilespmem:s4], [sflag:$0x7] =	stream.strided.gather [hbm4b:s0+s2], $0x2000, s23, s2, $0x38;
	[tilespmem:$0x18E80] =	vst v63  }
0x1fd: {  	s0 =	sadd.s32 s24, s6;
	s4 =	sshrl.u32 s10, $0x3  }
0x1fe: {  	[tilespmem:s15], [sflag:$0xB] =	stream.strided.gather [hbm4b:s0+s2], $0x2000, s23, s2, $0x38;
	[tilespmem:$0x18E80] =	vst v63  }
0x1ff: {  	[smem:$0x7F4] =	sst s10;
	s10 =	spop (v2sf);
	s0 =	sand.u32 $0x1FFFFFF0, s4  }
0x200: {  	s1 =	simm.s32 $0x18700;
	s6 =	sshrl.u32 s10, $0x3;
	s0 =	sadd.s32 s19, s0  }
0x201: {  	[tilespmem:s1], [sflag:$0x13] =	stream.linear.gather [hbm4b:s0+s14], $0x80, $0x38;
	[tilespmem:$0x18E80] =	vst v63  }
0x202: {  	s0 =	sand.u32 $0x1FFFFFF0, s6  }
0x203: {  	s3 =	simm.s32 $0x18B00;
	s0 =	sadd.s32 s5, s0  }
0x204: {  	[tilespmem:s3], [sflag:$0x13] =	stream.linear.gather [hbm4b:s0+s14], $0x80, $0x38;
	[tilespmem:$0x18E80] =	vst v63  }
0x205: {  	s1 =	spop (v2sf)  }
0x206: {  	[dreg:$0x1f] =	wrdreg s1;
	s3 =	spop (v2sf)  }
0x207: {  	s4 =	simm.s32 $0x8;
	[smem:$0x7F5] =	sst s3  }
0x208: {  	_ =	swait.ge [sflag:s4], $0x2000  }
0x209: {  	[sflag:s4] =	ssyncset.done $0x0  }
0x20a: {  	s29 =	simm.s32 $0xC;
	[sflag:s4] =	ssyncadd.s32 $0xFFFFE000  }
0x20b: {  	_ =	swait.ge [sflag:s29], $0x2000  }
0x20c: {  	[sflag:s29] =	ssyncset.done $0x0  }
0x20d: {  	[sflag:s29] =	ssyncadd.s32 $0xFFFFE000;
	s29 =	simm.s32 $0x14  }
0x20e: {  	_ =	swait.ge [sflag:s29], $0x80  }
0x20f: {  	[sflag:s29] =	ssyncset.done $0x0  }
0x210: {  	[sflag:s29] =	ssyncadd.s32 $0xFFFFFF80  }
0x211: {  	_ =	swait.ge [sflag:s29], $0x80  }
0x212: {  	(v2sf) =	vpush v8, $0x7;
	_ =	sdelay $0xe  }
0x213: {  	s13 =	sand.u32 $0x7F, s13;
	s6 =	spop (v2sf)  }
0x214: {  	v38 =	vor.u32 s13, v1;
	s0 =	sand.u32 $0x7F, s6  }
0x215: {  	v37 =	vor.u32 s0, v1  }
0x216: {  	v40 =	vor.u32 s13, v2  }
0x217: {  	[sflag:s29] =	ssyncset.done $0x0;
	v39 =	vor.u32 s0, v2  }
0x218: {  	v42 =	vor.u32 s13, v3;
	[sflag:s29] =	ssyncadd.s32 $0xFFFFFF80  }
0x219: {  	s1 =	simm.s32 $0xE400;
	v10 =	vld.idx.msk [tilespmem:v38+s30+$0x0], $0xffff;
	v41 =	vor.u32 s0, v3  }
0x21a: {  	v44 =	vor.u32 s13, v4;
	v9 =	vld.idx.msk [tilespmem:v37+s1+$0x0], $0xffff  }
0x21b: {  	v12 =	vld.idx.msk [tilespmem:v40+s30+$0x0], $0xffff;
	v43 =	vor.u32 s0, v4  }
0x21c: {  	v11 =	vld.idx.msk [tilespmem:v39+s1+$0x0], $0xffff  }
0x21d: {  	v14 =	vld.idx.msk [tilespmem:v42+s30+$0x0], $0xffff  }
0x21e: {  	v13 =	vld.idx.msk [tilespmem:v41+s1+$0x0], $0xffff  }
0x21f: {  	v46 =	vld.idx.msk [tilespmem:v44+s30+$0x0], $0xffff;
	v9 =	vmul.f32 v10, v9  }
0x220: {  	v45 =	vld.idx.msk [tilespmem:v43+s1+$0x0], $0xffff  }
0x221: {  	v11 =	vmul.f32 v12, v11;
	v9 =	vadd.f32 $0.0e+00, v9;
	_ =	sdelay $0x1  }
0x222: {  	v47 =	vmul.f32 v14, v13;
	v9 =	vadd.f32 v11, v9  }
0x223: {  	(v2sf) =	vpush v8, $0xF  }
0x224: {  	v49 =	vmul.f32 v46, v45;
	v48 =	vadd.f32 v47, v9;
	_ =	sdelay $0x1  }
0x225: {  	v8 =	vadd.f32 v49, v48  }
0x226: {  	v51 =	vmov s13  }
0x227: {  	v50 =	vmov s0;
	(xrf2) =	vadd.scan.msk.f32 $0xffff, v8;
	_ =	sdelay $0x2  }
0x228: {  	s4 =	simm.s32 $0x18B80  }
0x229: {  	s3 =	simm.s32 $0x18780;
	v53 =	vld.idx.msk [tilespmem:v51+s4+$0x0], $0xffff  }
0x22a: {  	v52 =	vld.idx.msk [tilespmem:v50+s3+$0x0], $0xffff  }
0x22b: {  	(v2sf) =	vpush v7, $0xF;
	_ =	sdelay $0x3  }
0x22c: {  	s0 =	spop (v2sf);
	v7 =	vadd.f32 v53, v52;
	v54, _, _ =	vpop (xrf2)  }
0x22d: {  	s6 =	sand.u32 $0x1FFFFF80, s0;
	(v2sf) =	vpush v54, $0xF  }
0x22e: {  	s3 =	sadd.s32 s18, s6;
	s6 =	sld [smem:$0x7EB];
	(v2sf) =	vpush v7, $0x0  }
0x22f: {  	s1 =	simm.s32 $0xE400  }
0x230: {  	[tilespmem:s1], [sflag:$0x8] =	stream.strided.gather [hbm4b:s3+s2], $0x2000, s23, s2, $0x38;
	[tilespmem:$0x18E80] =	vst v63  }
0x231: {  	s1 =	sand.u32 $0xFFFFF80, s6  }
0x232: {  	s3 =	sadd.s32 s24, s1;
	s1 =	sshrl.u32 s0, $0x3  }
0x233: {  	[tilespmem:s30], [sflag:$0xC] =	stream.strided.gather [hbm4b:s3+s2], $0x2000, s23, s2, $0x38;
	[tilespmem:$0x18E80] =	vst v63  }
0x234: {  	s3 =	sand.u32 $0x1FFFFFF0, s1  }
0x235: {  	s13 =	simm.s32 $0x18780;
	s3 =	sadd.s32 s19, s3  }
0x236: {  	[tilespmem:s13], [sflag:$0x14] =	stream.linear.gather [hbm4b:s3+s14], $0x80, $0x38;
	[tilespmem:$0x18E80] =	vst v63  }
0x237: {  	s13 =	spop (v2sf)  }
0x238: {  	s23 =	sshrl.u32 s13, $0x3  }
0x239: {  	s3 =	sand.u32 $0x1FFFFFF0, s23  }
0x23a: {  	s4 =	simm.s32 $0x18B80;
	s3 =	sadd.s32 s5, s3  }
0x23b: {  	[tilespmem:s4], [sflag:$0x14] =	stream.linear.gather [hbm4b:s3+s14], $0x80, $0x38;
	[tilespmem:$0x18E80] =	vst v63  }
0x23c: {  	[smem:$0x7F1] =	sst s13;
	s1 =	spop (v2sf)  }
0x23d: {  	[smem:$0x7F6] =	sst s1;
	s4 =	spop (v2sf)  }
0x23e: {  	s13 =	simm.s32 $0x1;
	[smem:$0x7F7] =	sst s4  }
0x23f: {  	_ =	swait.ge [sflag:s13], $0x2000  }
0x240: {  	[sflag:s13] =	ssyncset.done $0x0  }
0x241: {  	s14 =	simm.s32 $0x9;
	[sflag:s13] =	ssyncadd.s32 $0xFFFFE000  }
0x242: {  	_ =	swait.ge [sflag:s14], $0x2000  }
0x243: {  	[sflag:s14] =	ssyncset.done $0x0  }
0x244: {  	[sflag:s14] =	ssyncadd.s32 $0xFFFFE000  }
0x245: {  	s22 =	sand.u32 $0x7F, s22;
	_ =	swait.ge [sflag:s26], $0x80  }
0x246: {  	s23 =	sand.u32 $0x7F, s12;
	v7 =	vor.u32 s22, v1;
	[sflag:s26] =	ssyncset.done $0x0  }
0x247: {  	v55 =	vor.u32 s23, v1;
	[sflag:s26] =	ssyncadd.s32 $0xFFFFFF80  }
0x248: {  	v56 =	vor.u32 s22, v2;
	_ =	swait.ge [sflag:s26], $0x80  }
0x249: {  	v57 =	vor.u32 s23, v2;
	[sflag:s26] =	ssyncset.done $0x0  }
0x24a: {  	v58 =	vor.u32 s22, v3;
	[sflag:s26] =	ssyncadd.s32 $0xFFFFFF80  }
0x24b: {  	v59 =	vor.u32 s23, v3;
	v7 =	vld.idx.msk [tilespmem:v7+s2+$0x0], $0xffff  }
0x24c: {  	v60 =	vor.u32 s22, v4;
	v8 =	vld.idx.msk [tilespmem:v55+s21+$0x0], $0xffff  }
0x24d: {  	v61 =	vor.u32 s23, v4;
	v9 =	vld.idx.msk [tilespmem:v56+s2+$0x0], $0xffff  }
0x24e: {  	v10 =	vld.idx.msk [tilespmem:v57+s21+$0x0], $0xffff  }
0x24f: {  	v11 =	vld.idx.msk [tilespmem:v58+s2+$0x0], $0xffff  }
0x250: {  	v12 =	vld.idx.msk [tilespmem:v59+s21+$0x0], $0xffff  }
0x251: {  	v62 =	vld.idx.msk [tilespmem:v60+s2+$0x0], $0xffff;
	v7 =	vmul.f32 v8, v7  }
0x252: {  	v63 =	vld.idx.msk [tilespmem:v61+s21+$0x0], $0xffff  }
0x253: {  	v9 =	vmul.f32 v10, v9;
	v7 =	vadd.f32 $0.0e+00, v7  }
0x254: {  	s2 =	rddreg [dreg:$0xf]  }
0x255: {  	p0 =	seq.s32 s2, $0xFFFFFFFF;
	v12 =	vmul.f32 v12, v11;
	v7 =	vadd.f32 v9, v7  }
0x256: {  	(v2sf) =	vpush @!p0 v6, $0x0  }
0x257: {  	v8 =	vmul.f32 v63, v62;
	v7 =	vadd.f32 v12, v7;
	_ =	sdelay $0x1  }
0x258: {  	v7 =	vadd.f32 v8, v7  }
0x259: {  	v15 =	vmov s23  }
0x25a: {  	v14 =	vmov s22;
	(xrf2) =	vadd.scan.msk.f32 $0xffff, v7;
	_ =	sdelay $0x2  }
0x25b: {  	s4 =	simm.s32 $0x18800  }
0x25c: {  	s3 =	simm.s32 $0x18400;
	v16 =	vld.idx.msk [tilespmem:v15+s4+$0x0], $0xffff  }
0x25d: {  	v7 =	vld.idx.msk [tilespmem:v14+s3+$0x0], $0xffff  }
0x25e: {  	(v2sf) =	vpush @!p0 v5, $0x0  }
0x25f: {  	s1 =	sand.u32 @p0 $0xFFFFF80, s31;
	s4 =	simm.s32 @p0 $0x7A1400  }
0x260: {  	s13 =	simm.s32 @p0 $0x10400;
	s1 =	sadd.s32 @p0 s24, s1;
	s3 =	simm.s32 @p0 $0x400  }
0x261: {  	[tilespmem:s13], [sflag:$0x9] =	stream.strided.gather @p0 [hbm4b:s1+s3], $0x2000, s4, s3, $0x38;
	[tilespmem:$0x18E80] =	vst v63  }
0x262: {  	s22 =	spop @!p0 (v2sf);
	v7 =	vadd.f32 v16, v7;
	v17, _, _ =	vpop (xrf2)  }
0x263: {  	s1 =	sand.u32 @!p0 $0xFFFFF80, s22;
	(v2sf) =	vpush v17, $0xF  }
0x264: {  	s13 =	simm.s32 @!p0 $0x7A1400;
	s14 =	sadd.s32 @!p0 s18, s1;
	s1 =	simm.s32 @!p0 $0x400;
	(v2sf) =	vpush v7, $0x0  }
0x265: {  	[tilespmem:s1], [sflag:$0x1] =	stream.strided.gather @!p0 [hbm4b:s14+s1], $0x2000, s13, s1, $0x38;
	[tilespmem:$0x18E80] =	vst v63  }
0x266: {  	s14 =	sand.u32 @!p0 $0xFFFFF80, s31  }
0x267: {  	s2 =	simm.s32 @!p0 $0x10400;
	s14 =	sadd.s32 @!p0 s24, s14  }
0x268: {  	[tilespmem:s2], [sflag:$0x9] =	stream.strided.gather @!p0 [hbm4b:s14+s1], $0x2000, s13, s1, $0x38;
	[tilespmem:$0x18E80] =	vst v63  }
0x269: {  	s14 =	sshrl.u32 @!p0 s22, $0x3  }
0x26a: {  	s23 =	smov.u32 s5;
	s14 =	sand.u32 @!p0 $0x1FFFFFF0, s14  }
0x26b: {  	s5 =	simm.s32 @!p0 $0x18400;
	s22 =	simm.s32 @!p0 $0x0;
	s14 =	sadd.s32 @!p0 s19, s14  }
0x26c: {  	[tilespmem:s5], [sflag:$0xD] =	stream.linear.gather @!p0 [hbm4b:s14+s22], $0x80, $0x38;
	[tilespmem:$0x18E80] =	vst v63  }
0x26d: {  	s5 =	spop @!p0 (v2sf)  }
0x26e: {  	s5 =	sshrl.u32 @!p0 s5, $0x3  }
0x26f: {  	s5 =	sand.u32 @!p0 $0x1FFFFFF0, s5  }
0x270: {  	s14 =	simm.s32 @!p0 $0x18800;
	s5 =	sadd.s32 @!p0 s23, s5  }
0x271: {  	[tilespmem:s14], [sflag:$0xD] =	stream.linear.gather @!p0 [hbm4b:s5+s22], $0x80, $0x38;
	[tilespmem:$0x18E80] =	vst v63  }
0x272: {  	s5 =	spop (v2sf)  }
0x273: {  	[smem:$0x7F8] =	sst s5;
	s12 =	spop (v2sf)  }
0x274: {  	s14 =	simm.s32 $0x2;
	[smem:$0x7F9] =	sst s12  }
0x275: {  	_ =	swait.ge [sflag:s14], $0x2000  }
0x276: {  	[sflag:s14] =	ssyncset.done $0x0  }
0x277: {  	s26 =	simm.s32 $0xA;
	[sflag:s14] =	ssyncadd.s32 $0xFFFFE000  }
0x278: {  	_ =	swait.ge [sflag:s26], $0x2000  }
0x279: {  	[sflag:s26] =	ssyncset.done $0x0  }
0x27a: {  	[sflag:s26] =	ssyncadd.s32 $0xFFFFE000  }
0x27b: {  	_ =	swait.ge [sflag:s25], $0x80  }
0x27c: {  	s5 =	sld [smem:$0x7EC];
	_ =	sdelay $0x1  }
0x27d: {  	s26 =	sand.u32 $0x7F, s11  }
0x27e: {  	v18 =	vor.u32 s26, v1;
	[sflag:s25] =	ssyncset.done $0x0;
	s12 =	sand.u32 $0x7F, s5  }
0x27f: {  	[sflag:s25] =	ssyncadd.s32 $0xFFFFFF80;
	v7 =	vor.u32 s12, v1  }
0x280: {  	v20 =	vor.u32 s26, v2;
	_ =	swait.ge [sflag:s25], $0x80  }
0x281: {  	[sflag:s25] =	ssyncset.done $0x0;
	v19 =	vor.u32 s12, v2  }
0x282: {  	v22 =	vor.u32 s26, v3;
	[sflag:s25] =	ssyncadd.s32 $0xFFFFFF80  }
0x283: {  	s11 =	simm.s32 $0x2400;
	v21 =	vor.u32 s12, v3;
	v8 =	vld.idx.msk [tilespmem:v18+s17+$0x0], $0xffff  }
0x284: {  	v24 =	vor.u32 s26, v4;
	v7 =	vld.idx.msk [tilespmem:v7+s11+$0x0], $0xffff  }
0x285: {  	v23 =	vor.u32 s12, v4;
	v10 =	vld.idx.msk [tilespmem:v20+s17+$0x0], $0xffff  }
0x286: {  	v9 =	vld.idx.msk [tilespmem:v19+s11+$0x0], $0xffff  }
0x287: {  	v12 =	vld.idx.msk [tilespmem:v22+s17+$0x0], $0xffff  }
0x288: {  	v11 =	vld.idx.msk [tilespmem:v21+s11+$0x0], $0xffff  }
0x289: {  	s14 =	simm.s32 $0x2400;
	v26 =	vld.idx.msk [tilespmem:v24+s17+$0x0], $0xffff;
	v7 =	vmul.f32 v8, v7  }
0x28a: {  	v25 =	vld.idx.msk [tilespmem:v23+s14+$0x0], $0xffff  }
0x28b: {  	v9 =	vmul.f32 v10, v9;
	v7 =	vadd.f32 $0.0e+00, v7;
	_ =	sdelay $0x1  }
0x28c: {  	v27 =	vmul.f32 v12, v11;
	v7 =	vadd.f32 v9, v7;
	_ =	sdelay $0x1  }
0x28d: {  	v8 =	vmul.f32 v26, v25;
	v7 =	vadd.f32 v27, v7  }
0x28e: {  	(v2sf) =	vpush @!p0 v6, $0x1  }
0x28f: {  	v7 =	vadd.f32 v8, v7  }
0x290: {  	v29 =	vmov s26  }
0x291: {  	v28 =	vmov s12;
	(xrf2) =	vadd.scan.msk.f32 $0xffff, v7;
	_ =	sdelay $0x2  }
0x292: {  	s2 =	simm.s32 $0x18880  }
0x293: {  	s26 =	simm.s32 $0x18480;
	v30 =	vld.idx.msk [tilespmem:v29+s2+$0x0], $0xffff  }
0x294: {  	v7 =	vld.idx.msk [tilespmem:v28+s26+$0x0], $0xffff  }
0x295: {  	(v2sf) =	vpush @!p0 v5, $0x1;
	s2 =	sld [smem:$0x7ED];
	_ =	sdelay $0x2  }
0x296: {  	s5 =	sand.u32 @p0 $0xFFFFF80, s2  }
0x297: {  	s12 =	simm.s32 @p0 $0x12400;
	s5 =	sadd.s32 @p0 s24, s5;
	v7 =	vadd.f32 v30, v7;
	v31, _, _ =	vpop (xrf2)  }
0x298: {  	[tilespmem:s12], [sflag:$0xA] =	stream.strided.gather @p0 [hbm4b:s5+s3], $0x2000, s4, s3, $0x38;
	(v2sf) =	vpush v31, $0xF;
	[tilespmem:$0x18E80] =	vst v63  }
0x299: {  	s5 =	spop @!p0 (v2sf);
	(v2sf) =	vpush v7, $0x0  }
0x29a: {  	s12 =	sand.u32 @!p0 $0xFFFFF80, s5  }
0x29b: {  	s14 =	simm.s32 @!p0 $0x2400;
	s5 =	sshrl.u32 @!p0 s5, $0x3;
	s12 =	sadd.s32 @!p0 s18, s12  }
0x29c: {  	[tilespmem:s14], [sflag:$0x2] =	stream.strided.gather @!p0 [hbm4b:s12+s1], $0x2000, s13, s1, $0x38;
	[tilespmem:$0x18E80] =	vst v63  }
0x29d: {  	s5 =	sand.u32 @!p0 $0x1FFFFFF0, s5;
	s12 =	sand.u32 @!p0 $0xFFFFF80, s2  }
0x29e: {  	s14 =	smov.u32 s2;
	s2 =	simm.s32 @!p0 $0x12400;
	s12 =	sadd.s32 @!p0 s24, s12  }
0x29f: {  	[tilespmem:s2], [sflag:$0xA] =	stream.strided.gather @!p0 [hbm4b:s12+s1], $0x2000, s13, s1, $0x38;
	[tilespmem:$0x18E80] =	vst v63  }
0x2a0: {  	s5 =	sadd.s32 @!p0 s19, s5;
	s12 =	simm.s32 @!p0 $0x18480  }
0x2a1: {  	[tilespmem:s12], [sflag:$0xE] =	stream.linear.gather @!p0 [hbm4b:s5+s22], $0x80, $0x38;
	[tilespmem:$0x18E80] =	vst v63  }
0x2a2: {  	s5 =	spop @!p0 (v2sf)  }
0x2a3: {  	s5 =	sshrl.u32 @!p0 s5, $0x3  }
0x2a4: {  	s5 =	sand.u32 @!p0 $0x1FFFFFF0, s5  }
0x2a5: {  	s12 =	simm.s32 @!p0 $0x18880;
	s5 =	sadd.s32 @!p0 s23, s5  }
0x2a6: {  	[tilespmem:s12], [sflag:$0xE] =	stream.linear.gather @!p0 [hbm4b:s5+s22], $0x80, $0x38;
	[tilespmem:$0x18E80] =	vst v63  }
0x2a7: {  	s5 =	spop (v2sf)  }
0x2a8: {  	[smem:$0x7FA] =	sst s5;
	s11 =	spop (v2sf)  }
0x2a9: {  	s12 =	simm.s32 $0x3;
	[smem:$0x7FB] =	sst s11  }
0x2aa: {  	_ =	swait.ge [sflag:s12], $0x2000  }
0x2ab: {  	[sflag:s12] =	ssyncset.done $0x0  }
0x2ac: {  	s26 =	simm.s32 $0xB;
	[sflag:s12] =	ssyncadd.s32 $0xFFFFE000  }
0x2ad: {  	_ =	swait.ge [sflag:s26], $0x2000  }
0x2ae: {  	[sflag:s26] =	ssyncset.done $0x0  }
0x2af: {  	[sflag:s26] =	ssyncadd.s32 $0xFFFFE000  }
0x2b0: {  	_ =	swait.ge [sflag:s8], $0x80  }
0x2b1: {  	s5 =	sld [smem:$0x7EE]  }
0x2b2: {  	s11 =	sld [smem:$0x7EF];
	_ =	sdelay $0x1  }
0x2b3: {  	s5 =	sand.u32 $0x7F, s5  }
0x2b4: {  	[sflag:s8] =	ssyncset.done $0x0;
	s11 =	sand.u32 $0x7F, s11;
	v7 =	vor.u32 s5, v1  }
0x2b5: {  	[sflag:s8] =	ssyncadd.s32 $0xFFFFFF80;
	v32 =	vor.u32 s11, v1  }
0x2b6: {  	_ =	swait.ge [sflag:s8], $0x80;
	v33 =	vor.u32 s5, v2  }
0x2b7: {  	[sflag:s8] =	ssyncset.done $0x0;
	v34 =	vor.u32 s11, v2  }
0x2b8: {  	s12 =	simm.s32 $0x4400;
	[sflag:s8] =	ssyncadd.s32 $0xFFFFFF80;
	v35 =	vor.u32 s5, v3  }
0x2b9: {  	v36 =	vor.u32 s11, v3;
	v7 =	vld.idx.msk [tilespmem:v7+s12+$0x0], $0xffff  }
0x2ba: {  	v37 =	vor.u32 s5, v4;
	v8 =	vld.idx.msk [tilespmem:v32+s15+$0x0], $0xffff  }
0x2bb: {  	v38 =	vor.u32 s11, v4;
	v9 =	vld.idx.msk [tilespmem:v33+s12+$0x0], $0xffff  }
0x2bc: {  	v10 =	vld.idx.msk [tilespmem:v34+s15+$0x0], $0xffff  }
0x2bd: {  	v11 =	vld.idx.msk [tilespmem:v35+s12+$0x0], $0xffff  }
0x2be: {  	s26 =	simm.s32 $0x4400;
	v12 =	vld.idx.msk [tilespmem:v36+s15+$0x0], $0xffff  }
0x2bf: {  	v39 =	vld.idx.msk [tilespmem:v37+s26+$0x0], $0xffff;
	v7 =	vmul.f32 v8, v7  }
0x2c0: {  	v40 =	vld.idx.msk [tilespmem:v38+s15+$0x0], $0xffff  }
0x2c1: {  	v9 =	vmul.f32 v10, v9;
	v7 =	vadd.f32 $0.0e+00, v7;
	_ =	sdelay $0x1  }
0x2c2: {  	v41 =	vmul.f32 v12, v11;
	v7 =	vadd.f32 v9, v7;
	_ =	sdelay $0x1  }
0x2c3: {  	v8 =	vmul.f32 v40, v39;
	v7 =	vadd.f32 v41, v7  }
0x2c4: {  	(v2sf) =	vpush @!p0 v6, $0x2  }
0x2c5: {  	v7 =	vadd.f32 v8, v7  }
0x2c6: {  	v43 =	vmov s11  }
0x2c7: {  	v42 =	vmov s5;
	(xrf2) =	vadd.scan.msk.f32 $0xffff, v7;
	_ =	sdelay $0x2  }
0x2c8: {  	s11 =	simm.s32 $0x18900  }
0x2c9: {  	s8 =	simm.s32 $0x18500;
	v44 =	vld.idx.msk [tilespmem:v43+s11+$0x0], $0xffff  }
0x2ca: {  	v7 =	vld.idx.msk [tilespmem:v42+s8+$0x0], $0xffff  }
0x2cb: {  	(v2sf) =	vpush @!p0 v5, $0x2;
	_ =	sdelay $0x2  }
0x2cc: {  	s5 =	sand.u32 @p0 $0xFFFFF80, s10  }
0x2cd: {  	s5 =	sadd.s32 @p0 s24, s5;
	s11 =	simm.s32 @p0 $0x14400;
	v7 =	vadd.f32 v44, v7;
	v45, _, _ =	vpop (xrf2)  }
0x2ce: {  	[tilespmem:s11], [sflag:$0xB] =	stream.strided.gather @p0 [hbm4b:s5+s3], $0x2000, s4, s3, $0x38;
	(v2sf) =	vpush v45, $0xF;
	[tilespmem:$0x18E80] =	vst v63  }
0x2cf: {  	s5 =	spop @!p0 (v2sf);
	(v2sf) =	vpush v7, $0x0  }
0x2d0: {  	s11 =	sand.u32 @!p0 $0xFFFFF80, s5  }
0x2d1: {  	s12 =	simm.s32 @!p0 $0x4400;
	s11 =	sadd.s32 @!p0 s18, s11  }
0x2d2: {  	[tilespmem:s12], [sflag:$0x3] =	stream.strided.gather @!p0 [hbm4b:s11+s1], $0x2000, s13, s1, $0x38;
	[tilespmem:$0x18E80] =	vst v63  }
0x2d3: {  	s5 =	sshrl.u32 @!p0 s5, $0x3;
	s11 =	sand.u32 @!p0 $0xFFFFF80, s10  }
0x2d4: {  	s2 =	simm.s32 @!p0 $0x14400;
	s5 =	sand.u32 @!p0 $0x1FFFFFF0, s5;
	s11 =	sadd.s32 @!p0 s24, s11  }
0x2d5: {  	[tilespmem:s2], [sflag:$0xB] =	stream.strided.gather @!p0 [hbm4b:s11+s1], $0x2000, s13, s1, $0x38;
	[tilespmem:$0x18E80] =	vst v63  }
0x2d6: {  	s5 =	sadd.s32 @!p0 s19, s5;
	s11 =	simm.s32 @!p0 $0x18500  }
0x2d7: {  	[tilespmem:s11], [sflag:$0xF] =	stream.linear.gather @!p0 [hbm4b:s5+s22], $0x80, $0x38;
	[tilespmem:$0x18E80] =	vst v63  }
0x2d8: {  	s5 =	spop @!p0 (v2sf)  }
0x2d9: {  	s5 =	sshrl.u32 @!p0 s5, $0x3  }
0x2da: {  	s5 =	sand.u32 @!p0 $0x1FFFFFF0, s5  }
0x2db: {  	s11 =	simm.s32 @!p0 $0x18900;
	s5 =	sadd.s32 @!p0 s23, s5  }
0x2dc: {  	[tilespmem:s11], [sflag:$0xF] =	stream.linear.gather @!p0 [hbm4b:s5+s22], $0x80, $0x38;
	[tilespmem:$0x18E80] =	vst v63  }
0x2dd: {  	s12 =	spop (v2sf)  }
0x2de: {  	s26 =	simm.s32 $0x4;
	[smem:$0x7FC] =	sst s12;
	s11 =	spop (v2sf)  }
0x2df: {  	_ =	swait.ge [sflag:s26], $0x2000  }
0x2e0: {  	[sflag:s26] =	ssyncset.done $0x0  }
0x2e1: {  	s5 =	simm.s32 $0xC;
	[sflag:s26] =	ssyncadd.s32 $0xFFFFE000  }
0x2e2: {  	_ =	swait.ge [sflag:s5], $0x2000  }
0x2e3: {  	[sflag:s5] =	ssyncset.done $0x0  }
0x2e4: {  	[sflag:s5] =	ssyncadd.s32 $0xFFFFE000  }
0x2e5: {  	_ =	swait.ge [sflag:s9], $0x80  }
0x2e6: {  	s8 =	sld [smem:$0x7F0];
	_ =	sdelay $0x2  }
0x2e7: {  	s5 =	sand.u32 $0x7F, s8  }
0x2e8: {  	[sflag:s9] =	ssyncset.done $0x0;
	s8 =	sand.u32 $0x7F, s6;
	v7 =	vor.u32 s5, v1  }
0x2e9: {  	[sflag:s9] =	ssyncadd.s32 $0xFFFFFF80;
	v46 =	vor.u32 s8, v1  }
0x2ea: {  	_ =	swait.ge [sflag:s9], $0x80;
	v47 =	vor.u32 s5, v2  }
0x2eb: {  	[sflag:s9] =	ssyncset.done $0x0;
	v48 =	vor.u32 s8, v2  }
0x2ec: {  	s26 =	simm.s32 $0x6400;
	[sflag:s9] =	ssyncadd.s32 $0xFFFFFF80;
	v49 =	vor.u32 s5, v3  }
0x2ed: {  	v50 =	vor.u32 s8, v3;
	v7 =	vld.idx.msk [tilespmem:v7+s26+$0x0], $0xffff  }
0x2ee: {  	v51 =	vor.u32 s5, v4;
	v8 =	vld.idx.msk [tilespmem:v46+s30+$0x0], $0xffff  }
0x2ef: {  	v52 =	vor.u32 s8, v4;
	v9 =	vld.idx.msk [tilespmem:v47+s26+$0x0], $0xffff  }
0x2f0: {  	v10 =	vld.idx.msk [tilespmem:v48+s30+$0x0], $0xffff  }
0x2f1: {  	v11 =	vld.idx.msk [tilespmem:v49+s26+$0x0], $0xffff  }
0x2f2: {  	s6 =	simm.s32 $0x6400;
	v12 =	vld.idx.msk [tilespmem:v50+s30+$0x0], $0xffff  }
0x2f3: {  	v53 =	vld.idx.msk [tilespmem:v51+s6+$0x0], $0xffff;
	v7 =	vmul.f32 v8, v7  }
0x2f4: {  	v54 =	vld.idx.msk [tilespmem:v52+s30+$0x0], $0xffff  }
0x2f5: {  	v9 =	vmul.f32 v10, v9;
	v7 =	vadd.f32 $0.0e+00, v7;
	_ =	sdelay $0x1  }
0x2f6: {  	v55 =	vmul.f32 v12, v11;
	v7 =	vadd.f32 v9, v7;
	_ =	sdelay $0x1  }
0x2f7: {  	v8 =	vmul.f32 v54, v53;
	v7 =	vadd.f32 v55, v7  }
0x2f8: {  	(v2sf) =	vpush @!p0 v6, $0x3  }
0x2f9: {  	v7 =	vadd.f32 v8, v7  }
0x2fa: {  	v57 =	vmov s8  }
0x2fb: {  	v56 =	vmov s5;
	(xrf2) =	vadd.scan.msk.f32 $0xffff, v7;
	_ =	sdelay $0x2  }
0x2fc: {  	s26 =	simm.s32 $0x18980  }
0x2fd: {  	s9 =	simm.s32 $0x18580;
	v58 =	vld.idx.msk [tilespmem:v57+s26+$0x0], $0xffff  }
0x2fe: {  	v7 =	vld.idx.msk [tilespmem:v56+s9+$0x0], $0xffff  }
0x2ff: {  	s2 =	sld [smem:$0x7F1];
	(v2sf) =	vpush @!p0 v5, $0x3;
	_ =	sdelay $0x2  }
0x300: {  	s5 =	sand.u32 @p0 $0xFFFFF80, s2  }
0x301: {  	s8 =	simm.s32 @p0 $0x16400;
	s5 =	sadd.s32 @p0 s24, s5;
	v7 =	vadd.f32 v58, v7;
	v59, _, _ =	vpop (xrf2)  }
0x302: {  	[tilespmem:s8], [sflag:$0xC] =	stream.strided.gather @p0 [hbm4b:s5+s3], $0x2000, s4, s3, $0x38;
	(v2sf) =	vpush v59, $0xF;
	[tilespmem:$0x18E80] =	vst v63  }
0x303: {  	s3 =	spop @!p0 (v2sf);
	(v2sf) =	vpush v7, $0x0  }
0x304: {  	s4 =	sand.u32 @!p0 $0xFFFFF80, s3  }
0x305: {  	s5 =	simm.s32 @!p0 $0x6400;
	s4 =	sadd.s32 @!p0 s18, s4  }
0x306: {  	[tilespmem:s5], [sflag:$0x4] =	stream.strided.gather @!p0 [hbm4b:s4+s1], $0x2000, s13, s1, $0x38;
	[tilespmem:$0x18E80] =	vst v63  }
0x307: {  	s3 =	sshrl.u32 @!p0 s3, $0x3;
	s4 =	sand.u32 @!p0 $0xFFFFF80, s2  }
0x308: {  	s9 =	simm.s32 @!p0 $0x16400;
	s3 =	sand.u32 @!p0 $0x1FFFFFF0, s3;
	s4 =	sadd.s32 @!p0 s24, s4  }
0x309: {  	[tilespmem:s9], [sflag:$0xC] =	stream.strided.gather @!p0 [hbm4b:s4+s1], $0x2000, s13, s1, $0x38;
	[tilespmem:$0x18E80] =	vst v63  }
0x30a: {  	s3 =	sadd.s32 @!p0 s19, s3;
	s4 =	simm.s32 @!p0 $0x18580  }
0x30b: {  	[tilespmem:s4], [sflag:$0x10] =	stream.linear.gather @!p0 [hbm4b:s3+s22], $0x80, $0x38;
	[tilespmem:$0x18E80] =	vst v63  }
0x30c: {  	s3 =	spop @!p0 (v2sf)  }
0x30d: {  	s3 =	sshrl.u32 @!p0 s3, $0x3  }
0x30e: {  	s3 =	sand.u32 @!p0 $0x1FFFFFF0, s3  }
0x30f: {  	s4 =	simm.s32 @!p0 $0x18980;
	s3 =	sadd.s32 @!p0 s23, s3  }
0x310: {  	[tilespmem:s4], [sflag:$0x10] =	stream.linear.gather @!p0 [hbm4b:s3+s22], $0x80, $0x38;
	[tilespmem:$0x18E80] =	vst v63  }
0x311: {  	s4 =	spop (v2sf)  }
0x312: {  	s5 =	simm.s32 $0x5;
	[smem:$0x7FD] =	sst s4;
	s26 =	spop (v2sf)  }
0x313: {  	_ =	swait.ge [sflag:s5], $0x2000  }
0x314: {  	[sflag:s5] =	ssyncset.done $0x0  }
0x315: {  	s6 =	simm.s32 $0x9;
	[sflag:s5] =	ssyncadd.s32 $0xFFFFE000  }
0x316: {  	_ =	swait.ge [sflag:s6], $0x2000  }
0x317: {  	[sflag:s6] =	ssyncset.done $0x0  }
0x318: {  	[sflag:s6] =	ssyncadd.s32 $0xFFFFE000  }
0x319: {  	_ =	swait.ge [sflag:s20], $0x80  }
0x31a: {  	s3 =	sld [smem:$0x7F2];
	_ =	sdelay $0x1  }
0x31b: {  	s5 =	sand.u32 $0x7F, s31  }
0x31c: {  	v60 =	vor.u32 s5, v1;
	[sflag:s20] =	ssyncset.done $0x0;
	s4 =	sand.u32 $0x7F, s3  }
0x31d: {  	[sflag:s20] =	ssyncadd.s32 $0xFFFFFF80;
	v7 =	vor.u32 s4, v1  }
0x31e: {  	v62 =	vor.u32 s5, v2;
	_ =	swait.ge [sflag:s20], $0x80  }
0x31f: {  	[sflag:s20] =	ssyncset.done $0x0;
	v61 =	vor.u32 s4, v2  }
0x320: {  	v16 =	vor.u32 s5, v3;
	[sflag:s20] =	ssyncadd.s32 $0xFFFFFF80  }
0x321: {  	s6 =	simm.s32 $0x8400;
	v63 =	vor.u32 s4, v3;
	v8 =	vld.idx.msk [tilespmem:v60+s21+$0x0], $0xffff  }
0x322: {  	v18 =	vor.u32 s5, v4;
	v7 =	vld.idx.msk [tilespmem:v7+s6+$0x0], $0xffff  }
0x323: {  	v17 =	vor.u32 s4, v4;
	v10 =	vld.idx.msk [tilespmem:v62+s21+$0x0], $0xffff  }
0x324: {  	v9 =	vld.idx.msk [tilespmem:v61+s6+$0x0], $0xffff  }
0x325: {  	v12 =	vld.idx.msk [tilespmem:v16+s21+$0x0], $0xffff  }
0x326: {  	v11 =	vld.idx.msk [tilespmem:v63+s6+$0x0], $0xffff  }
0x327: {  	s20 =	simm.s32 $0x8400;
	v20 =	vld.idx.msk [tilespmem:v18+s21+$0x0], $0xffff;
	v7 =	vmul.f32 v8, v7  }
0x328: {  	v19 =	vld.idx.msk [tilespmem:v17+s20+$0x0], $0xffff  }
0x329: {  	v9 =	vmul.f32 v10, v9;
	v7 =	vadd.f32 $0.0e+00, v7;
	_ =	sdelay $0x1  }
0x32a: {  	v21 =	vmul.f32 v12, v11;
	v7 =	vadd.f32 v9, v7;
	_ =	sdelay $0x1  }
0x32b: {  	(v2sf) =	vpush @!p0 v6, $0x4;
	v8 =	vmul.f32 v20, v19;
	v7 =	vadd.f32 v21, v7;
	_ =	sdelay $0x1  }
0x32c: {  	v7 =	vadd.f32 v8, v7  }
0x32d: {  	v23 =	vmov s5  }
0x32e: {  	(v2sf) =	vpush @!p0 v5, $0x0;
	v22 =	vmov s4;
	(xrf2) =	vadd.scan.msk.f32 $0xffff, v7;
	_ =	sdelay $0x2  }
0x32f: {  	s6 =	simm.s32 $0x18A00  }
0x330: {  	s5 =	simm.s32 $0x18600;
	v24 =	vld.idx.msk [tilespmem:v23+s6+$0x0], $0xffff  }
0x331: {  	v7 =	vld.idx.msk [tilespmem:v22+s5+$0x0], $0xffff  }
0x332: {  	(v2sf) =	vpush @!p0 v5, $0x4;
	_ =	sdelay $0x3  }
0x333: {  	v7 =	vadd.f32 v24, v7;
	v25, _, _ =	vpop (xrf2)  }
0x334: {  	s3 =	spop @!p0 (v2sf);
	(v2sf) =	vpush v25, $0xF  }
0x335: {  	s4 =	sand.u32 @!p0 $0x1FFFFF80, s3;
	(v2sf) =	vpush v7, $0x0  }
0x336: {  	s4 =	sadd.s32 @!p0 s18, s4;
	s5 =	simm.s32 @!p0 $0x8400  }
0x337: {  	[tilespmem:s5], [sflag:$0x5] =	stream.strided.gather @!p0 [hbm4b:s4+s1], $0x2000, s13, s1, $0x38;
	[tilespmem:$0x18E80] =	vst v63  }
0x338: {  	s4 =	spop @!p0 (v2sf)  }
0x339: {  	s3 =	sshrl.u32 @!p0 s3, $0x3;
	s4 =	sand.u32 @!p0 $0xFFFFF80, s4  }
0x33a: {  	s3 =	sand.u32 @!p0 $0x1FFFFFF0, s3;
	s5 =	simm.s32 @!p0 $0x10400;
	s4 =	sadd.s32 @!p0 s24, s4  }
0x33b: {  	[tilespmem:s5], [sflag:$0x9] =	stream.strided.gather @!p0 [hbm4b:s4+s1], $0x2000, s13, s1, $0x38;
	[tilespmem:$0x18E80] =	vst v63  }
0x33c: {  	s3 =	sadd.s32 @!p0 s19, s3;
	s4 =	simm.s32 @!p0 $0x18600  }
0x33d: {  	[tilespmem:s4], [sflag:$0x11] =	stream.linear.gather @!p0 [hbm4b:s3+s22], $0x80, $0x38;
	[tilespmem:$0x18E80] =	vst v63  }
0x33e: {  	s3 =	spop @!p0 (v2sf)  }
0x33f: {  	s3 =	sshrl.u32 @!p0 s3, $0x3  }
0x340: {  	s3 =	sand.u32 @!p0 $0x1FFFFFF0, s3  }
0x341: {  	s4 =	simm.s32 @!p0 $0x18A00;
	s3 =	sadd.s32 @!p0 s23, s3  }
0x342: {  	[tilespmem:s4], [sflag:$0x11] =	stream.linear.gather @!p0 [hbm4b:s3+s22], $0x80, $0x38;
	[tilespmem:$0x18E80] =	vst v63  }
0x343: {  	s3 =	spop (v2sf)  }
0x344: {  	s20 =	simm.s32 $0x6;
	s4 =	spop (v2sf)  }
0x345: {  	s8 =	smov.u32 s2;
	s2 =	rddreg [dreg:$0x11];
	_ =	swait.ge [sflag:s20], $0x2000  }
0x346: {  	[sflag:s20] =	ssyncset.done $0x0  }
0x347: {  	s21 =	simm.s32 $0xA;
	[sflag:s20] =	ssyncadd.s32 $0xFFFFE000  }
0x348: {  	_ =	swait.ge [sflag:s21], $0x2000  }
0x349: {  	[sflag:s21] =	ssyncset.done $0x0  }
0x34a: {  	[sflag:s21] =	ssyncadd.s32 $0xFFFFE000  }
0x34b: {  	_ =	swait.ge [sflag:s28], $0x80  }
0x34c: {  	s6 =	sld [smem:$0x7F3];
	_ =	sdelay $0x2  }
0x34d: {  	s5 =	sand.u32 $0x7F, s6  }
0x34e: {  	[sflag:s28] =	ssyncset.done $0x0;
	s6 =	sand.u32 $0x7F, s14;
	v7 =	vor.u32 s5, v1  }
0x34f: {  	[sflag:s28] =	ssyncadd.s32 $0xFFFFFF80;
	v26 =	vor.u32 s6, v1  }
0x350: {  	_ =	swait.ge [sflag:s28], $0x80;
	v27 =	vor.u32 s5, v2  }
0x351: {  	[sflag:s28] =	ssyncset.done $0x0;
	v28 =	vor.u32 s6, v2  }
0x352: {  	s20 =	simm.s32 $0xA400;
	[sflag:s28] =	ssyncadd.s32 $0xFFFFFF80;
	v29 =	vor.u32 s5, v3  }
0x353: {  	v30 =	vor.u32 s6, v3;
	v7 =	vld.idx.msk [tilespmem:v7+s20+$0x0], $0xffff  }
0x354: {  	v31 =	vor.u32 s5, v4;
	v8 =	vld.idx.msk [tilespmem:v26+s17+$0x0], $0xffff  }
0x355: {  	v32 =	vor.u32 s6, v4;
	v9 =	vld.idx.msk [tilespmem:v27+s20+$0x0], $0xffff  }
0x356: {  	v10 =	vld.idx.msk [tilespmem:v28+s17+$0x0], $0xffff  }
0x357: {  	v11 =	vld.idx.msk [tilespmem:v29+s20+$0x0], $0xffff  }
0x358: {  	s21 =	simm.s32 $0xA400;
	v12 =	vld.idx.msk [tilespmem:v30+s17+$0x0], $0xffff  }
0x359: {  	v33 =	vld.idx.msk [tilespmem:v31+s21+$0x0], $0xffff;
	v7 =	vmul.f32 v8, v7  }
0x35a: {  	v34 =	vld.idx.msk [tilespmem:v32+s17+$0x0], $0xffff  }
0x35b: {  	v9 =	vmul.f32 v10, v9;
	v7 =	vadd.f32 $0.0e+00, v7;
	_ =	sdelay $0x1  }
0x35c: {  	v35 =	vmul.f32 v12, v11;
	v7 =	vadd.f32 v9, v7;
	_ =	sdelay $0x1  }
0x35d: {  	(v2sf) =	vpush @!p0 v6, $0x5;
	v8 =	vmul.f32 v34, v33;
	v7 =	vadd.f32 v35, v7;
	_ =	sdelay $0x1  }
0x35e: {  	v7 =	vadd.f32 v8, v7  }
0x35f: {  	v37 =	vmov s6  }
0x360: {  	(v2sf) =	vpush @!p0 v5, $0x1;
	v36 =	vmov s5;
	(xrf2) =	vadd.scan.msk.f32 $0xffff, v7;
	_ =	sdelay $0x2  }
0x361: {  	s14 =	simm.s32 $0x18A80  }
0x362: {  	s6 =	simm.s32 $0x18680;
	v38 =	vld.idx.msk [tilespmem:v37+s14+$0x0], $0xffff  }
0x363: {  	v7 =	vld.idx.msk [tilespmem:v36+s6+$0x0], $0xffff  }
0x364: {  	(v2sf) =	vpush @!p0 v5, $0x5;
	_ =	sdelay $0x3  }
0x365: {  	v7 =	vadd.f32 v38, v7;
	v39, _, _ =	vpop (xrf2)  }
0x366: {  	s5 =	spop @!p0 (v2sf);
	(v2sf) =	vpush v39, $0xF  }
0x367: {  	s6 =	sand.u32 @!p0 $0x1FFFFF80, s5;
	(v2sf) =	vpush v7, $0x0  }
0x368: {  	s14 =	simm.s32 @!p0 $0xA400;
	s6 =	sadd.s32 @!p0 s18, s6  }
0x369: {  	[tilespmem:s14], [sflag:$0x6] =	stream.strided.gather @!p0 [hbm4b:s6+s1], $0x2000, s13, s1, $0x38;
	[tilespmem:$0x18E80] =	vst v63  }
0x36a: {  	s6 =	spop @!p0 (v2sf)  }
0x36b: {  	s5 =	sshrl.u32 @!p0 s5, $0x3;
	s6 =	sand.u32 @!p0 $0xFFFFF80, s6  }
0x36c: {  	s5 =	sand.u32 @!p0 $0x1FFFFFF0, s5;
	s14 =	simm.s32 @!p0 $0x12400;
	s6 =	sadd.s32 @!p0 s24, s6  }
0x36d: {  	[tilespmem:s14], [sflag:$0xA] =	stream.strided.gather @!p0 [hbm4b:s6+s1], $0x2000, s13, s1, $0x38;
	[tilespmem:$0x18E80] =	vst v63  }
0x36e: {  	s5 =	sadd.s32 @!p0 s19, s5;
	s6 =	simm.s32 @!p0 $0x18680  }
0x36f: {  	[tilespmem:s6], [sflag:$0x12] =	stream.linear.gather @!p0 [hbm4b:s5+s22], $0x80, $0x38;
	[tilespmem:$0x18E80] =	vst v63  }
0x370: {  	s5 =	spop @!p0 (v2sf)  }
0x371: {  	s5 =	sshrl.u32 @!p0 s5, $0x3  }
0x372: {  	s5 =	sand.u32 @!p0 $0x1FFFFFF0, s5  }
0x373: {  	s6 =	simm.s32 @!p0 $0x18A80;
	s5 =	sadd.s32 @!p0 s23, s5  }
0x374: {  	[tilespmem:s6], [sflag:$0x12] =	stream.linear.gather @!p0 [hbm4b:s5+s22], $0x80, $0x38;
	[tilespmem:$0x18E80] =	vst v63  }
0x375: {  	s6 =	spop (v2sf)  }
0x376: {  	s17 =	simm.s32 $0x7;
	s21 =	spop (v2sf)  }
0x377: {  	_ =	swait.ge [sflag:s17], $0x2000  }
0x378: {  	[sflag:s17] =	ssyncset.done $0x0  }
0x379: {  	s20 =	simm.s32 $0xB;
	[sflag:s17] =	ssyncadd.s32 $0xFFFFE000  }
0x37a: {  	_ =	swait.ge [sflag:s20], $0x2000  }
0x37b: {  	[sflag:s20] =	ssyncset.done $0x0  }
0x37c: {  	[sflag:s20] =	ssyncadd.s32 $0xFFFFE000  }
0x37d: {  	_ =	swait.ge [sflag:s7], $0x80  }
0x37e: {  	s14 =	sld [smem:$0x7F4];
	_ =	sdelay $0x1  }
0x37f: {  	s10 =	sand.u32 $0x7F, s10  }
0x380: {  	v40 =	vor.u32 s10, v1;
	[sflag:s7] =	ssyncset.done $0x0;
	s5 =	sand.u32 $0x7F, s14  }
0x381: {  	[sflag:s7] =	ssyncadd.s32 $0xFFFFFF80;
	v7 =	vor.u32 s5, v1  }
0x382: {  	v42 =	vor.u32 s10, v2;
	_ =	swait.ge [sflag:s7], $0x80  }
0x383: {  	[sflag:s7] =	ssyncset.done $0x0;
	v41 =	vor.u32 s5, v2  }
0x384: {  	v44 =	vor.u32 s10, v3;
	[sflag:s7] =	ssyncadd.s32 $0xFFFFFF80  }
0x385: {  	s17 =	simm.s32 $0xC400;
	v43 =	vor.u32 s5, v3;
	v8 =	vld.idx.msk [tilespmem:v40+s15+$0x0], $0xffff  }
0x386: {  	v46 =	vor.u32 s10, v4;
	v7 =	vld.idx.msk [tilespmem:v7+s17+$0x0], $0xffff  }
0x387: {  	v45 =	vor.u32 s5, v4;
	v10 =	vld.idx.msk [tilespmem:v42+s15+$0x0], $0xffff  }
0x388: {  	v9 =	vld.idx.msk [tilespmem:v41+s17+$0x0], $0xffff  }
0x389: {  	v12 =	vld.idx.msk [tilespmem:v44+s15+$0x0], $0xffff  }
0x38a: {  	v11 =	vld.idx.msk [tilespmem:v43+s17+$0x0], $0xffff  }
0x38b: {  	s20 =	simm.s32 $0xC400;
	v48 =	vld.idx.msk [tilespmem:v46+s15+$0x0], $0xffff;
	v7 =	vmul.f32 v8, v7  }
0x38c: {  	v47 =	vld.idx.msk [tilespmem:v45+s20+$0x0], $0xffff  }
0x38d: {  	v9 =	vmul.f32 v10, v9;
	v7 =	vadd.f32 $0.0e+00, v7;
	_ =	sdelay $0x1  }
0x38e: {  	v49 =	vmul.f32 v12, v11;
	v7 =	vadd.f32 v9, v7;
	_ =	sdelay $0x1  }
0x38f: {  	(v2sf) =	vpush @!p0 v6, $0x6;
	v8 =	vmul.f32 v48, v47;
	v7 =	vadd.f32 v49, v7;
	_ =	sdelay $0x1  }
0x390: {  	v7 =	vadd.f32 v8, v7  }
0x391: {  	v51 =	vmov s10  }
0x392: {  	(v2sf) =	vpush @!p0 v5, $0x2;
	v50 =	vmov s5;
	(xrf2) =	vadd.scan.msk.f32 $0xffff, v7;
	_ =	sdelay $0x2  }
0x393: {  	s10 =	simm.s32 $0x18B00  }
0x394: {  	s7 =	simm.s32 $0x18700;
	v52 =	vld.idx.msk [tilespmem:v51+s10+$0x0], $0xffff  }
0x395: {  	v7 =	vld.idx.msk [tilespmem:v50+s7+$0x0], $0xffff  }
0x396: {  	(v2sf) =	vpush @!p0 v5, $0x6;
	_ =	sdelay $0x3  }
0x397: {  	v7 =	vadd.f32 v52, v7;
	v53, _, _ =	vpop (xrf2)  }
0x398: {  	s5 =	spop @!p0 (v2sf);
	(v2sf) =	vpush v53, $0xF  }
0x399: {  	s10 =	sand.u32 @!p0 $0x1FFFFF80, s5;
	(v2sf) =	vpush v7, $0x0  }
0x39a: {  	s14 =	simm.s32 @!p0 $0xC400;
	s10 =	sadd.s32 @!p0 s18, s10  }
0x39b: {  	[tilespmem:s14], [sflag:$0x7] =	stream.strided.gather @!p0 [hbm4b:s10+s1], $0x2000, s13, s1, $0x38;
	[tilespmem:$0x18E80] =	vst v63  }
0x39c: {  	s10 =	spop @!p0 (v2sf)  }
0x39d: {  	s5 =	sshrl.u32 @!p0 s5, $0x3;
	s10 =	sand.u32 @!p0 $0xFFFFF80, s10  }
0x39e: {  	s5 =	sand.u32 @!p0 $0x1FFFFFF0, s5;
	s7 =	simm.s32 @!p0 $0x14400;
	s10 =	sadd.s32 @!p0 s24, s10  }
0x39f: {  	[tilespmem:s7], [sflag:$0xB] =	stream.strided.gather @!p0 [hbm4b:s10+s1], $0x2000, s13, s1, $0x38;
	[tilespmem:$0x18E80] =	vst v63  }
0x3a0: {  	s5 =	sadd.s32 @!p0 s19, s5;
	s10 =	simm.s32 @!p0 $0x18700  }
0x3a1: {  	[tilespmem:s10], [sflag:$0x13] =	stream.linear.gather @!p0 [hbm4b:s5+s22], $0x80, $0x38;
	[tilespmem:$0x18E80] =	vst v63  }
0x3a2: {  	s5 =	spop @!p0 (v2sf)  }
0x3a3: {  	s5 =	sshrl.u32 @!p0 s5, $0x3  }
0x3a4: {  	s5 =	sand.u32 @!p0 $0x1FFFFFF0, s5  }
0x3a5: {  	s10 =	simm.s32 @!p0 $0x18B00;
	s5 =	sadd.s32 @!p0 s23, s5  }
0x3a6: {  	[tilespmem:s10], [sflag:$0x13] =	stream.linear.gather @!p0 [hbm4b:s5+s22], $0x80, $0x38;
	[tilespmem:$0x18E80] =	vst v63  }
0x3a7: {  	s10 =	spop (v2sf)  }
0x3a8: {  	s14 =	simm.s32 $0x8;
	s20 =	spop (v2sf)  }
0x3a9: {  	_ =	swait.ge [sflag:s14], $0x2000  }
0x3aa: {  	[sflag:s14] =	ssyncset.done $0x0  }
0x3ab: {  	s12 =	simm.s32 $0xC;
	[sflag:s14] =	ssyncadd.s32 $0xFFFFE000  }
0x3ac: {  	_ =	swait.ge [sflag:s12], $0x2000  }
0x3ad: {  	[sflag:s12] =	ssyncset.done $0x0  }
0x3ae: {  	[sflag:s12] =	ssyncadd.s32 $0xFFFFE000  }
0x3af: {  	s0 =	sand.u32 $0x7F, s0;
	_ =	swait.ge [sflag:s29], $0x80  }
0x3b0: {  	s15 =	sand.u32 $0x7F, s8;
	v7 =	vor.u32 s0, v1;
	[sflag:s29] =	ssyncset.done $0x0  }
0x3b1: {  	v54 =	vor.u32 s15, v1;
	[sflag:s29] =	ssyncadd.s32 $0xFFFFFF80  }
0x3b2: {  	v55 =	vor.u32 s0, v2;
	_ =	swait.ge [sflag:s29], $0x80  }
0x3b3: {  	v56 =	vor.u32 s15, v2;
	[sflag:s29] =	ssyncset.done $0x0;
	(v2sf) =	vpush @!p0 v6, $0x7  }
0x3b4: {  	v57 =	vor.u32 s0, v3;
	s17 =	simm.s32 $0xE400;
	[sflag:s29] =	ssyncadd.s32 $0xFFFFFF80  }
0x3b5: {  	v58 =	vor.u32 s15, v3;
	v7 =	vld.idx.msk [tilespmem:v7+s17+$0x0], $0xffff  }
0x3b6: {  	v59 =	vor.u32 s0, v4;
	v8 =	vld.idx.msk [tilespmem:v54+s30+$0x0], $0xffff  }
0x3b7: {  	v6 =	vor.u32 s15, v4;
	(v2sf) =	vpush @!p0 v5, $0x3;
	v9 =	vld.idx.msk [tilespmem:v55+s17+$0x0], $0xffff  }
0x3b8: {  	v10 =	vld.idx.msk [tilespmem:v56+s30+$0x0], $0xffff  }
0x3b9: {  	v11 =	vld.idx.msk [tilespmem:v57+s17+$0x0], $0xffff  }
0x3ba: {  	s8 =	simm.s32 $0xE400;
	v12 =	vld.idx.msk [tilespmem:v58+s30+$0x0], $0xffff  }
0x3bb: {  	v60 =	vld.idx.msk [tilespmem:v59+s8+$0x0], $0xffff;
	v7 =	vmul.f32 v8, v7  }
0x3bc: {  	v6 =	vld.idx.msk [tilespmem:v6+s30+$0x0], $0xffff  }
0x3bd: {  	v9 =	vmul.f32 v10, v9;
	v7 =	vadd.f32 $0.0e+00, v7;
	_ =	sdelay $0x1  }
0x3be: {  	s3 =	sadd.f32 s3, s4;
	v63 =	vmov s15;
	v61 =	vmul.f32 v12, v11;
	v7 =	vadd.f32 v9, v7  }
0x3bf: {  	v62 =	vmov s0;
	s6 =	sadd.f32 s6, s21  }
0x3c0: {  	s10 =	sadd.f32 s10, s20;
	v6 =	vmul.f32 v6, v60;
	v7 =	vadd.f32 v61, v7  }
0x3c1: {  	s7 =	simm.s32 @!p0 $0xE400;
	s15 =	rddreg [dreg:$0x13];
	s0 =	spop @!p0 (v2sf)  }
0x3c2: {  	s14 =	simm.s32 $0x18B80;
	s17 =	rddreg [dreg:$0x14];
	v6 =	vadd.f32 v6, v7;
	s5 =	sand.u32 @!p0 $0x1FFFFF80, s0  }
0x3c3: {  	s12 =	simm.s32 $0x18780;
	s8 =	rddreg [dreg:$0x17];
	v7 =	vld.idx.msk [tilespmem:v63+s14+$0x0], $0xffff;
	s5 =	sadd.s32 @!p0 s18, s5  }
0x3c4: {  	(xrf2) =	vadd.scan.msk.f32 $0xffff, v6;
	v6 =	vld.idx.msk [tilespmem:v62+s12+$0x0], $0xffff;
	[tilespmem:s7], [sflag:$0x8] =	stream.strided.gather @!p0 [hbm4b:s5+s1], $0x2000, s13, s1, $0x38  }
0x3c5: {  	s14 =	rddreg [dreg:$0x1b];
	s5 =	spop @!p0 (v2sf)  }
0x3c6: {  	s12 =	rddreg [dreg:$0x19];
	s5 =	sand.u32 @!p0 $0xFFFFF80, s5  }
0x3c7: {  	s7 =	rddreg [dreg:$0x16];
	s5 =	sadd.s32 @!p0 s24, s5  }
0x3c8: {  	[tilespmem:s9], [sflag:$0xC] =	stream.strided.gather @!p0 [hbm4b:s5+s1], $0x2000, s13, s1, $0x38;
	[tilespmem:$0x18E80] =	vst v63  }
0x3c9: {  	s0 =	sshrl.u32 @!p0 s0, $0x3;
	s5 =	rddreg [dreg:$0x15]  }
0x3ca: {  	s0 =	sand.u32 @!p0 $0x1FFFFFF0, s0;
	s9 =	rddreg [dreg:$0x18]  }
0x3cb: {  	s0 =	sadd.s32 @!p0 s19, s0;
	s1 =	simm.s32 @!p0 $0x18780;
	s13 =	rddreg [dreg:$0x1a]  }
0x3cc: {  	[tilespmem:s1], [sflag:$0x14] =	stream.linear.gather @!p0 [hbm4b:s0+s22], $0x80, $0x38;
	[tilespmem:$0x18E80] =	vst v63  }
0x3cd: {  	s0 =	sadd.f32 s15, s17  }
0x3ce: {  	s1 =	sadd.f32 s5, s7  }
0x3cf: {  	s5 =	sadd.f32 s8, s9  }
0x3d0: {  	s7 =	sadd.f32 s12, s13  }
0x3d1: {  	s15 =	rddreg [dreg:$0x1c]  }
0x3d2: {  	s17 =	rddreg [dreg:$0x1d]  }
0x3d3: {  	s8 =	rddreg [dreg:$0x1e]  }
0x3d4: {  	s12 =	sadd.f32 s14, s15  }
0x3d5: {  	s13 =	sadd.f32 s17, s8  }
0x3d6: {  	s15 =	sld [smem:$0x7F5]  }
0x3d7: {  	s17 =	sld [smem:$0x7F6]  }
0x3d8: {  	s8 =	sld [smem:$0x7F7]  }
0x3d9: {  	s14 =	rddreg [dreg:$0x1f]  }
0x3da: {  	s14 =	sadd.f32 s14, s15  }
0x3db: {  	(v2sf) =	vpush @!p0 v5, $0x7;
	v6 =	vadd.f32 v7, v6;
	v5, _, _ =	vpop (xrf2);
	s28 =	sadd.f32 s17, s8  }
0x3dc: {  	s15 =	sld [smem:$0x7F8];
	(v2sf) =	vpush v5, $0xF  }
0x3dd: {  	s17 =	sld [smem:$0x7F9];
	(v2sf) =	vpush v6, $0x0  }
0x3de: {  	s9 =	sld [smem:$0x7FC]  }
0x3df: {  	s0 =	sadd.f32 s0, s16  }
0x3e0: {  	s29 =	sadd.f32 s15, s17  }
0x3e1: {  	s15 =	sld [smem:$0x7FA]  }
0x3e2: {  	s17 =	sld [smem:$0x7FB]  }
0x3e3: {  	s1 =	sadd.f32 s1, s16  }
0x3e4: {  	s11 =	sadd.f32 s9, s11  }
0x3e5: {  	s31 =	sadd.f32 s15, s17  }
0x3e6: {  	s15 =	sld [smem:$0x7FD]  }
0x3e7: {  	s20 =	sadd.f32 s13, s16  }
0x3e8: {  	s13 =	sadd.f32 s11, s16  }
0x3e9: {  	s8 =	sadd.f32 s15, s26  }
0x3ea: {  	s4 =	spop @!p0 (v2sf);
	s26 =	sadd.f32 s5, s16  }
0x3eb: {  	s15 =	sadd.f32 s7, s16;
	s17 =	spop (v2sf)  }
0x3ec: {  	v5 =	vmov s0;
	s7 =	sadd.f32 s29, s16;
	s21 =	spop (v2sf)  }
0x3ed: {  	v5 =	vsel vm0, s1, v5;
	s9 =	sadd.f32 s17, s21  }
0x3ee: {  	v5 =	vsel vm1, s26, v5;
	s17 =	sadd.f32 s12, s16  }
0x3ef: {  	v5 =	vsel vm2, s15, v5;
	s15 =	sadd.f32 s3, s16;
	s3 =	sshrl.u32 @!p0 s4, $0x3  }
0x3f0: {  	s5 =	smov.u32 s23;
	s3 =	sand.u32 @!p0 $0x1FFFFFF0, s3;
	s21 =	sadd.f32 s14, s16;
	v5 =	vsel vm3, s17, v5  }
0x3f1: {  	s26 =	sadd.f32 s28, s16;
	s1 =	sadd.s32 @!p0 s5, s3;
	s3 =	simm.s32 @!p0 $0x18B80;
	v5 =	vsel vm4, s20, v5  }
0x3f2: {  	[tilespmem:s3], [sflag:$0x14] =	stream.linear.gather @!p0 [hbm4b:s1+s22], $0x80, $0x38;
	v5 =	vsel vm5, s21, v5;
	[tilespmem:$0x18E80] =	vst v63  }
0x3f3: {  	vm7 =	veq.s32 v0, $0x8;
	s12 =	sadd.f32 s31, s16;
	v5 =	vsel vm6, s26, v5  }
0x3f4: {  	s14 =	sadd.f32 s8, s16;
	v5 =	vsel vm7, s7, v5;
	vm7 =	veq.s32 v0, $0x9  }
0x3f5: {  	s26 =	rddreg [dreg:$0xf];
	v5 =	vsel vm7, s12, v5;
	vm7 =	veq.s32 v0, $0xA  }
0x3f6: {  	s0 =	sadd.s32 $0x1, s26;
	v5 =	vsel vm7, s13, v5;
	vm7 =	veq.s32 v0, $0xB  }
0x3f7: {  	s17 =	sadd.f32 s6, s16;
	p0 =	seq.s32 s0, $0x0;
	v5 =	vsel vm7, s14, v5;
	vm7 =	veq.s32 v0, $0xC  }
.Ltmp0:
0x3f8: {  	s20 =	sadd.f32 s10, s16;
	v5 =	vsel vm7, s15, v5;
	vm7 =	veq.s32 v0, $0xD;
	(pc) =	sbr.rel @!p0 .LBB2_2-.Ltmp0, $4  }
0x3f9: {  	s25 =	simm.s32 $0x400;
	s21 =	sadd.f32 s9, s16;
	v5 =	vsel vm7, s17, v5;
	vm7 =	veq.s32 v0, $0xE  }
0x3fa: {  	s2 =	sadd.s32 $0x10, s2;
	s30 =	simm.s32 $0x18900;
	s29 =	rddreg [dreg:$0x12];
	v5 =	vsel vm7, s20, v5;
	vm7 =	veq.s32 v0, $0xF  }
0x3fb: {  	s23 =	simm.s32 $0x7A1400;
	s29 =	sadd.s32 $0x10, s29;
	s22 =	rddreg [dreg:$0x10];
	v5 =	vsel vm7, s21, v5  }
0x3fc: {  	s28 =	simm.s32 $0x18880;
	s1 =	sadd.s32 $0x10, s22;
	s31 =	simm.s32 $0x18580;
	[tilespmem:s22+$0x0] =	vst v5  }
0x3fd: {  	s0 =	simm.s32 $0x0;
	s1 =	rddreg [dreg:$0xc];
	s2 =	simm.s32 $0x18C80  }
0x3fe: {  	[hbm4b:s1+s0] =	stream.linear.scatter [tilespmem:s2], [sflag:$0x15], $0x200, $0x38;
	[tilespmem:$0x18E80] =	vst v63  }
0x3ff: {  	s1 =	simm.s32 $0x15  }
0x400: {  	_ =	swait.ge [sflag:s1], $0x200  }
0x401: {  	s3 =	rddreg [dreg:$0xe]  }
0x402: {  	s29 =	rddreg [dreg:$0xd];
	s3 =	sadd.s32 $0x1, s3  }
0x403: {  	s4 =	simm.s32 $0x2400;
	s6 =	simm.s32 $0x4400;
	p0 =	sne.s32 s3, s29  }
.Ltmp1:
0x404: {  	s10 =	simm.s32 $0x6400;
	s11 =	simm.s32 $0x8400;
	(pc) =	sbr.rel @p0 .LBB2_1-.Ltmp1, $4  }
0x405: {  	s12 =	simm.s32 $0xA400;
	s13 =	simm.s32 $0xC400;
	s16 =	simm.s32 $0xE400  }
0x406: {  	s17 =	simm.s32 $0x10400;
	s20 =	simm.s32 $0x12400;
	s21 =	simm.s32 $0x14400  }
0x407: {  	s22 =	simm.s32 $0x18400;
	s26 =	simm.s32 $0x18800;
	[sflag:s1] =	ssyncset.done $0x0  }
0x408: {  	s15 =	simm.s32 $0x18480;
	s2 =	simm.s32 $0x16400;
	[sflag:s1] =	ssyncadd.s32 $0xFFFFFE00  }
0x409: {  	_ =	sfence.sel $0x180000  }
0x40a: {  	[bflag:$0x0] =	sbarrier.arrive $0xFFFF  }
0x40b: {  	_ =	strace $0x90000047  }
0x40c: {  	s0 =	stileid.u32;
	[bflag:$0x2] =	sbarrier.arrive $0xFFFF  }
0x40d: {  	p0 =	sne.s32 s0, $0x0;
	s0 =	rddreg [dreg:$0x8]  }
0x40e: {  	s0 =	sadd.s32 @!p0 $0x100000, s0  }
0x40f: {  	[sflag:s0] =	ssyncadd.tile.s32 @!p0 $0x1;
	_ =	shalt  }
.Lfunc_end2:
_tile_overlayer_lowered:
.L_overlay_start_2:
0x410: {  	(tag) =	ssettag $0x2  }
0x411: {  	s0 =	rddreg [dreg:$0x0];
	s2 =	stileid.u32  }
0x412: {  	s1 =	rddreg [dreg:$0x1];
	p0 =	sne.s32 s2, $0x0  }
0x413: {  	s3 =	rddreg [dreg:$0x2];
	[bflag:$0x3] =	sbarrier.arrive $0xFFFF;
	s2 =	simm.s32 @!p0 $0x1C15  }
0x414: {  	[timem:s3], [sflag:s2] =	dma.local @!p0 [hbm:s0], s1  }
0x415: {  	s0 =	simm.s32 @!p0 $0x15  }
0x416: {  	_ =	swait.ge @!p0 [sflag:s0], s1  }
0x417: {  	s1 =	ssub.s32 @!p0 $0x0, s1;
	[sflag:s0] =	ssyncset.done @!p0 $0x0  }
0x418: {  	[sflag:s0] =	ssyncadd.s32 @!p0 s1  }
0x419: {  	[bflag:$0x3] =	sbarrier.arrive $0xFFFF  }
0x41a: {  	_ =	shalt  }

</sc_bundles>
